<compile_context>
chip_gen: v7x
topology: tpu7x:2x2x1
jax: 0.10.2.dev20260603
libtpu: 0.0.44.dev20260713+nightly
codegen_flags: <defaults>
</compile_context>

<pallas_src>
import dataclasses
import functools

import jax
import jax.numpy as jnp
from jax.experimental import pallas as pl
from jax.experimental.pallas import tpu as pltpu
from jax.experimental.pallas import tpu_sc as plsc

B, D, R = 512, 512, 256
TOP_K_FACTS, TOP_K_RULES, FACT_TEMP = 2, 8, 0.7
NEG = -3.0e38


def _sub_prod(t):
    n = t.shape[0]
    while n > 1:
        h = n // 2
        t = t[:h, :] * t[h:n, :]
        n = h
    return t


def _dot_t(a, b):
    return jax.lax.dot_general(
        a, b, (((1,), (1,)), ((), ())),
        precision=jax.lax.Precision.HIGHEST,
        preferred_element_type=jnp.float32)


def _acts_body(facts_ref, fl_ref, agg_ref, rs_ref, w_ref,
               act_ref, proj_ref, mask_ref, andt_ref, ort_ref):
    f = facts_ref[...]
    fl = fl_ref[...]

    z = fl * (1.0 / FACT_TEMP)
    z = z - jnp.max(z, axis=1, keepdims=True)
    e = jnp.exp(z)
    p = e / jnp.sum(e, axis=1, keepdims=True)
    mask = jnp.minimum(TOP_K_FACTS * p, 1.0)
    mask_ref[...] = mask
    denom = jnp.sum(mask, axis=1, keepdims=True) + 1e-8

    kofnt = _dot_t(mask, f) / denom

    ft = f.T
    ft_hi, ft_lo = ft[: D // 2], ft[D // 2:]

    def rule(r, carry):
        m_col = mask_ref[pl.ds(r, 1), :].T
        m_hi, m_lo = m_col[: D // 2], m_col[D // 2:]
        sh = ft_hi * m_hi
        sl = ft_lo * m_lo
        a1 = (sh + (1.0 - m_hi)) * (sl + (1.0 - m_lo))
        o1 = ((1.0 - sh) + 1e-8) * ((1.0 - sl) + 1e-8)
        andt_ref[pl.ds(r, 1), :] = _sub_prod(a1)
        ort_ref[pl.ds(r, 1), :] = _sub_prod(o1)
        return carry

    jax.lax.fori_loop(0, R, rule, 0, unroll=8)

    aw = agg_ref[...]
    aw = aw - jnp.max(aw, axis=1, keepdims=True)
    ea = jnp.exp(aw)
    w = ea / jnp.sum(ea, axis=1, keepdims=True)
    strength = jax.nn.sigmoid(rs_ref[...])

    mixedt = (andt_ref[...] * w[:, 0:1]
              + (1.0 - ort_ref[...]) * w[:, 1:2]
              + kofnt * w[:, 2:3]) * strength
    act_ref[...] = mixedt.T
    proj_ref[...] = _dot_t(f, w_ref[...])


def _sc_gate(act):
    mesh = plsc.VectorSubcoreMesh(core_axis_name="core",
                                  subcore_axis_name="subcore")
    n_units = 2 * 16
    rows_per_unit = B // n_units
    n_chunks = R // 16

    cp = pltpu.CompilerParams()
    if "needs_layout_passes" in pltpu.CompilerParams.__dataclass_fields__:
        cp = dataclasses.replace(cp, needs_layout_passes=False)

    @pl.kernel(out_type=jax.ShapeDtypeStruct((B, R), jnp.float32),
               mesh=mesh,
               compiler_params=cp,
               scratch_types=[pltpu.VMEM((rows_per_unit, R), jnp.float32),
                              pltpu.VMEM((rows_per_unit, R), jnp.float32)])
    def gate_kernel(act_hbm, o_hbm, orig_ref, out_ref):
        unit = jax.lax.axis_index("core") * 16 + jax.lax.axis_index("subcore")
        r0 = unit * rows_per_unit
        pltpu.sync_copy(act_hbm.at[pl.ds(r0, rows_per_unit)], orig_ref)

        @pl.loop(0, rows_per_unit)
        def _(i):
            vs = [orig_ref[i, pl.ds(16 * c, 16)] for c in range(n_chunks)]
            remaining = jnp.int32(TOP_K_RULES)
            thresh = jnp.float32(3.0e38)
            for _it in range(TOP_K_RULES):
                mv = functools.reduce(jnp.maximum, vs)
                m = jnp.max(mv)
                cnt = jnp.int32(0)
                for c in range(n_chunks):
                    cnt = cnt + jnp.sum((vs[c] == m).astype(jnp.int32))
                upd = remaining > 0
                thresh = jnp.where(upd, m, thresh)
                remaining = jnp.where(upd, remaining - cnt, remaining)
                for c in range(n_chunks):
                    vs[c] = jnp.where(upd & (vs[c] == m), NEG, vs[c])

            vos = [orig_ref[i, pl.ds(16 * c, 16)] for c in range(n_chunks)]
            count_gt = jnp.int32(0)
            for c in range(n_chunks):
                count_gt = count_gt + jnp.sum(
                    (vos[c] > thresh).astype(jnp.int32))
            need = jnp.int32(TOP_K_RULES) - count_gt
            carry = jnp.int32(0)
            for c in range(n_chunks):
                eq = vos[c] == thresh
                cums = jax.lax.cumsum(eq.astype(jnp.int32)) + carry
                g = (vos[c] > thresh) | (eq & (cums <= need))
                out_ref[i, pl.ds(16 * c, 16)] = jnp.where(g, vos[c], 0.0)
                carry = carry + jnp.sum(eq.astype(jnp.int32))

        pltpu.sync_copy(out_ref, o_hbm.at[pl.ds(r0, rows_per_unit)])

    return gate_kernel(act)


def _finish_body(proj_ref, gated_ref, gamma_ref, beta_ref, out_ref):
    pre = proj_ref[...] + gated_ref[...]
    mu = jnp.mean(pre, axis=1, keepdims=True)
    cen = pre - mu
    var = jnp.mean(cen * cen, axis=1, keepdims=True)
    out_ref[...] = cen * jax.lax.rsqrt(var + 1e-5) * gamma_ref[...] \
        + beta_ref[...]


@jax.jit
def kernel(facts, fact_logits, aggregator_logits, rule_strength_raw, W_proj,
           ln_gamma, ln_beta):
    rs = rule_strength_raw.reshape(R, 1)
    gamma = ln_gamma.reshape(1, R)
    beta = ln_beta.reshape(1, R)
    act, proj = pl.pallas_call(
        _acts_body,
        out_shape=[jax.ShapeDtypeStruct((B, R), jnp.float32),
                   jax.ShapeDtypeStruct((B, R), jnp.float32)],
        scratch_shapes=[
            pltpu.VMEM((R, D), jnp.float32),
            pltpu.VMEM((R, B), jnp.float32),
            pltpu.VMEM((R, B), jnp.float32),
        ],
    )(facts, fact_logits, aggregator_logits, rs, W_proj)
    gated = _sc_gate(act)
    return pl.pallas_call(
        _finish_body,
        out_shape=jax.ShapeDtypeStruct((B, R), jnp.float32),
    )(proj, gated, gamma, beta)

# --- scband reference (transcript-rebuilt; emitter-appended) ---
"""Pipeline reference for scband-soft-fact-rule-layer-979252543911 (READ-ONLY COPY).

The authoritative reference and input builder live on the scoring server;
editing this copy changes nothing except your own understanding.
"""

import jax, jax.numpy as jnp
import numpy as np

B, D, R = 512, 512, 256
TOP_K_FACTS, TOP_K_RULES, FACT_TEMP = 2, 8, 0.7


def setup_inputs(seed: int = 0) -> dict:
    key = jax.random.key(seed)
    k1, k2, k3 = jax.random.split(key, 3)
    facts = jax.random.uniform(k1, (B, D), dtype=jnp.float32)
    fact_logits = jax.random.normal(k2, (R, D), dtype=jnp.float32) * 0.01
    aggregator_logits = jnp.zeros((R, 3), dtype=jnp.float32)
    rule_strength_raw = jnp.zeros((R,), dtype=jnp.float32)
    lim = 1.0 / np.sqrt(D)
    W_proj = jax.random.uniform(k3, (R, D), dtype=jnp.float32, minval=-lim, maxval=lim)
    ln_gamma = jnp.ones((R,), dtype=jnp.float32)
    ln_beta = jnp.zeros((R,), dtype=jnp.float32)
    return {
        "facts": facts,
        "fact_logits": fact_logits,
        "aggregator_logits": aggregator_logits,
        "rule_strength_raw": rule_strength_raw,
        "W_proj": W_proj,
        "ln_gamma": ln_gamma,
        "ln_beta": ln_beta,
    }


def reference(facts, fact_logits, aggregator_logits, rule_strength_raw, W_proj, ln_gamma, ln_beta):
    # _soft_k_mask
    p = jax.nn.softmax(fact_logits / FACT_TEMP, axis=1)
    mask = jnp.minimum(TOP_K_FACTS * p, 1.0)  # clamp(max=1.0)

    facts_exp = facts[:, None, :]          # [B, 1, D]
    mask_exp = mask[None, :, :]            # [1, R, D]
    selected = facts_exp * mask_exp        # [B, R, D]

    and_agg = jnp.prod(selected + (1.0 - mask_exp), axis=2)          # [B, R]
    or_agg = 1.0 - jnp.prod(1.0 - selected + 1e-08, axis=2)          # [B, R]
    denom = jnp.sum(mask, axis=1)[None, :] + 1e-08                   # [1, R]
    k_of_n_agg = jnp.sum(selected, axis=2) / denom                   # [B, R]

    agg_weights = jax.nn.softmax(aggregator_logits, axis=1)          # [R, 3]
    aggregators = jnp.stack([and_agg, or_agg, k_of_n_agg], axis=2)   # [B, R, 3]
    mixed_agg = jnp.sum(aggregators * agg_weights[None, :, :], axis=2)

    rule_strength = jax.nn.sigmoid(rule_strength_raw)
    rule_activations = mixed_agg * rule_strength[None, :]            # [B, R]

    # hard top-k gating over rules (rule_gater is None path)
    k = min(TOP_K_RULES, R)
    _, topk_rule_idx = jax.lax.top_k(rule_activations, k)            # [B, k]
    rows = jnp.arange(rule_activations.shape[0])[:, None]
    gate_mask = jnp.zeros(rule_activations.shape, rule_activations.dtype).at[rows, topk_rule_idx].set(1.0)
    gated_activations = rule_activations * gate_mask

    # proj (input_dim != num_rules -> Linear without bias)
    proj_contrib = facts @ W_proj.T                                  # [B, R]
    pre_sum = proj_contrib + gated_activations

    # LayerNorm over num_rules
    mu = jnp.mean(pre_sum, axis=-1, keepdims=True)
    var = jnp.mean((pre_sum - mu) ** 2, axis=-1, keepdims=True)
    output = (pre_sum - mu) / jnp.sqrt(var + 1e-5) * ln_gamma + ln_beta
    return output

if __name__ == "__main__":
    import jax
    _d = setup_inputs()
    print(jax.jit(kernel)(*tuple(_d.values())))

</pallas_src>

<mosaic_0001>
#map = affine_map<(d0, d1) -> (0, 0)>
module attributes {stable_mosaic.version = 14 : i64} {
  func.func @gate_kernel(%arg0: i32, %arg1: i32, %arg2: memref<512x256xf32, #tpu.memory_space<hbm>>, %arg3: memref<512x256xf32, #tpu.memory_space<hbm>>, %arg4: memref<16x256xf32, #tpu.memory_space<vmem>>, %arg5: memref<16x256xf32, #tpu.memory_space<vmem>>) attributes {dimension_semantics = [#tpu.dimension_semantics<core_parallel>, #tpu.dimension_semantics<subcore_parallel>], iteration_bounds = array<i64: 2, 16>, scalar_prefetch = 0 : i64, scratch_operands = 2 : i64, tpu.core_type = #tpu.core_type<sc_vector_subcore>, window_params = [{transform_indices = #map}, {transform_indices = #map}]} {
    %mul3A = arith.constant 16 : i32
    %mul3A_0 = arith.muli %arg0, %mul3A : i32
    %add3A = arith.addi %mul3A_0, %arg1 : i32
    %mul3A_1 = arith.constant 16 : i32
    %mul3A_2 = arith.muli %add3A, %mul3A_1 : i32
    "tpu.region"() ({
      %run_scoped3A = tpu.sem_alloc : memref<!tpu.dma_semaphore, #tpu.memory_space<semaphore_mem>>
      %dma_start3A = arith.constant 0 : i32
      %dma_start3A_7 = tpu.memref_slice %arg2[%mul3A_2, %dma_start3A] : memref<512x256xf32, #tpu.memory_space<hbm>> -> memref<16x256xf32, #tpu.memory_space<hbm>>
      %dma_start3A_8 = arith.constant 0 : i32
      %dma_start3A_9 = tpu.memref_slice %arg2[%mul3A_2, %dma_start3A_8] : memref<512x256xf32, #tpu.memory_space<hbm>> -> memref<16x256xf32, #tpu.memory_space<hbm>>
      tpu.enqueue_dma source(%dma_start3A_9 : memref<16x256xf32, #tpu.memory_space<hbm>>) target(%arg4 : memref<16x256xf32, #tpu.memory_space<vmem>>) target_semaphore(%run_scoped3A : memref<!tpu.dma_semaphore, #tpu.memory_space<semaphore_mem>>)
      %dma_wait3A = arith.constant 0 : i32
      %dma_wait3A_10 = tpu.memref_slice %arg2[%mul3A_2, %dma_wait3A] : memref<512x256xf32, #tpu.memory_space<hbm>> -> memref<16x256xf32, #tpu.memory_space<hbm>>
      %dma_wait3A_11 = arith.constant 0 : i32
      %dma_wait3A_12 = tpu.memref_slice %arg2[%mul3A_2, %dma_wait3A_11] : memref<512x256xf32, #tpu.memory_space<hbm>> -> memref<16x256xf32, #tpu.memory_space<hbm>>
      tpu.wait_dma2 semaphore(%run_scoped3A : memref<!tpu.dma_semaphore, #tpu.memory_space<semaphore_mem>>) src(%dma_wait3A_12 : memref<16x256xf32, #tpu.memory_space<hbm>>) dst(%arg4 : memref<16x256xf32, #tpu.memory_space<vmem>>)
      tpu.yield
    }) : () -> ()
    %scan3A = arith.constant 0 : i32
    %scan3A_3 = arith.constant 16 : i32
    %scan3A_4 = arith.addi %scan3A, %scan3A_3 : i32
    %scan3A_5 = arith.constant 1 : i32
    scf.for %scan3A_7 = %scan3A to %scan3A_4 step %scan3A_5  : i32 {
      %mul3A_8 = arith.constant 1 : i32
      %mul3A_9 = arith.muli %scan3A_7, %mul3A_8 : i32
      %add3A_10 = arith.constant 0 : i32
      %add3A_11 = arith.addi %add3A_10, %mul3A_9 : i32
      %get3A = arith.index_cast %add3A_11 : i32 to index
      %get3A_12 = arith.constant 0 : index
      %get3A_13 = tpu.vector_load %arg4[%get3A, %get3A_12] {strides = array<i32>} : memref<16x256xf32, #tpu.memory_space<vmem>>, vector<16xf32>,
      %get3A_14 = arith.index_cast %add3A_11 : i32 to index
      %get3A_15 = arith.constant 16 : index
      %get3A_16 = tpu.vector_load %arg4[%get3A_14, %get3A_15] {strides = array<i32>} : memref<16x256xf32, #tpu.memory_space<vmem>>, vector<16xf32>,
      %get3A_17 = arith.index_cast %add3A_11 : i32 to index
      %get3A_18 = arith.constant 32 : index
      %get3A_19 = tpu.vector_load %arg4[%get3A_17, %get3A_18] {strides = array<i32>} : memref<16x256xf32, #tpu.memory_space<vmem>>, vector<16xf32>,
      %get3A_20 = arith.index_cast %add3A_11 : i32 to index
      %get3A_21 = arith.constant 48 : index
      %get3A_22 = tpu.vector_load %arg4[%get3A_20, %get3A_21] {strides = array<i32>} : memref<16x256xf32, #tpu.memory_space<vmem>>, vector<16xf32>,
      %get3A_23 = arith.index_cast %add3A_11 : i32 to index
      %get3A_24 = arith.constant 64 : index
      %get3A_25 = tpu.vector_load %arg4[%get3A_23, %get3A_24] {strides = array<i32>} : memref<16x256xf32, #tpu.memory_space<vmem>>, vector<16xf32>,
      %get3A_26 = arith.index_cast %add3A_11 : i32 to index
      %get3A_27 = arith.constant 80 : index
      %get3A_28 = tpu.vector_load %arg4[%get3A_26, %get3A_27] {strides = array<i32>} : memref<16x256xf32, #tpu.memory_space<vmem>>, vector<16xf32>,
      %get3A_29 = arith.index_cast %add3A_11 : i32 to index
      %get3A_30 = arith.constant 96 : index
      %get3A_31 = tpu.vector_load %arg4[%get3A_29, %get3A_30] {strides = array<i32>} : memref<16x256xf32, #tpu.memory_space<vmem>>, vector<16xf32>,
      %get3A_32 = arith.index_cast %add3A_11 : i32 to index
      %get3A_33 = arith.constant 112 : index
      %get3A_34 = tpu.vector_load %arg4[%get3A_32, %get3A_33] {strides = array<i32>} : memref<16x256xf32, #tpu.memory_space<vmem>>, vector<16xf32>,
      %get3A_35 = arith.index_cast %add3A_11 : i32 to index
      %get3A_36 = arith.constant 128 : index
      %get3A_37 = tpu.vector_load %arg4[%get3A_35, %get3A_36] {strides = array<i32>} : memref<16x256xf32, #tpu.memory_space<vmem>>, vector<16xf32>,
      %get3A_38 = arith.index_cast %add3A_11 : i32 to index
      %get3A_39 = arith.constant 144 : index
      %get3A_40 = tpu.vector_load %arg4[%get3A_38, %get3A_39] {strides = array<i32>} : memref<16x256xf32, #tpu.memory_space<vmem>>, vector<16xf32>,
      %get3A_41 = arith.index_cast %add3A_11 : i32 to index
      %get3A_42 = arith.constant 160 : index
      %get3A_43 = tpu.vector_load %arg4[%get3A_41, %get3A_42] {strides = array<i32>} : memref<16x256xf32, #tpu.memory_space<vmem>>, vector<16xf32>,
      %get3A_44 = arith.index_cast %add3A_11 : i32 to index
      %get3A_45 = arith.constant 176 : index
      %get3A_46 = tpu.vector_load %arg4[%get3A_44, %get3A_45] {strides = array<i32>} : memref<16x256xf32, #tpu.memory_space<vmem>>, vector<16xf32>,
      %get3A_47 = arith.index_cast %add3A_11 : i32 to index
      %get3A_48 = arith.constant 192 : index
      %get3A_49 = tpu.vector_load %arg4[%get3A_47, %get3A_48] {strides = array<i32>} : memref<16x256xf32, #tpu.memory_space<vmem>>, vector<16xf32>,
      %get3A_50 = arith.index_cast %add3A_11 : i32 to index
      %get3A_51 = arith.constant 208 : index
      %get3A_52 = tpu.vector_load %arg4[%get3A_50, %get3A_51] {strides = array<i32>} : memref<16x256xf32, #tpu.memory_space<vmem>>, vector<16xf32>,
      %get3A_53 = arith.index_cast %add3A_11 : i32 to index
      %get3A_54 = arith.constant 224 : index
      %get3A_55 = tpu.vector_load %arg4[%get3A_53, %get3A_54] {strides = array<i32>} : memref<16x256xf32, #tpu.memory_space<vmem>>, vector<16xf32>,
      %get3A_56 = arith.index_cast %add3A_11 : i32 to index
      %get3A_57 = arith.constant 240 : index
      %get3A_58 = tpu.vector_load %arg4[%get3A_56, %get3A_57] {strides = array<i32>} : memref<16x256xf32, #tpu.memory_space<vmem>>, vector<16xf32>,
      %max3A = arith.maximumf %get3A_13, %get3A_16 : vector<16xf32>
      %max3A_59 = arith.maximumf %max3A, %get3A_19 : vector<16xf32>
      %max3A_60 = arith.maximumf %max3A_59, %get3A_22 : vector<16xf32>
      %max3A_61 = arith.maximumf %max3A_60, %get3A_25 : vector<16xf32>
      %max3A_62 = arith.maximumf %max3A_61, %get3A_28 : vector<16xf32>
      %max3A_63 = arith.maximumf %max3A_62, %get3A_31 : vector<16xf32>
      %max3A_64 = arith.maximumf %max3A_63, %get3A_34 : vector<16xf32>
      %max3A_65 = arith.maximumf %max3A_64, %get3A_37 : vector<16xf32>
      %max3A_66 = arith.maximumf %max3A_65, %get3A_40 : vector<16xf32>
      %max3A_67 = arith.maximumf %max3A_66, %get3A_43 : vector<16xf32>
      %max3A_68 = arith.maximumf %max3A_67, %get3A_46 : vector<16xf32>
      %max3A_69 = arith.maximumf %max3A_68, %get3A_49 : vector<16xf32>
      %max3A_70 = arith.maximumf %max3A_69, %get3A_52 : vector<16xf32>
      %max3A_71 = arith.maximumf %max3A_70, %get3A_55 : vector<16xf32>
      %max3A_72 = arith.maximumf %max3A_71, %get3A_58 : vector<16xf32>
      %reduce_max3A = arith.constant true
      %reduce_max3A_73 = vector.broadcast %reduce_max3A : i1 to vector<16xi1>
      %reduce_max3A_74 = tpu.scan <max>, %max3A_72 masked %reduce_max3A_73 : vector<16xf32>, vector<16xi1> -> vector<16xf32>
      %reduce_max3A_75 = vector.extract %reduce_max3A_74[15] : f32 from vector<16xf32>
      %eq3A = vector.broadcast %reduce_max3A_75 : f32 to vector<16xf32>
      %eq3A_76 = arith.cmpf oeq, %get3A_13, %eq3A : vector<16xf32>
      %convert_element_type3A = arith.extui %eq3A_76 : vector<16xi1> to vector<16xi32>
      %reduce_sum3A = arith.constant true
      %reduce_sum3A_77 = vector.broadcast %reduce_sum3A : i1 to vector<16xi1>
      %reduce_sum3A_78 = tpu.scan <sum>, %convert_element_type3A masked %reduce_sum3A_77 : vector<16xi32>, vector<16xi1> -> vector<16xi32>
      %reduce_sum3A_79 = vector.extract %reduce_sum3A_78[15] : i32 from vector<16xi32>
      %add3A_80 = arith.constant 0 : i32
      %add3A_81 = arith.addi %add3A_80, %reduce_sum3A_79 : i32
      %eq3A_82 = vector.broadcast %reduce_max3A_75 : f32 to vector<16xf32>
      %eq3A_83 = arith.cmpf oeq, %get3A_16, %eq3A_82 : vector<16xf32>
      %convert_element_type3A_84 = arith.extui %eq3A_83 : vector<16xi1> to vector<16xi32>
      %reduce_sum3A_85 = arith.constant true
      %reduce_sum3A_86 = vector.broadcast %reduce_sum3A_85 : i1 to vector<16xi1>
      %reduce_sum3A_87 = tpu.scan <sum>, %convert_element_type3A_84 masked %reduce_sum3A_86 : vector<16xi32>, vector<16xi1> -> vector<16xi32>
      %reduce_sum3A_88 = vector.extract %reduce_sum3A_87[15] : i32 from vector<16xi32>
      %add3A_89 = arith.addi %add3A_81, %reduce_sum3A_88 : i32
      %eq3A_90 = vector.broadcast %reduce_max3A_75 : f32 to vector<16xf32>
      %eq3A_91 = arith.cmpf oeq, %get3A_19, %eq3A_90 : vector<16xf32>
      %convert_element_type3A_92 = arith.extui %eq3A_91 : vector<16xi1> to vector<16xi32>
      %reduce_sum3A_93 = arith.constant true
      %reduce_sum3A_94 = vector.broadcast %reduce_sum3A_93 : i1 to vector<16xi1>
      %reduce_sum3A_95 = tpu.scan <sum>, %convert_element_type3A_92 masked %reduce_sum3A_94 : vector<16xi32>, vector<16xi1> -> vector<16xi32>
      %reduce_sum3A_96 = vector.extract %reduce_sum3A_95[15] : i32 from vector<16xi32>
      %add3A_97 = arith.addi %add3A_89, %reduce_sum3A_96 : i32
      %eq3A_98 = vector.broadcast %reduce_max3A_75 : f32 to vector<16xf32>
      %eq3A_99 = arith.cmpf oeq, %get3A_22, %eq3A_98 : vector<16xf32>
      %convert_element_type3A_100 = arith.extui %eq3A_99 : vector<16xi1> to vector<16xi32>
      %reduce_sum3A_101 = arith.constant true
      %reduce_sum3A_102 = vector.broadcast %reduce_sum3A_101 : i1 to vector<16xi1>
      %reduce_sum3A_103 = tpu.scan <sum>, %convert_element_type3A_100 masked %reduce_sum3A_102 : vector<16xi32>, vector<16xi1> -> vector<16xi32>
      %reduce_sum3A_104 = vector.extract %reduce_sum3A_103[15] : i32 from vector<16xi32>
      %add3A_105 = arith.addi %add3A_97, %reduce_sum3A_104 : i32
      %eq3A_106 = vector.broadcast %reduce_max3A_75 : f32 to vector<16xf32>
      %eq3A_107 = arith.cmpf oeq, %get3A_25, %eq3A_106 : vector<16xf32>
      %convert_element_type3A_108 = arith.extui %eq3A_107 : vector<16xi1> to vector<16xi32>
      %reduce_sum3A_109 = arith.constant true
      %reduce_sum3A_110 = vector.broadcast %reduce_sum3A_109 : i1 to vector<16xi1>
      %reduce_sum3A_111 = tpu.scan <sum>, %convert_element_type3A_108 masked %reduce_sum3A_110 : vector<16xi32>, vector<16xi1> -> vector<16xi32>
      %reduce_sum3A_112 = vector.extract %reduce_sum3A_111[15] : i32 from vector<16xi32>
      %add3A_113 = arith.addi %add3A_105, %reduce_sum3A_112 : i32
      %eq3A_114 = vector.broadcast %reduce_max3A_75 : f32 to vector<16xf32>
      %eq3A_115 = arith.cmpf oeq, %get3A_28, %eq3A_114 : vector<16xf32>
      %convert_element_type3A_116 = arith.extui %eq3A_115 : vector<16xi1> to vector<16xi32>
      %reduce_sum3A_117 = arith.constant true
      %reduce_sum3A_118 = vector.broadcast %reduce_sum3A_117 : i1 to vector<16xi1>
      %reduce_sum3A_119 = tpu.scan <sum>, %convert_element_type3A_116 masked %reduce_sum3A_118 : vector<16xi32>, vector<16xi1> -> vector<16xi32>
      %reduce_sum3A_120 = vector.extract %reduce_sum3A_119[15] : i32 from vector<16xi32>
      %add3A_121 = arith.addi %add3A_113, %reduce_sum3A_120 : i32
      %eq3A_122 = vector.broadcast %reduce_max3A_75 : f32 to vector<16xf32>
      %eq3A_123 = arith.cmpf oeq, %get3A_31, %eq3A_122 : vector<16xf32>
      %convert_element_type3A_124 = arith.extui %eq3A_123 : vector<16xi1> to vector<16xi32>
      %reduce_sum3A_125 = arith.constant true
      %reduce_sum3A_126 = vector.broadcast %reduce_sum3A_125 : i1 to vector<16xi1>
      %reduce_sum3A_127 = tpu.scan <sum>, %convert_element_type3A_124 masked %reduce_sum3A_126 : vector<16xi32>, vector<16xi1> -> vector<16xi32>
      %reduce_sum3A_128 = vector.extract %reduce_sum3A_127[15] : i32 from vector<16xi32>
      %add3A_129 = arith.addi %add3A_121, %reduce_sum3A_128 : i32
      %eq3A_130 = vector.broadcast %reduce_max3A_75 : f32 to vector<16xf32>
      %eq3A_131 = arith.cmpf oeq, %get3A_34, %eq3A_130 : vector<16xf32>
      %convert_element_type3A_132 = arith.extui %eq3A_131 : vector<16xi1> to vector<16xi32>
      %reduce_sum3A_133 = arith.constant true
      %reduce_sum3A_134 = vector.broadcast %reduce_sum3A_133 : i1 to vector<16xi1>
      %reduce_sum3A_135 = tpu.scan <sum>, %convert_element_type3A_132 masked %reduce_sum3A_134 : vector<16xi32>, vector<16xi1> -> vector<16xi32>
      %reduce_sum3A_136 = vector.extract %reduce_sum3A_135[15] : i32 from vector<16xi32>
      %add3A_137 = arith.addi %add3A_129, %reduce_sum3A_136 : i32
      %eq3A_138 = vector.broadcast %reduce_max3A_75 : f32 to vector<16xf32>
      %eq3A_139 = arith.cmpf oeq, %get3A_37, %eq3A_138 : vector<16xf32>
      %convert_element_type3A_140 = arith.extui %eq3A_139 : vector<16xi1> to vector<16xi32>
      %reduce_sum3A_141 = arith.constant true
      %reduce_sum3A_142 = vector.broadcast %reduce_sum3A_141 : i1 to vector<16xi1>
      %reduce_sum3A_143 = tpu.scan <sum>, %convert_element_type3A_140 masked %reduce_sum3A_142 : vector<16xi32>, vector<16xi1> -> vector<16xi32>
      %reduce_sum3A_144 = vector.extract %reduce_sum3A_143[15] : i32 from vector<16xi32>
      %add3A_145 = arith.addi %add3A_137, %reduce_sum3A_144 : i32
      %eq3A_146 = vector.broadcast %reduce_max3A_75 : f32 to vector<16xf32>
      %eq3A_147 = arith.cmpf oeq, %get3A_40, %eq3A_146 : vector<16xf32>
      %convert_element_type3A_148 = arith.extui %eq3A_147 : vector<16xi1> to vector<16xi32>
      %reduce_sum3A_149 = arith.constant true
      %reduce_sum3A_150 = vector.broadcast %reduce_sum3A_149 : i1 to vector<16xi1>
      %reduce_sum3A_151 = tpu.scan <sum>, %convert_element_type3A_148 masked %reduce_sum3A_150 : vector<16xi32>, vector<16xi1> -> vector<16xi32>
      %reduce_sum3A_152 = vector.extract %reduce_sum3A_151[15] : i32 from vector<16xi32>
      %add3A_153 = arith.addi %add3A_145, %reduce_sum3A_152 : i32
      %eq3A_154 = vector.broadcast %reduce_max3A_75 : f32 to vector<16xf32>
      %eq3A_155 = arith.cmpf oeq, %get3A_43, %eq3A_154 : vector<16xf32>
      %convert_element_type3A_156 = arith.extui %eq3A_155 : vector<16xi1> to vector<16xi32>
      %reduce_sum3A_157 = arith.constant true
      %reduce_sum3A_158 = vector.broadcast %reduce_sum3A_157 : i1 to vector<16xi1>
      %reduce_sum3A_159 = tpu.scan <sum>, %convert_element_type3A_156 masked %reduce_sum3A_158 : vector<16xi32>, vector<16xi1> -> vector<16xi32>
      %reduce_sum3A_160 = vector.extract %reduce_sum3A_159[15] : i32 from vector<16xi32>
      %add3A_161 = arith.addi %add3A_153, %reduce_sum3A_160 : i32
      %eq3A_162 = vector.broadcast %reduce_max3A_75 : f32 to vector<16xf32>
      %eq3A_163 = arith.cmpf oeq, %get3A_46, %eq3A_162 : vector<16xf32>
      %convert_element_type3A_164 = arith.extui %eq3A_163 : vector<16xi1> to vector<16xi32>
      %reduce_sum3A_165 = arith.constant true
      %reduce_sum3A_166 = vector.broadcast %reduce_sum3A_165 : i1 to vector<16xi1>
      %reduce_sum3A_167 = tpu.scan <sum>, %convert_element_type3A_164 masked %reduce_sum3A_166 : vector<16xi32>, vector<16xi1> -> vector<16xi32>
      %reduce_sum3A_168 = vector.extract %reduce_sum3A_167[15] : i32 from vector<16xi32>
      %add3A_169 = arith.addi %add3A_161, %reduce_sum3A_168 : i32
      %eq3A_170 = vector.broadcast %reduce_max3A_75 : f32 to vector<16xf32>
      %eq3A_171 = arith.cmpf oeq, %get3A_49, %eq3A_170 : vector<16xf32>
      %convert_element_type3A_172 = arith.extui %eq3A_171 : vector<16xi1> to vector<16xi32>
      %reduce_sum3A_173 = arith.constant true
      %reduce_sum3A_174 = vector.broadcast %reduce_sum3A_173 : i1 to vector<16xi1>
      %reduce_sum3A_175 = tpu.scan <sum>, %convert_element_type3A_172 masked %reduce_sum3A_174 : vector<16xi32>, vector<16xi1> -> vector<16xi32>
      %reduce_sum3A_176 = vector.extract %reduce_sum3A_175[15] : i32 from vector<16xi32>
      %add3A_177 = arith.addi %add3A_169, %reduce_sum3A_176 : i32
      %eq3A_178 = vector.broadcast %reduce_max3A_75 : f32 to vector<16xf32>
      %eq3A_179 = arith.cmpf oeq, %get3A_52, %eq3A_178 : vector<16xf32>
      %convert_element_type3A_180 = arith.extui %eq3A_179 : vector<16xi1> to vector<16xi32>
      %reduce_sum3A_181 = arith.constant true
      %reduce_sum3A_182 = vector.broadcast %reduce_sum3A_181 : i1 to vector<16xi1>
      %reduce_sum3A_183 = tpu.scan <sum>, %convert_element_type3A_180 masked %reduce_sum3A_182 : vector<16xi32>, vector<16xi1> -> vector<16xi32>
      %reduce_sum3A_184 = vector.extract %reduce_sum3A_183[15] : i32 from vector<16xi32>
      %add3A_185 = arith.addi %add3A_177, %reduce_sum3A_184 : i32
      %eq3A_186 = vector.broadcast %reduce_max3A_75 : f32 to vector<16xf32>
      %eq3A_187 = arith.cmpf oeq, %get3A_55, %eq3A_186 : vector<16xf32>
      %convert_element_type3A_188 = arith.extui %eq3A_187 : vector<16xi1> to vector<16xi32>
      %reduce_sum3A_189 = arith.constant true
      %reduce_sum3A_190 = vector.broadcast %reduce_sum3A_189 : i1 to vector<16xi1>
      %reduce_sum3A_191 = tpu.scan <sum>, %convert_element_type3A_188 masked %reduce_sum3A_190 : vector<16xi32>, vector<16xi1> -> vector<16xi32>
      %reduce_sum3A_192 = vector.extract %reduce_sum3A_191[15] : i32 from vector<16xi32>
      %add3A_193 = arith.addi %add3A_185, %reduce_sum3A_192 : i32
      %eq3A_194 = vector.broadcast %reduce_max3A_75 : f32 to vector<16xf32>
      %eq3A_195 = arith.cmpf oeq, %get3A_58, %eq3A_194 : vector<16xf32>
      %convert_element_type3A_196 = arith.extui %eq3A_195 : vector<16xi1> to vector<16xi32>
      %reduce_sum3A_197 = arith.constant true
      %reduce_sum3A_198 = vector.broadcast %reduce_sum3A_197 : i1 to vector<16xi1>
      %reduce_sum3A_199 = tpu.scan <sum>, %convert_element_type3A_196 masked %reduce_sum3A_198 : vector<16xi32>, vector<16xi1> -> vector<16xi32>
      %reduce_sum3A_200 = vector.extract %reduce_sum3A_199[15] : i32 from vector<16xi32>
      %add3A_201 = arith.addi %add3A_193, %reduce_sum3A_200 : i32
      %gt3A = arith.constant 8 : i32
      %gt3A_202 = arith.constant 0 : i32
      %gt3A_203 = arith.cmpi sgt, %gt3A, %gt3A_202 : i32
      %jit3A = arith.constant 3.000000e+38 : f32
      %select_n3A = arith.select %gt3A_203, %reduce_max3A_75, %jit3A : f32
      %sub3A = arith.constant 8 : i32
      %sub3A_204 = arith.subi %sub3A, %add3A_201 : i32
      %jit3A_205 = arith.constant 8 : i32
      %select_n3A_206 = arith.select %gt3A_203, %sub3A_204, %jit3A_205 : i32
      %eq3A_207 = vector.broadcast %reduce_max3A_75 : f32 to vector<16xf32>
      %eq3A_208 = arith.cmpf oeq, %get3A_13, %eq3A_207 : vector<16xf32>
      %and3A = vector.broadcast %gt3A_203 : i1 to vector<16xi1>
      %and3A_209 = arith.andi %and3A, %eq3A_208 : vector<16xi1>
      %jit3A_210 = arith.constant -3.000000e+38 : f32
      %broadcast_in_dim3A = vector.broadcast %jit3A_210 : f32 to vector<16xf32>
      %select_n3A_211 = arith.select %and3A_209, %broadcast_in_dim3A, %get3A_13 : vector<16xi1>, vector<16xf32>
      %eq3A_212 = vector.broadcast %reduce_max3A_75 : f32 to vector<16xf32>
      %eq3A_213 = arith.cmpf oeq, %get3A_16, %eq3A_212 : vector<16xf32>
      %and3A_214 = vector.broadcast %gt3A_203 : i1 to vector<16xi1>
      %and3A_215 = arith.andi %and3A_214, %eq3A_213 : vector<16xi1>
      %jit3A_216 = arith.constant -3.000000e+38 : f32
      %broadcast_in_dim3A_217 = vector.broadcast %jit3A_216 : f32 to vector<16xf32>
      %select_n3A_218 = arith.select %and3A_215, %broadcast_in_dim3A_217, %get3A_16 : vector<16xi1>, vector<16xf32>
      %eq3A_219 = vector.broadcast %reduce_max3A_75 : f32 to vector<16xf32>
      %eq3A_220 = arith.cmpf oeq, %get3A_19, %eq3A_219 : vector<16xf32>
      %and3A_221 = vector.broadcast %gt3A_203 : i1 to vector<16xi1>
      %and3A_222 = arith.andi %and3A_221, %eq3A_220 : vector<16xi1>
      %jit3A_223 = arith.constant -3.000000e+38 : f32
      %broadcast_in_dim3A_224 = vector.broadcast %jit3A_223 : f32 to vector<16xf32>
      %select_n3A_225 = arith.select %and3A_222, %broadcast_in_dim3A_224, %get3A_19 : vector<16xi1>, vector<16xf32>
      %eq3A_226 = vector.broadcast %reduce_max3A_75 : f32 to vector<16xf32>
      %eq3A_227 = arith.cmpf oeq, %get3A_22, %eq3A_226 : vector<16xf32>
      %and3A_228 = vector.broadcast %gt3A_203 : i1 to vector<16xi1>
      %and3A_229 = arith.andi %and3A_228, %eq3A_227 : vector<16xi1>
      %jit3A_230 = arith.constant -3.000000e+38 : f32
      %broadcast_in_dim3A_231 = vector.broadcast %jit3A_230 : f32 to vector<16xf32>
      %select_n3A_232 = arith.select %and3A_229, %broadcast_in_dim3A_231, %get3A_22 : vector<16xi1>, vector<16xf32>
      %eq3A_233 = vector.broadcast %reduce_max3A_75 : f32 to vector<16xf32>
      %eq3A_234 = arith.cmpf oeq, %get3A_25, %eq3A_233 : vector<16xf32>
      %and3A_235 = vector.broadcast %gt3A_203 : i1 to vector<16xi1>
      %and3A_236 = arith.andi %and3A_235, %eq3A_234 : vector<16xi1>
      %jit3A_237 = arith.constant -3.000000e+38 : f32
      %broadcast_in_dim3A_238 = vector.broadcast %jit3A_237 : f32 to vector<16xf32>
      %select_n3A_239 = arith.select %and3A_236, %broadcast_in_dim3A_238, %get3A_25 : vector<16xi1>, vector<16xf32>
      %eq3A_240 = vector.broadcast %reduce_max3A_75 : f32 to vector<16xf32>
      %eq3A_241 = arith.cmpf oeq, %get3A_28, %eq3A_240 : vector<16xf32>
      %and3A_242 = vector.broadcast %gt3A_203 : i1 to vector<16xi1>
      %and3A_243 = arith.andi %and3A_242, %eq3A_241 : vector<16xi1>
      %jit3A_244 = arith.constant -3.000000e+38 : f32
      %broadcast_in_dim3A_245 = vector.broadcast %jit3A_244 : f32 to vector<16xf32>
      %select_n3A_246 = arith.select %and3A_243, %broadcast_in_dim3A_245, %get3A_28 : vector<16xi1>, vector<16xf32>
      %eq3A_247 = vector.broadcast %reduce_max3A_75 : f32 to vector<16xf32>
      %eq3A_248 = arith.cmpf oeq, %get3A_31, %eq3A_247 : vector<16xf32>
      %and3A_249 = vector.broadcast %gt3A_203 : i1 to vector<16xi1>
      %and3A_250 = arith.andi %and3A_249, %eq3A_248 : vector<16xi1>
      %jit3A_251 = arith.constant -3.000000e+38 : f32
      %broadcast_in_dim3A_252 = vector.broadcast %jit3A_251 : f32 to vector<16xf32>
      %select_n3A_253 = arith.select %and3A_250, %broadcast_in_dim3A_252, %get3A_31 : vector<16xi1>, vector<16xf32>
      %eq3A_254 = vector.broadcast %reduce_max3A_75 : f32 to vector<16xf32>
      %eq3A_255 = arith.cmpf oeq, %get3A_34, %eq3A_254 : vector<16xf32>
      %and3A_256 = vector.broadcast %gt3A_203 : i1 to vector<16xi1>
      %and3A_257 = arith.andi %and3A_256, %eq3A_255 : vector<16xi1>
      %jit3A_258 = arith.constant -3.000000e+38 : f32
      %broadcast_in_dim3A_259 = vector.broadcast %jit3A_258 : f32 to vector<16xf32>
      %select_n3A_260 = arith.select %and3A_257, %broadcast_in_dim3A_259, %get3A_34 : vector<16xi1>, vector<16xf32>
      %eq3A_261 = vector.broadcast %reduce_max3A_75 : f32 to vector<16xf32>
      %eq3A_262 = arith.cmpf oeq, %get3A_37, %eq3A_261 : vector<16xf32>
      %and3A_263 = vector.broadcast %gt3A_203 : i1 to vector<16xi1>
      %and3A_264 = arith.andi %and3A_263, %eq3A_262 : vector<16xi1>
      %jit3A_265 = arith.constant -3.000000e+38 : f32
      %broadcast_in_dim3A_266 = vector.broadcast %jit3A_265 : f32 to vector<16xf32>
      %select_n3A_267 = arith.select %and3A_264, %broadcast_in_dim3A_266, %get3A_37 : vector<16xi1>, vector<16xf32>
      %eq3A_268 = vector.broadcast %reduce_max3A_75 : f32 to vector<16xf32>
      %eq3A_269 = arith.cmpf oeq, %get3A_40, %eq3A_268 : vector<16xf32>
      %and3A_270 = vector.broadcast %gt3A_203 : i1 to vector<16xi1>
      %and3A_271 = arith.andi %and3A_270, %eq3A_269 : vector<16xi1>
      %jit3A_272 = arith.constant -3.000000e+38 : f32
      %broadcast_in_dim3A_273 = vector.broadcast %jit3A_272 : f32 to vector<16xf32>
      %select_n3A_274 = arith.select %and3A_271, %broadcast_in_dim3A_273, %get3A_40 : vector<16xi1>, vector<16xf32>
      %eq3A_275 = vector.broadcast %reduce_max3A_75 : f32 to vector<16xf32>
      %eq3A_276 = arith.cmpf oeq, %get3A_43, %eq3A_275 : vector<16xf32>
      %and3A_277 = vector.broadcast %gt3A_203 : i1 to vector<16xi1>
      %and3A_278 = arith.andi %and3A_277, %eq3A_276 : vector<16xi1>
      %jit3A_279 = arith.constant -3.000000e+38 : f32
      %broadcast_in_dim3A_280 = vector.broadcast %jit3A_279 : f32 to vector<16xf32>
      %select_n3A_281 = arith.select %and3A_278, %broadcast_in_dim3A_280, %get3A_43 : vector<16xi1>, vector<16xf32>
      %eq3A_282 = vector.broadcast %reduce_max3A_75 : f32 to vector<16xf32>
      %eq3A_283 = arith.cmpf oeq, %get3A_46, %eq3A_282 : vector<16xf32>
      %and3A_284 = vector.broadcast %gt3A_203 : i1 to vector<16xi1>
      %and3A_285 = arith.andi %and3A_284, %eq3A_283 : vector<16xi1>
      %jit3A_286 = arith.constant -3.000000e+38 : f32
      %broadcast_in_dim3A_287 = vector.broadcast %jit3A_286 : f32 to vector<16xf32>
      %select_n3A_288 = arith.select %and3A_285, %broadcast_in_dim3A_287, %get3A_46 : vector<16xi1>, vector<16xf32>
      %eq3A_289 = vector.broadcast %reduce_max3A_75 : f32 to vector<16xf32>
      %eq3A_290 = arith.cmpf oeq, %get3A_49, %eq3A_289 : vector<16xf32>
      %and3A_291 = vector.broadcast %gt3A_203 : i1 to vector<16xi1>
      %and3A_292 = arith.andi %and3A_291, %eq3A_290 : vector<16xi1>
      %jit3A_293 = arith.constant -3.000000e+38 : f32
      %broadcast_in_dim3A_294 = vector.broadcast %jit3A_293 : f32 to vector<16xf32>
      %select_n3A_295 = arith.select %and3A_292, %broadcast_in_dim3A_294, %get3A_49 : vector<16xi1>, vector<16xf32>
      %eq3A_296 = vector.broadcast %reduce_max3A_75 : f32 to vector<16xf32>
      %eq3A_297 = arith.cmpf oeq, %get3A_52, %eq3A_296 : vector<16xf32>
      %and3A_298 = vector.broadcast %gt3A_203 : i1 to vector<16xi1>
      %and3A_299 = arith.andi %and3A_298, %eq3A_297 : vector<16xi1>
      %jit3A_300 = arith.constant -3.000000e+38 : f32
      %broadcast_in_dim3A_301 = vector.broadcast %jit3A_300 : f32 to vector<16xf32>
      %select_n3A_302 = arith.select %and3A_299, %broadcast_in_dim3A_301, %get3A_52 : vector<16xi1>, vector<16xf32>
      %eq3A_303 = vector.broadcast %reduce_max3A_75 : f32 to vector<16xf32>
      %eq3A_304 = arith.cmpf oeq, %get3A_55, %eq3A_303 : vector<16xf32>
      %and3A_305 = vector.broadcast %gt3A_203 : i1 to vector<16xi1>
      %and3A_306 = arith.andi %and3A_305, %eq3A_304 : vector<16xi1>
      %jit3A_307 = arith.constant -3.000000e+38 : f32
      %broadcast_in_dim3A_308 = vector.broadcast %jit3A_307 : f32 to vector<16xf32>
      %select_n3A_309 = arith.select %and3A_306, %broadcast_in_dim3A_308, %get3A_55 : vector<16xi1>, vector<16xf32>
      %eq3A_310 = vector.broadcast %reduce_max3A_75 : f32 to vector<16xf32>
      %eq3A_311 = arith.cmpf oeq, %get3A_58, %eq3A_310 : vector<16xf32>
      %and3A_312 = vector.broadcast %gt3A_203 : i1 to vector<16xi1>
      %and3A_313 = arith.andi %and3A_312, %eq3A_311 : vector<16xi1>
      %jit3A_314 = arith.constant -3.000000e+38 : f32
      %broadcast_in_dim3A_315 = vector.broadcast %jit3A_314 : f32 to vector<16xf32>
      %select_n3A_316 = arith.select %and3A_313, %broadcast_in_dim3A_315, %get3A_58 : vector<16xi1>, vector<16xf32>
      %max3A_317 = arith.maximumf %select_n3A_211, %select_n3A_218 : vector<16xf32>
      %max3A_318 = arith.maximumf %max3A_317, %select_n3A_225 : vector<16xf32>
      %max3A_319 = arith.maximumf %max3A_318, %select_n3A_232 : vector<16xf32>
      %max3A_320 = arith.maximumf %max3A_319, %select_n3A_239 : vector<16xf32>
      %max3A_321 = arith.maximumf %max3A_320, %select_n3A_246 : vector<16xf32>
      %max3A_322 = arith.maximumf %max3A_321, %select_n3A_253 : vector<16xf32>
      %max3A_323 = arith.maximumf %max3A_322, %select_n3A_260 : vector<16xf32>
      %max3A_324 = arith.maximumf %max3A_323, %select_n3A_267 : vector<16xf32>
      %max3A_325 = arith.maximumf %max3A_324, %select_n3A_274 : vector<16xf32>
      %max3A_326 = arith.maximumf %max3A_325, %select_n3A_281 : vector<16xf32>
      %max3A_327 = arith.maximumf %max3A_326, %select_n3A_288 : vector<16xf32>
      %max3A_328 = arith.maximumf %max3A_327, %select_n3A_295 : vector<16xf32>
      %max3A_329 = arith.maximumf %max3A_328, %select_n3A_302 : vector<16xf32>
      %max3A_330 = arith.maximumf %max3A_329, %select_n3A_309 : vector<16xf32>
      %max3A_331 = arith.maximumf %max3A_330, %select_n3A_316 : vector<16xf32>
      %reduce_max3A_332 = arith.constant true
      %reduce_max3A_333 = vector.broadcast %reduce_max3A_332 : i1 to vector<16xi1>
      %reduce_max3A_334 = tpu.scan <max>, %max3A_331 masked %reduce_max3A_333 : vector<16xf32>, vector<16xi1> -> vector<16xf32>
      %reduce_max3A_335 = vector.extract %reduce_max3A_334[15] : f32 from vector<16xf32>
      %eq3A_336 = vector.broadcast %reduce_max3A_335 : f32 to vector<16xf32>
      %eq3A_337 = arith.cmpf oeq, %select_n3A_211, %eq3A_336 : vector<16xf32>
      %convert_element_type3A_338 = arith.extui %eq3A_337 : vector<16xi1> to vector<16xi32>
      %reduce_sum3A_339 = arith.constant true
      %reduce_sum3A_340 = vector.broadcast %reduce_sum3A_339 : i1 to vector<16xi1>
      %reduce_sum3A_341 = tpu.scan <sum>, %convert_element_type3A_338 masked %reduce_sum3A_340 : vector<16xi32>, vector<16xi1> -> vector<16xi32>
      %reduce_sum3A_342 = vector.extract %reduce_sum3A_341[15] : i32 from vector<16xi32>
      %add3A_343 = arith.constant 0 : i32
      %add3A_344 = arith.addi %add3A_343, %reduce_sum3A_342 : i32
      %eq3A_345 = vector.broadcast %reduce_max3A_335 : f32 to vector<16xf32>
      %eq3A_346 = arith.cmpf oeq, %select_n3A_218, %eq3A_345 : vector<16xf32>
      %convert_element_type3A_347 = arith.extui %eq3A_346 : vector<16xi1> to vector<16xi32>
      %reduce_sum3A_348 = arith.constant true
      %reduce_sum3A_349 = vector.broadcast %reduce_sum3A_348 : i1 to vector<16xi1>
      %reduce_sum3A_350 = tpu.scan <sum>, %convert_element_type3A_347 masked %reduce_sum3A_349 : vector<16xi32>, vector<16xi1> -> vector<16xi32>
      %reduce_sum3A_351 = vector.extract %reduce_sum3A_350[15] : i32 from vector<16xi32>
      %add3A_352 = arith.addi %add3A_344, %reduce_sum3A_351 : i32
      %eq3A_353 = vector.broadcast %reduce_max3A_335 : f32 to vector<16xf32>
      %eq3A_354 = arith.cmpf oeq, %select_n3A_225, %eq3A_353 : vector<16xf32>
      %convert_element_type3A_355 = arith.extui %eq3A_354 : vector<16xi1> to vector<16xi32>
      %reduce_sum3A_356 = arith.constant true
      %reduce_sum3A_357 = vector.broadcast %reduce_sum3A_356 : i1 to vector<16xi1>
      %reduce_sum3A_358 = tpu.scan <sum>, %convert_element_type3A_355 masked %reduce_sum3A_357 : vector<16xi32>, vector<16xi1> -> vector<16xi32>
      %reduce_sum3A_359 = vector.extract %reduce_sum3A_358[15] : i32 from vector<16xi32>
      %add3A_360 = arith.addi %add3A_352, %reduce_sum3A_359 : i32
      %eq3A_361 = vector.broadcast %reduce_max3A_335 : f32 to vector<16xf32>
      %eq3A_362 = arith.cmpf oeq, %select_n3A_232, %eq3A_361 : vector<16xf32>
      %convert_element_type3A_363 = arith.extui %eq3A_362 : vector<16xi1> to vector<16xi32>
      %reduce_sum3A_364 = arith.constant true
      %reduce_sum3A_365 = vector.broadcast %reduce_sum3A_364 : i1 to vector<16xi1>
      %reduce_sum3A_366 = tpu.scan <sum>, %convert_element_type3A_363 masked %reduce_sum3A_365 : vector<16xi32>, vector<16xi1> -> vector<16xi32>
      %reduce_sum3A_367 = vector.extract %reduce_sum3A_366[15] : i32 from vector<16xi32>
      %add3A_368 = arith.addi %add3A_360, %reduce_sum3A_367 : i32
      %eq3A_369 = vector.broadcast %reduce_max3A_335 : f32 to vector<16xf32>
      %eq3A_370 = arith.cmpf oeq, %select_n3A_239, %eq3A_369 : vector<16xf32>
      %convert_element_type3A_371 = arith.extui %eq3A_370 : vector<16xi1> to vector<16xi32>
      %reduce_sum3A_372 = arith.constant true
      %reduce_sum3A_373 = vector.broadcast %reduce_sum3A_372 : i1 to vector<16xi1>
      %reduce_sum3A_374 = tpu.scan <sum>, %convert_element_type3A_371 masked %reduce_sum3A_373 : vector<16xi32>, vector<16xi1> -> vector<16xi32>
      %reduce_sum3A_375 = vector.extract %reduce_sum3A_374[15] : i32 from vector<16xi32>
      %add3A_376 = arith.addi %add3A_368, %reduce_sum3A_375 : i32
      %eq3A_377 = vector.broadcast %reduce_max3A_335 : f32 to vector<16xf32>
      %eq3A_378 = arith.cmpf oeq, %select_n3A_246, %eq3A_377 : vector<16xf32>
      %convert_element_type3A_379 = arith.extui %eq3A_378 : vector<16xi1> to vector<16xi32>
      %reduce_sum3A_380 = arith.constant true
      %reduce_sum3A_381 = vector.broadcast %reduce_sum3A_380 : i1 to vector<16xi1>
      %reduce_sum3A_382 = tpu.scan <sum>, %convert_element_type3A_379 masked %reduce_sum3A_381 : vector<16xi32>, vector<16xi1> -> vector<16xi32>
      %reduce_sum3A_383 = vector.extract %reduce_sum3A_382[15] : i32 from vector<16xi32>
      %add3A_384 = arith.addi %add3A_376, %reduce_sum3A_383 : i32
      %eq3A_385 = vector.broadcast %reduce_max3A_335 : f32 to vector<16xf32>
      %eq3A_386 = arith.cmpf oeq, %select_n3A_253, %eq3A_385 : vector<16xf32>
      %convert_element_type3A_387 = arith.extui %eq3A_386 : vector<16xi1> to vector<16xi32>
      %reduce_sum3A_388 = arith.constant true
      %reduce_sum3A_389 = vector.broadcast %reduce_sum3A_388 : i1 to vector<16xi1>
      %reduce_sum3A_390 = tpu.scan <sum>, %convert_element_type3A_387 masked %reduce_sum3A_389 : vector<16xi32>, vector<16xi1> -> vector<16xi32>
      %reduce_sum3A_391 = vector.extract %reduce_sum3A_390[15] : i32 from vector<16xi32>
      %add3A_392 = arith.addi %add3A_384, %reduce_sum3A_391 : i32
      %eq3A_393 = vector.broadcast %reduce_max3A_335 : f32 to vector<16xf32>
      %eq3A_394 = arith.cmpf oeq, %select_n3A_260, %eq3A_393 : vector<16xf32>
      %convert_element_type3A_395 = arith.extui %eq3A_394 : vector<16xi1> to vector<16xi32>
      %reduce_sum3A_396 = arith.constant true
      %reduce_sum3A_397 = vector.broadcast %reduce_sum3A_396 : i1 to vector<16xi1>
      %reduce_sum3A_398 = tpu.scan <sum>, %convert_element_type3A_395 masked %reduce_sum3A_397 : vector<16xi32>, vector<16xi1> -> vector<16xi32>
      %reduce_sum3A_399 = vector.extract %reduce_sum3A_398[15] : i32 from vector<16xi32>
      %add3A_400 = arith.addi %add3A_392, %reduce_sum3A_399 : i32
      %eq3A_401 = vector.broadcast %reduce_max3A_335 : f32 to vector<16xf32>
      %eq3A_402 = arith.cmpf oeq, %select_n3A_267, %eq3A_401 : vector<16xf32>
      %convert_element_type3A_403 = arith.extui %eq3A_402 : vector<16xi1> to vector<16xi32>
      %reduce_sum3A_404 = arith.constant true
      %reduce_sum3A_405 = vector.broadcast %reduce_sum3A_404 : i1 to vector<16xi1>
      %reduce_sum3A_406 = tpu.scan <sum>, %convert_element_type3A_403 masked %reduce_sum3A_405 : vector<16xi32>, vector<16xi1> -> vector<16xi32>
      %reduce_sum3A_407 = vector.extract %reduce_sum3A_406[15] : i32 from vector<16xi32>
      %add3A_408 = arith.addi %add3A_400, %reduce_sum3A_407 : i32
      %eq3A_409 = vector.broadcast %reduce_max3A_335 : f32 to vector<16xf32>
      %eq3A_410 = arith.cmpf oeq, %select_n3A_274, %eq3A_409 : vector<16xf32>
      %convert_element_type3A_411 = arith.extui %eq3A_410 : vector<16xi1> to vector<16xi32>
      %reduce_sum3A_412 = arith.constant true
      %reduce_sum3A_413 = vector.broadcast %reduce_sum3A_412 : i1 to vector<16xi1>
      %reduce_sum3A_414 = tpu.scan <sum>, %convert_element_type3A_411 masked %reduce_sum3A_413 : vector<16xi32>, vector<16xi1> -> vector<16xi32>
      %reduce_sum3A_415 = vector.extract %reduce_sum3A_414[15] : i32 from vector<16xi32>
      %add3A_416 = arith.addi %add3A_408, %reduce_sum3A_415 : i32
      %eq3A_417 = vector.broadcast %reduce_max3A_335 : f32 to vector<16xf32>
      %eq3A_418 = arith.cmpf oeq, %select_n3A_281, %eq3A_417 : vector<16xf32>
      %convert_element_type3A_419 = arith.extui %eq3A_418 : vector<16xi1> to vector<16xi32>
      %reduce_sum3A_420 = arith.constant true
      %reduce_sum3A_421 = vector.broadcast %reduce_sum3A_420 : i1 to vector<16xi1>
      %reduce_sum3A_422 = tpu.scan <sum>, %convert_element_type3A_419 masked %reduce_sum3A_421 : vector<16xi32>, vector<16xi1> -> vector<16xi32>
      %reduce_sum3A_423 = vector.extract %reduce_sum3A_422[15] : i32 from vector<16xi32>
      %add3A_424 = arith.addi %add3A_416, %reduce_sum3A_423 : i32
      %eq3A_425 = vector.broadcast %reduce_max3A_335 : f32 to vector<16xf32>
      %eq3A_426 = arith.cmpf oeq, %select_n3A_288, %eq3A_425 : vector<16xf32>
      %convert_element_type3A_427 = arith.extui %eq3A_426 : vector<16xi1> to vector<16xi32>
      %reduce_sum3A_428 = arith.constant true
      %reduce_sum3A_429 = vector.broadcast %reduce_sum3A_428 : i1 to vector<16xi1>
      %reduce_sum3A_430 = tpu.scan <sum>, %convert_element_type3A_427 masked %reduce_sum3A_429 : vector<16xi32>, vector<16xi1> -> vector<16xi32>
      %reduce_sum3A_431 = vector.extract %reduce_sum3A_430[15] : i32 from vector<16xi32>
      %add3A_432 = arith.addi %add3A_424, %reduce_sum3A_431 : i32
      %eq3A_433 = vector.broadcast %reduce_max3A_335 : f32 to vector<16xf32>
      %eq3A_434 = arith.cmpf oeq, %select_n3A_295, %eq3A_433 : vector<16xf32>
      %convert_element_type3A_435 = arith.extui %eq3A_434 : vector<16xi1> to vector<16xi32>
      %reduce_sum3A_436 = arith.constant true
      %reduce_sum3A_437 = vector.broadcast %reduce_sum3A_436 : i1 to vector<16xi1>
      %reduce_sum3A_438 = tpu.scan <sum>, %convert_element_type3A_435 masked %reduce_sum3A_437 : vector<16xi32>, vector<16xi1> -> vector<16xi32>
      %reduce_sum3A_439 = vector.extract %reduce_sum3A_438[15] : i32 from vector<16xi32>
      %add3A_440 = arith.addi %add3A_432, %reduce_sum3A_439 : i32
      %eq3A_441 = vector.broadcast %reduce_max3A_335 : f32 to vector<16xf32>
      %eq3A_442 = arith.cmpf oeq, %select_n3A_302, %eq3A_441 : vector<16xf32>
      %convert_element_type3A_443 = arith.extui %eq3A_442 : vector<16xi1> to vector<16xi32>
      %reduce_sum3A_444 = arith.constant true
      %reduce_sum3A_445 = vector.broadcast %reduce_sum3A_444 : i1 to vector<16xi1>
      %reduce_sum3A_446 = tpu.scan <sum>, %convert_element_type3A_443 masked %reduce_sum3A_445 : vector<16xi32>, vector<16xi1> -> vector<16xi32>
      %reduce_sum3A_447 = vector.extract %reduce_sum3A_446[15] : i32 from vector<16xi32>
      %add3A_448 = arith.addi %add3A_440, %reduce_sum3A_447 : i32
      %eq3A_449 = vector.broadcast %reduce_max3A_335 : f32 to vector<16xf32>
      %eq3A_450 = arith.cmpf oeq, %select_n3A_309, %eq3A_449 : vector<16xf32>
      %convert_element_type3A_451 = arith.extui %eq3A_450 : vector<16xi1> to vector<16xi32>
      %reduce_sum3A_452 = arith.constant true
      %reduce_sum3A_453 = vector.broadcast %reduce_sum3A_452 : i1 to vector<16xi1>
      %reduce_sum3A_454 = tpu.scan <sum>, %convert_element_type3A_451 masked %reduce_sum3A_453 : vector<16xi32>, vector<16xi1> -> vector<16xi32>
      %reduce_sum3A_455 = vector.extract %reduce_sum3A_454[15] : i32 from vector<16xi32>
      %add3A_456 = arith.addi %add3A_448, %reduce_sum3A_455 : i32
      %eq3A_457 = vector.broadcast %reduce_max3A_335 : f32 to vector<16xf32>
      %eq3A_458 = arith.cmpf oeq, %select_n3A_316, %eq3A_457 : vector<16xf32>
      %convert_element_type3A_459 = arith.extui %eq3A_458 : vector<16xi1> to vector<16xi32>
      %reduce_sum3A_460 = arith.constant true
      %reduce_sum3A_461 = vector.broadcast %reduce_sum3A_460 : i1 to vector<16xi1>
      %reduce_sum3A_462 = tpu.scan <sum>, %convert_element_type3A_459 masked %reduce_sum3A_461 : vector<16xi32>, vector<16xi1> -> vector<16xi32>
      %reduce_sum3A_463 = vector.extract %reduce_sum3A_462[15] : i32 from vector<16xi32>
      %add3A_464 = arith.addi %add3A_456, %reduce_sum3A_463 : i32
      %gt3A_465 = arith.constant 0 : i32
      %gt3A_466 = arith.cmpi sgt, %select_n3A_206, %gt3A_465 : i32
      %select_n3A_467 = arith.select %gt3A_466, %reduce_max3A_335, %select_n3A : f32
      %sub3A_468 = arith.subi %select_n3A_206, %add3A_464 : i32
      %select_n3A_469 = arith.select %gt3A_466, %sub3A_468, %select_n3A_206 : i32
      %eq3A_470 = vector.broadcast %reduce_max3A_335 : f32 to vector<16xf32>
      %eq3A_471 = arith.cmpf oeq, %select_n3A_211, %eq3A_470 : vector<16xf32>
      %and3A_472 = vector.broadcast %gt3A_466 : i1 to vector<16xi1>
      %and3A_473 = arith.andi %and3A_472, %eq3A_471 : vector<16xi1>
      %jit3A_474 = arith.constant -3.000000e+38 : f32
      %broadcast_in_dim3A_475 = vector.broadcast %jit3A_474 : f32 to vector<16xf32>
      %select_n3A_476 = arith.select %and3A_473, %broadcast_in_dim3A_475, %select_n3A_211 : vector<16xi1>, vector<16xf32>
      %eq3A_477 = vector.broadcast %reduce_max3A_335 : f32 to vector<16xf32>
      %eq3A_478 = arith.cmpf oeq, %select_n3A_218, %eq3A_477 : vector<16xf32>
      %and3A_479 = vector.broadcast %gt3A_466 : i1 to vector<16xi1>
      %and3A_480 = arith.andi %and3A_479, %eq3A_478 : vector<16xi1>
      %jit3A_481 = arith.constant -3.000000e+38 : f32
      %broadcast_in_dim3A_482 = vector.broadcast %jit3A_481 : f32 to vector<16xf32>
      %select_n3A_483 = arith.select %and3A_480, %broadcast_in_dim3A_482, %select_n3A_218 : vector<16xi1>, vector<16xf32>
      %eq3A_484 = vector.broadcast %reduce_max3A_335 : f32 to vector<16xf32>
      %eq3A_485 = arith.cmpf oeq, %select_n3A_225, %eq3A_484 : vector<16xf32>
      %and3A_486 = vector.broadcast %gt3A_466 : i1 to vector<16xi1>
      %and3A_487 = arith.andi %and3A_486, %eq3A_485 : vector<16xi1>
      %jit3A_488 = arith.constant -3.000000e+38 : f32
      %broadcast_in_dim3A_489 = vector.broadcast %jit3A_488 : f32 to vector<16xf32>
      %select_n3A_490 = arith.select %and3A_487, %broadcast_in_dim3A_489, %select_n3A_225 : vector<16xi1>, vector<16xf32>
      %eq3A_491 = vector.broadcast %reduce_max3A_335 : f32 to vector<16xf32>
      %eq3A_492 = arith.cmpf oeq, %select_n3A_232, %eq3A_491 : vector<16xf32>
      %and3A_493 = vector.broadcast %gt3A_466 : i1 to vector<16xi1>
      %and3A_494 = arith.andi %and3A_493, %eq3A_492 : vector<16xi1>
      %jit3A_495 = arith.constant -3.000000e+38 : f32
      %broadcast_in_dim3A_496 = vector.broadcast %jit3A_495 : f32 to vector<16xf32>
      %select_n3A_497 = arith.select %and3A_494, %broadcast_in_dim3A_496, %select_n3A_232 : vector<16xi1>, vector<16xf32>
      %eq3A_498 = vector.broadcast %reduce_max3A_335 : f32 to vector<16xf32>
      %eq3A_499 = arith.cmpf oeq, %select_n3A_239, %eq3A_498 : vector<16xf32>
      %and3A_500 = vector.broadcast %gt3A_466 : i1 to vector<16xi1>
      %and3A_501 = arith.andi %and3A_500, %eq3A_499 : vector<16xi1>
      %jit3A_502 = arith.constant -3.000000e+38 : f32
      %broadcast_in_dim3A_503 = vector.broadcast %jit3A_502 : f32 to vector<16xf32>
      %select_n3A_504 = arith.select %and3A_501, %broadcast_in_dim3A_503, %select_n3A_239 : vector<16xi1>, vector<16xf32>
      %eq3A_505 = vector.broadcast %reduce_max3A_335 : f32 to vector<16xf32>
      %eq3A_506 = arith.cmpf oeq, %select_n3A_246, %eq3A_505 : vector<16xf32>
      %and3A_507 = vector.broadcast %gt3A_466 : i1 to vector<16xi1>
      %and3A_508 = arith.andi %and3A_507, %eq3A_506 : vector<16xi1>
      %jit3A_509 = arith.constant -3.000000e+38 : f32
      %broadcast_in_dim3A_510 = vector.broadcast %jit3A_509 : f32 to vector<16xf32>
      %select_n3A_511 = arith.select %and3A_508, %broadcast_in_dim3A_510, %select_n3A_246 : vector<16xi1>, vector<16xf32>
      %eq3A_512 = vector.broadcast %reduce_max3A_335 : f32 to vector<16xf32>
      %eq3A_513 = arith.cmpf oeq, %select_n3A_253, %eq3A_512 : vector<16xf32>
      %and3A_514 = vector.broadcast %gt3A_466 : i1 to vector<16xi1>
      %and3A_515 = arith.andi %and3A_514, %eq3A_513 : vector<16xi1>
      %jit3A_516 = arith.constant -3.000000e+38 : f32
      %broadcast_in_dim3A_517 = vector.broadcast %jit3A_516 : f32 to vector<16xf32>
      %select_n3A_518 = arith.select %and3A_515, %broadcast_in_dim3A_517, %select_n3A_253 : vector<16xi1>, vector<16xf32>
      %eq3A_519 = vector.broadcast %reduce_max3A_335 : f32 to vector<16xf32>
      %eq3A_520 = arith.cmpf oeq, %select_n3A_260, %eq3A_519 : vector<16xf32>
      %and3A_521 = vector.broadcast %gt3A_466 : i1 to vector<16xi1>
      %and3A_522 = arith.andi %and3A_521, %eq3A_520 : vector<16xi1>
      %jit3A_523 = arith.constant -3.000000e+38 : f32
      %broadcast_in_dim3A_524 = vector.broadcast %jit3A_523 : f32 to vector<16xf32>
      %select_n3A_525 = arith.select %and3A_522, %broadcast_in_dim3A_524, %select_n3A_260 : vector<16xi1>, vector<16xf32>
      %eq3A_526 = vector.broadcast %reduce_max3A_335 : f32 to vector<16xf32>
      %eq3A_527 = arith.cmpf oeq, %select_n3A_267, %eq3A_526 : vector<16xf32>
      %and3A_528 = vector.broadcast %gt3A_466 : i1 to vector<16xi1>
      %and3A_529 = arith.andi %and3A_528, %eq3A_527 : vector<16xi1>
      %jit3A_530 = arith.constant -3.000000e+38 : f32
      %broadcast_in_dim3A_531 = vector.broadcast %jit3A_530 : f32 to vector<16xf32>
      %select_n3A_532 = arith.select %and3A_529, %broadcast_in_dim3A_531, %select_n3A_267 : vector<16xi1>, vector<16xf32>
      %eq3A_533 = vector.broadcast %reduce_max3A_335 : f32 to vector<16xf32>
      %eq3A_534 = arith.cmpf oeq, %select_n3A_274, %eq3A_533 : vector<16xf32>
      %and3A_535 = vector.broadcast %gt3A_466 : i1 to vector<16xi1>
      %and3A_536 = arith.andi %and3A_535, %eq3A_534 : vector<16xi1>
      %jit3A_537 = arith.constant -3.000000e+38 : f32
      %broadcast_in_dim3A_538 = vector.broadcast %jit3A_537 : f32 to vector<16xf32>
      %select_n3A_539 = arith.select %and3A_536, %broadcast_in_dim3A_538, %select_n3A_274 : vector<16xi1>, vector<16xf32>
      %eq3A_540 = vector.broadcast %reduce_max3A_335 : f32 to vector<16xf32>
      %eq3A_541 = arith.cmpf oeq, %select_n3A_281, %eq3A_540 : vector<16xf32>
      %and3A_542 = vector.broadcast %gt3A_466 : i1 to vector<16xi1>
      %and3A_543 = arith.andi %and3A_542, %eq3A_541 : vector<16xi1>
      %jit3A_544 = arith.constant -3.000000e+38 : f32
      %broadcast_in_dim3A_545 = vector.broadcast %jit3A_544 : f32 to vector<16xf32>
      %select_n3A_546 = arith.select %and3A_543, %broadcast_in_dim3A_545, %select_n3A_281 : vector<16xi1>, vector<16xf32>
      %eq3A_547 = vector.broadcast %reduce_max3A_335 : f32 to vector<16xf32>
      %eq3A_548 = arith.cmpf oeq, %select_n3A_288, %eq3A_547 : vector<16xf32>
      %and3A_549 = vector.broadcast %gt3A_466 : i1 to vector<16xi1>
      %and3A_550 = arith.andi %and3A_549, %eq3A_548 : vector<16xi1>
      %jit3A_551 = arith.constant -3.000000e+38 : f32
      %broadcast_in_dim3A_552 = vector.broadcast %jit3A_551 : f32 to vector<16xf32>
      %select_n3A_553 = arith.select %and3A_550, %broadcast_in_dim3A_552, %select_n3A_288 : vector<16xi1>, vector<16xf32>
      %eq3A_554 = vector.broadcast %reduce_max3A_335 : f32 to vector<16xf32>
      %eq3A_555 = arith.cmpf oeq, %select_n3A_295, %eq3A_554 : vector<16xf32>
      %and3A_556 = vector.broadcast %gt3A_466 : i1 to vector<16xi1>
      %and3A_557 = arith.andi %and3A_556, %eq3A_555 : vector<16xi1>
      %jit3A_558 = arith.constant -3.000000e+38 : f32
      %broadcast_in_dim3A_559 = vector.broadcast %jit3A_558 : f32 to vector<16xf32>
      %select_n3A_560 = arith.select %and3A_557, %broadcast_in_dim3A_559, %select_n3A_295 : vector<16xi1>, vector<16xf32>
      %eq3A_561 = vector.broadcast %reduce_max3A_335 : f32 to vector<16xf32>
      %eq3A_562 = arith.cmpf oeq, %select_n3A_302, %eq3A_561 : vector<16xf32>
      %and3A_563 = vector.broadcast %gt3A_466 : i1 to vector<16xi1>
      %and3A_564 = arith.andi %and3A_563, %eq3A_562 : vector<16xi1>
      %jit3A_565 = arith.constant -3.000000e+38 : f32
      %broadcast_in_dim3A_566 = vector.broadcast %jit3A_565 : f32 to vector<16xf32>
      %select_n3A_567 = arith.select %and3A_564, %broadcast_in_dim3A_566, %select_n3A_302 : vector<16xi1>, vector<16xf32>
      %eq3A_568 = vector.broadcast %reduce_max3A_335 : f32 to vector<16xf32>
      %eq3A_569 = arith.cmpf oeq, %select_n3A_309, %eq3A_568 : vector<16xf32>
      %and3A_570 = vector.broadcast %gt3A_466 : i1 to vector<16xi1>
      %and3A_571 = arith.andi %and3A_570, %eq3A_569 : vector<16xi1>
      %jit3A_572 = arith.constant -3.000000e+38 : f32
      %broadcast_in_dim3A_573 = vector.broadcast %jit3A_572 : f32 to vector<16xf32>
      %select_n3A_574 = arith.select %and3A_571, %broadcast_in_dim3A_573, %select_n3A_309 : vector<16xi1>, vector<16xf32>
      %eq3A_575 = vector.broadcast %reduce_max3A_335 : f32 to vector<16xf32>
      %eq3A_576 = arith.cmpf oeq, %select_n3A_316, %eq3A_575 : vector<16xf32>
      %and3A_577 = vector.broadcast %gt3A_466 : i1 to vector<16xi1>
      %and3A_578 = arith.andi %and3A_577, %eq3A_576 : vector<16xi1>
      %jit3A_579 = arith.constant -3.000000e+38 : f32
      %broadcast_in_dim3A_580 = vector.broadcast %jit3A_579 : f32 to vector<16xf32>
      %select_n3A_581 = arith.select %and3A_578, %broadcast_in_dim3A_580, %select_n3A_316 : vector<16xi1>, vector<16xf32>
      %max3A_582 = arith.maximumf %select_n3A_476, %select_n3A_483 : vector<16xf32>
      %max3A_583 = arith.maximumf %max3A_582, %select_n3A_490 : vector<16xf32>
      %max3A_584 = arith.maximumf %max3A_583, %select_n3A_497 : vector<16xf32>
      %max3A_585 = arith.maximumf %max3A_584, %select_n3A_504 : vector<16xf32>
      %max3A_586 = arith.maximumf %max3A_585, %select_n3A_511 : vector<16xf32>
      %max3A_587 = arith.maximumf %max3A_586, %select_n3A_518 : vector<16xf32>
      %max3A_588 = arith.maximumf %max3A_587, %select_n3A_525 : vector<16xf32>
      %max3A_589 = arith.maximumf %max3A_588, %select_n3A_532 : vector<16xf32>
      %max3A_590 = arith.maximumf %max3A_589, %select_n3A_539 : vector<16xf32>
      %max3A_591 = arith.maximumf %max3A_590, %select_n3A_546 : vector<16xf32>
      %max3A_592 = arith.maximumf %max3A_591, %select_n3A_553 : vector<16xf32>
      %max3A_593 = arith.maximumf %max3A_592, %select_n3A_560 : vector<16xf32>
      %max3A_594 = arith.maximumf %max3A_593, %select_n3A_567 : vector<16xf32>
      %max3A_595 = arith.maximumf %max3A_594, %select_n3A_574 : vector<16xf32>
      %max3A_596 = arith.maximumf %max3A_595, %select_n3A_581 : vector<16xf32>
      %reduce_max3A_597 = arith.constant true
      %reduce_max3A_598 = vector.broadcast %reduce_max3A_597 : i1 to vector<16xi1>
      %reduce_max3A_599 = tpu.scan <max>, %max3A_596 masked %reduce_max3A_598 : vector<16xf32>, vector<16xi1> -> vector<16xf32>
      %reduce_max3A_600 = vector.extract %reduce_max3A_599[15] : f32 from vector<16xf32>
      %eq3A_601 = vector.broadcast %reduce_max3A_600 : f32 to vector<16xf32>
      %eq3A_602 = arith.cmpf oeq, %select_n3A_476, %eq3A_601 : vector<16xf32>
      %convert_element_type3A_603 = arith.extui %eq3A_602 : vector<16xi1> to vector<16xi32>
      %reduce_sum3A_604 = arith.constant true
      %reduce_sum3A_605 = vector.broadcast %reduce_sum3A_604 : i1 to vector<16xi1>
      %reduce_sum3A_606 = tpu.scan <sum>, %convert_element_type3A_603 masked %reduce_sum3A_605 : vector<16xi32>, vector<16xi1> -> vector<16xi32>
      %reduce_sum3A_607 = vector.extract %reduce_sum3A_606[15] : i32 from vector<16xi32>
      %add3A_608 = arith.constant 0 : i32
      %add3A_609 = arith.addi %add3A_608, %reduce_sum3A_607 : i32
      %eq3A_610 = vector.broadcast %reduce_max3A_600 : f32 to vector<16xf32>
      %eq3A_611 = arith.cmpf oeq, %select_n3A_483, %eq3A_610 : vector<16xf32>
      %convert_element_type3A_612 = arith.extui %eq3A_611 : vector<16xi1> to vector<16xi32>
      %reduce_sum3A_613 = arith.constant true
      %reduce_sum3A_614 = vector.broadcast %reduce_sum3A_613 : i1 to vector<16xi1>
      %reduce_sum3A_615 = tpu.scan <sum>, %convert_element_type3A_612 masked %reduce_sum3A_614 : vector<16xi32>, vector<16xi1> -> vector<16xi32>
      %reduce_sum3A_616 = vector.extract %reduce_sum3A_615[15] : i32 from vector<16xi32>
      %add3A_617 = arith.addi %add3A_609, %reduce_sum3A_616 : i32
      %eq3A_618 = vector.broadcast %reduce_max3A_600 : f32 to vector<16xf32>
      %eq3A_619 = arith.cmpf oeq, %select_n3A_490, %eq3A_618 : vector<16xf32>
      %convert_element_type3A_620 = arith.extui %eq3A_619 : vector<16xi1> to vector<16xi32>
      %reduce_sum3A_621 = arith.constant true
      %reduce_sum3A_622 = vector.broadcast %reduce_sum3A_621 : i1 to vector<16xi1>
      %reduce_sum3A_623 = tpu.scan <sum>, %convert_element_type3A_620 masked %reduce_sum3A_622 : vector<16xi32>, vector<16xi1> -> vector<16xi32>
      %reduce_sum3A_624 = vector.extract %reduce_sum3A_623[15] : i32 from vector<16xi32>
      %add3A_625 = arith.addi %add3A_617, %reduce_sum3A_624 : i32
      %eq3A_626 = vector.broadcast %reduce_max3A_600 : f32 to vector<16xf32>
      %eq3A_627 = arith.cmpf oeq, %select_n3A_497, %eq3A_626 : vector<16xf32>
      %convert_element_type3A_628 = arith.extui %eq3A_627 : vector<16xi1> to vector<16xi32>
      %reduce_sum3A_629 = arith.constant true
      %reduce_sum3A_630 = vector.broadcast %reduce_sum3A_629 : i1 to vector<16xi1>
      %reduce_sum3A_631 = tpu.scan <sum>, %convert_element_type3A_628 masked %reduce_sum3A_630 : vector<16xi32>, vector<16xi1> -> vector<16xi32>
      %reduce_sum3A_632 = vector.extract %reduce_sum3A_631[15] : i32 from vector<16xi32>
      %add3A_633 = arith.addi %add3A_625, %reduce_sum3A_632 : i32
      %eq3A_634 = vector.broadcast %reduce_max3A_600 : f32 to vector<16xf32>
      %eq3A_635 = arith.cmpf oeq, %select_n3A_504, %eq3A_634 : vector<16xf32>
      %convert_element_type3A_636 = arith.extui %eq3A_635 : vector<16xi1> to vector<16xi32>
      %reduce_sum3A_637 = arith.constant true
      %reduce_sum3A_638 = vector.broadcast %reduce_sum3A_637 : i1 to vector<16xi1>
      %reduce_sum3A_639 = tpu.scan <sum>, %convert_element_type3A_636 masked %reduce_sum3A_638 : vector<16xi32>, vector<16xi1> -> vector<16xi32>
      %reduce_sum3A_640 = vector.extract %reduce_sum3A_639[15] : i32 from vector<16xi32>
      %add3A_641 = arith.addi %add3A_633, %reduce_sum3A_640 : i32
      %eq3A_642 = vector.broadcast %reduce_max3A_600 : f32 to vector<16xf32>
      %eq3A_643 = arith.cmpf oeq, %select_n3A_511, %eq3A_642 : vector<16xf32>
      %convert_element_type3A_644 = arith.extui %eq3A_643 : vector<16xi1> to vector<16xi32>
      %reduce_sum3A_645 = arith.constant true
      %reduce_sum3A_646 = vector.broadcast %reduce_sum3A_645 : i1 to vector<16xi1>
      %reduce_sum3A_647 = tpu.scan <sum>, %convert_element_type3A_644 masked %reduce_sum3A_646 : vector<16xi32>, vector<16xi1> -> vector<16xi32>
      %reduce_sum3A_648 = vector.extract %reduce_sum3A_647[15] : i32 from vector<16xi32>
      %add3A_649 = arith.addi %add3A_641, %reduce_sum3A_648 : i32
      %eq3A_650 = vector.broadcast %reduce_max3A_600 : f32 to vector<16xf32>
      %eq3A_651 = arith.cmpf oeq, %select_n3A_518, %eq3A_650 : vector<16xf32>
      %convert_element_type3A_652 = arith.extui %eq3A_651 : vector<16xi1> to vector<16xi32>
      %reduce_sum3A_653 = arith.constant true
      %reduce_sum3A_654 = vector.broadcast %reduce_sum3A_653 : i1 to vector<16xi1>
      %reduce_sum3A_655 = tpu.scan <sum>, %convert_element_type3A_652 masked %reduce_sum3A_654 : vector<16xi32>, vector<16xi1> -> vector<16xi32>
      %reduce_sum3A_656 = vector.extract %reduce_sum3A_655[15] : i32 from vector<16xi32>
      %add3A_657 = arith.addi %add3A_649, %reduce_sum3A_656 : i32
      %eq3A_658 = vector.broadcast %reduce_max3A_600 : f32 to vector<16xf32>
      %eq3A_659 = arith.cmpf oeq, %select_n3A_525, %eq3A_658 : vector<16xf32>
      %convert_element_type3A_660 = arith.extui %eq3A_659 : vector<16xi1> to vector<16xi32>
      %reduce_sum3A_661 = arith.constant true
      %reduce_sum3A_662 = vector.broadcast %reduce_sum3A_661 : i1 to vector<16xi1>
      %reduce_sum3A_663 = tpu.scan <sum>, %convert_element_type3A_660 masked %reduce_sum3A_662 : vector<16xi32>, vector<16xi1> -> vector<16xi32>
      %reduce_sum3A_664 = vector.extract %reduce_sum3A_663[15] : i32 from vector<16xi32>
      %add3A_665 = arith.addi %add3A_657, %reduce_sum3A_664 : i32
      %eq3A_666 = vector.broadcast %reduce_max3A_600 : f32 to vector<16xf32>
      %eq3A_667 = arith.cmpf oeq, %select_n3A_532, %eq3A_666 : vector<16xf32>
      %convert_element_type3A_668 = arith.extui %eq3A_667 : vector<16xi1> to vector<16xi32>
      %reduce_sum3A_669 = arith.constant true
      %reduce_sum3A_670 = vector.broadcast %reduce_sum3A_669 : i1 to vector<16xi1>
      %reduce_sum3A_671 = tpu.scan <sum>, %convert_element_type3A_668 masked %reduce_sum3A_670 : vector<16xi32>, vector<16xi1> -> vector<16xi32>
      %reduce_sum3A_672 = vector.extract %reduce_sum3A_671[15] : i32 from vector<16xi32>
      %add3A_673 = arith.addi %add3A_665, %reduce_sum3A_672 : i32
      %eq3A_674 = vector.broadcast %reduce_max3A_600 : f32 to vector<16xf32>
      %eq3A_675 = arith.cmpf oeq, %select_n3A_539, %eq3A_674 : vector<16xf32>
      %convert_element_type3A_676 = arith.extui %eq3A_675 : vector<16xi1> to vector<16xi32>
      %reduce_sum3A_677 = arith.constant true
      %reduce_sum3A_678 = vector.broadcast %reduce_sum3A_677 : i1 to vector<16xi1>
      %reduce_sum3A_679 = tpu.scan <sum>, %convert_element_type3A_676 masked %reduce_sum3A_678 : vector<16xi32>, vector<16xi1> -> vector<16xi32>
      %reduce_sum3A_680 = vector.extract %reduce_sum3A_679[15] : i32 from vector<16xi32>
      %add3A_681 = arith.addi %add3A_673, %reduce_sum3A_680 : i32
      %eq3A_682 = vector.broadcast %reduce_max3A_600 : f32 to vector<16xf32>
      %eq3A_683 = arith.cmpf oeq, %select_n3A_546, %eq3A_682 : vector<16xf32>
      %convert_element_type3A_684 = arith.extui %eq3A_683 : vector<16xi1> to vector<16xi32>
      %reduce_sum3A_685 = arith.constant true
      %reduce_sum3A_686 = vector.broadcast %reduce_sum3A_685 : i1 to vector<16xi1>
      %reduce_sum3A_687 = tpu.scan <sum>, %convert_element_type3A_684 masked %reduce_sum3A_686 : vector<16xi32>, vector<16xi1> -> vector<16xi32>
      %reduce_sum3A_688 = vector.extract %reduce_sum3A_687[15] : i32 from vector<16xi32>
      %add3A_689 = arith.addi %add3A_681, %reduce_sum3A_688 : i32
      %eq3A_690 = vector.broadcast %reduce_max3A_600 : f32 to vector<16xf32>
      %eq3A_691 = arith.cmpf oeq, %select_n3A_553, %eq3A_690 : vector<16xf32>
      %convert_element_type3A_692 = arith.extui %eq3A_691 : vector<16xi1> to vector<16xi32>
      %reduce_sum3A_693 = arith.constant true
      %reduce_sum3A_694 = vector.broadcast %reduce_sum3A_693 : i1 to vector<16xi1>
      %reduce_sum3A_695 = tpu.scan <sum>, %convert_element_type3A_692 masked %reduce_sum3A_694 : vector<16xi32>, vector<16xi1> -> vector<16xi32>
      %reduce_sum3A_696 = vector.extract %reduce_sum3A_695[15] : i32 from vector<16xi32>
      %add3A_697 = arith.addi %add3A_689, %reduce_sum3A_696 : i32
      %eq3A_698 = vector.broadcast %reduce_max3A_600 : f32 to vector<16xf32>
      %eq3A_699 = arith.cmpf oeq, %select_n3A_560, %eq3A_698 : vector<16xf32>
      %convert_element_type3A_700 = arith.extui %eq3A_699 : vector<16xi1> to vector<16xi32>
      %reduce_sum3A_701 = arith.constant true
      %reduce_sum3A_702 = vector.broadcast %reduce_sum3A_701 : i1 to vector<16xi1>
      %reduce_sum3A_703 = tpu.scan <sum>, %convert_element_type3A_700 masked %reduce_sum3A_702 : vector<16xi32>, vector<16xi1> -> vector<16xi32>
      %reduce_sum3A_704 = vector.extract %reduce_sum3A_703[15] : i32 from vector<16xi32>
      %add3A_705 = arith.addi %add3A_697, %reduce_sum3A_704 : i32
      %eq3A_706 = vector.broadcast %reduce_max3A_600 : f32 to vector<16xf32>
      %eq3A_707 = arith.cmpf oeq, %select_n3A_567, %eq3A_706 : vector<16xf32>
      %convert_element_type3A_708 = arith.extui %eq3A_707 : vector<16xi1> to vector<16xi32>
      %reduce_sum3A_709 = arith.constant true
      %reduce_sum3A_710 = vector.broadcast %reduce_sum3A_709 : i1 to vector<16xi1>
      %reduce_sum3A_711 = tpu.scan <sum>, %convert_element_type3A_708 masked %reduce_sum3A_710 : vector<16xi32>, vector<16xi1> -> vector<16xi32>
      %reduce_sum3A_712 = vector.extract %reduce_sum3A_711[15] : i32 from vector<16xi32>
      %add3A_713 = arith.addi %add3A_705, %reduce_sum3A_712 : i32
      %eq3A_714 = vector.broadcast %reduce_max3A_600 : f32 to vector<16xf32>
      %eq3A_715 = arith.cmpf oeq, %select_n3A_574, %eq3A_714 : vector<16xf32>
      %convert_element_type3A_716 = arith.extui %eq3A_715 : vector<16xi1> to vector<16xi32>
      %reduce_sum3A_717 = arith.constant true
      %reduce_sum3A_718 = vector.broadcast %reduce_sum3A_717 : i1 to vector<16xi1>
      %reduce_sum3A_719 = tpu.scan <sum>, %convert_element_type3A_716 masked %reduce_sum3A_718 : vector<16xi32>, vector<16xi1> -> vector<16xi32>
      %reduce_sum3A_720 = vector.extract %reduce_sum3A_719[15] : i32 from vector<16xi32>
      %add3A_721 = arith.addi %add3A_713, %reduce_sum3A_720 : i32
      %eq3A_722 = vector.broadcast %reduce_max3A_600 : f32 to vector<16xf32>
      %eq3A_723 = arith.cmpf oeq, %select_n3A_581, %eq3A_722 : vector<16xf32>
      %convert_element_type3A_724 = arith.extui %eq3A_723 : vector<16xi1> to vector<16xi32>
      %reduce_sum3A_725 = arith.constant true
      %reduce_sum3A_726 = vector.broadcast %reduce_sum3A_725 : i1 to vector<16xi1>
      %reduce_sum3A_727 = tpu.scan <sum>, %convert_element_type3A_724 masked %reduce_sum3A_726 : vector<16xi32>, vector<16xi1> -> vector<16xi32>
      %reduce_sum3A_728 = vector.extract %reduce_sum3A_727[15] : i32 from vector<16xi32>
      %add3A_729 = arith.addi %add3A_721, %reduce_sum3A_728 : i32
      %gt3A_730 = arith.constant 0 : i32
      %gt3A_731 = arith.cmpi sgt, %select_n3A_469, %gt3A_730 : i32
      %select_n3A_732 = arith.select %gt3A_731, %reduce_max3A_600, %select_n3A_467 : f32
      %sub3A_733 = arith.subi %select_n3A_469, %add3A_729 : i32
      %select_n3A_734 = arith.select %gt3A_731, %sub3A_733, %select_n3A_469 : i32
      %eq3A_735 = vector.broadcast %reduce_max3A_600 : f32 to vector<16xf32>
      %eq3A_736 = arith.cmpf oeq, %select_n3A_476, %eq3A_735 : vector<16xf32>
      %and3A_737 = vector.broadcast %gt3A_731 : i1 to vector<16xi1>
      %and3A_738 = arith.andi %and3A_737, %eq3A_736 : vector<16xi1>
      %jit3A_739 = arith.constant -3.000000e+38 : f32
      %broadcast_in_dim3A_740 = vector.broadcast %jit3A_739 : f32 to vector<16xf32>
      %select_n3A_741 = arith.select %and3A_738, %broadcast_in_dim3A_740, %select_n3A_476 : vector<16xi1>, vector<16xf32>
      %eq3A_742 = vector.broadcast %reduce_max3A_600 : f32 to vector<16xf32>
      %eq3A_743 = arith.cmpf oeq, %select_n3A_483, %eq3A_742 : vector<16xf32>
      %and3A_744 = vector.broadcast %gt3A_731 : i1 to vector<16xi1>
      %and3A_745 = arith.andi %and3A_744, %eq3A_743 : vector<16xi1>
      %jit3A_746 = arith.constant -3.000000e+38 : f32
      %broadcast_in_dim3A_747 = vector.broadcast %jit3A_746 : f32 to vector<16xf32>
      %select_n3A_748 = arith.select %and3A_745, %broadcast_in_dim3A_747, %select_n3A_483 : vector<16xi1>, vector<16xf32>
      %eq3A_749 = vector.broadcast %reduce_max3A_600 : f32 to vector<16xf32>
      %eq3A_750 = arith.cmpf oeq, %select_n3A_490, %eq3A_749 : vector<16xf32>
      %and3A_751 = vector.broadcast %gt3A_731 : i1 to vector<16xi1>
      %and3A_752 = arith.andi %and3A_751, %eq3A_750 : vector<16xi1>
      %jit3A_753 = arith.constant -3.000000e+38 : f32
      %broadcast_in_dim3A_754 = vector.broadcast %jit3A_753 : f32 to vector<16xf32>
      %select_n3A_755 = arith.select %and3A_752, %broadcast_in_dim3A_754, %select_n3A_490 : vector<16xi1>, vector<16xf32>
      %eq3A_756 = vector.broadcast %reduce_max3A_600 : f32 to vector<16xf32>
      %eq3A_757 = arith.cmpf oeq, %select_n3A_497, %eq3A_756 : vector<16xf32>
      %and3A_758 = vector.broadcast %gt3A_731 : i1 to vector<16xi1>
      %and3A_759 = arith.andi %and3A_758, %eq3A_757 : vector<16xi1>
      %jit3A_760 = arith.constant -3.000000e+38 : f32
      %broadcast_in_dim3A_761 = vector.broadcast %jit3A_760 : f32 to vector<16xf32>
      %select_n3A_762 = arith.select %and3A_759, %broadcast_in_dim3A_761, %select_n3A_497 : vector<16xi1>, vector<16xf32>
      %eq3A_763 = vector.broadcast %reduce_max3A_600 : f32 to vector<16xf32>
      %eq3A_764 = arith.cmpf oeq, %select_n3A_504, %eq3A_763 : vector<16xf32>
      %and3A_765 = vector.broadcast %gt3A_731 : i1 to vector<16xi1>
      %and3A_766 = arith.andi %and3A_765, %eq3A_764 : vector<16xi1>
      %jit3A_767 = arith.constant -3.000000e+38 : f32
      %broadcast_in_dim3A_768 = vector.broadcast %jit3A_767 : f32 to vector<16xf32>
      %select_n3A_769 = arith.select %and3A_766, %broadcast_in_dim3A_768, %select_n3A_504 : vector<16xi1>, vector<16xf32>
      %eq3A_770 = vector.broadcast %reduce_max3A_600 : f32 to vector<16xf32>
      %eq3A_771 = arith.cmpf oeq, %select_n3A_511, %eq3A_770 : vector<16xf32>
      %and3A_772 = vector.broadcast %gt3A_731 : i1 to vector<16xi1>
      %and3A_773 = arith.andi %and3A_772, %eq3A_771 : vector<16xi1>
      %jit3A_774 = arith.constant -3.000000e+38 : f32
      %broadcast_in_dim3A_775 = vector.broadcast %jit3A_774 : f32 to vector<16xf32>
      %select_n3A_776 = arith.select %and3A_773, %broadcast_in_dim3A_775, %select_n3A_511 : vector<16xi1>, vector<16xf32>
      %eq3A_777 = vector.broadcast %reduce_max3A_600 : f32 to vector<16xf32>
      %eq3A_778 = arith.cmpf oeq, %select_n3A_518, %eq3A_777 : vector<16xf32>
      %and3A_779 = vector.broadcast %gt3A_731 : i1 to vector<16xi1>
      %and3A_780 = arith.andi %and3A_779, %eq3A_778 : vector<16xi1>
      %jit3A_781 = arith.constant -3.000000e+38 : f32
      %broadcast_in_dim3A_782 = vector.broadcast %jit3A_781 : f32 to vector<16xf32>
      %select_n3A_783 = arith.select %and3A_780, %broadcast_in_dim3A_782, %select_n3A_518 : vector<16xi1>, vector<16xf32>
      %eq3A_784 = vector.broadcast %reduce_max3A_600 : f32 to vector<16xf32>
      %eq3A_785 = arith.cmpf oeq, %select_n3A_525, %eq3A_784 : vector<16xf32>
      %and3A_786 = vector.broadcast %gt3A_731 : i1 to vector<16xi1>
      %and3A_787 = arith.andi %and3A_786, %eq3A_785 : vector<16xi1>
      %jit3A_788 = arith.constant -3.000000e+38 : f32
      %broadcast_in_dim3A_789 = vector.broadcast %jit3A_788 : f32 to vector<16xf32>
      %select_n3A_790 = arith.select %and3A_787, %broadcast_in_dim3A_789, %select_n3A_525 : vector<16xi1>, vector<16xf32>
      %eq3A_791 = vector.broadcast %reduce_max3A_600 : f32 to vector<16xf32>
      %eq3A_792 = arith.cmpf oeq, %select_n3A_532, %eq3A_791 : vector<16xf32>
      %and3A_793 = vector.broadcast %gt3A_731 : i1 to vector<16xi1>
      %and3A_794 = arith.andi %and3A_793, %eq3A_792 : vector<16xi1>
      %jit3A_795 = arith.constant -3.000000e+38 : f32
      %broadcast_in_dim3A_796 = vector.broadcast %jit3A_795 : f32 to vector<16xf32>
      %select_n3A_797 = arith.select %and3A_794, %broadcast_in_dim3A_796, %select_n3A_532 : vector<16xi1>, vector<16xf32>
      %eq3A_798 = vector.broadcast %reduce_max3A_600 : f32 to vector<16xf32>
      %eq3A_799 = arith.cmpf oeq, %select_n3A_539, %eq3A_798 : vector<16xf32>
      %and3A_800 = vector.broadcast %gt3A_731 : i1 to vector<16xi1>
      %and3A_801 = arith.andi %and3A_800, %eq3A_799 : vector<16xi1>
      %jit3A_802 = arith.constant -3.000000e+38 : f32
      %broadcast_in_dim3A_803 = vector.broadcast %jit3A_802 : f32 to vector<16xf32>
      %select_n3A_804 = arith.select %and3A_801, %broadcast_in_dim3A_803, %select_n3A_539 : vector<16xi1>, vector<16xf32>
      %eq3A_805 = vector.broadcast %reduce_max3A_600 : f32 to vector<16xf32>
      %eq3A_806 = arith.cmpf oeq, %select_n3A_546, %eq3A_805 : vector<16xf32>
      %and3A_807 = vector.broadcast %gt3A_731 : i1 to vector<16xi1>
      %and3A_808 = arith.andi %and3A_807, %eq3A_806 : vector<16xi1>
      %jit3A_809 = arith.constant -3.000000e+38 : f32
      %broadcast_in_dim3A_810 = vector.broadcast %jit3A_809 : f32 to vector<16xf32>
      %select_n3A_811 = arith.select %and3A_808, %broadcast_in_dim3A_810, %select_n3A_546 : vector<16xi1>, vector<16xf32>
      %eq3A_812 = vector.broadcast %reduce_max3A_600 : f32 to vector<16xf32>
      %eq3A_813 = arith.cmpf oeq, %select_n3A_553, %eq3A_812 : vector<16xf32>
      %and3A_814 = vector.broadcast %gt3A_731 : i1 to vector<16xi1>
      %and3A_815 = arith.andi %and3A_814, %eq3A_813 : vector<16xi1>
      %jit3A_816 = arith.constant -3.000000e+38 : f32
      %broadcast_in_dim3A_817 = vector.broadcast %jit3A_816 : f32 to vector<16xf32>
      %select_n3A_818 = arith.select %and3A_815, %broadcast_in_dim3A_817, %select_n3A_553 : vector<16xi1>, vector<16xf32>
      %eq3A_819 = vector.broadcast %reduce_max3A_600 : f32 to vector<16xf32>
      %eq3A_820 = arith.cmpf oeq, %select_n3A_560, %eq3A_819 : vector<16xf32>
      %and3A_821 = vector.broadcast %gt3A_731 : i1 to vector<16xi1>
      %and3A_822 = arith.andi %and3A_821, %eq3A_820 : vector<16xi1>
      %jit3A_823 = arith.constant -3.000000e+38 : f32
      %broadcast_in_dim3A_824 = vector.broadcast %jit3A_823 : f32 to vector<16xf32>
      %select_n3A_825 = arith.select %and3A_822, %broadcast_in_dim3A_824, %select_n3A_560 : vector<16xi1>, vector<16xf32>
      %eq3A_826 = vector.broadcast %reduce_max3A_600 : f32 to vector<16xf32>
      %eq3A_827 = arith.cmpf oeq, %select_n3A_567, %eq3A_826 : vector<16xf32>
      %and3A_828 = vector.broadcast %gt3A_731 : i1 to vector<16xi1>
      %and3A_829 = arith.andi %and3A_828, %eq3A_827 : vector<16xi1>
      %jit3A_830 = arith.constant -3.000000e+38 : f32
      %broadcast_in_dim3A_831 = vector.broadcast %jit3A_830 : f32 to vector<16xf32>
      %select_n3A_832 = arith.select %and3A_829, %broadcast_in_dim3A_831, %select_n3A_567 : vector<16xi1>, vector<16xf32>
      %eq3A_833 = vector.broadcast %reduce_max3A_600 : f32 to vector<16xf32>
      %eq3A_834 = arith.cmpf oeq, %select_n3A_574, %eq3A_833 : vector<16xf32>
      %and3A_835 = vector.broadcast %gt3A_731 : i1 to vector<16xi1>
      %and3A_836 = arith.andi %and3A_835, %eq3A_834 : vector<16xi1>
      %jit3A_837 = arith.constant -3.000000e+38 : f32
      %broadcast_in_dim3A_838 = vector.broadcast %jit3A_837 : f32 to vector<16xf32>
      %select_n3A_839 = arith.select %and3A_836, %broadcast_in_dim3A_838, %select_n3A_574 : vector<16xi1>, vector<16xf32>
      %eq3A_840 = vector.broadcast %reduce_max3A_600 : f32 to vector<16xf32>
      %eq3A_841 = arith.cmpf oeq, %select_n3A_581, %eq3A_840 : vector<16xf32>
      %and3A_842 = vector.broadcast %gt3A_731 : i1 to vector<16xi1>
      %and3A_843 = arith.andi %and3A_842, %eq3A_841 : vector<16xi1>
      %jit3A_844 = arith.constant -3.000000e+38 : f32
      %broadcast_in_dim3A_845 = vector.broadcast %jit3A_844 : f32 to vector<16xf32>
      %select_n3A_846 = arith.select %and3A_843, %broadcast_in_dim3A_845, %select_n3A_581 : vector<16xi1>, vector<16xf32>
      %max3A_847 = arith.maximumf %select_n3A_741, %select_n3A_748 : vector<16xf32>
      %max3A_848 = arith.maximumf %max3A_847, %select_n3A_755 : vector<16xf32>
      %max3A_849 = arith.maximumf %max3A_848, %select_n3A_762 : vector<16xf32>
      %max3A_850 = arith.maximumf %max3A_849, %select_n3A_769 : vector<16xf32>
      %max3A_851 = arith.maximumf %max3A_850, %select_n3A_776 : vector<16xf32>
      %max3A_852 = arith.maximumf %max3A_851, %select_n3A_783 : vector<16xf32>
      %max3A_853 = arith.maximumf %max3A_852, %select_n3A_790 : vector<16xf32>
      %max3A_854 = arith.maximumf %max3A_853, %select_n3A_797 : vector<16xf32>
      %max3A_855 = arith.maximumf %max3A_854, %select_n3A_804 : vector<16xf32>
      %max3A_856 = arith.maximumf %max3A_855, %select_n3A_811 : vector<16xf32>
      %max3A_857 = arith.maximumf %max3A_856, %select_n3A_818 : vector<16xf32>
      %max3A_858 = arith.maximumf %max3A_857, %select_n3A_825 : vector<16xf32>
      %max3A_859 = arith.maximumf %max3A_858, %select_n3A_832 : vector<16xf32>
      %max3A_860 = arith.maximumf %max3A_859, %select_n3A_839 : vector<16xf32>
      %max3A_861 = arith.maximumf %max3A_860, %select_n3A_846 : vector<16xf32>
      %reduce_max3A_862 = arith.constant true
      %reduce_max3A_863 = vector.broadcast %reduce_max3A_862 : i1 to vector<16xi1>
      %reduce_max3A_864 = tpu.scan <max>, %max3A_861 masked %reduce_max3A_863 : vector<16xf32>, vector<16xi1> -> vector<16xf32>
      %reduce_max3A_865 = vector.extract %reduce_max3A_864[15] : f32 from vector<16xf32>
      %eq3A_866 = vector.broadcast %reduce_max3A_865 : f32 to vector<16xf32>
      %eq3A_867 = arith.cmpf oeq, %select_n3A_741, %eq3A_866 : vector<16xf32>
      %convert_element_type3A_868 = arith.extui %eq3A_867 : vector<16xi1> to vector<16xi32>
      %reduce_sum3A_869 = arith.constant true
      %reduce_sum3A_870 = vector.broadcast %reduce_sum3A_869 : i1 to vector<16xi1>
      %reduce_sum3A_871 = tpu.scan <sum>, %convert_element_type3A_868 masked %reduce_sum3A_870 : vector<16xi32>, vector<16xi1> -> vector<16xi32>
      %reduce_sum3A_872 = vector.extract %reduce_sum3A_871[15] : i32 from vector<16xi32>
      %add3A_873 = arith.constant 0 : i32
      %add3A_874 = arith.addi %add3A_873, %reduce_sum3A_872 : i32
      %eq3A_875 = vector.broadcast %reduce_max3A_865 : f32 to vector<16xf32>
      %eq3A_876 = arith.cmpf oeq, %select_n3A_748, %eq3A_875 : vector<16xf32>
      %convert_element_type3A_877 = arith.extui %eq3A_876 : vector<16xi1> to vector<16xi32>
      %reduce_sum3A_878 = arith.constant true
      %reduce_sum3A_879 = vector.broadcast %reduce_sum3A_878 : i1 to vector<16xi1>
      %reduce_sum3A_880 = tpu.scan <sum>, %convert_element_type3A_877 masked %reduce_sum3A_879 : vector<16xi32>, vector<16xi1> -> vector<16xi32>
      %reduce_sum3A_881 = vector.extract %reduce_sum3A_880[15] : i32 from vector<16xi32>
      %add3A_882 = arith.addi %add3A_874, %reduce_sum3A_881 : i32
      %eq3A_883 = vector.broadcast %reduce_max3A_865 : f32 to vector<16xf32>
      %eq3A_884 = arith.cmpf oeq, %select_n3A_755, %eq3A_883 : vector<16xf32>
      %convert_element_type3A_885 = arith.extui %eq3A_884 : vector<16xi1> to vector<16xi32>
      %reduce_sum3A_886 = arith.constant true
      %reduce_sum3A_887 = vector.broadcast %reduce_sum3A_886 : i1 to vector<16xi1>
      %reduce_sum3A_888 = tpu.scan <sum>, %convert_element_type3A_885 masked %reduce_sum3A_887 : vector<16xi32>, vector<16xi1> -> vector<16xi32>
      %reduce_sum3A_889 = vector.extract %reduce_sum3A_888[15] : i32 from vector<16xi32>
      %add3A_890 = arith.addi %add3A_882, %reduce_sum3A_889 : i32
      %eq3A_891 = vector.broadcast %reduce_max3A_865 : f32 to vector<16xf32>
      %eq3A_892 = arith.cmpf oeq, %select_n3A_762, %eq3A_891 : vector<16xf32>
      %convert_element_type3A_893 = arith.extui %eq3A_892 : vector<16xi1> to vector<16xi32>
      %reduce_sum3A_894 = arith.constant true
      %reduce_sum3A_895 = vector.broadcast %reduce_sum3A_894 : i1 to vector<16xi1>
      %reduce_sum3A_896 = tpu.scan <sum>, %convert_element_type3A_893 masked %reduce_sum3A_895 : vector<16xi32>, vector<16xi1> -> vector<16xi32>
      %reduce_sum3A_897 = vector.extract %reduce_sum3A_896[15] : i32 from vector<16xi32>
      %add3A_898 = arith.addi %add3A_890, %reduce_sum3A_897 : i32
      %eq3A_899 = vector.broadcast %reduce_max3A_865 : f32 to vector<16xf32>
      %eq3A_900 = arith.cmpf oeq, %select_n3A_769, %eq3A_899 : vector<16xf32>
      %convert_element_type3A_901 = arith.extui %eq3A_900 : vector<16xi1> to vector<16xi32>
      %reduce_sum3A_902 = arith.constant true
      %reduce_sum3A_903 = vector.broadcast %reduce_sum3A_902 : i1 to vector<16xi1>
      %reduce_sum3A_904 = tpu.scan <sum>, %convert_element_type3A_901 masked %reduce_sum3A_903 : vector<16xi32>, vector<16xi1> -> vector<16xi32>
      %reduce_sum3A_905 = vector.extract %reduce_sum3A_904[15] : i32 from vector<16xi32>
      %add3A_906 = arith.addi %add3A_898, %reduce_sum3A_905 : i32
      %eq3A_907 = vector.broadcast %reduce_max3A_865 : f32 to vector<16xf32>
      %eq3A_908 = arith.cmpf oeq, %select_n3A_776, %eq3A_907 : vector<16xf32>
      %convert_element_type3A_909 = arith.extui %eq3A_908 : vector<16xi1> to vector<16xi32>
      %reduce_sum3A_910 = arith.constant true
      %reduce_sum3A_911 = vector.broadcast %reduce_sum3A_910 : i1 to vector<16xi1>
      %reduce_sum3A_912 = tpu.scan <sum>, %convert_element_type3A_909 masked %reduce_sum3A_911 : vector<16xi32>, vector<16xi1> -> vector<16xi32>
      %reduce_sum3A_913 = vector.extract %reduce_sum3A_912[15] : i32 from vector<16xi32>
      %add3A_914 = arith.addi %add3A_906, %reduce_sum3A_913 : i32
      %eq3A_915 = vector.broadcast %reduce_max3A_865 : f32 to vector<16xf32>
      %eq3A_916 = arith.cmpf oeq, %select_n3A_783, %eq3A_915 : vector<16xf32>
      %convert_element_type3A_917 = arith.extui %eq3A_916 : vector<16xi1> to vector<16xi32>
      %reduce_sum3A_918 = arith.constant true
      %reduce_sum3A_919 = vector.broadcast %reduce_sum3A_918 : i1 to vector<16xi1>
      %reduce_sum3A_920 = tpu.scan <sum>, %convert_element_type3A_917 masked %reduce_sum3A_919 : vector<16xi32>, vector<16xi1> -> vector<16xi32>
      %reduce_sum3A_921 = vector.extract %reduce_sum3A_920[15] : i32 from vector<16xi32>
      %add3A_922 = arith.addi %add3A_914, %reduce_sum3A_921 : i32
      %eq3A_923 = vector.broadcast %reduce_max3A_865 : f32 to vector<16xf32>
      %eq3A_924 = arith.cmpf oeq, %select_n3A_790, %eq3A_923 : vector<16xf32>
      %convert_element_type3A_925 = arith.extui %eq3A_924 : vector<16xi1> to vector<16xi32>
      %reduce_sum3A_926 = arith.constant true
      %reduce_sum3A_927 = vector.broadcast %reduce_sum3A_926 : i1 to vector<16xi1>
      %reduce_sum3A_928 = tpu.scan <sum>, %convert_element_type3A_925 masked %reduce_sum3A_927 : vector<16xi32>, vector<16xi1> -> vector<16xi32>
      %reduce_sum3A_929 = vector.extract %reduce_sum3A_928[15] : i32 from vector<16xi32>
      %add3A_930 = arith.addi %add3A_922, %reduce_sum3A_929 : i32
      %eq3A_931 = vector.broadcast %reduce_max3A_865 : f32 to vector<16xf32>
      %eq3A_932 = arith.cmpf oeq, %select_n3A_797, %eq3A_931 : vector<16xf32>
      %convert_element_type3A_933 = arith.extui %eq3A_932 : vector<16xi1> to vector<16xi32>
      %reduce_sum3A_934 = arith.constant true
      %reduce_sum3A_935 = vector.broadcast %reduce_sum3A_934 : i1 to vector<16xi1>
      %reduce_sum3A_936 = tpu.scan <sum>, %convert_element_type3A_933 masked %reduce_sum3A_935 : vector<16xi32>, vector<16xi1> -> vector<16xi32>
      %reduce_sum3A_937 = vector.extract %reduce_sum3A_936[15] : i32 from vector<16xi32>
      %add3A_938 = arith.addi %add3A_930, %reduce_sum3A_937 : i32
      %eq3A_939 = vector.broadcast %reduce_max3A_865 : f32 to vector<16xf32>
      %eq3A_940 = arith.cmpf oeq, %select_n3A_804, %eq3A_939 : vector<16xf32>
      %convert_element_type3A_941 = arith.extui %eq3A_940 : vector<16xi1> to vector<16xi32>
      %reduce_sum3A_942 = arith.constant true
      %reduce_sum3A_943 = vector.broadcast %reduce_sum3A_942 : i1 to vector<16xi1>
      %reduce_sum3A_944 = tpu.scan <sum>, %convert_element_type3A_941 masked %reduce_sum3A_943 : vector<16xi32>, vector<16xi1> -> vector<16xi32>
      %reduce_sum3A_945 = vector.extract %reduce_sum3A_944[15] : i32 from vector<16xi32>
      %add3A_946 = arith.addi %add3A_938, %reduce_sum3A_945 : i32
      %eq3A_947 = vector.broadcast %reduce_max3A_865 : f32 to vector<16xf32>
      %eq3A_948 = arith.cmpf oeq, %select_n3A_811, %eq3A_947 : vector<16xf32>
      %convert_element_type3A_949 = arith.extui %eq3A_948 : vector<16xi1> to vector<16xi32>
      %reduce_sum3A_950 = arith.constant true
      %reduce_sum3A_951 = vector.broadcast %reduce_sum3A_950 : i1 to vector<16xi1>
      %reduce_sum3A_952 = tpu.scan <sum>, %convert_element_type3A_949 masked %reduce_sum3A_951 : vector<16xi32>, vector<16xi1> -> vector<16xi32>
      %reduce_sum3A_953 = vector.extract %reduce_sum3A_952[15] : i32 from vector<16xi32>
      %add3A_954 = arith.addi %add3A_946, %reduce_sum3A_953 : i32
      %eq3A_955 = vector.broadcast %reduce_max3A_865 : f32 to vector<16xf32>
      %eq3A_956 = arith.cmpf oeq, %select_n3A_818, %eq3A_955 : vector<16xf32>
      %convert_element_type3A_957 = arith.extui %eq3A_956 : vector<16xi1> to vector<16xi32>
      %reduce_sum3A_958 = arith.constant true
      %reduce_sum3A_959 = vector.broadcast %reduce_sum3A_958 : i1 to vector<16xi1>
      %reduce_sum3A_960 = tpu.scan <sum>, %convert_element_type3A_957 masked %reduce_sum3A_959 : vector<16xi32>, vector<16xi1> -> vector<16xi32>
      %reduce_sum3A_961 = vector.extract %reduce_sum3A_960[15] : i32 from vector<16xi32>
      %add3A_962 = arith.addi %add3A_954, %reduce_sum3A_961 : i32
      %eq3A_963 = vector.broadcast %reduce_max3A_865 : f32 to vector<16xf32>
      %eq3A_964 = arith.cmpf oeq, %select_n3A_825, %eq3A_963 : vector<16xf32>
      %convert_element_type3A_965 = arith.extui %eq3A_964 : vector<16xi1> to vector<16xi32>
      %reduce_sum3A_966 = arith.constant true
      %reduce_sum3A_967 = vector.broadcast %reduce_sum3A_966 : i1 to vector<16xi1>
      %reduce_sum3A_968 = tpu.scan <sum>, %convert_element_type3A_965 masked %reduce_sum3A_967 : vector<16xi32>, vector<16xi1> -> vector<16xi32>
      %reduce_sum3A_969 = vector.extract %reduce_sum3A_968[15] : i32 from vector<16xi32>
      %add3A_970 = arith.addi %add3A_962, %reduce_sum3A_969 : i32
      %eq3A_971 = vector.broadcast %reduce_max3A_865 : f32 to vector<16xf32>
      %eq3A_972 = arith.cmpf oeq, %select_n3A_832, %eq3A_971 : vector<16xf32>
      %convert_element_type3A_973 = arith.extui %eq3A_972 : vector<16xi1> to vector<16xi32>
      %reduce_sum3A_974 = arith.constant true
      %reduce_sum3A_975 = vector.broadcast %reduce_sum3A_974 : i1 to vector<16xi1>
      %reduce_sum3A_976 = tpu.scan <sum>, %convert_element_type3A_973 masked %reduce_sum3A_975 : vector<16xi32>, vector<16xi1> -> vector<16xi32>
      %reduce_sum3A_977 = vector.extract %reduce_sum3A_976[15] : i32 from vector<16xi32>
      %add3A_978 = arith.addi %add3A_970, %reduce_sum3A_977 : i32
      %eq3A_979 = vector.broadcast %reduce_max3A_865 : f32 to vector<16xf32>
      %eq3A_980 = arith.cmpf oeq, %select_n3A_839, %eq3A_979 : vector<16xf32>
      %convert_element_type3A_981 = arith.extui %eq3A_980 : vector<16xi1> to vector<16xi32>
      %reduce_sum3A_982 = arith.constant true
      %reduce_sum3A_983 = vector.broadcast %reduce_sum3A_982 : i1 to vector<16xi1>
      %reduce_sum3A_984 = tpu.scan <sum>, %convert_element_type3A_981 masked %reduce_sum3A_983 : vector<16xi32>, vector<16xi1> -> vector<16xi32>
      %reduce_sum3A_985 = vector.extract %reduce_sum3A_984[15] : i32 from vector<16xi32>
      %add3A_986 = arith.addi %add3A_978, %reduce_sum3A_985 : i32
      %eq3A_987 = vector.broadcast %reduce_max3A_865 : f32 to vector<16xf32>
      %eq3A_988 = arith.cmpf oeq, %select_n3A_846, %eq3A_987 : vector<16xf32>
      %convert_element_type3A_989 = arith.extui %eq3A_988 : vector<16xi1> to vector<16xi32>
      %reduce_sum3A_990 = arith.constant true
      %reduce_sum3A_991 = vector.broadcast %reduce_sum3A_990 : i1 to vector<16xi1>
      %reduce_sum3A_992 = tpu.scan <sum>, %convert_element_type3A_989 masked %reduce_sum3A_991 : vector<16xi32>, vector<16xi1> -> vector<16xi32>
      %reduce_sum3A_993 = vector.extract %reduce_sum3A_992[15] : i32 from vector<16xi32>
      %add3A_994 = arith.addi %add3A_986, %reduce_sum3A_993 : i32
      %gt3A_995 = arith.constant 0 : i32
      %gt3A_996 = arith.cmpi sgt, %select_n3A_734, %gt3A_995 : i32
      %select_n3A_997 = arith.select %gt3A_996, %reduce_max3A_865, %select_n3A_732 : f32
      %sub3A_998 = arith.subi %select_n3A_734, %add3A_994 : i32
      %select_n3A_999 = arith.select %gt3A_996, %sub3A_998, %select_n3A_734 : i32
      %eq3A_1000 = vector.broadcast %reduce_max3A_865 : f32 to vector<16xf32>
      %eq3A_1001 = arith.cmpf oeq, %select_n3A_741, %eq3A_1000 : vector<16xf32>
      %and3A_1002 = vector.broadcast %gt3A_996 : i1 to vector<16xi1>
      %and3A_1003 = arith.andi %and3A_1002, %eq3A_1001 : vector<16xi1>
      %jit3A_1004 = arith.constant -3.000000e+38 : f32
      %broadcast_in_dim3A_1005 = vector.broadcast %jit3A_1004 : f32 to vector<16xf32>
      %select_n3A_1006 = arith.select %and3A_1003, %broadcast_in_dim3A_1005, %select_n3A_741 : vector<16xi1>, vector<16xf32>
      %eq3A_1007 = vector.broadcast %reduce_max3A_865 : f32 to vector<16xf32>
      %eq3A_1008 = arith.cmpf oeq, %select_n3A_748, %eq3A_1007 : vector<16xf32>
      %and3A_1009 = vector.broadcast %gt3A_996 : i1 to vector<16xi1>
      %and3A_1010 = arith.andi %and3A_1009, %eq3A_1008 : vector<16xi1>
      %jit3A_1011 = arith.constant -3.000000e+38 : f32
      %broadcast_in_dim3A_1012 = vector.broadcast %jit3A_1011 : f32 to vector<16xf32>
      %select_n3A_1013 = arith.select %and3A_1010, %broadcast_in_dim3A_1012, %select_n3A_748 : vector<16xi1>, vector<16xf32>
      %eq3A_1014 = vector.broadcast %reduce_max3A_865 : f32 to vector<16xf32>
      %eq3A_1015 = arith.cmpf oeq, %select_n3A_755, %eq3A_1014 : vector<16xf32>
      %and3A_1016 = vector.broadcast %gt3A_996 : i1 to vector<16xi1>
      %and3A_1017 = arith.andi %and3A_1016, %eq3A_1015 : vector<16xi1>
      %jit3A_1018 = arith.constant -3.000000e+38 : f32
      %broadcast_in_dim3A_1019 = vector.broadcast %jit3A_1018 : f32 to vector<16xf32>
      %select_n3A_1020 = arith.select %and3A_1017, %broadcast_in_dim3A_1019, %select_n3A_755 : vector<16xi1>, vector<16xf32>
      %eq3A_1021 = vector.broadcast %reduce_max3A_865 : f32 to vector<16xf32>
      %eq3A_1022 = arith.cmpf oeq, %select_n3A_762, %eq3A_1021 : vector<16xf32>
      %and3A_1023 = vector.broadcast %gt3A_996 : i1 to vector<16xi1>
      %and3A_1024 = arith.andi %and3A_1023, %eq3A_1022 : vector<16xi1>
      %jit3A_1025 = arith.constant -3.000000e+38 : f32
      %broadcast_in_dim3A_1026 = vector.broadcast %jit3A_1025 : f32 to vector<16xf32>
      %select_n3A_1027 = arith.select %and3A_1024, %broadcast_in_dim3A_1026, %select_n3A_762 : vector<16xi1>, vector<16xf32>
      %eq3A_1028 = vector.broadcast %reduce_max3A_865 : f32 to vector<16xf32>
      %eq3A_1029 = arith.cmpf oeq, %select_n3A_769, %eq3A_1028 : vector<16xf32>
      %and3A_1030 = vector.broadcast %gt3A_996 : i1 to vector<16xi1>
      %and3A_1031 = arith.andi %and3A_1030, %eq3A_1029 : vector<16xi1>
      %jit3A_1032 = arith.constant -3.000000e+38 : f32
      %broadcast_in_dim3A_1033 = vector.broadcast %jit3A_1032 : f32 to vector<16xf32>
      %select_n3A_1034 = arith.select %and3A_1031, %broadcast_in_dim3A_1033, %select_n3A_769 : vector<16xi1>, vector<16xf32>
      %eq3A_1035 = vector.broadcast %reduce_max3A_865 : f32 to vector<16xf32>
      %eq3A_1036 = arith.cmpf oeq, %select_n3A_776, %eq3A_1035 : vector<16xf32>
      %and3A_1037 = vector.broadcast %gt3A_996 : i1 to vector<16xi1>
      %and3A_1038 = arith.andi %and3A_1037, %eq3A_1036 : vector<16xi1>
      %jit3A_1039 = arith.constant -3.000000e+38 : f32
      %broadcast_in_dim3A_1040 = vector.broadcast %jit3A_1039 : f32 to vector<16xf32>
      %select_n3A_1041 = arith.select %and3A_1038, %broadcast_in_dim3A_1040, %select_n3A_776 : vector<16xi1>, vector<16xf32>
      %eq3A_1042 = vector.broadcast %reduce_max3A_865 : f32 to vector<16xf32>
      %eq3A_1043 = arith.cmpf oeq, %select_n3A_783, %eq3A_1042 : vector<16xf32>
      %and3A_1044 = vector.broadcast %gt3A_996 : i1 to vector<16xi1>
      %and3A_1045 = arith.andi %and3A_1044, %eq3A_1043 : vector<16xi1>
      %jit3A_1046 = arith.constant -3.000000e+38 : f32
      %broadcast_in_dim3A_1047 = vector.broadcast %jit3A_1046 : f32 to vector<16xf32>
      %select_n3A_1048 = arith.select %and3A_1045, %broadcast_in_dim3A_1047, %select_n3A_783 : vector<16xi1>, vector<16xf32>
      %eq3A_1049 = vector.broadcast %reduce_max3A_865 : f32 to vector<16xf32>
      %eq3A_1050 = arith.cmpf oeq, %select_n3A_790, %eq3A_1049 : vector<16xf32>
      %and3A_1051 = vector.broadcast %gt3A_996 : i1 to vector<16xi1>
      %and3A_1052 = arith.andi %and3A_1051, %eq3A_1050 : vector<16xi1>
      %jit3A_1053 = arith.constant -3.000000e+38 : f32
      %broadcast_in_dim3A_1054 = vector.broadcast %jit3A_1053 : f32 to vector<16xf32>
      %select_n3A_1055 = arith.select %and3A_1052, %broadcast_in_dim3A_1054, %select_n3A_790 : vector<16xi1>, vector<16xf32>
      %eq3A_1056 = vector.broadcast %reduce_max3A_865 : f32 to vector<16xf32>
      %eq3A_1057 = arith.cmpf oeq, %select_n3A_797, %eq3A_1056 : vector<16xf32>
      %and3A_1058 = vector.broadcast %gt3A_996 : i1 to vector<16xi1>
      %and3A_1059 = arith.andi %and3A_1058, %eq3A_1057 : vector<16xi1>
      %jit3A_1060 = arith.constant -3.000000e+38 : f32
      %broadcast_in_dim3A_1061 = vector.broadcast %jit3A_1060 : f32 to vector<16xf32>
      %select_n3A_1062 = arith.select %and3A_1059, %broadcast_in_dim3A_1061, %select_n3A_797 : vector<16xi1>, vector<16xf32>
      %eq3A_1063 = vector.broadcast %reduce_max3A_865 : f32 to vector<16xf32>
      %eq3A_1064 = arith.cmpf oeq, %select_n3A_804, %eq3A_1063 : vector<16xf32>
      %and3A_1065 = vector.broadcast %gt3A_996 : i1 to vector<16xi1>
      %and3A_1066 = arith.andi %and3A_1065, %eq3A_1064 : vector<16xi1>
      %jit3A_1067 = arith.constant -3.000000e+38 : f32
      %broadcast_in_dim3A_1068 = vector.broadcast %jit3A_1067 : f32 to vector<16xf32>
      %select_n3A_1069 = arith.select %and3A_1066, %broadcast_in_dim3A_1068, %select_n3A_804 : vector<16xi1>, vector<16xf32>
      %eq3A_1070 = vector.broadcast %reduce_max3A_865 : f32 to vector<16xf32>
      %eq3A_1071 = arith.cmpf oeq, %select_n3A_811, %eq3A_1070 : vector<16xf32>
      %and3A_1072 = vector.broadcast %gt3A_996 : i1 to vector<16xi1>
      %and3A_1073 = arith.andi %and3A_1072, %eq3A_1071 : vector<16xi1>
      %jit3A_1074 = arith.constant -3.000000e+38 : f32
      %broadcast_in_dim3A_1075 = vector.broadcast %jit3A_1074 : f32 to vector<16xf32>
      %select_n3A_1076 = arith.select %and3A_1073, %broadcast_in_dim3A_1075, %select_n3A_811 : vector<16xi1>, vector<16xf32>
      %eq3A_1077 = vector.broadcast %reduce_max3A_865 : f32 to vector<16xf32>
      %eq3A_1078 = arith.cmpf oeq, %select_n3A_818, %eq3A_1077 : vector<16xf32>
      %and3A_1079 = vector.broadcast %gt3A_996 : i1 to vector<16xi1>
      %and3A_1080 = arith.andi %and3A_1079, %eq3A_1078 : vector<16xi1>
      %jit3A_1081 = arith.constant -3.000000e+38 : f32
      %broadcast_in_dim3A_1082 = vector.broadcast %jit3A_1081 : f32 to vector<16xf32>
      %select_n3A_1083 = arith.select %and3A_1080, %broadcast_in_dim3A_1082, %select_n3A_818 : vector<16xi1>, vector<16xf32>
      %eq3A_1084 = vector.broadcast %reduce_max3A_865 : f32 to vector<16xf32>
      %eq3A_1085 = arith.cmpf oeq, %select_n3A_825, %eq3A_1084 : vector<16xf32>
      %and3A_1086 = vector.broadcast %gt3A_996 : i1 to vector<16xi1>
      %and3A_1087 = arith.andi %and3A_1086, %eq3A_1085 : vector<16xi1>
      %jit3A_1088 = arith.constant -3.000000e+38 : f32
      %broadcast_in_dim3A_1089 = vector.broadcast %jit3A_1088 : f32 to vector<16xf32>
      %select_n3A_1090 = arith.select %and3A_1087, %broadcast_in_dim3A_1089, %select_n3A_825 : vector<16xi1>, vector<16xf32>
      %eq3A_1091 = vector.broadcast %reduce_max3A_865 : f32 to vector<16xf32>
      %eq3A_1092 = arith.cmpf oeq, %select_n3A_832, %eq3A_1091 : vector<16xf32>
      %and3A_1093 = vector.broadcast %gt3A_996 : i1 to vector<16xi1>
      %and3A_1094 = arith.andi %and3A_1093, %eq3A_1092 : vector<16xi1>
      %jit3A_1095 = arith.constant -3.000000e+38 : f32
      %broadcast_in_dim3A_1096 = vector.broadcast %jit3A_1095 : f32 to vector<16xf32>
      %select_n3A_1097 = arith.select %and3A_1094, %broadcast_in_dim3A_1096, %select_n3A_832 : vector<16xi1>, vector<16xf32>
      %eq3A_1098 = vector.broadcast %reduce_max3A_865 : f32 to vector<16xf32>
      %eq3A_1099 = arith.cmpf oeq, %select_n3A_839, %eq3A_1098 : vector<16xf32>
      %and3A_1100 = vector.broadcast %gt3A_996 : i1 to vector<16xi1>
      %and3A_1101 = arith.andi %and3A_1100, %eq3A_1099 : vector<16xi1>
      %jit3A_1102 = arith.constant -3.000000e+38 : f32
      %broadcast_in_dim3A_1103 = vector.broadcast %jit3A_1102 : f32 to vector<16xf32>
      %select_n3A_1104 = arith.select %and3A_1101, %broadcast_in_dim3A_1103, %select_n3A_839 : vector<16xi1>, vector<16xf32>
      %eq3A_1105 = vector.broadcast %reduce_max3A_865 : f32 to vector<16xf32>
      %eq3A_1106 = arith.cmpf oeq, %select_n3A_846, %eq3A_1105 : vector<16xf32>
      %and3A_1107 = vector.broadcast %gt3A_996 : i1 to vector<16xi1>
      %and3A_1108 = arith.andi %and3A_1107, %eq3A_1106 : vector<16xi1>
      %jit3A_1109 = arith.constant -3.000000e+38 : f32
      %broadcast_in_dim3A_1110 = vector.broadcast %jit3A_1109 : f32 to vector<16xf32>
      %select_n3A_1111 = arith.select %and3A_1108, %broadcast_in_dim3A_1110, %select_n3A_846 : vector<16xi1>, vector<16xf32>
      %max3A_1112 = arith.maximumf %select_n3A_1006, %select_n3A_1013 : vector<16xf32>
      %max3A_1113 = arith.maximumf %max3A_1112, %select_n3A_1020 : vector<16xf32>
      %max3A_1114 = arith.maximumf %max3A_1113, %select_n3A_1027 : vector<16xf32>
      %max3A_1115 = arith.maximumf %max3A_1114, %select_n3A_1034 : vector<16xf32>
      %max3A_1116 = arith.maximumf %max3A_1115, %select_n3A_1041 : vector<16xf32>
      %max3A_1117 = arith.maximumf %max3A_1116, %select_n3A_1048 : vector<16xf32>
      %max3A_1118 = arith.maximumf %max3A_1117, %select_n3A_1055 : vector<16xf32>
      %max3A_1119 = arith.maximumf %max3A_1118, %select_n3A_1062 : vector<16xf32>
      %max3A_1120 = arith.maximumf %max3A_1119, %select_n3A_1069 : vector<16xf32>
      %max3A_1121 = arith.maximumf %max3A_1120, %select_n3A_1076 : vector<16xf32>
      %max3A_1122 = arith.maximumf %max3A_1121, %select_n3A_1083 : vector<16xf32>
      %max3A_1123 = arith.maximumf %max3A_1122, %select_n3A_1090 : vector<16xf32>
      %max3A_1124 = arith.maximumf %max3A_1123, %select_n3A_1097 : vector<16xf32>
      %max3A_1125 = arith.maximumf %max3A_1124, %select_n3A_1104 : vector<16xf32>
      %max3A_1126 = arith.maximumf %max3A_1125, %select_n3A_1111 : vector<16xf32>
      %reduce_max3A_1127 = arith.constant true
      %reduce_max3A_1128 = vector.broadcast %reduce_max3A_1127 : i1 to vector<16xi1>
      %reduce_max3A_1129 = tpu.scan <max>, %max3A_1126 masked %reduce_max3A_1128 : vector<16xf32>, vector<16xi1> -> vector<16xf32>
      %reduce_max3A_1130 = vector.extract %reduce_max3A_1129[15] : f32 from vector<16xf32>
      %eq3A_1131 = vector.broadcast %reduce_max3A_1130 : f32 to vector<16xf32>
      %eq3A_1132 = arith.cmpf oeq, %select_n3A_1006, %eq3A_1131 : vector<16xf32>
      %convert_element_type3A_1133 = arith.extui %eq3A_1132 : vector<16xi1> to vector<16xi32>
      %reduce_sum3A_1134 = arith.constant true
      %reduce_sum3A_1135 = vector.broadcast %reduce_sum3A_1134 : i1 to vector<16xi1>
      %reduce_sum3A_1136 = tpu.scan <sum>, %convert_element_type3A_1133 masked %reduce_sum3A_1135 : vector<16xi32>, vector<16xi1> -> vector<16xi32>
      %reduce_sum3A_1137 = vector.extract %reduce_sum3A_1136[15] : i32 from vector<16xi32>
      %add3A_1138 = arith.constant 0 : i32
      %add3A_1139 = arith.addi %add3A_1138, %reduce_sum3A_1137 : i32
      %eq3A_1140 = vector.broadcast %reduce_max3A_1130 : f32 to vector<16xf32>
      %eq3A_1141 = arith.cmpf oeq, %select_n3A_1013, %eq3A_1140 : vector<16xf32>
      %convert_element_type3A_1142 = arith.extui %eq3A_1141 : vector<16xi1> to vector<16xi32>
      %reduce_sum3A_1143 = arith.constant true
      %reduce_sum3A_1144 = vector.broadcast %reduce_sum3A_1143 : i1 to vector<16xi1>
      %reduce_sum3A_1145 = tpu.scan <sum>, %convert_element_type3A_1142 masked %reduce_sum3A_1144 : vector<16xi32>, vector<16xi1> -> vector<16xi32>
      %reduce_sum3A_1146 = vector.extract %reduce_sum3A_1145[15] : i32 from vector<16xi32>
      %add3A_1147 = arith.addi %add3A_1139, %reduce_sum3A_1146 : i32
      %eq3A_1148 = vector.broadcast %reduce_max3A_1130 : f32 to vector<16xf32>
      %eq3A_1149 = arith.cmpf oeq, %select_n3A_1020, %eq3A_1148 : vector<16xf32>
      %convert_element_type3A_1150 = arith.extui %eq3A_1149 : vector<16xi1> to vector<16xi32>
      %reduce_sum3A_1151 = arith.constant true
      %reduce_sum3A_1152 = vector.broadcast %reduce_sum3A_1151 : i1 to vector<16xi1>
      %reduce_sum3A_1153 = tpu.scan <sum>, %convert_element_type3A_1150 masked %reduce_sum3A_1152 : vector<16xi32>, vector<16xi1> -> vector<16xi32>
      %reduce_sum3A_1154 = vector.extract %reduce_sum3A_1153[15] : i32 from vector<16xi32>
      %add3A_1155 = arith.addi %add3A_1147, %reduce_sum3A_1154 : i32
      %eq3A_1156 = vector.broadcast %reduce_max3A_1130 : f32 to vector<16xf32>
      %eq3A_1157 = arith.cmpf oeq, %select_n3A_1027, %eq3A_1156 : vector<16xf32>
      %convert_element_type3A_1158 = arith.extui %eq3A_1157 : vector<16xi1> to vector<16xi32>
      %reduce_sum3A_1159 = arith.constant true
      %reduce_sum3A_1160 = vector.broadcast %reduce_sum3A_1159 : i1 to vector<16xi1>
      %reduce_sum3A_1161 = tpu.scan <sum>, %convert_element_type3A_1158 masked %reduce_sum3A_1160 : vector<16xi32>, vector<16xi1> -> vector<16xi32>
      %reduce_sum3A_1162 = vector.extract %reduce_sum3A_1161[15] : i32 from vector<16xi32>
      %add3A_1163 = arith.addi %add3A_1155, %reduce_sum3A_1162 : i32
      %eq3A_1164 = vector.broadcast %reduce_max3A_1130 : f32 to vector<16xf32>
      %eq3A_1165 = arith.cmpf oeq, %select_n3A_1034, %eq3A_1164 : vector<16xf32>
      %convert_element_type3A_1166 = arith.extui %eq3A_1165 : vector<16xi1> to vector<16xi32>
      %reduce_sum3A_1167 = arith.constant true
      %reduce_sum3A_1168 = vector.broadcast %reduce_sum3A_1167 : i1 to vector<16xi1>
      %reduce_sum3A_1169 = tpu.scan <sum>, %convert_element_type3A_1166 masked %reduce_sum3A_1168 : vector<16xi32>, vector<16xi1> -> vector<16xi32>
      %reduce_sum3A_1170 = vector.extract %reduce_sum3A_1169[15] : i32 from vector<16xi32>
      %add3A_1171 = arith.addi %add3A_1163, %reduce_sum3A_1170 : i32
      %eq3A_1172 = vector.broadcast %reduce_max3A_1130 : f32 to vector<16xf32>
      %eq3A_1173 = arith.cmpf oeq, %select_n3A_1041, %eq3A_1172 : vector<16xf32>
      %convert_element_type3A_1174 = arith.extui %eq3A_1173 : vector<16xi1> to vector<16xi32>
      %reduce_sum3A_1175 = arith.constant true
      %reduce_sum3A_1176 = vector.broadcast %reduce_sum3A_1175 : i1 to vector<16xi1>
      %reduce_sum3A_1177 = tpu.scan <sum>, %convert_element_type3A_1174 masked %reduce_sum3A_1176 : vector<16xi32>, vector<16xi1> -> vector<16xi32>
      %reduce_sum3A_1178 = vector.extract %reduce_sum3A_1177[15] : i32 from vector<16xi32>
      %add3A_1179 = arith.addi %add3A_1171, %reduce_sum3A_1178 : i32
      %eq3A_1180 = vector.broadcast %reduce_max3A_1130 : f32 to vector<16xf32>
      %eq3A_1181 = arith.cmpf oeq, %select_n3A_1048, %eq3A_1180 : vector<16xf32>
      %convert_element_type3A_1182 = arith.extui %eq3A_1181 : vector<16xi1> to vector<16xi32>
      %reduce_sum3A_1183 = arith.constant true
      %reduce_sum3A_1184 = vector.broadcast %reduce_sum3A_1183 : i1 to vector<16xi1>
      %reduce_sum3A_1185 = tpu.scan <sum>, %convert_element_type3A_1182 masked %reduce_sum3A_1184 : vector<16xi32>, vector<16xi1> -> vector<16xi32>
      %reduce_sum3A_1186 = vector.extract %reduce_sum3A_1185[15] : i32 from vector<16xi32>
      %add3A_1187 = arith.addi %add3A_1179, %reduce_sum3A_1186 : i32
      %eq3A_1188 = vector.broadcast %reduce_max3A_1130 : f32 to vector<16xf32>
      %eq3A_1189 = arith.cmpf oeq, %select_n3A_1055, %eq3A_1188 : vector<16xf32>
      %convert_element_type3A_1190 = arith.extui %eq3A_1189 : vector<16xi1> to vector<16xi32>
      %reduce_sum3A_1191 = arith.constant true
      %reduce_sum3A_1192 = vector.broadcast %reduce_sum3A_1191 : i1 to vector<16xi1>
      %reduce_sum3A_1193 = tpu.scan <sum>, %convert_element_type3A_1190 masked %reduce_sum3A_1192 : vector<16xi32>, vector<16xi1> -> vector<16xi32>
      %reduce_sum3A_1194 = vector.extract %reduce_sum3A_1193[15] : i32 from vector<16xi32>
      %add3A_1195 = arith.addi %add3A_1187, %reduce_sum3A_1194 : i32
      %eq3A_1196 = vector.broadcast %reduce_max3A_1130 : f32 to vector<16xf32>
      %eq3A_1197 = arith.cmpf oeq, %select_n3A_1062, %eq3A_1196 : vector<16xf32>
      %convert_element_type3A_1198 = arith.extui %eq3A_1197 : vector<16xi1> to vector<16xi32>
      %reduce_sum3A_1199 = arith.constant true
      %reduce_sum3A_1200 = vector.broadcast %reduce_sum3A_1199 : i1 to vector<16xi1>
      %reduce_sum3A_1201 = tpu.scan <sum>, %convert_element_type3A_1198 masked %reduce_sum3A_1200 : vector<16xi32>, vector<16xi1> -> vector<16xi32>
      %reduce_sum3A_1202 = vector.extract %reduce_sum3A_1201[15] : i32 from vector<16xi32>
      %add3A_1203 = arith.addi %add3A_1195, %reduce_sum3A_1202 : i32
      %eq3A_1204 = vector.broadcast %reduce_max3A_1130 : f32 to vector<16xf32>
      %eq3A_1205 = arith.cmpf oeq, %select_n3A_1069, %eq3A_1204 : vector<16xf32>
      %convert_element_type3A_1206 = arith.extui %eq3A_1205 : vector<16xi1> to vector<16xi32>
      %reduce_sum3A_1207 = arith.constant true
      %reduce_sum3A_1208 = vector.broadcast %reduce_sum3A_1207 : i1 to vector<16xi1>
      %reduce_sum3A_1209 = tpu.scan <sum>, %convert_element_type3A_1206 masked %reduce_sum3A_1208 : vector<16xi32>, vector<16xi1> -> vector<16xi32>
      %reduce_sum3A_1210 = vector.extract %reduce_sum3A_1209[15] : i32 from vector<16xi32>
      %add3A_1211 = arith.addi %add3A_1203, %reduce_sum3A_1210 : i32
      %eq3A_1212 = vector.broadcast %reduce_max3A_1130 : f32 to vector<16xf32>
      %eq3A_1213 = arith.cmpf oeq, %select_n3A_1076, %eq3A_1212 : vector<16xf32>
      %convert_element_type3A_1214 = arith.extui %eq3A_1213 : vector<16xi1> to vector<16xi32>
      %reduce_sum3A_1215 = arith.constant true
      %reduce_sum3A_1216 = vector.broadcast %reduce_sum3A_1215 : i1 to vector<16xi1>
      %reduce_sum3A_1217 = tpu.scan <sum>, %convert_element_type3A_1214 masked %reduce_sum3A_1216 : vector<16xi32>, vector<16xi1> -> vector<16xi32>
      %reduce_sum3A_1218 = vector.extract %reduce_sum3A_1217[15] : i32 from vector<16xi32>
      %add3A_1219 = arith.addi %add3A_1211, %reduce_sum3A_1218 : i32
      %eq3A_1220 = vector.broadcast %reduce_max3A_1130 : f32 to vector<16xf32>
      %eq3A_1221 = arith.cmpf oeq, %select_n3A_1083, %eq3A_1220 : vector<16xf32>
      %convert_element_type3A_1222 = arith.extui %eq3A_1221 : vector<16xi1> to vector<16xi32>
      %reduce_sum3A_1223 = arith.constant true
      %reduce_sum3A_1224 = vector.broadcast %reduce_sum3A_1223 : i1 to vector<16xi1>
      %reduce_sum3A_1225 = tpu.scan <sum>, %convert_element_type3A_1222 masked %reduce_sum3A_1224 : vector<16xi32>, vector<16xi1> -> vector<16xi32>
      %reduce_sum3A_1226 = vector.extract %reduce_sum3A_1225[15] : i32 from vector<16xi32>
      %add3A_1227 = arith.addi %add3A_1219, %reduce_sum3A_1226 : i32
      %eq3A_1228 = vector.broadcast %reduce_max3A_1130 : f32 to vector<16xf32>
      %eq3A_1229 = arith.cmpf oeq, %select_n3A_1090, %eq3A_1228 : vector<16xf32>
      %convert_element_type3A_1230 = arith.extui %eq3A_1229 : vector<16xi1> to vector<16xi32>
      %reduce_sum3A_1231 = arith.constant true
      %reduce_sum3A_1232 = vector.broadcast %reduce_sum3A_1231 : i1 to vector<16xi1>
      %reduce_sum3A_1233 = tpu.scan <sum>, %convert_element_type3A_1230 masked %reduce_sum3A_1232 : vector<16xi32>, vector<16xi1> -> vector<16xi32>
      %reduce_sum3A_1234 = vector.extract %reduce_sum3A_1233[15] : i32 from vector<16xi32>
      %add3A_1235 = arith.addi %add3A_1227, %reduce_sum3A_1234 : i32
      %eq3A_1236 = vector.broadcast %reduce_max3A_1130 : f32 to vector<16xf32>
      %eq3A_1237 = arith.cmpf oeq, %select_n3A_1097, %eq3A_1236 : vector<16xf32>
      %convert_element_type3A_1238 = arith.extui %eq3A_1237 : vector<16xi1> to vector<16xi32>
      %reduce_sum3A_1239 = arith.constant true
      %reduce_sum3A_1240 = vector.broadcast %reduce_sum3A_1239 : i1 to vector<16xi1>
      %reduce_sum3A_1241 = tpu.scan <sum>, %convert_element_type3A_1238 masked %reduce_sum3A_1240 : vector<16xi32>, vector<16xi1> -> vector<16xi32>
      %reduce_sum3A_1242 = vector.extract %reduce_sum3A_1241[15] : i32 from vector<16xi32>
      %add3A_1243 = arith.addi %add3A_1235, %reduce_sum3A_1242 : i32
      %eq3A_1244 = vector.broadcast %reduce_max3A_1130 : f32 to vector<16xf32>
      %eq3A_1245 = arith.cmpf oeq, %select_n3A_1104, %eq3A_1244 : vector<16xf32>
      %convert_element_type3A_1246 = arith.extui %eq3A_1245 : vector<16xi1> to vector<16xi32>
      %reduce_sum3A_1247 = arith.constant true
      %reduce_sum3A_1248 = vector.broadcast %reduce_sum3A_1247 : i1 to vector<16xi1>
      %reduce_sum3A_1249 = tpu.scan <sum>, %convert_element_type3A_1246 masked %reduce_sum3A_1248 : vector<16xi32>, vector<16xi1> -> vector<16xi32>
      %reduce_sum3A_1250 = vector.extract %reduce_sum3A_1249[15] : i32 from vector<16xi32>
      %add3A_1251 = arith.addi %add3A_1243, %reduce_sum3A_1250 : i32
      %eq3A_1252 = vector.broadcast %reduce_max3A_1130 : f32 to vector<16xf32>
      %eq3A_1253 = arith.cmpf oeq, %select_n3A_1111, %eq3A_1252 : vector<16xf32>
      %convert_element_type3A_1254 = arith.extui %eq3A_1253 : vector<16xi1> to vector<16xi32>
      %reduce_sum3A_1255 = arith.constant true
      %reduce_sum3A_1256 = vector.broadcast %reduce_sum3A_1255 : i1 to vector<16xi1>
      %reduce_sum3A_1257 = tpu.scan <sum>, %convert_element_type3A_1254 masked %reduce_sum3A_1256 : vector<16xi32>, vector<16xi1> -> vector<16xi32>
      %reduce_sum3A_1258 = vector.extract %reduce_sum3A_1257[15] : i32 from vector<16xi32>
      %add3A_1259 = arith.addi %add3A_1251, %reduce_sum3A_1258 : i32
      %gt3A_1260 = arith.constant 0 : i32
      %gt3A_1261 = arith.cmpi sgt, %select_n3A_999, %gt3A_1260 : i32
      %select_n3A_1262 = arith.select %gt3A_1261, %reduce_max3A_1130, %select_n3A_997 : f32
      %sub3A_1263 = arith.subi %select_n3A_999, %add3A_1259 : i32
      %select_n3A_1264 = arith.select %gt3A_1261, %sub3A_1263, %select_n3A_999 : i32
      %eq3A_1265 = vector.broadcast %reduce_max3A_1130 : f32 to vector<16xf32>
      %eq3A_1266 = arith.cmpf oeq, %select_n3A_1006, %eq3A_1265 : vector<16xf32>
      %and3A_1267 = vector.broadcast %gt3A_1261 : i1 to vector<16xi1>
      %and3A_1268 = arith.andi %and3A_1267, %eq3A_1266 : vector<16xi1>
      %jit3A_1269 = arith.constant -3.000000e+38 : f32
      %broadcast_in_dim3A_1270 = vector.broadcast %jit3A_1269 : f32 to vector<16xf32>
      %select_n3A_1271 = arith.select %and3A_1268, %broadcast_in_dim3A_1270, %select_n3A_1006 : vector<16xi1>, vector<16xf32>
      %eq3A_1272 = vector.broadcast %reduce_max3A_1130 : f32 to vector<16xf32>
      %eq3A_1273 = arith.cmpf oeq, %select_n3A_1013, %eq3A_1272 : vector<16xf32>
      %and3A_1274 = vector.broadcast %gt3A_1261 : i1 to vector<16xi1>
      %and3A_1275 = arith.andi %and3A_1274, %eq3A_1273 : vector<16xi1>
      %jit3A_1276 = arith.constant -3.000000e+38 : f32
      %broadcast_in_dim3A_1277 = vector.broadcast %jit3A_1276 : f32 to vector<16xf32>
      %select_n3A_1278 = arith.select %and3A_1275, %broadcast_in_dim3A_1277, %select_n3A_1013 : vector<16xi1>, vector<16xf32>
      %eq3A_1279 = vector.broadcast %reduce_max3A_1130 : f32 to vector<16xf32>
      %eq3A_1280 = arith.cmpf oeq, %select_n3A_1020, %eq3A_1279 : vector<16xf32>
      %and3A_1281 = vector.broadcast %gt3A_1261 : i1 to vector<16xi1>
      %and3A_1282 = arith.andi %and3A_1281, %eq3A_1280 : vector<16xi1>
      %jit3A_1283 = arith.constant -3.000000e+38 : f32
      %broadcast_in_dim3A_1284 = vector.broadcast %jit3A_1283 : f32 to vector<16xf32>
      %select_n3A_1285 = arith.select %and3A_1282, %broadcast_in_dim3A_1284, %select_n3A_1020 : vector<16xi1>, vector<16xf32>
      %eq3A_1286 = vector.broadcast %reduce_max3A_1130 : f32 to vector<16xf32>
      %eq3A_1287 = arith.cmpf oeq, %select_n3A_1027, %eq3A_1286 : vector<16xf32>
      %and3A_1288 = vector.broadcast %gt3A_1261 : i1 to vector<16xi1>
      %and3A_1289 = arith.andi %and3A_1288, %eq3A_1287 : vector<16xi1>
      %jit3A_1290 = arith.constant -3.000000e+38 : f32
      %broadcast_in_dim3A_1291 = vector.broadcast %jit3A_1290 : f32 to vector<16xf32>
      %select_n3A_1292 = arith.select %and3A_1289, %broadcast_in_dim3A_1291, %select_n3A_1027 : vector<16xi1>, vector<16xf32>
      %eq3A_1293 = vector.broadcast %reduce_max3A_1130 : f32 to vector<16xf32>
      %eq3A_1294 = arith.cmpf oeq, %select_n3A_1034, %eq3A_1293 : vector<16xf32>
      %and3A_1295 = vector.broadcast %gt3A_1261 : i1 to vector<16xi1>
      %and3A_1296 = arith.andi %and3A_1295, %eq3A_1294 : vector<16xi1>
      %jit3A_1297 = arith.constant -3.000000e+38 : f32
      %broadcast_in_dim3A_1298 = vector.broadcast %jit3A_1297 : f32 to vector<16xf32>
      %select_n3A_1299 = arith.select %and3A_1296, %broadcast_in_dim3A_1298, %select_n3A_1034 : vector<16xi1>, vector<16xf32>
      %eq3A_1300 = vector.broadcast %reduce_max3A_1130 : f32 to vector<16xf32>
      %eq3A_1301 = arith.cmpf oeq, %select_n3A_1041, %eq3A_1300 : vector<16xf32>
      %and3A_1302 = vector.broadcast %gt3A_1261 : i1 to vector<16xi1>
      %and3A_1303 = arith.andi %and3A_1302, %eq3A_1301 : vector<16xi1>
      %jit3A_1304 = arith.constant -3.000000e+38 : f32
      %broadcast_in_dim3A_1305 = vector.broadcast %jit3A_1304 : f32 to vector<16xf32>
      %select_n3A_1306 = arith.select %and3A_1303, %broadcast_in_dim3A_1305, %select_n3A_1041 : vector<16xi1>, vector<16xf32>
      %eq3A_1307 = vector.broadcast %reduce_max3A_1130 : f32 to vector<16xf32>
      %eq3A_1308 = arith.cmpf oeq, %select_n3A_1048, %eq3A_1307 : vector<16xf32>
      %and3A_1309 = vector.broadcast %gt3A_1261 : i1 to vector<16xi1>
      %and3A_1310 = arith.andi %and3A_1309, %eq3A_1308 : vector<16xi1>
      %jit3A_1311 = arith.constant -3.000000e+38 : f32
      %broadcast_in_dim3A_1312 = vector.broadcast %jit3A_1311 : f32 to vector<16xf32>
      %select_n3A_1313 = arith.select %and3A_1310, %broadcast_in_dim3A_1312, %select_n3A_1048 : vector<16xi1>, vector<16xf32>
      %eq3A_1314 = vector.broadcast %reduce_max3A_1130 : f32 to vector<16xf32>
      %eq3A_1315 = arith.cmpf oeq, %select_n3A_1055, %eq3A_1314 : vector<16xf32>
      %and3A_1316 = vector.broadcast %gt3A_1261 : i1 to vector<16xi1>
      %and3A_1317 = arith.andi %and3A_1316, %eq3A_1315 : vector<16xi1>
      %jit3A_1318 = arith.constant -3.000000e+38 : f32
      %broadcast_in_dim3A_1319 = vector.broadcast %jit3A_1318 : f32 to vector<16xf32>
      %select_n3A_1320 = arith.select %and3A_1317, %broadcast_in_dim3A_1319, %select_n3A_1055 : vector<16xi1>, vector<16xf32>
      %eq3A_1321 = vector.broadcast %reduce_max3A_1130 : f32 to vector<16xf32>
      %eq3A_1322 = arith.cmpf oeq, %select_n3A_1062, %eq3A_1321 : vector<16xf32>
      %and3A_1323 = vector.broadcast %gt3A_1261 : i1 to vector<16xi1>
      %and3A_1324 = arith.andi %and3A_1323, %eq3A_1322 : vector<16xi1>
      %jit3A_1325 = arith.constant -3.000000e+38 : f32
      %broadcast_in_dim3A_1326 = vector.broadcast %jit3A_1325 : f32 to vector<16xf32>
      %select_n3A_1327 = arith.select %and3A_1324, %broadcast_in_dim3A_1326, %select_n3A_1062 : vector<16xi1>, vector<16xf32>
      %eq3A_1328 = vector.broadcast %reduce_max3A_1130 : f32 to vector<16xf32>
      %eq3A_1329 = arith.cmpf oeq, %select_n3A_1069, %eq3A_1328 : vector<16xf32>
      %and3A_1330 = vector.broadcast %gt3A_1261 : i1 to vector<16xi1>
      %and3A_1331 = arith.andi %and3A_1330, %eq3A_1329 : vector<16xi1>
      %jit3A_1332 = arith.constant -3.000000e+38 : f32
      %broadcast_in_dim3A_1333 = vector.broadcast %jit3A_1332 : f32 to vector<16xf32>
      %select_n3A_1334 = arith.select %and3A_1331, %broadcast_in_dim3A_1333, %select_n3A_1069 : vector<16xi1>, vector<16xf32>
      %eq3A_1335 = vector.broadcast %reduce_max3A_1130 : f32 to vector<16xf32>
      %eq3A_1336 = arith.cmpf oeq, %select_n3A_1076, %eq3A_1335 : vector<16xf32>
      %and3A_1337 = vector.broadcast %gt3A_1261 : i1 to vector<16xi1>
      %and3A_1338 = arith.andi %and3A_1337, %eq3A_1336 : vector<16xi1>
      %jit3A_1339 = arith.constant -3.000000e+38 : f32
      %broadcast_in_dim3A_1340 = vector.broadcast %jit3A_1339 : f32 to vector<16xf32>
      %select_n3A_1341 = arith.select %and3A_1338, %broadcast_in_dim3A_1340, %select_n3A_1076 : vector<16xi1>, vector<16xf32>
      %eq3A_1342 = vector.broadcast %reduce_max3A_1130 : f32 to vector<16xf32>
      %eq3A_1343 = arith.cmpf oeq, %select_n3A_1083, %eq3A_1342 : vector<16xf32>
      %and3A_1344 = vector.broadcast %gt3A_1261 : i1 to vector<16xi1>
      %and3A_1345 = arith.andi %and3A_1344, %eq3A_1343 : vector<16xi1>
      %jit3A_1346 = arith.constant -3.000000e+38 : f32
      %broadcast_in_dim3A_1347 = vector.broadcast %jit3A_1346 : f32 to vector<16xf32>
      %select_n3A_1348 = arith.select %and3A_1345, %broadcast_in_dim3A_1347, %select_n3A_1083 : vector<16xi1>, vector<16xf32>
      %eq3A_1349 = vector.broadcast %reduce_max3A_1130 : f32 to vector<16xf32>
      %eq3A_1350 = arith.cmpf oeq, %select_n3A_1090, %eq3A_1349 : vector<16xf32>
      %and3A_1351 = vector.broadcast %gt3A_1261 : i1 to vector<16xi1>
      %and3A_1352 = arith.andi %and3A_1351, %eq3A_1350 : vector<16xi1>
      %jit3A_1353 = arith.constant -3.000000e+38 : f32
      %broadcast_in_dim3A_1354 = vector.broadcast %jit3A_1353 : f32 to vector<16xf32>
      %select_n3A_1355 = arith.select %and3A_1352, %broadcast_in_dim3A_1354, %select_n3A_1090 : vector<16xi1>, vector<16xf32>
      %eq3A_1356 = vector.broadcast %reduce_max3A_1130 : f32 to vector<16xf32>
      %eq3A_1357 = arith.cmpf oeq, %select_n3A_1097, %eq3A_1356 : vector<16xf32>
      %and3A_1358 = vector.broadcast %gt3A_1261 : i1 to vector<16xi1>
      %and3A_1359 = arith.andi %and3A_1358, %eq3A_1357 : vector<16xi1>
      %jit3A_1360 = arith.constant -3.000000e+38 : f32
      %broadcast_in_dim3A_1361 = vector.broadcast %jit3A_1360 : f32 to vector<16xf32>
      %select_n3A_1362 = arith.select %and3A_1359, %broadcast_in_dim3A_1361, %select_n3A_1097 : vector<16xi1>, vector<16xf32>
      %eq3A_1363 = vector.broadcast %reduce_max3A_1130 : f32 to vector<16xf32>
      %eq3A_1364 = arith.cmpf oeq, %select_n3A_1104, %eq3A_1363 : vector<16xf32>
      %and3A_1365 = vector.broadcast %gt3A_1261 : i1 to vector<16xi1>
      %and3A_1366 = arith.andi %and3A_1365, %eq3A_1364 : vector<16xi1>
      %jit3A_1367 = arith.constant -3.000000e+38 : f32
      %broadcast_in_dim3A_1368 = vector.broadcast %jit3A_1367 : f32 to vector<16xf32>
      %select_n3A_1369 = arith.select %and3A_1366, %broadcast_in_dim3A_1368, %select_n3A_1104 : vector<16xi1>, vector<16xf32>
      %eq3A_1370 = vector.broadcast %reduce_max3A_1130 : f32 to vector<16xf32>
      %eq3A_1371 = arith.cmpf oeq, %select_n3A_1111, %eq3A_1370 : vector<16xf32>
      %and3A_1372 = vector.broadcast %gt3A_1261 : i1 to vector<16xi1>
      %and3A_1373 = arith.andi %and3A_1372, %eq3A_1371 : vector<16xi1>
      %jit3A_1374 = arith.constant -3.000000e+38 : f32
      %broadcast_in_dim3A_1375 = vector.broadcast %jit3A_1374 : f32 to vector<16xf32>
      %select_n3A_1376 = arith.select %and3A_1373, %broadcast_in_dim3A_1375, %select_n3A_1111 : vector<16xi1>, vector<16xf32>
      %max3A_1377 = arith.maximumf %select_n3A_1271, %select_n3A_1278 : vector<16xf32>
      %max3A_1378 = arith.maximumf %max3A_1377, %select_n3A_1285 : vector<16xf32>
      %max3A_1379 = arith.maximumf %max3A_1378, %select_n3A_1292 : vector<16xf32>
      %max3A_1380 = arith.maximumf %max3A_1379, %select_n3A_1299 : vector<16xf32>
      %max3A_1381 = arith.maximumf %max3A_1380, %select_n3A_1306 : vector<16xf32>
      %max3A_1382 = arith.maximumf %max3A_1381, %select_n3A_1313 : vector<16xf32>
      %max3A_1383 = arith.maximumf %max3A_1382, %select_n3A_1320 : vector<16xf32>
      %max3A_1384 = arith.maximumf %max3A_1383, %select_n3A_1327 : vector<16xf32>
      %max3A_1385 = arith.maximumf %max3A_1384, %select_n3A_1334 : vector<16xf32>
      %max3A_1386 = arith.maximumf %max3A_1385, %select_n3A_1341 : vector<16xf32>
      %max3A_1387 = arith.maximumf %max3A_1386, %select_n3A_1348 : vector<16xf32>
      %max3A_1388 = arith.maximumf %max3A_1387, %select_n3A_1355 : vector<16xf32>
      %max3A_1389 = arith.maximumf %max3A_1388, %select_n3A_1362 : vector<16xf32>
      %max3A_1390 = arith.maximumf %max3A_1389, %select_n3A_1369 : vector<16xf32>
      %max3A_1391 = arith.maximumf %max3A_1390, %select_n3A_1376 : vector<16xf32>
      %reduce_max3A_1392 = arith.constant true
      %reduce_max3A_1393 = vector.broadcast %reduce_max3A_1392 : i1 to vector<16xi1>
      %reduce_max3A_1394 = tpu.scan <max>, %max3A_1391 masked %reduce_max3A_1393 : vector<16xf32>, vector<16xi1> -> vector<16xf32>
      %reduce_max3A_1395 = vector.extract %reduce_max3A_1394[15] : f32 from vector<16xf32>
      %eq3A_1396 = vector.broadcast %reduce_max3A_1395 : f32 to vector<16xf32>
      %eq3A_1397 = arith.cmpf oeq, %select_n3A_1271, %eq3A_1396 : vector<16xf32>
      %convert_element_type3A_1398 = arith.extui %eq3A_1397 : vector<16xi1> to vector<16xi32>
      %reduce_sum3A_1399 = arith.constant true
      %reduce_sum3A_1400 = vector.broadcast %reduce_sum3A_1399 : i1 to vector<16xi1>
      %reduce_sum3A_1401 = tpu.scan <sum>, %convert_element_type3A_1398 masked %reduce_sum3A_1400 : vector<16xi32>, vector<16xi1> -> vector<16xi32>
      %reduce_sum3A_1402 = vector.extract %reduce_sum3A_1401[15] : i32 from vector<16xi32>
      %add3A_1403 = arith.constant 0 : i32
      %add3A_1404 = arith.addi %add3A_1403, %reduce_sum3A_1402 : i32
      %eq3A_1405 = vector.broadcast %reduce_max3A_1395 : f32 to vector<16xf32>
      %eq3A_1406 = arith.cmpf oeq, %select_n3A_1278, %eq3A_1405 : vector<16xf32>
      %convert_element_type3A_1407 = arith.extui %eq3A_1406 : vector<16xi1> to vector<16xi32>
      %reduce_sum3A_1408 = arith.constant true
      %reduce_sum3A_1409 = vector.broadcast %reduce_sum3A_1408 : i1 to vector<16xi1>
      %reduce_sum3A_1410 = tpu.scan <sum>, %convert_element_type3A_1407 masked %reduce_sum3A_1409 : vector<16xi32>, vector<16xi1> -> vector<16xi32>
      %reduce_sum3A_1411 = vector.extract %reduce_sum3A_1410[15] : i32 from vector<16xi32>
      %add3A_1412 = arith.addi %add3A_1404, %reduce_sum3A_1411 : i32
      %eq3A_1413 = vector.broadcast %reduce_max3A_1395 : f32 to vector<16xf32>
      %eq3A_1414 = arith.cmpf oeq, %select_n3A_1285, %eq3A_1413 : vector<16xf32>
      %convert_element_type3A_1415 = arith.extui %eq3A_1414 : vector<16xi1> to vector<16xi32>
      %reduce_sum3A_1416 = arith.constant true
      %reduce_sum3A_1417 = vector.broadcast %reduce_sum3A_1416 : i1 to vector<16xi1>
      %reduce_sum3A_1418 = tpu.scan <sum>, %convert_element_type3A_1415 masked %reduce_sum3A_1417 : vector<16xi32>, vector<16xi1> -> vector<16xi32>
      %reduce_sum3A_1419 = vector.extract %reduce_sum3A_1418[15] : i32 from vector<16xi32>
      %add3A_1420 = arith.addi %add3A_1412, %reduce_sum3A_1419 : i32
      %eq3A_1421 = vector.broadcast %reduce_max3A_1395 : f32 to vector<16xf32>
      %eq3A_1422 = arith.cmpf oeq, %select_n3A_1292, %eq3A_1421 : vector<16xf32>
      %convert_element_type3A_1423 = arith.extui %eq3A_1422 : vector<16xi1> to vector<16xi32>
      %reduce_sum3A_1424 = arith.constant true
      %reduce_sum3A_1425 = vector.broadcast %reduce_sum3A_1424 : i1 to vector<16xi1>
      %reduce_sum3A_1426 = tpu.scan <sum>, %convert_element_type3A_1423 masked %reduce_sum3A_1425 : vector<16xi32>, vector<16xi1> -> vector<16xi32>
      %reduce_sum3A_1427 = vector.extract %reduce_sum3A_1426[15] : i32 from vector<16xi32>
      %add3A_1428 = arith.addi %add3A_1420, %reduce_sum3A_1427 : i32
      %eq3A_1429 = vector.broadcast %reduce_max3A_1395 : f32 to vector<16xf32>
      %eq3A_1430 = arith.cmpf oeq, %select_n3A_1299, %eq3A_1429 : vector<16xf32>
      %convert_element_type3A_1431 = arith.extui %eq3A_1430 : vector<16xi1> to vector<16xi32>
      %reduce_sum3A_1432 = arith.constant true
      %reduce_sum3A_1433 = vector.broadcast %reduce_sum3A_1432 : i1 to vector<16xi1>
      %reduce_sum3A_1434 = tpu.scan <sum>, %convert_element_type3A_1431 masked %reduce_sum3A_1433 : vector<16xi32>, vector<16xi1> -> vector<16xi32>
      %reduce_sum3A_1435 = vector.extract %reduce_sum3A_1434[15] : i32 from vector<16xi32>
      %add3A_1436 = arith.addi %add3A_1428, %reduce_sum3A_1435 : i32
      %eq3A_1437 = vector.broadcast %reduce_max3A_1395 : f32 to vector<16xf32>
      %eq3A_1438 = arith.cmpf oeq, %select_n3A_1306, %eq3A_1437 : vector<16xf32>
      %convert_element_type3A_1439 = arith.extui %eq3A_1438 : vector<16xi1> to vector<16xi32>
      %reduce_sum3A_1440 = arith.constant true
      %reduce_sum3A_1441 = vector.broadcast %reduce_sum3A_1440 : i1 to vector<16xi1>
      %reduce_sum3A_1442 = tpu.scan <sum>, %convert_element_type3A_1439 masked %reduce_sum3A_1441 : vector<16xi32>, vector<16xi1> -> vector<16xi32>
      %reduce_sum3A_1443 = vector.extract %reduce_sum3A_1442[15] : i32 from vector<16xi32>
      %add3A_1444 = arith.addi %add3A_1436, %reduce_sum3A_1443 : i32
      %eq3A_1445 = vector.broadcast %reduce_max3A_1395 : f32 to vector<16xf32>
      %eq3A_1446 = arith.cmpf oeq, %select_n3A_1313, %eq3A_1445 : vector<16xf32>
      %convert_element_type3A_1447 = arith.extui %eq3A_1446 : vector<16xi1> to vector<16xi32>
      %reduce_sum3A_1448 = arith.constant true
      %reduce_sum3A_1449 = vector.broadcast %reduce_sum3A_1448 : i1 to vector<16xi1>
      %reduce_sum3A_1450 = tpu.scan <sum>, %convert_element_type3A_1447 masked %reduce_sum3A_1449 : vector<16xi32>, vector<16xi1> -> vector<16xi32>
      %reduce_sum3A_1451 = vector.extract %reduce_sum3A_1450[15] : i32 from vector<16xi32>
      %add3A_1452 = arith.addi %add3A_1444, %reduce_sum3A_1451 : i32
      %eq3A_1453 = vector.broadcast %reduce_max3A_1395 : f32 to vector<16xf32>
      %eq3A_1454 = arith.cmpf oeq, %select_n3A_1320, %eq3A_1453 : vector<16xf32>
      %convert_element_type3A_1455 = arith.extui %eq3A_1454 : vector<16xi1> to vector<16xi32>
      %reduce_sum3A_1456 = arith.constant true
      %reduce_sum3A_1457 = vector.broadcast %reduce_sum3A_1456 : i1 to vector<16xi1>
      %reduce_sum3A_1458 = tpu.scan <sum>, %convert_element_type3A_1455 masked %reduce_sum3A_1457 : vector<16xi32>, vector<16xi1> -> vector<16xi32>
      %reduce_sum3A_1459 = vector.extract %reduce_sum3A_1458[15] : i32 from vector<16xi32>
      %add3A_1460 = arith.addi %add3A_1452, %reduce_sum3A_1459 : i32
      %eq3A_1461 = vector.broadcast %reduce_max3A_1395 : f32 to vector<16xf32>
      %eq3A_1462 = arith.cmpf oeq, %select_n3A_1327, %eq3A_1461 : vector<16xf32>
      %convert_element_type3A_1463 = arith.extui %eq3A_1462 : vector<16xi1> to vector<16xi32>
      %reduce_sum3A_1464 = arith.constant true
      %reduce_sum3A_1465 = vector.broadcast %reduce_sum3A_1464 : i1 to vector<16xi1>
      %reduce_sum3A_1466 = tpu.scan <sum>, %convert_element_type3A_1463 masked %reduce_sum3A_1465 : vector<16xi32>, vector<16xi1> -> vector<16xi32>
      %reduce_sum3A_1467 = vector.extract %reduce_sum3A_1466[15] : i32 from vector<16xi32>
      %add3A_1468 = arith.addi %add3A_1460, %reduce_sum3A_1467 : i32
      %eq3A_1469 = vector.broadcast %reduce_max3A_1395 : f32 to vector<16xf32>
      %eq3A_1470 = arith.cmpf oeq, %select_n3A_1334, %eq3A_1469 : vector<16xf32>
      %convert_element_type3A_1471 = arith.extui %eq3A_1470 : vector<16xi1> to vector<16xi32>
      %reduce_sum3A_1472 = arith.constant true
      %reduce_sum3A_1473 = vector.broadcast %reduce_sum3A_1472 : i1 to vector<16xi1>
      %reduce_sum3A_1474 = tpu.scan <sum>, %convert_element_type3A_1471 masked %reduce_sum3A_1473 : vector<16xi32>, vector<16xi1> -> vector<16xi32>
      %reduce_sum3A_1475 = vector.extract %reduce_sum3A_1474[15] : i32 from vector<16xi32>
      %add3A_1476 = arith.addi %add3A_1468, %reduce_sum3A_1475 : i32
      %eq3A_1477 = vector.broadcast %reduce_max3A_1395 : f32 to vector<16xf32>
      %eq3A_1478 = arith.cmpf oeq, %select_n3A_1341, %eq3A_1477 : vector<16xf32>
      %convert_element_type3A_1479 = arith.extui %eq3A_1478 : vector<16xi1> to vector<16xi32>
      %reduce_sum3A_1480 = arith.constant true
      %reduce_sum3A_1481 = vector.broadcast %reduce_sum3A_1480 : i1 to vector<16xi1>
      %reduce_sum3A_1482 = tpu.scan <sum>, %convert_element_type3A_1479 masked %reduce_sum3A_1481 : vector<16xi32>, vector<16xi1> -> vector<16xi32>
      %reduce_sum3A_1483 = vector.extract %reduce_sum3A_1482[15] : i32 from vector<16xi32>
      %add3A_1484 = arith.addi %add3A_1476, %reduce_sum3A_1483 : i32
      %eq3A_1485 = vector.broadcast %reduce_max3A_1395 : f32 to vector<16xf32>
      %eq3A_1486 = arith.cmpf oeq, %select_n3A_1348, %eq3A_1485 : vector<16xf32>
      %convert_element_type3A_1487 = arith.extui %eq3A_1486 : vector<16xi1> to vector<16xi32>
      %reduce_sum3A_1488 = arith.constant true
      %reduce_sum3A_1489 = vector.broadcast %reduce_sum3A_1488 : i1 to vector<16xi1>
      %reduce_sum3A_1490 = tpu.scan <sum>, %convert_element_type3A_1487 masked %reduce_sum3A_1489 : vector<16xi32>, vector<16xi1> -> vector<16xi32>
      %reduce_sum3A_1491 = vector.extract %reduce_sum3A_1490[15] : i32 from vector<16xi32>
      %add3A_1492 = arith.addi %add3A_1484, %reduce_sum3A_1491 : i32
      %eq3A_1493 = vector.broadcast %reduce_max3A_1395 : f32 to vector<16xf32>
      %eq3A_1494 = arith.cmpf oeq, %select_n3A_1355, %eq3A_1493 : vector<16xf32>
      %convert_element_type3A_1495 = arith.extui %eq3A_1494 : vector<16xi1> to vector<16xi32>
      %reduce_sum3A_1496 = arith.constant true
      %reduce_sum3A_1497 = vector.broadcast %reduce_sum3A_1496 : i1 to vector<16xi1>
      %reduce_sum3A_1498 = tpu.scan <sum>, %convert_element_type3A_1495 masked %reduce_sum3A_1497 : vector<16xi32>, vector<16xi1> -> vector<16xi32>
      %reduce_sum3A_1499 = vector.extract %reduce_sum3A_1498[15] : i32 from vector<16xi32>
      %add3A_1500 = arith.addi %add3A_1492, %reduce_sum3A_1499 : i32
      %eq3A_1501 = vector.broadcast %reduce_max3A_1395 : f32 to vector<16xf32>
      %eq3A_1502 = arith.cmpf oeq, %select_n3A_1362, %eq3A_1501 : vector<16xf32>
      %convert_element_type3A_1503 = arith.extui %eq3A_1502 : vector<16xi1> to vector<16xi32>
      %reduce_sum3A_1504 = arith.constant true
      %reduce_sum3A_1505 = vector.broadcast %reduce_sum3A_1504 : i1 to vector<16xi1>
      %reduce_sum3A_1506 = tpu.scan <sum>, %convert_element_type3A_1503 masked %reduce_sum3A_1505 : vector<16xi32>, vector<16xi1> -> vector<16xi32>
      %reduce_sum3A_1507 = vector.extract %reduce_sum3A_1506[15] : i32 from vector<16xi32>
      %add3A_1508 = arith.addi %add3A_1500, %reduce_sum3A_1507 : i32
      %eq3A_1509 = vector.broadcast %reduce_max3A_1395 : f32 to vector<16xf32>
      %eq3A_1510 = arith.cmpf oeq, %select_n3A_1369, %eq3A_1509 : vector<16xf32>
      %convert_element_type3A_1511 = arith.extui %eq3A_1510 : vector<16xi1> to vector<16xi32>
      %reduce_sum3A_1512 = arith.constant true
      %reduce_sum3A_1513 = vector.broadcast %reduce_sum3A_1512 : i1 to vector<16xi1>
      %reduce_sum3A_1514 = tpu.scan <sum>, %convert_element_type3A_1511 masked %reduce_sum3A_1513 : vector<16xi32>, vector<16xi1> -> vector<16xi32>
      %reduce_sum3A_1515 = vector.extract %reduce_sum3A_1514[15] : i32 from vector<16xi32>
      %add3A_1516 = arith.addi %add3A_1508, %reduce_sum3A_1515 : i32
      %eq3A_1517 = vector.broadcast %reduce_max3A_1395 : f32 to vector<16xf32>
      %eq3A_1518 = arith.cmpf oeq, %select_n3A_1376, %eq3A_1517 : vector<16xf32>
      %convert_element_type3A_1519 = arith.extui %eq3A_1518 : vector<16xi1> to vector<16xi32>
      %reduce_sum3A_1520 = arith.constant true
      %reduce_sum3A_1521 = vector.broadcast %reduce_sum3A_1520 : i1 to vector<16xi1>
      %reduce_sum3A_1522 = tpu.scan <sum>, %convert_element_type3A_1519 masked %reduce_sum3A_1521 : vector<16xi32>, vector<16xi1> -> vector<16xi32>
      %reduce_sum3A_1523 = vector.extract %reduce_sum3A_1522[15] : i32 from vector<16xi32>
      %add3A_1524 = arith.addi %add3A_1516, %reduce_sum3A_1523 : i32
      %gt3A_1525 = arith.constant 0 : i32
      %gt3A_1526 = arith.cmpi sgt, %select_n3A_1264, %gt3A_1525 : i32
      %select_n3A_1527 = arith.select %gt3A_1526, %reduce_max3A_1395, %select_n3A_1262 : f32
      %sub3A_1528 = arith.subi %select_n3A_1264, %add3A_1524 : i32
      %select_n3A_1529 = arith.select %gt3A_1526, %sub3A_1528, %select_n3A_1264 : i32
      %eq3A_1530 = vector.broadcast %reduce_max3A_1395 : f32 to vector<16xf32>
      %eq3A_1531 = arith.cmpf oeq, %select_n3A_1271, %eq3A_1530 : vector<16xf32>
      %and3A_1532 = vector.broadcast %gt3A_1526 : i1 to vector<16xi1>
      %and3A_1533 = arith.andi %and3A_1532, %eq3A_1531 : vector<16xi1>
      %jit3A_1534 = arith.constant -3.000000e+38 : f32
      %broadcast_in_dim3A_1535 = vector.broadcast %jit3A_1534 : f32 to vector<16xf32>
      %select_n3A_1536 = arith.select %and3A_1533, %broadcast_in_dim3A_1535, %select_n3A_1271 : vector<16xi1>, vector<16xf32>
      %eq3A_1537 = vector.broadcast %reduce_max3A_1395 : f32 to vector<16xf32>
      %eq3A_1538 = arith.cmpf oeq, %select_n3A_1278, %eq3A_1537 : vector<16xf32>
      %and3A_1539 = vector.broadcast %gt3A_1526 : i1 to vector<16xi1>
      %and3A_1540 = arith.andi %and3A_1539, %eq3A_1538 : vector<16xi1>
      %jit3A_1541 = arith.constant -3.000000e+38 : f32
      %broadcast_in_dim3A_1542 = vector.broadcast %jit3A_1541 : f32 to vector<16xf32>
      %select_n3A_1543 = arith.select %and3A_1540, %broadcast_in_dim3A_1542, %select_n3A_1278 : vector<16xi1>, vector<16xf32>
      %eq3A_1544 = vector.broadcast %reduce_max3A_1395 : f32 to vector<16xf32>
      %eq3A_1545 = arith.cmpf oeq, %select_n3A_1285, %eq3A_1544 : vector<16xf32>
      %and3A_1546 = vector.broadcast %gt3A_1526 : i1 to vector<16xi1>
      %and3A_1547 = arith.andi %and3A_1546, %eq3A_1545 : vector<16xi1>
      %jit3A_1548 = arith.constant -3.000000e+38 : f32
      %broadcast_in_dim3A_1549 = vector.broadcast %jit3A_1548 : f32 to vector<16xf32>
      %select_n3A_1550 = arith.select %and3A_1547, %broadcast_in_dim3A_1549, %select_n3A_1285 : vector<16xi1>, vector<16xf32>
      %eq3A_1551 = vector.broadcast %reduce_max3A_1395 : f32 to vector<16xf32>
      %eq3A_1552 = arith.cmpf oeq, %select_n3A_1292, %eq3A_1551 : vector<16xf32>
      %and3A_1553 = vector.broadcast %gt3A_1526 : i1 to vector<16xi1>
      %and3A_1554 = arith.andi %and3A_1553, %eq3A_1552 : vector<16xi1>
      %jit3A_1555 = arith.constant -3.000000e+38 : f32
      %broadcast_in_dim3A_1556 = vector.broadcast %jit3A_1555 : f32 to vector<16xf32>
      %select_n3A_1557 = arith.select %and3A_1554, %broadcast_in_dim3A_1556, %select_n3A_1292 : vector<16xi1>, vector<16xf32>
      %eq3A_1558 = vector.broadcast %reduce_max3A_1395 : f32 to vector<16xf32>
      %eq3A_1559 = arith.cmpf oeq, %select_n3A_1299, %eq3A_1558 : vector<16xf32>
      %and3A_1560 = vector.broadcast %gt3A_1526 : i1 to vector<16xi1>
      %and3A_1561 = arith.andi %and3A_1560, %eq3A_1559 : vector<16xi1>
      %jit3A_1562 = arith.constant -3.000000e+38 : f32
      %broadcast_in_dim3A_1563 = vector.broadcast %jit3A_1562 : f32 to vector<16xf32>
      %select_n3A_1564 = arith.select %and3A_1561, %broadcast_in_dim3A_1563, %select_n3A_1299 : vector<16xi1>, vector<16xf32>
      %eq3A_1565 = vector.broadcast %reduce_max3A_1395 : f32 to vector<16xf32>
      %eq3A_1566 = arith.cmpf oeq, %select_n3A_1306, %eq3A_1565 : vector<16xf32>
      %and3A_1567 = vector.broadcast %gt3A_1526 : i1 to vector<16xi1>
      %and3A_1568 = arith.andi %and3A_1567, %eq3A_1566 : vector<16xi1>
      %jit3A_1569 = arith.constant -3.000000e+38 : f32
      %broadcast_in_dim3A_1570 = vector.broadcast %jit3A_1569 : f32 to vector<16xf32>
      %select_n3A_1571 = arith.select %and3A_1568, %broadcast_in_dim3A_1570, %select_n3A_1306 : vector<16xi1>, vector<16xf32>
      %eq3A_1572 = vector.broadcast %reduce_max3A_1395 : f32 to vector<16xf32>
      %eq3A_1573 = arith.cmpf oeq, %select_n3A_1313, %eq3A_1572 : vector<16xf32>
      %and3A_1574 = vector.broadcast %gt3A_1526 : i1 to vector<16xi1>
      %and3A_1575 = arith.andi %and3A_1574, %eq3A_1573 : vector<16xi1>
      %jit3A_1576 = arith.constant -3.000000e+38 : f32
      %broadcast_in_dim3A_1577 = vector.broadcast %jit3A_1576 : f32 to vector<16xf32>
      %select_n3A_1578 = arith.select %and3A_1575, %broadcast_in_dim3A_1577, %select_n3A_1313 : vector<16xi1>, vector<16xf32>
      %eq3A_1579 = vector.broadcast %reduce_max3A_1395 : f32 to vector<16xf32>
      %eq3A_1580 = arith.cmpf oeq, %select_n3A_1320, %eq3A_1579 : vector<16xf32>
      %and3A_1581 = vector.broadcast %gt3A_1526 : i1 to vector<16xi1>
      %and3A_1582 = arith.andi %and3A_1581, %eq3A_1580 : vector<16xi1>
      %jit3A_1583 = arith.constant -3.000000e+38 : f32
      %broadcast_in_dim3A_1584 = vector.broadcast %jit3A_1583 : f32 to vector<16xf32>
      %select_n3A_1585 = arith.select %and3A_1582, %broadcast_in_dim3A_1584, %select_n3A_1320 : vector<16xi1>, vector<16xf32>
      %eq3A_1586 = vector.broadcast %reduce_max3A_1395 : f32 to vector<16xf32>
      %eq3A_1587 = arith.cmpf oeq, %select_n3A_1327, %eq3A_1586 : vector<16xf32>
      %and3A_1588 = vector.broadcast %gt3A_1526 : i1 to vector<16xi1>
      %and3A_1589 = arith.andi %and3A_1588, %eq3A_1587 : vector<16xi1>
      %jit3A_1590 = arith.constant -3.000000e+38 : f32
      %broadcast_in_dim3A_1591 = vector.broadcast %jit3A_1590 : f32 to vector<16xf32>
      %select_n3A_1592 = arith.select %and3A_1589, %broadcast_in_dim3A_1591, %select_n3A_1327 : vector<16xi1>, vector<16xf32>
      %eq3A_1593 = vector.broadcast %reduce_max3A_1395 : f32 to vector<16xf32>
      %eq3A_1594 = arith.cmpf oeq, %select_n3A_1334, %eq3A_1593 : vector<16xf32>
      %and3A_1595 = vector.broadcast %gt3A_1526 : i1 to vector<16xi1>
      %and3A_1596 = arith.andi %and3A_1595, %eq3A_1594 : vector<16xi1>
      %jit3A_1597 = arith.constant -3.000000e+38 : f32
      %broadcast_in_dim3A_1598 = vector.broadcast %jit3A_1597 : f32 to vector<16xf32>
      %select_n3A_1599 = arith.select %and3A_1596, %broadcast_in_dim3A_1598, %select_n3A_1334 : vector<16xi1>, vector<16xf32>
      %eq3A_1600 = vector.broadcast %reduce_max3A_1395 : f32 to vector<16xf32>
      %eq3A_1601 = arith.cmpf oeq, %select_n3A_1341, %eq3A_1600 : vector<16xf32>
      %and3A_1602 = vector.broadcast %gt3A_1526 : i1 to vector<16xi1>
      %and3A_1603 = arith.andi %and3A_1602, %eq3A_1601 : vector<16xi1>
      %jit3A_1604 = arith.constant -3.000000e+38 : f32
      %broadcast_in_dim3A_1605 = vector.broadcast %jit3A_1604 : f32 to vector<16xf32>
      %select_n3A_1606 = arith.select %and3A_1603, %broadcast_in_dim3A_1605, %select_n3A_1341 : vector<16xi1>, vector<16xf32>
      %eq3A_1607 = vector.broadcast %reduce_max3A_1395 : f32 to vector<16xf32>
      %eq3A_1608 = arith.cmpf oeq, %select_n3A_1348, %eq3A_1607 : vector<16xf32>
      %and3A_1609 = vector.broadcast %gt3A_1526 : i1 to vector<16xi1>
      %and3A_1610 = arith.andi %and3A_1609, %eq3A_1608 : vector<16xi1>
      %jit3A_1611 = arith.constant -3.000000e+38 : f32
      %broadcast_in_dim3A_1612 = vector.broadcast %jit3A_1611 : f32 to vector<16xf32>
      %select_n3A_1613 = arith.select %and3A_1610, %broadcast_in_dim3A_1612, %select_n3A_1348 : vector<16xi1>, vector<16xf32>
      %eq3A_1614 = vector.broadcast %reduce_max3A_1395 : f32 to vector<16xf32>
      %eq3A_1615 = arith.cmpf oeq, %select_n3A_1355, %eq3A_1614 : vector<16xf32>
      %and3A_1616 = vector.broadcast %gt3A_1526 : i1 to vector<16xi1>
      %and3A_1617 = arith.andi %and3A_1616, %eq3A_1615 : vector<16xi1>
      %jit3A_1618 = arith.constant -3.000000e+38 : f32
      %broadcast_in_dim3A_1619 = vector.broadcast %jit3A_1618 : f32 to vector<16xf32>
      %select_n3A_1620 = arith.select %and3A_1617, %broadcast_in_dim3A_1619, %select_n3A_1355 : vector<16xi1>, vector<16xf32>
      %eq3A_1621 = vector.broadcast %reduce_max3A_1395 : f32 to vector<16xf32>
      %eq3A_1622 = arith.cmpf oeq, %select_n3A_1362, %eq3A_1621 : vector<16xf32>
      %and3A_1623 = vector.broadcast %gt3A_1526 : i1 to vector<16xi1>
      %and3A_1624 = arith.andi %and3A_1623, %eq3A_1622 : vector<16xi1>
      %jit3A_1625 = arith.constant -3.000000e+38 : f32
      %broadcast_in_dim3A_1626 = vector.broadcast %jit3A_1625 : f32 to vector<16xf32>
      %select_n3A_1627 = arith.select %and3A_1624, %broadcast_in_dim3A_1626, %select_n3A_1362 : vector<16xi1>, vector<16xf32>
      %eq3A_1628 = vector.broadcast %reduce_max3A_1395 : f32 to vector<16xf32>
      %eq3A_1629 = arith.cmpf oeq, %select_n3A_1369, %eq3A_1628 : vector<16xf32>
      %and3A_1630 = vector.broadcast %gt3A_1526 : i1 to vector<16xi1>
      %and3A_1631 = arith.andi %and3A_1630, %eq3A_1629 : vector<16xi1>
      %jit3A_1632 = arith.constant -3.000000e+38 : f32
      %broadcast_in_dim3A_1633 = vector.broadcast %jit3A_1632 : f32 to vector<16xf32>
      %select_n3A_1634 = arith.select %and3A_1631, %broadcast_in_dim3A_1633, %select_n3A_1369 : vector<16xi1>, vector<16xf32>
      %eq3A_1635 = vector.broadcast %reduce_max3A_1395 : f32 to vector<16xf32>
      %eq3A_1636 = arith.cmpf oeq, %select_n3A_1376, %eq3A_1635 : vector<16xf32>
      %and3A_1637 = vector.broadcast %gt3A_1526 : i1 to vector<16xi1>
      %and3A_1638 = arith.andi %and3A_1637, %eq3A_1636 : vector<16xi1>
      %jit3A_1639 = arith.constant -3.000000e+38 : f32
      %broadcast_in_dim3A_1640 = vector.broadcast %jit3A_1639 : f32 to vector<16xf32>
      %select_n3A_1641 = arith.select %and3A_1638, %broadcast_in_dim3A_1640, %select_n3A_1376 : vector<16xi1>, vector<16xf32>
      %max3A_1642 = arith.maximumf %select_n3A_1536, %select_n3A_1543 : vector<16xf32>
      %max3A_1643 = arith.maximumf %max3A_1642, %select_n3A_1550 : vector<16xf32>
      %max3A_1644 = arith.maximumf %max3A_1643, %select_n3A_1557 : vector<16xf32>
      %max3A_1645 = arith.maximumf %max3A_1644, %select_n3A_1564 : vector<16xf32>
      %max3A_1646 = arith.maximumf %max3A_1645, %select_n3A_1571 : vector<16xf32>
      %max3A_1647 = arith.maximumf %max3A_1646, %select_n3A_1578 : vector<16xf32>
      %max3A_1648 = arith.maximumf %max3A_1647, %select_n3A_1585 : vector<16xf32>
      %max3A_1649 = arith.maximumf %max3A_1648, %select_n3A_1592 : vector<16xf32>
      %max3A_1650 = arith.maximumf %max3A_1649, %select_n3A_1599 : vector<16xf32>
      %max3A_1651 = arith.maximumf %max3A_1650, %select_n3A_1606 : vector<16xf32>
      %max3A_1652 = arith.maximumf %max3A_1651, %select_n3A_1613 : vector<16xf32>
      %max3A_1653 = arith.maximumf %max3A_1652, %select_n3A_1620 : vector<16xf32>
      %max3A_1654 = arith.maximumf %max3A_1653, %select_n3A_1627 : vector<16xf32>
      %max3A_1655 = arith.maximumf %max3A_1654, %select_n3A_1634 : vector<16xf32>
      %max3A_1656 = arith.maximumf %max3A_1655, %select_n3A_1641 : vector<16xf32>
      %reduce_max3A_1657 = arith.constant true
      %reduce_max3A_1658 = vector.broadcast %reduce_max3A_1657 : i1 to vector<16xi1>
      %reduce_max3A_1659 = tpu.scan <max>, %max3A_1656 masked %reduce_max3A_1658 : vector<16xf32>, vector<16xi1> -> vector<16xf32>
      %reduce_max3A_1660 = vector.extract %reduce_max3A_1659[15] : f32 from vector<16xf32>
      %eq3A_1661 = vector.broadcast %reduce_max3A_1660 : f32 to vector<16xf32>
      %eq3A_1662 = arith.cmpf oeq, %select_n3A_1536, %eq3A_1661 : vector<16xf32>
      %convert_element_type3A_1663 = arith.extui %eq3A_1662 : vector<16xi1> to vector<16xi32>
      %reduce_sum3A_1664 = arith.constant true
      %reduce_sum3A_1665 = vector.broadcast %reduce_sum3A_1664 : i1 to vector<16xi1>
      %reduce_sum3A_1666 = tpu.scan <sum>, %convert_element_type3A_1663 masked %reduce_sum3A_1665 : vector<16xi32>, vector<16xi1> -> vector<16xi32>
      %reduce_sum3A_1667 = vector.extract %reduce_sum3A_1666[15] : i32 from vector<16xi32>
      %add3A_1668 = arith.constant 0 : i32
      %add3A_1669 = arith.addi %add3A_1668, %reduce_sum3A_1667 : i32
      %eq3A_1670 = vector.broadcast %reduce_max3A_1660 : f32 to vector<16xf32>
      %eq3A_1671 = arith.cmpf oeq, %select_n3A_1543, %eq3A_1670 : vector<16xf32>
      %convert_element_type3A_1672 = arith.extui %eq3A_1671 : vector<16xi1> to vector<16xi32>
      %reduce_sum3A_1673 = arith.constant true
      %reduce_sum3A_1674 = vector.broadcast %reduce_sum3A_1673 : i1 to vector<16xi1>
      %reduce_sum3A_1675 = tpu.scan <sum>, %convert_element_type3A_1672 masked %reduce_sum3A_1674 : vector<16xi32>, vector<16xi1> -> vector<16xi32>
      %reduce_sum3A_1676 = vector.extract %reduce_sum3A_1675[15] : i32 from vector<16xi32>
      %add3A_1677 = arith.addi %add3A_1669, %reduce_sum3A_1676 : i32
      %eq3A_1678 = vector.broadcast %reduce_max3A_1660 : f32 to vector<16xf32>
      %eq3A_1679 = arith.cmpf oeq, %select_n3A_1550, %eq3A_1678 : vector<16xf32>
      %convert_element_type3A_1680 = arith.extui %eq3A_1679 : vector<16xi1> to vector<16xi32>
      %reduce_sum3A_1681 = arith.constant true
      %reduce_sum3A_1682 = vector.broadcast %reduce_sum3A_1681 : i1 to vector<16xi1>
      %reduce_sum3A_1683 = tpu.scan <sum>, %convert_element_type3A_1680 masked %reduce_sum3A_1682 : vector<16xi32>, vector<16xi1> -> vector<16xi32>
      %reduce_sum3A_1684 = vector.extract %reduce_sum3A_1683[15] : i32 from vector<16xi32>
      %add3A_1685 = arith.addi %add3A_1677, %reduce_sum3A_1684 : i32
      %eq3A_1686 = vector.broadcast %reduce_max3A_1660 : f32 to vector<16xf32>
      %eq3A_1687 = arith.cmpf oeq, %select_n3A_1557, %eq3A_1686 : vector<16xf32>
      %convert_element_type3A_1688 = arith.extui %eq3A_1687 : vector<16xi1> to vector<16xi32>
      %reduce_sum3A_1689 = arith.constant true
      %reduce_sum3A_1690 = vector.broadcast %reduce_sum3A_1689 : i1 to vector<16xi1>
      %reduce_sum3A_1691 = tpu.scan <sum>, %convert_element_type3A_1688 masked %reduce_sum3A_1690 : vector<16xi32>, vector<16xi1> -> vector<16xi32>
      %reduce_sum3A_1692 = vector.extract %reduce_sum3A_1691[15] : i32 from vector<16xi32>
      %add3A_1693 = arith.addi %add3A_1685, %reduce_sum3A_1692 : i32
      %eq3A_1694 = vector.broadcast %reduce_max3A_1660 : f32 to vector<16xf32>
      %eq3A_1695 = arith.cmpf oeq, %select_n3A_1564, %eq3A_1694 : vector<16xf32>
      %convert_element_type3A_1696 = arith.extui %eq3A_1695 : vector<16xi1> to vector<16xi32>
      %reduce_sum3A_1697 = arith.constant true
      %reduce_sum3A_1698 = vector.broadcast %reduce_sum3A_1697 : i1 to vector<16xi1>
      %reduce_sum3A_1699 = tpu.scan <sum>, %convert_element_type3A_1696 masked %reduce_sum3A_1698 : vector<16xi32>, vector<16xi1> -> vector<16xi32>
      %reduce_sum3A_1700 = vector.extract %reduce_sum3A_1699[15] : i32 from vector<16xi32>
      %add3A_1701 = arith.addi %add3A_1693, %reduce_sum3A_1700 : i32
      %eq3A_1702 = vector.broadcast %reduce_max3A_1660 : f32 to vector<16xf32>
      %eq3A_1703 = arith.cmpf oeq, %select_n3A_1571, %eq3A_1702 : vector<16xf32>
      %convert_element_type3A_1704 = arith.extui %eq3A_1703 : vector<16xi1> to vector<16xi32>
      %reduce_sum3A_1705 = arith.constant true
      %reduce_sum3A_1706 = vector.broadcast %reduce_sum3A_1705 : i1 to vector<16xi1>
      %reduce_sum3A_1707 = tpu.scan <sum>, %convert_element_type3A_1704 masked %reduce_sum3A_1706 : vector<16xi32>, vector<16xi1> -> vector<16xi32>
      %reduce_sum3A_1708 = vector.extract %reduce_sum3A_1707[15] : i32 from vector<16xi32>
      %add3A_1709 = arith.addi %add3A_1701, %reduce_sum3A_1708 : i32
      %eq3A_1710 = vector.broadcast %reduce_max3A_1660 : f32 to vector<16xf32>
      %eq3A_1711 = arith.cmpf oeq, %select_n3A_1578, %eq3A_1710 : vector<16xf32>
      %convert_element_type3A_1712 = arith.extui %eq3A_1711 : vector<16xi1> to vector<16xi32>
      %reduce_sum3A_1713 = arith.constant true
      %reduce_sum3A_1714 = vector.broadcast %reduce_sum3A_1713 : i1 to vector<16xi1>
      %reduce_sum3A_1715 = tpu.scan <sum>, %convert_element_type3A_1712 masked %reduce_sum3A_1714 : vector<16xi32>, vector<16xi1> -> vector<16xi32>
      %reduce_sum3A_1716 = vector.extract %reduce_sum3A_1715[15] : i32 from vector<16xi32>
      %add3A_1717 = arith.addi %add3A_1709, %reduce_sum3A_1716 : i32
      %eq3A_1718 = vector.broadcast %reduce_max3A_1660 : f32 to vector<16xf32>
      %eq3A_1719 = arith.cmpf oeq, %select_n3A_1585, %eq3A_1718 : vector<16xf32>
      %convert_element_type3A_1720 = arith.extui %eq3A_1719 : vector<16xi1> to vector<16xi32>
      %reduce_sum3A_1721 = arith.constant true
      %reduce_sum3A_1722 = vector.broadcast %reduce_sum3A_1721 : i1 to vector<16xi1>
      %reduce_sum3A_1723 = tpu.scan <sum>, %convert_element_type3A_1720 masked %reduce_sum3A_1722 : vector<16xi32>, vector<16xi1> -> vector<16xi32>
      %reduce_sum3A_1724 = vector.extract %reduce_sum3A_1723[15] : i32 from vector<16xi32>
      %add3A_1725 = arith.addi %add3A_1717, %reduce_sum3A_1724 : i32
      %eq3A_1726 = vector.broadcast %reduce_max3A_1660 : f32 to vector<16xf32>
      %eq3A_1727 = arith.cmpf oeq, %select_n3A_1592, %eq3A_1726 : vector<16xf32>
      %convert_element_type3A_1728 = arith.extui %eq3A_1727 : vector<16xi1> to vector<16xi32>
      %reduce_sum3A_1729 = arith.constant true
      %reduce_sum3A_1730 = vector.broadcast %reduce_sum3A_1729 : i1 to vector<16xi1>
      %reduce_sum3A_1731 = tpu.scan <sum>, %convert_element_type3A_1728 masked %reduce_sum3A_1730 : vector<16xi32>, vector<16xi1> -> vector<16xi32>
      %reduce_sum3A_1732 = vector.extract %reduce_sum3A_1731[15] : i32 from vector<16xi32>
      %add3A_1733 = arith.addi %add3A_1725, %reduce_sum3A_1732 : i32
      %eq3A_1734 = vector.broadcast %reduce_max3A_1660 : f32 to vector<16xf32>
      %eq3A_1735 = arith.cmpf oeq, %select_n3A_1599, %eq3A_1734 : vector<16xf32>
      %convert_element_type3A_1736 = arith.extui %eq3A_1735 : vector<16xi1> to vector<16xi32>
      %reduce_sum3A_1737 = arith.constant true
      %reduce_sum3A_1738 = vector.broadcast %reduce_sum3A_1737 : i1 to vector<16xi1>
      %reduce_sum3A_1739 = tpu.scan <sum>, %convert_element_type3A_1736 masked %reduce_sum3A_1738 : vector<16xi32>, vector<16xi1> -> vector<16xi32>
      %reduce_sum3A_1740 = vector.extract %reduce_sum3A_1739[15] : i32 from vector<16xi32>
      %add3A_1741 = arith.addi %add3A_1733, %reduce_sum3A_1740 : i32
      %eq3A_1742 = vector.broadcast %reduce_max3A_1660 : f32 to vector<16xf32>
      %eq3A_1743 = arith.cmpf oeq, %select_n3A_1606, %eq3A_1742 : vector<16xf32>
      %convert_element_type3A_1744 = arith.extui %eq3A_1743 : vector<16xi1> to vector<16xi32>
      %reduce_sum3A_1745 = arith.constant true
      %reduce_sum3A_1746 = vector.broadcast %reduce_sum3A_1745 : i1 to vector<16xi1>
      %reduce_sum3A_1747 = tpu.scan <sum>, %convert_element_type3A_1744 masked %reduce_sum3A_1746 : vector<16xi32>, vector<16xi1> -> vector<16xi32>
      %reduce_sum3A_1748 = vector.extract %reduce_sum3A_1747[15] : i32 from vector<16xi32>
      %add3A_1749 = arith.addi %add3A_1741, %reduce_sum3A_1748 : i32
      %eq3A_1750 = vector.broadcast %reduce_max3A_1660 : f32 to vector<16xf32>
      %eq3A_1751 = arith.cmpf oeq, %select_n3A_1613, %eq3A_1750 : vector<16xf32>
      %convert_element_type3A_1752 = arith.extui %eq3A_1751 : vector<16xi1> to vector<16xi32>
      %reduce_sum3A_1753 = arith.constant true
      %reduce_sum3A_1754 = vector.broadcast %reduce_sum3A_1753 : i1 to vector<16xi1>
      %reduce_sum3A_1755 = tpu.scan <sum>, %convert_element_type3A_1752 masked %reduce_sum3A_1754 : vector<16xi32>, vector<16xi1> -> vector<16xi32>
      %reduce_sum3A_1756 = vector.extract %reduce_sum3A_1755[15] : i32 from vector<16xi32>
      %add3A_1757 = arith.addi %add3A_1749, %reduce_sum3A_1756 : i32
      %eq3A_1758 = vector.broadcast %reduce_max3A_1660 : f32 to vector<16xf32>
      %eq3A_1759 = arith.cmpf oeq, %select_n3A_1620, %eq3A_1758 : vector<16xf32>
      %convert_element_type3A_1760 = arith.extui %eq3A_1759 : vector<16xi1> to vector<16xi32>
      %reduce_sum3A_1761 = arith.constant true
      %reduce_sum3A_1762 = vector.broadcast %reduce_sum3A_1761 : i1 to vector<16xi1>
      %reduce_sum3A_1763 = tpu.scan <sum>, %convert_element_type3A_1760 masked %reduce_sum3A_1762 : vector<16xi32>, vector<16xi1> -> vector<16xi32>
      %reduce_sum3A_1764 = vector.extract %reduce_sum3A_1763[15] : i32 from vector<16xi32>
      %add3A_1765 = arith.addi %add3A_1757, %reduce_sum3A_1764 : i32
      %eq3A_1766 = vector.broadcast %reduce_max3A_1660 : f32 to vector<16xf32>
      %eq3A_1767 = arith.cmpf oeq, %select_n3A_1627, %eq3A_1766 : vector<16xf32>
      %convert_element_type3A_1768 = arith.extui %eq3A_1767 : vector<16xi1> to vector<16xi32>
      %reduce_sum3A_1769 = arith.constant true
      %reduce_sum3A_1770 = vector.broadcast %reduce_sum3A_1769 : i1 to vector<16xi1>
      %reduce_sum3A_1771 = tpu.scan <sum>, %convert_element_type3A_1768 masked %reduce_sum3A_1770 : vector<16xi32>, vector<16xi1> -> vector<16xi32>
      %reduce_sum3A_1772 = vector.extract %reduce_sum3A_1771[15] : i32 from vector<16xi32>
      %add3A_1773 = arith.addi %add3A_1765, %reduce_sum3A_1772 : i32
      %eq3A_1774 = vector.broadcast %reduce_max3A_1660 : f32 to vector<16xf32>
      %eq3A_1775 = arith.cmpf oeq, %select_n3A_1634, %eq3A_1774 : vector<16xf32>
      %convert_element_type3A_1776 = arith.extui %eq3A_1775 : vector<16xi1> to vector<16xi32>
      %reduce_sum3A_1777 = arith.constant true
      %reduce_sum3A_1778 = vector.broadcast %reduce_sum3A_1777 : i1 to vector<16xi1>
      %reduce_sum3A_1779 = tpu.scan <sum>, %convert_element_type3A_1776 masked %reduce_sum3A_1778 : vector<16xi32>, vector<16xi1> -> vector<16xi32>
      %reduce_sum3A_1780 = vector.extract %reduce_sum3A_1779[15] : i32 from vector<16xi32>
      %add3A_1781 = arith.addi %add3A_1773, %reduce_sum3A_1780 : i32
      %eq3A_1782 = vector.broadcast %reduce_max3A_1660 : f32 to vector<16xf32>
      %eq3A_1783 = arith.cmpf oeq, %select_n3A_1641, %eq3A_1782 : vector<16xf32>
      %convert_element_type3A_1784 = arith.extui %eq3A_1783 : vector<16xi1> to vector<16xi32>
      %reduce_sum3A_1785 = arith.constant true
      %reduce_sum3A_1786 = vector.broadcast %reduce_sum3A_1785 : i1 to vector<16xi1>
      %reduce_sum3A_1787 = tpu.scan <sum>, %convert_element_type3A_1784 masked %reduce_sum3A_1786 : vector<16xi32>, vector<16xi1> -> vector<16xi32>
      %reduce_sum3A_1788 = vector.extract %reduce_sum3A_1787[15] : i32 from vector<16xi32>
      %add3A_1789 = arith.addi %add3A_1781, %reduce_sum3A_1788 : i32
      %gt3A_1790 = arith.constant 0 : i32
      %gt3A_1791 = arith.cmpi sgt, %select_n3A_1529, %gt3A_1790 : i32
      %select_n3A_1792 = arith.select %gt3A_1791, %reduce_max3A_1660, %select_n3A_1527 : f32
      %sub3A_1793 = arith.subi %select_n3A_1529, %add3A_1789 : i32
      %select_n3A_1794 = arith.select %gt3A_1791, %sub3A_1793, %select_n3A_1529 : i32
      %eq3A_1795 = vector.broadcast %reduce_max3A_1660 : f32 to vector<16xf32>
      %eq3A_1796 = arith.cmpf oeq, %select_n3A_1536, %eq3A_1795 : vector<16xf32>
      %and3A_1797 = vector.broadcast %gt3A_1791 : i1 to vector<16xi1>
      %and3A_1798 = arith.andi %and3A_1797, %eq3A_1796 : vector<16xi1>
      %jit3A_1799 = arith.constant -3.000000e+38 : f32
      %broadcast_in_dim3A_1800 = vector.broadcast %jit3A_1799 : f32 to vector<16xf32>
      %select_n3A_1801 = arith.select %and3A_1798, %broadcast_in_dim3A_1800, %select_n3A_1536 : vector<16xi1>, vector<16xf32>
      %eq3A_1802 = vector.broadcast %reduce_max3A_1660 : f32 to vector<16xf32>
      %eq3A_1803 = arith.cmpf oeq, %select_n3A_1543, %eq3A_1802 : vector<16xf32>
      %and3A_1804 = vector.broadcast %gt3A_1791 : i1 to vector<16xi1>
      %and3A_1805 = arith.andi %and3A_1804, %eq3A_1803 : vector<16xi1>
      %jit3A_1806 = arith.constant -3.000000e+38 : f32
      %broadcast_in_dim3A_1807 = vector.broadcast %jit3A_1806 : f32 to vector<16xf32>
      %select_n3A_1808 = arith.select %and3A_1805, %broadcast_in_dim3A_1807, %select_n3A_1543 : vector<16xi1>, vector<16xf32>
      %eq3A_1809 = vector.broadcast %reduce_max3A_1660 : f32 to vector<16xf32>
      %eq3A_1810 = arith.cmpf oeq, %select_n3A_1550, %eq3A_1809 : vector<16xf32>
      %and3A_1811 = vector.broadcast %gt3A_1791 : i1 to vector<16xi1>
      %and3A_1812 = arith.andi %and3A_1811, %eq3A_1810 : vector<16xi1>
      %jit3A_1813 = arith.constant -3.000000e+38 : f32
      %broadcast_in_dim3A_1814 = vector.broadcast %jit3A_1813 : f32 to vector<16xf32>
      %select_n3A_1815 = arith.select %and3A_1812, %broadcast_in_dim3A_1814, %select_n3A_1550 : vector<16xi1>, vector<16xf32>
      %eq3A_1816 = vector.broadcast %reduce_max3A_1660 : f32 to vector<16xf32>
      %eq3A_1817 = arith.cmpf oeq, %select_n3A_1557, %eq3A_1816 : vector<16xf32>
      %and3A_1818 = vector.broadcast %gt3A_1791 : i1 to vector<16xi1>
      %and3A_1819 = arith.andi %and3A_1818, %eq3A_1817 : vector<16xi1>
      %jit3A_1820 = arith.constant -3.000000e+38 : f32
      %broadcast_in_dim3A_1821 = vector.broadcast %jit3A_1820 : f32 to vector<16xf32>
      %select_n3A_1822 = arith.select %and3A_1819, %broadcast_in_dim3A_1821, %select_n3A_1557 : vector<16xi1>, vector<16xf32>
      %eq3A_1823 = vector.broadcast %reduce_max3A_1660 : f32 to vector<16xf32>
      %eq3A_1824 = arith.cmpf oeq, %select_n3A_1564, %eq3A_1823 : vector<16xf32>
      %and3A_1825 = vector.broadcast %gt3A_1791 : i1 to vector<16xi1>
      %and3A_1826 = arith.andi %and3A_1825, %eq3A_1824 : vector<16xi1>
      %jit3A_1827 = arith.constant -3.000000e+38 : f32
      %broadcast_in_dim3A_1828 = vector.broadcast %jit3A_1827 : f32 to vector<16xf32>
      %select_n3A_1829 = arith.select %and3A_1826, %broadcast_in_dim3A_1828, %select_n3A_1564 : vector<16xi1>, vector<16xf32>
      %eq3A_1830 = vector.broadcast %reduce_max3A_1660 : f32 to vector<16xf32>
      %eq3A_1831 = arith.cmpf oeq, %select_n3A_1571, %eq3A_1830 : vector<16xf32>
      %and3A_1832 = vector.broadcast %gt3A_1791 : i1 to vector<16xi1>
      %and3A_1833 = arith.andi %and3A_1832, %eq3A_1831 : vector<16xi1>
      %jit3A_1834 = arith.constant -3.000000e+38 : f32
      %broadcast_in_dim3A_1835 = vector.broadcast %jit3A_1834 : f32 to vector<16xf32>
      %select_n3A_1836 = arith.select %and3A_1833, %broadcast_in_dim3A_1835, %select_n3A_1571 : vector<16xi1>, vector<16xf32>
      %eq3A_1837 = vector.broadcast %reduce_max3A_1660 : f32 to vector<16xf32>
      %eq3A_1838 = arith.cmpf oeq, %select_n3A_1578, %eq3A_1837 : vector<16xf32>
      %and3A_1839 = vector.broadcast %gt3A_1791 : i1 to vector<16xi1>
      %and3A_1840 = arith.andi %and3A_1839, %eq3A_1838 : vector<16xi1>
      %jit3A_1841 = arith.constant -3.000000e+38 : f32
      %broadcast_in_dim3A_1842 = vector.broadcast %jit3A_1841 : f32 to vector<16xf32>
      %select_n3A_1843 = arith.select %and3A_1840, %broadcast_in_dim3A_1842, %select_n3A_1578 : vector<16xi1>, vector<16xf32>
      %eq3A_1844 = vector.broadcast %reduce_max3A_1660 : f32 to vector<16xf32>
      %eq3A_1845 = arith.cmpf oeq, %select_n3A_1585, %eq3A_1844 : vector<16xf32>
      %and3A_1846 = vector.broadcast %gt3A_1791 : i1 to vector<16xi1>
      %and3A_1847 = arith.andi %and3A_1846, %eq3A_1845 : vector<16xi1>
      %jit3A_1848 = arith.constant -3.000000e+38 : f32
      %broadcast_in_dim3A_1849 = vector.broadcast %jit3A_1848 : f32 to vector<16xf32>
      %select_n3A_1850 = arith.select %and3A_1847, %broadcast_in_dim3A_1849, %select_n3A_1585 : vector<16xi1>, vector<16xf32>
      %eq3A_1851 = vector.broadcast %reduce_max3A_1660 : f32 to vector<16xf32>
      %eq3A_1852 = arith.cmpf oeq, %select_n3A_1592, %eq3A_1851 : vector<16xf32>
      %and3A_1853 = vector.broadcast %gt3A_1791 : i1 to vector<16xi1>
      %and3A_1854 = arith.andi %and3A_1853, %eq3A_1852 : vector<16xi1>
      %jit3A_1855 = arith.constant -3.000000e+38 : f32
      %broadcast_in_dim3A_1856 = vector.broadcast %jit3A_1855 : f32 to vector<16xf32>
      %select_n3A_1857 = arith.select %and3A_1854, %broadcast_in_dim3A_1856, %select_n3A_1592 : vector<16xi1>, vector<16xf32>
      %eq3A_1858 = vector.broadcast %reduce_max3A_1660 : f32 to vector<16xf32>
      %eq3A_1859 = arith.cmpf oeq, %select_n3A_1599, %eq3A_1858 : vector<16xf32>
      %and3A_1860 = vector.broadcast %gt3A_1791 : i1 to vector<16xi1>
      %and3A_1861 = arith.andi %and3A_1860, %eq3A_1859 : vector<16xi1>
      %jit3A_1862 = arith.constant -3.000000e+38 : f32
      %broadcast_in_dim3A_1863 = vector.broadcast %jit3A_1862 : f32 to vector<16xf32>
      %select_n3A_1864 = arith.select %and3A_1861, %broadcast_in_dim3A_1863, %select_n3A_1599 : vector<16xi1>, vector<16xf32>
      %eq3A_1865 = vector.broadcast %reduce_max3A_1660 : f32 to vector<16xf32>
      %eq3A_1866 = arith.cmpf oeq, %select_n3A_1606, %eq3A_1865 : vector<16xf32>
      %and3A_1867 = vector.broadcast %gt3A_1791 : i1 to vector<16xi1>
      %and3A_1868 = arith.andi %and3A_1867, %eq3A_1866 : vector<16xi1>
      %jit3A_1869 = arith.constant -3.000000e+38 : f32
      %broadcast_in_dim3A_1870 = vector.broadcast %jit3A_1869 : f32 to vector<16xf32>
      %select_n3A_1871 = arith.select %and3A_1868, %broadcast_in_dim3A_1870, %select_n3A_1606 : vector<16xi1>, vector<16xf32>
      %eq3A_1872 = vector.broadcast %reduce_max3A_1660 : f32 to vector<16xf32>
      %eq3A_1873 = arith.cmpf oeq, %select_n3A_1613, %eq3A_1872 : vector<16xf32>
      %and3A_1874 = vector.broadcast %gt3A_1791 : i1 to vector<16xi1>
      %and3A_1875 = arith.andi %and3A_1874, %eq3A_1873 : vector<16xi1>
      %jit3A_1876 = arith.constant -3.000000e+38 : f32
      %broadcast_in_dim3A_1877 = vector.broadcast %jit3A_1876 : f32 to vector<16xf32>
      %select_n3A_1878 = arith.select %and3A_1875, %broadcast_in_dim3A_1877, %select_n3A_1613 : vector<16xi1>, vector<16xf32>
      %eq3A_1879 = vector.broadcast %reduce_max3A_1660 : f32 to vector<16xf32>
      %eq3A_1880 = arith.cmpf oeq, %select_n3A_1620, %eq3A_1879 : vector<16xf32>
      %and3A_1881 = vector.broadcast %gt3A_1791 : i1 to vector<16xi1>
      %and3A_1882 = arith.andi %and3A_1881, %eq3A_1880 : vector<16xi1>
      %jit3A_1883 = arith.constant -3.000000e+38 : f32
      %broadcast_in_dim3A_1884 = vector.broadcast %jit3A_1883 : f32 to vector<16xf32>
      %select_n3A_1885 = arith.select %and3A_1882, %broadcast_in_dim3A_1884, %select_n3A_1620 : vector<16xi1>, vector<16xf32>
      %eq3A_1886 = vector.broadcast %reduce_max3A_1660 : f32 to vector<16xf32>
      %eq3A_1887 = arith.cmpf oeq, %select_n3A_1627, %eq3A_1886 : vector<16xf32>
      %and3A_1888 = vector.broadcast %gt3A_1791 : i1 to vector<16xi1>
      %and3A_1889 = arith.andi %and3A_1888, %eq3A_1887 : vector<16xi1>
      %jit3A_1890 = arith.constant -3.000000e+38 : f32
      %broadcast_in_dim3A_1891 = vector.broadcast %jit3A_1890 : f32 to vector<16xf32>
      %select_n3A_1892 = arith.select %and3A_1889, %broadcast_in_dim3A_1891, %select_n3A_1627 : vector<16xi1>, vector<16xf32>
      %eq3A_1893 = vector.broadcast %reduce_max3A_1660 : f32 to vector<16xf32>
      %eq3A_1894 = arith.cmpf oeq, %select_n3A_1634, %eq3A_1893 : vector<16xf32>
      %and3A_1895 = vector.broadcast %gt3A_1791 : i1 to vector<16xi1>
      %and3A_1896 = arith.andi %and3A_1895, %eq3A_1894 : vector<16xi1>
      %jit3A_1897 = arith.constant -3.000000e+38 : f32
      %broadcast_in_dim3A_1898 = vector.broadcast %jit3A_1897 : f32 to vector<16xf32>
      %select_n3A_1899 = arith.select %and3A_1896, %broadcast_in_dim3A_1898, %select_n3A_1634 : vector<16xi1>, vector<16xf32>
      %eq3A_1900 = vector.broadcast %reduce_max3A_1660 : f32 to vector<16xf32>
      %eq3A_1901 = arith.cmpf oeq, %select_n3A_1641, %eq3A_1900 : vector<16xf32>
      %and3A_1902 = vector.broadcast %gt3A_1791 : i1 to vector<16xi1>
      %and3A_1903 = arith.andi %and3A_1902, %eq3A_1901 : vector<16xi1>
      %jit3A_1904 = arith.constant -3.000000e+38 : f32
      %broadcast_in_dim3A_1905 = vector.broadcast %jit3A_1904 : f32 to vector<16xf32>
      %select_n3A_1906 = arith.select %and3A_1903, %broadcast_in_dim3A_1905, %select_n3A_1641 : vector<16xi1>, vector<16xf32>
      %max3A_1907 = arith.maximumf %select_n3A_1801, %select_n3A_1808 : vector<16xf32>
      %max3A_1908 = arith.maximumf %max3A_1907, %select_n3A_1815 : vector<16xf32>
      %max3A_1909 = arith.maximumf %max3A_1908, %select_n3A_1822 : vector<16xf32>
      %max3A_1910 = arith.maximumf %max3A_1909, %select_n3A_1829 : vector<16xf32>
      %max3A_1911 = arith.maximumf %max3A_1910, %select_n3A_1836 : vector<16xf32>
      %max3A_1912 = arith.maximumf %max3A_1911, %select_n3A_1843 : vector<16xf32>
      %max3A_1913 = arith.maximumf %max3A_1912, %select_n3A_1850 : vector<16xf32>
      %max3A_1914 = arith.maximumf %max3A_1913, %select_n3A_1857 : vector<16xf32>
      %max3A_1915 = arith.maximumf %max3A_1914, %select_n3A_1864 : vector<16xf32>
      %max3A_1916 = arith.maximumf %max3A_1915, %select_n3A_1871 : vector<16xf32>
      %max3A_1917 = arith.maximumf %max3A_1916, %select_n3A_1878 : vector<16xf32>
      %max3A_1918 = arith.maximumf %max3A_1917, %select_n3A_1885 : vector<16xf32>
      %max3A_1919 = arith.maximumf %max3A_1918, %select_n3A_1892 : vector<16xf32>
      %max3A_1920 = arith.maximumf %max3A_1919, %select_n3A_1899 : vector<16xf32>
      %max3A_1921 = arith.maximumf %max3A_1920, %select_n3A_1906 : vector<16xf32>
      %reduce_max3A_1922 = arith.constant true
      %reduce_max3A_1923 = vector.broadcast %reduce_max3A_1922 : i1 to vector<16xi1>
      %reduce_max3A_1924 = tpu.scan <max>, %max3A_1921 masked %reduce_max3A_1923 : vector<16xf32>, vector<16xi1> -> vector<16xf32>
      %reduce_max3A_1925 = vector.extract %reduce_max3A_1924[15] : f32 from vector<16xf32>
      %eq3A_1926 = vector.broadcast %reduce_max3A_1925 : f32 to vector<16xf32>
      %eq3A_1927 = arith.cmpf oeq, %select_n3A_1801, %eq3A_1926 : vector<16xf32>
      %convert_element_type3A_1928 = arith.extui %eq3A_1927 : vector<16xi1> to vector<16xi32>
      %reduce_sum3A_1929 = arith.constant true
      %reduce_sum3A_1930 = vector.broadcast %reduce_sum3A_1929 : i1 to vector<16xi1>
      %reduce_sum3A_1931 = tpu.scan <sum>, %convert_element_type3A_1928 masked %reduce_sum3A_1930 : vector<16xi32>, vector<16xi1> -> vector<16xi32>
      %reduce_sum3A_1932 = vector.extract %reduce_sum3A_1931[15] : i32 from vector<16xi32>
      %add3A_1933 = arith.constant 0 : i32
      %add3A_1934 = arith.addi %add3A_1933, %reduce_sum3A_1932 : i32
      %eq3A_1935 = vector.broadcast %reduce_max3A_1925 : f32 to vector<16xf32>
      %eq3A_1936 = arith.cmpf oeq, %select_n3A_1808, %eq3A_1935 : vector<16xf32>
      %convert_element_type3A_1937 = arith.extui %eq3A_1936 : vector<16xi1> to vector<16xi32>
      %reduce_sum3A_1938 = arith.constant true
      %reduce_sum3A_1939 = vector.broadcast %reduce_sum3A_1938 : i1 to vector<16xi1>
      %reduce_sum3A_1940 = tpu.scan <sum>, %convert_element_type3A_1937 masked %reduce_sum3A_1939 : vector<16xi32>, vector<16xi1> -> vector<16xi32>
      %reduce_sum3A_1941 = vector.extract %reduce_sum3A_1940[15] : i32 from vector<16xi32>
      %add3A_1942 = arith.addi %add3A_1934, %reduce_sum3A_1941 : i32
      %eq3A_1943 = vector.broadcast %reduce_max3A_1925 : f32 to vector<16xf32>
      %eq3A_1944 = arith.cmpf oeq, %select_n3A_1815, %eq3A_1943 : vector<16xf32>
      %convert_element_type3A_1945 = arith.extui %eq3A_1944 : vector<16xi1> to vector<16xi32>
      %reduce_sum3A_1946 = arith.constant true
      %reduce_sum3A_1947 = vector.broadcast %reduce_sum3A_1946 : i1 to vector<16xi1>
      %reduce_sum3A_1948 = tpu.scan <sum>, %convert_element_type3A_1945 masked %reduce_sum3A_1947 : vector<16xi32>, vector<16xi1> -> vector<16xi32>
      %reduce_sum3A_1949 = vector.extract %reduce_sum3A_1948[15] : i32 from vector<16xi32>
      %add3A_1950 = arith.addi %add3A_1942, %reduce_sum3A_1949 : i32
      %eq3A_1951 = vector.broadcast %reduce_max3A_1925 : f32 to vector<16xf32>
      %eq3A_1952 = arith.cmpf oeq, %select_n3A_1822, %eq3A_1951 : vector<16xf32>
      %convert_element_type3A_1953 = arith.extui %eq3A_1952 : vector<16xi1> to vector<16xi32>
      %reduce_sum3A_1954 = arith.constant true
      %reduce_sum3A_1955 = vector.broadcast %reduce_sum3A_1954 : i1 to vector<16xi1>
      %reduce_sum3A_1956 = tpu.scan <sum>, %convert_element_type3A_1953 masked %reduce_sum3A_1955 : vector<16xi32>, vector<16xi1> -> vector<16xi32>
      %reduce_sum3A_1957 = vector.extract %reduce_sum3A_1956[15] : i32 from vector<16xi32>
      %add3A_1958 = arith.addi %add3A_1950, %reduce_sum3A_1957 : i32
      %eq3A_1959 = vector.broadcast %reduce_max3A_1925 : f32 to vector<16xf32>
      %eq3A_1960 = arith.cmpf oeq, %select_n3A_1829, %eq3A_1959 : vector<16xf32>
      %convert_element_type3A_1961 = arith.extui %eq3A_1960 : vector<16xi1> to vector<16xi32>
      %reduce_sum3A_1962 = arith.constant true
      %reduce_sum3A_1963 = vector.broadcast %reduce_sum3A_1962 : i1 to vector<16xi1>
      %reduce_sum3A_1964 = tpu.scan <sum>, %convert_element_type3A_1961 masked %reduce_sum3A_1963 : vector<16xi32>, vector<16xi1> -> vector<16xi32>
      %reduce_sum3A_1965 = vector.extract %reduce_sum3A_1964[15] : i32 from vector<16xi32>
      %add3A_1966 = arith.addi %add3A_1958, %reduce_sum3A_1965 : i32
      %eq3A_1967 = vector.broadcast %reduce_max3A_1925 : f32 to vector<16xf32>
      %eq3A_1968 = arith.cmpf oeq, %select_n3A_1836, %eq3A_1967 : vector<16xf32>
      %convert_element_type3A_1969 = arith.extui %eq3A_1968 : vector<16xi1> to vector<16xi32>
      %reduce_sum3A_1970 = arith.constant true
      %reduce_sum3A_1971 = vector.broadcast %reduce_sum3A_1970 : i1 to vector<16xi1>
      %reduce_sum3A_1972 = tpu.scan <sum>, %convert_element_type3A_1969 masked %reduce_sum3A_1971 : vector<16xi32>, vector<16xi1> -> vector<16xi32>
      %reduce_sum3A_1973 = vector.extract %reduce_sum3A_1972[15] : i32 from vector<16xi32>
      %add3A_1974 = arith.addi %add3A_1966, %reduce_sum3A_1973 : i32
      %eq3A_1975 = vector.broadcast %reduce_max3A_1925 : f32 to vector<16xf32>
      %eq3A_1976 = arith.cmpf oeq, %select_n3A_1843, %eq3A_1975 : vector<16xf32>
      %convert_element_type3A_1977 = arith.extui %eq3A_1976 : vector<16xi1> to vector<16xi32>
      %reduce_sum3A_1978 = arith.constant true
      %reduce_sum3A_1979 = vector.broadcast %reduce_sum3A_1978 : i1 to vector<16xi1>
      %reduce_sum3A_1980 = tpu.scan <sum>, %convert_element_type3A_1977 masked %reduce_sum3A_1979 : vector<16xi32>, vector<16xi1> -> vector<16xi32>
      %reduce_sum3A_1981 = vector.extract %reduce_sum3A_1980[15] : i32 from vector<16xi32>
      %add3A_1982 = arith.addi %add3A_1974, %reduce_sum3A_1981 : i32
      %eq3A_1983 = vector.broadcast %reduce_max3A_1925 : f32 to vector<16xf32>
      %eq3A_1984 = arith.cmpf oeq, %select_n3A_1850, %eq3A_1983 : vector<16xf32>
      %convert_element_type3A_1985 = arith.extui %eq3A_1984 : vector<16xi1> to vector<16xi32>
      %reduce_sum3A_1986 = arith.constant true
      %reduce_sum3A_1987 = vector.broadcast %reduce_sum3A_1986 : i1 to vector<16xi1>
      %reduce_sum3A_1988 = tpu.scan <sum>, %convert_element_type3A_1985 masked %reduce_sum3A_1987 : vector<16xi32>, vector<16xi1> -> vector<16xi32>
      %reduce_sum3A_1989 = vector.extract %reduce_sum3A_1988[15] : i32 from vector<16xi32>
      %add3A_1990 = arith.addi %add3A_1982, %reduce_sum3A_1989 : i32
      %eq3A_1991 = vector.broadcast %reduce_max3A_1925 : f32 to vector<16xf32>
      %eq3A_1992 = arith.cmpf oeq, %select_n3A_1857, %eq3A_1991 : vector<16xf32>
      %convert_element_type3A_1993 = arith.extui %eq3A_1992 : vector<16xi1> to vector<16xi32>
      %reduce_sum3A_1994 = arith.constant true
      %reduce_sum3A_1995 = vector.broadcast %reduce_sum3A_1994 : i1 to vector<16xi1>
      %reduce_sum3A_1996 = tpu.scan <sum>, %convert_element_type3A_1993 masked %reduce_sum3A_1995 : vector<16xi32>, vector<16xi1> -> vector<16xi32>
      %reduce_sum3A_1997 = vector.extract %reduce_sum3A_1996[15] : i32 from vector<16xi32>
      %add3A_1998 = arith.addi %add3A_1990, %reduce_sum3A_1997 : i32
      %eq3A_1999 = vector.broadcast %reduce_max3A_1925 : f32 to vector<16xf32>
      %eq3A_2000 = arith.cmpf oeq, %select_n3A_1864, %eq3A_1999 : vector<16xf32>
      %convert_element_type3A_2001 = arith.extui %eq3A_2000 : vector<16xi1> to vector<16xi32>
      %reduce_sum3A_2002 = arith.constant true
      %reduce_sum3A_2003 = vector.broadcast %reduce_sum3A_2002 : i1 to vector<16xi1>
      %reduce_sum3A_2004 = tpu.scan <sum>, %convert_element_type3A_2001 masked %reduce_sum3A_2003 : vector<16xi32>, vector<16xi1> -> vector<16xi32>
      %reduce_sum3A_2005 = vector.extract %reduce_sum3A_2004[15] : i32 from vector<16xi32>
      %add3A_2006 = arith.addi %add3A_1998, %reduce_sum3A_2005 : i32
      %eq3A_2007 = vector.broadcast %reduce_max3A_1925 : f32 to vector<16xf32>
      %eq3A_2008 = arith.cmpf oeq, %select_n3A_1871, %eq3A_2007 : vector<16xf32>
      %convert_element_type3A_2009 = arith.extui %eq3A_2008 : vector<16xi1> to vector<16xi32>
      %reduce_sum3A_2010 = arith.constant true
      %reduce_sum3A_2011 = vector.broadcast %reduce_sum3A_2010 : i1 to vector<16xi1>
      %reduce_sum3A_2012 = tpu.scan <sum>, %convert_element_type3A_2009 masked %reduce_sum3A_2011 : vector<16xi32>, vector<16xi1> -> vector<16xi32>
      %reduce_sum3A_2013 = vector.extract %reduce_sum3A_2012[15] : i32 from vector<16xi32>
      %add3A_2014 = arith.addi %add3A_2006, %reduce_sum3A_2013 : i32
      %eq3A_2015 = vector.broadcast %reduce_max3A_1925 : f32 to vector<16xf32>
      %eq3A_2016 = arith.cmpf oeq, %select_n3A_1878, %eq3A_2015 : vector<16xf32>
      %convert_element_type3A_2017 = arith.extui %eq3A_2016 : vector<16xi1> to vector<16xi32>
      %reduce_sum3A_2018 = arith.constant true
      %reduce_sum3A_2019 = vector.broadcast %reduce_sum3A_2018 : i1 to vector<16xi1>
      %reduce_sum3A_2020 = tpu.scan <sum>, %convert_element_type3A_2017 masked %reduce_sum3A_2019 : vector<16xi32>, vector<16xi1> -> vector<16xi32>
      %reduce_sum3A_2021 = vector.extract %reduce_sum3A_2020[15] : i32 from vector<16xi32>
      %add3A_2022 = arith.addi %add3A_2014, %reduce_sum3A_2021 : i32
      %eq3A_2023 = vector.broadcast %reduce_max3A_1925 : f32 to vector<16xf32>
      %eq3A_2024 = arith.cmpf oeq, %select_n3A_1885, %eq3A_2023 : vector<16xf32>
      %convert_element_type3A_2025 = arith.extui %eq3A_2024 : vector<16xi1> to vector<16xi32>
      %reduce_sum3A_2026 = arith.constant true
      %reduce_sum3A_2027 = vector.broadcast %reduce_sum3A_2026 : i1 to vector<16xi1>
      %reduce_sum3A_2028 = tpu.scan <sum>, %convert_element_type3A_2025 masked %reduce_sum3A_2027 : vector<16xi32>, vector<16xi1> -> vector<16xi32>
      %reduce_sum3A_2029 = vector.extract %reduce_sum3A_2028[15] : i32 from vector<16xi32>
      %add3A_2030 = arith.addi %add3A_2022, %reduce_sum3A_2029 : i32
      %eq3A_2031 = vector.broadcast %reduce_max3A_1925 : f32 to vector<16xf32>
      %eq3A_2032 = arith.cmpf oeq, %select_n3A_1892, %eq3A_2031 : vector<16xf32>
      %convert_element_type3A_2033 = arith.extui %eq3A_2032 : vector<16xi1> to vector<16xi32>
      %reduce_sum3A_2034 = arith.constant true
      %reduce_sum3A_2035 = vector.broadcast %reduce_sum3A_2034 : i1 to vector<16xi1>
      %reduce_sum3A_2036 = tpu.scan <sum>, %convert_element_type3A_2033 masked %reduce_sum3A_2035 : vector<16xi32>, vector<16xi1> -> vector<16xi32>
      %reduce_sum3A_2037 = vector.extract %reduce_sum3A_2036[15] : i32 from vector<16xi32>
      %add3A_2038 = arith.addi %add3A_2030, %reduce_sum3A_2037 : i32
      %eq3A_2039 = vector.broadcast %reduce_max3A_1925 : f32 to vector<16xf32>
      %eq3A_2040 = arith.cmpf oeq, %select_n3A_1899, %eq3A_2039 : vector<16xf32>
      %convert_element_type3A_2041 = arith.extui %eq3A_2040 : vector<16xi1> to vector<16xi32>
      %reduce_sum3A_2042 = arith.constant true
      %reduce_sum3A_2043 = vector.broadcast %reduce_sum3A_2042 : i1 to vector<16xi1>
      %reduce_sum3A_2044 = tpu.scan <sum>, %convert_element_type3A_2041 masked %reduce_sum3A_2043 : vector<16xi32>, vector<16xi1> -> vector<16xi32>
      %reduce_sum3A_2045 = vector.extract %reduce_sum3A_2044[15] : i32 from vector<16xi32>
      %add3A_2046 = arith.addi %add3A_2038, %reduce_sum3A_2045 : i32
      %eq3A_2047 = vector.broadcast %reduce_max3A_1925 : f32 to vector<16xf32>
      %eq3A_2048 = arith.cmpf oeq, %select_n3A_1906, %eq3A_2047 : vector<16xf32>
      %convert_element_type3A_2049 = arith.extui %eq3A_2048 : vector<16xi1> to vector<16xi32>
      %reduce_sum3A_2050 = arith.constant true
      %reduce_sum3A_2051 = vector.broadcast %reduce_sum3A_2050 : i1 to vector<16xi1>
      %reduce_sum3A_2052 = tpu.scan <sum>, %convert_element_type3A_2049 masked %reduce_sum3A_2051 : vector<16xi32>, vector<16xi1> -> vector<16xi32>
      %reduce_sum3A_2053 = vector.extract %reduce_sum3A_2052[15] : i32 from vector<16xi32>
      %add3A_2054 = arith.addi %add3A_2046, %reduce_sum3A_2053 : i32
      %gt3A_2055 = arith.constant 0 : i32
      %gt3A_2056 = arith.cmpi sgt, %select_n3A_1794, %gt3A_2055 : i32
      %select_n3A_2057 = arith.select %gt3A_2056, %reduce_max3A_1925, %select_n3A_1792 : f32
      %sub3A_2058 = arith.subi %select_n3A_1794, %add3A_2054 : i32
      %select_n3A_2059 = arith.select %gt3A_2056, %sub3A_2058, %select_n3A_1794 : i32
      %eq3A_2060 = vector.broadcast %reduce_max3A_1925 : f32 to vector<16xf32>
      %eq3A_2061 = arith.cmpf oeq, %select_n3A_1801, %eq3A_2060 : vector<16xf32>
      %and3A_2062 = vector.broadcast %gt3A_2056 : i1 to vector<16xi1>
      %and3A_2063 = arith.andi %and3A_2062, %eq3A_2061 : vector<16xi1>
      %jit3A_2064 = arith.constant -3.000000e+38 : f32
      %broadcast_in_dim3A_2065 = vector.broadcast %jit3A_2064 : f32 to vector<16xf32>
      %select_n3A_2066 = arith.select %and3A_2063, %broadcast_in_dim3A_2065, %select_n3A_1801 : vector<16xi1>, vector<16xf32>
      %eq3A_2067 = vector.broadcast %reduce_max3A_1925 : f32 to vector<16xf32>
      %eq3A_2068 = arith.cmpf oeq, %select_n3A_1808, %eq3A_2067 : vector<16xf32>
      %and3A_2069 = vector.broadcast %gt3A_2056 : i1 to vector<16xi1>
      %and3A_2070 = arith.andi %and3A_2069, %eq3A_2068 : vector<16xi1>
      %jit3A_2071 = arith.constant -3.000000e+38 : f32
      %broadcast_in_dim3A_2072 = vector.broadcast %jit3A_2071 : f32 to vector<16xf32>
      %select_n3A_2073 = arith.select %and3A_2070, %broadcast_in_dim3A_2072, %select_n3A_1808 : vector<16xi1>, vector<16xf32>
      %eq3A_2074 = vector.broadcast %reduce_max3A_1925 : f32 to vector<16xf32>
      %eq3A_2075 = arith.cmpf oeq, %select_n3A_1815, %eq3A_2074 : vector<16xf32>
      %and3A_2076 = vector.broadcast %gt3A_2056 : i1 to vector<16xi1>
      %and3A_2077 = arith.andi %and3A_2076, %eq3A_2075 : vector<16xi1>
      %jit3A_2078 = arith.constant -3.000000e+38 : f32
      %broadcast_in_dim3A_2079 = vector.broadcast %jit3A_2078 : f32 to vector<16xf32>
      %select_n3A_2080 = arith.select %and3A_2077, %broadcast_in_dim3A_2079, %select_n3A_1815 : vector<16xi1>, vector<16xf32>
      %eq3A_2081 = vector.broadcast %reduce_max3A_1925 : f32 to vector<16xf32>
      %eq3A_2082 = arith.cmpf oeq, %select_n3A_1822, %eq3A_2081 : vector<16xf32>
      %and3A_2083 = vector.broadcast %gt3A_2056 : i1 to vector<16xi1>
      %and3A_2084 = arith.andi %and3A_2083, %eq3A_2082 : vector<16xi1>
      %jit3A_2085 = arith.constant -3.000000e+38 : f32
      %broadcast_in_dim3A_2086 = vector.broadcast %jit3A_2085 : f32 to vector<16xf32>
      %select_n3A_2087 = arith.select %and3A_2084, %broadcast_in_dim3A_2086, %select_n3A_1822 : vector<16xi1>, vector<16xf32>
      %eq3A_2088 = vector.broadcast %reduce_max3A_1925 : f32 to vector<16xf32>
      %eq3A_2089 = arith.cmpf oeq, %select_n3A_1829, %eq3A_2088 : vector<16xf32>
      %and3A_2090 = vector.broadcast %gt3A_2056 : i1 to vector<16xi1>
      %and3A_2091 = arith.andi %and3A_2090, %eq3A_2089 : vector<16xi1>
      %jit3A_2092 = arith.constant -3.000000e+38 : f32
      %broadcast_in_dim3A_2093 = vector.broadcast %jit3A_2092 : f32 to vector<16xf32>
      %select_n3A_2094 = arith.select %and3A_2091, %broadcast_in_dim3A_2093, %select_n3A_1829 : vector<16xi1>, vector<16xf32>
      %eq3A_2095 = vector.broadcast %reduce_max3A_1925 : f32 to vector<16xf32>
      %eq3A_2096 = arith.cmpf oeq, %select_n3A_1836, %eq3A_2095 : vector<16xf32>
      %and3A_2097 = vector.broadcast %gt3A_2056 : i1 to vector<16xi1>
      %and3A_2098 = arith.andi %and3A_2097, %eq3A_2096 : vector<16xi1>
      %jit3A_2099 = arith.constant -3.000000e+38 : f32
      %broadcast_in_dim3A_2100 = vector.broadcast %jit3A_2099 : f32 to vector<16xf32>
      %select_n3A_2101 = arith.select %and3A_2098, %broadcast_in_dim3A_2100, %select_n3A_1836 : vector<16xi1>, vector<16xf32>
      %eq3A_2102 = vector.broadcast %reduce_max3A_1925 : f32 to vector<16xf32>
      %eq3A_2103 = arith.cmpf oeq, %select_n3A_1843, %eq3A_2102 : vector<16xf32>
      %and3A_2104 = vector.broadcast %gt3A_2056 : i1 to vector<16xi1>
      %and3A_2105 = arith.andi %and3A_2104, %eq3A_2103 : vector<16xi1>
      %jit3A_2106 = arith.constant -3.000000e+38 : f32
      %broadcast_in_dim3A_2107 = vector.broadcast %jit3A_2106 : f32 to vector<16xf32>
      %select_n3A_2108 = arith.select %and3A_2105, %broadcast_in_dim3A_2107, %select_n3A_1843 : vector<16xi1>, vector<16xf32>
      %eq3A_2109 = vector.broadcast %reduce_max3A_1925 : f32 to vector<16xf32>
      %eq3A_2110 = arith.cmpf oeq, %select_n3A_1850, %eq3A_2109 : vector<16xf32>
      %and3A_2111 = vector.broadcast %gt3A_2056 : i1 to vector<16xi1>
      %and3A_2112 = arith.andi %and3A_2111, %eq3A_2110 : vector<16xi1>
      %jit3A_2113 = arith.constant -3.000000e+38 : f32
      %broadcast_in_dim3A_2114 = vector.broadcast %jit3A_2113 : f32 to vector<16xf32>
      %select_n3A_2115 = arith.select %and3A_2112, %broadcast_in_dim3A_2114, %select_n3A_1850 : vector<16xi1>, vector<16xf32>
      %eq3A_2116 = vector.broadcast %reduce_max3A_1925 : f32 to vector<16xf32>
      %eq3A_2117 = arith.cmpf oeq, %select_n3A_1857, %eq3A_2116 : vector<16xf32>
      %and3A_2118 = vector.broadcast %gt3A_2056 : i1 to vector<16xi1>
      %and3A_2119 = arith.andi %and3A_2118, %eq3A_2117 : vector<16xi1>
      %jit3A_2120 = arith.constant -3.000000e+38 : f32
      %broadcast_in_dim3A_2121 = vector.broadcast %jit3A_2120 : f32 to vector<16xf32>
      %select_n3A_2122 = arith.select %and3A_2119, %broadcast_in_dim3A_2121, %select_n3A_1857 : vector<16xi1>, vector<16xf32>
      %eq3A_2123 = vector.broadcast %reduce_max3A_1925 : f32 to vector<16xf32>
      %eq3A_2124 = arith.cmpf oeq, %select_n3A_1864, %eq3A_2123 : vector<16xf32>
      %and3A_2125 = vector.broadcast %gt3A_2056 : i1 to vector<16xi1>
      %and3A_2126 = arith.andi %and3A_2125, %eq3A_2124 : vector<16xi1>
      %jit3A_2127 = arith.constant -3.000000e+38 : f32
      %broadcast_in_dim3A_2128 = vector.broadcast %jit3A_2127 : f32 to vector<16xf32>
      %select_n3A_2129 = arith.select %and3A_2126, %broadcast_in_dim3A_2128, %select_n3A_1864 : vector<16xi1>, vector<16xf32>
      %eq3A_2130 = vector.broadcast %reduce_max3A_1925 : f32 to vector<16xf32>
      %eq3A_2131 = arith.cmpf oeq, %select_n3A_1871, %eq3A_2130 : vector<16xf32>
      %and3A_2132 = vector.broadcast %gt3A_2056 : i1 to vector<16xi1>
      %and3A_2133 = arith.andi %and3A_2132, %eq3A_2131 : vector<16xi1>
      %jit3A_2134 = arith.constant -3.000000e+38 : f32
      %broadcast_in_dim3A_2135 = vector.broadcast %jit3A_2134 : f32 to vector<16xf32>
      %select_n3A_2136 = arith.select %and3A_2133, %broadcast_in_dim3A_2135, %select_n3A_1871 : vector<16xi1>, vector<16xf32>
      %eq3A_2137 = vector.broadcast %reduce_max3A_1925 : f32 to vector<16xf32>
      %eq3A_2138 = arith.cmpf oeq, %select_n3A_1878, %eq3A_2137 : vector<16xf32>
      %and3A_2139 = vector.broadcast %gt3A_2056 : i1 to vector<16xi1>
      %and3A_2140 = arith.andi %and3A_2139, %eq3A_2138 : vector<16xi1>
      %jit3A_2141 = arith.constant -3.000000e+38 : f32
      %broadcast_in_dim3A_2142 = vector.broadcast %jit3A_2141 : f32 to vector<16xf32>
      %select_n3A_2143 = arith.select %and3A_2140, %broadcast_in_dim3A_2142, %select_n3A_1878 : vector<16xi1>, vector<16xf32>
      %eq3A_2144 = vector.broadcast %reduce_max3A_1925 : f32 to vector<16xf32>
      %eq3A_2145 = arith.cmpf oeq, %select_n3A_1885, %eq3A_2144 : vector<16xf32>
      %and3A_2146 = vector.broadcast %gt3A_2056 : i1 to vector<16xi1>
      %and3A_2147 = arith.andi %and3A_2146, %eq3A_2145 : vector<16xi1>
      %jit3A_2148 = arith.constant -3.000000e+38 : f32
      %broadcast_in_dim3A_2149 = vector.broadcast %jit3A_2148 : f32 to vector<16xf32>
      %select_n3A_2150 = arith.select %and3A_2147, %broadcast_in_dim3A_2149, %select_n3A_1885 : vector<16xi1>, vector<16xf32>
      %eq3A_2151 = vector.broadcast %reduce_max3A_1925 : f32 to vector<16xf32>
      %eq3A_2152 = arith.cmpf oeq, %select_n3A_1892, %eq3A_2151 : vector<16xf32>
      %and3A_2153 = vector.broadcast %gt3A_2056 : i1 to vector<16xi1>
      %and3A_2154 = arith.andi %and3A_2153, %eq3A_2152 : vector<16xi1>
      %jit3A_2155 = arith.constant -3.000000e+38 : f32
      %broadcast_in_dim3A_2156 = vector.broadcast %jit3A_2155 : f32 to vector<16xf32>
      %select_n3A_2157 = arith.select %and3A_2154, %broadcast_in_dim3A_2156, %select_n3A_1892 : vector<16xi1>, vector<16xf32>
      %eq3A_2158 = vector.broadcast %reduce_max3A_1925 : f32 to vector<16xf32>
      %eq3A_2159 = arith.cmpf oeq, %select_n3A_1899, %eq3A_2158 : vector<16xf32>
      %and3A_2160 = vector.broadcast %gt3A_2056 : i1 to vector<16xi1>
      %and3A_2161 = arith.andi %and3A_2160, %eq3A_2159 : vector<16xi1>
      %jit3A_2162 = arith.constant -3.000000e+38 : f32
      %broadcast_in_dim3A_2163 = vector.broadcast %jit3A_2162 : f32 to vector<16xf32>
      %select_n3A_2164 = arith.select %and3A_2161, %broadcast_in_dim3A_2163, %select_n3A_1899 : vector<16xi1>, vector<16xf32>
      %eq3A_2165 = vector.broadcast %reduce_max3A_1925 : f32 to vector<16xf32>
      %eq3A_2166 = arith.cmpf oeq, %select_n3A_1906, %eq3A_2165 : vector<16xf32>
      %and3A_2167 = vector.broadcast %gt3A_2056 : i1 to vector<16xi1>
      %and3A_2168 = arith.andi %and3A_2167, %eq3A_2166 : vector<16xi1>
      %jit3A_2169 = arith.constant -3.000000e+38 : f32
      %broadcast_in_dim3A_2170 = vector.broadcast %jit3A_2169 : f32 to vector<16xf32>
      %select_n3A_2171 = arith.select %and3A_2168, %broadcast_in_dim3A_2170, %select_n3A_1906 : vector<16xi1>, vector<16xf32>
      %get3A_2172 = arith.index_cast %add3A_11 : i32 to index
      %get3A_2173 = arith.constant 0 : index
      %get3A_2174 = tpu.vector_load %arg4[%get3A_2172, %get3A_2173] {strides = array<i32>} : memref<16x256xf32, #tpu.memory_space<vmem>>, vector<16xf32>,
      %get3A_2175 = arith.index_cast %add3A_11 : i32 to index
      %get3A_2176 = arith.constant 16 : index
      %get3A_2177 = tpu.vector_load %arg4[%get3A_2175, %get3A_2176] {strides = array<i32>} : memref<16x256xf32, #tpu.memory_space<vmem>>, vector<16xf32>,
      %get3A_2178 = arith.index_cast %add3A_11 : i32 to index
      %get3A_2179 = arith.constant 32 : index
      %get3A_2180 = tpu.vector_load %arg4[%get3A_2178, %get3A_2179] {strides = array<i32>} : memref<16x256xf32, #tpu.memory_space<vmem>>, vector<16xf32>,
      %get3A_2181 = arith.index_cast %add3A_11 : i32 to index
      %get3A_2182 = arith.constant 48 : index
      %get3A_2183 = tpu.vector_load %arg4[%get3A_2181, %get3A_2182] {strides = array<i32>} : memref<16x256xf32, #tpu.memory_space<vmem>>, vector<16xf32>,
      %get3A_2184 = arith.index_cast %add3A_11 : i32 to index
      %get3A_2185 = arith.constant 64 : index
      %get3A_2186 = tpu.vector_load %arg4[%get3A_2184, %get3A_2185] {strides = array<i32>} : memref<16x256xf32, #tpu.memory_space<vmem>>, vector<16xf32>,
      %get3A_2187 = arith.index_cast %add3A_11 : i32 to index
      %get3A_2188 = arith.constant 80 : index
      %get3A_2189 = tpu.vector_load %arg4[%get3A_2187, %get3A_2188] {strides = array<i32>} : memref<16x256xf32, #tpu.memory_space<vmem>>, vector<16xf32>,
      %get3A_2190 = arith.index_cast %add3A_11 : i32 to index
      %get3A_2191 = arith.constant 96 : index
      %get3A_2192 = tpu.vector_load %arg4[%get3A_2190, %get3A_2191] {strides = array<i32>} : memref<16x256xf32, #tpu.memory_space<vmem>>, vector<16xf32>,
      %get3A_2193 = arith.index_cast %add3A_11 : i32 to index
      %get3A_2194 = arith.constant 112 : index
      %get3A_2195 = tpu.vector_load %arg4[%get3A_2193, %get3A_2194] {strides = array<i32>} : memref<16x256xf32, #tpu.memory_space<vmem>>, vector<16xf32>,
      %get3A_2196 = arith.index_cast %add3A_11 : i32 to index
      %get3A_2197 = arith.constant 128 : index
      %get3A_2198 = tpu.vector_load %arg4[%get3A_2196, %get3A_2197] {strides = array<i32>} : memref<16x256xf32, #tpu.memory_space<vmem>>, vector<16xf32>,
      %get3A_2199 = arith.index_cast %add3A_11 : i32 to index
      %get3A_2200 = arith.constant 144 : index
      %get3A_2201 = tpu.vector_load %arg4[%get3A_2199, %get3A_2200] {strides = array<i32>} : memref<16x256xf32, #tpu.memory_space<vmem>>, vector<16xf32>,
      %get3A_2202 = arith.index_cast %add3A_11 : i32 to index
      %get3A_2203 = arith.constant 160 : index
      %get3A_2204 = tpu.vector_load %arg4[%get3A_2202, %get3A_2203] {strides = array<i32>} : memref<16x256xf32, #tpu.memory_space<vmem>>, vector<16xf32>,
      %get3A_2205 = arith.index_cast %add3A_11 : i32 to index
      %get3A_2206 = arith.constant 176 : index
      %get3A_2207 = tpu.vector_load %arg4[%get3A_2205, %get3A_2206] {strides = array<i32>} : memref<16x256xf32, #tpu.memory_space<vmem>>, vector<16xf32>,
      %get3A_2208 = arith.index_cast %add3A_11 : i32 to index
      %get3A_2209 = arith.constant 192 : index
      %get3A_2210 = tpu.vector_load %arg4[%get3A_2208, %get3A_2209] {strides = array<i32>} : memref<16x256xf32, #tpu.memory_space<vmem>>, vector<16xf32>,
      %get3A_2211 = arith.index_cast %add3A_11 : i32 to index
      %get3A_2212 = arith.constant 208 : index
      %get3A_2213 = tpu.vector_load %arg4[%get3A_2211, %get3A_2212] {strides = array<i32>} : memref<16x256xf32, #tpu.memory_space<vmem>>, vector<16xf32>,
      %get3A_2214 = arith.index_cast %add3A_11 : i32 to index
      %get3A_2215 = arith.constant 224 : index
      %get3A_2216 = tpu.vector_load %arg4[%get3A_2214, %get3A_2215] {strides = array<i32>} : memref<16x256xf32, #tpu.memory_space<vmem>>, vector<16xf32>,
      %get3A_2217 = arith.index_cast %add3A_11 : i32 to index
      %get3A_2218 = arith.constant 240 : index
      %get3A_2219 = tpu.vector_load %arg4[%get3A_2217, %get3A_2218] {strides = array<i32>} : memref<16x256xf32, #tpu.memory_space<vmem>>, vector<16xf32>,
      %gt3A_2220 = vector.broadcast %select_n3A_2057 : f32 to vector<16xf32>
      %gt3A_2221 = arith.cmpf ogt, %get3A_2174, %gt3A_2220 : vector<16xf32>
      %convert_element_type3A_2222 = arith.extui %gt3A_2221 : vector<16xi1> to vector<16xi32>
      %reduce_sum3A_2223 = arith.constant true
      %reduce_sum3A_2224 = vector.broadcast %reduce_sum3A_2223 : i1 to vector<16xi1>
      %reduce_sum3A_2225 = tpu.scan <sum>, %convert_element_type3A_2222 masked %reduce_sum3A_2224 : vector<16xi32>, vector<16xi1> -> vector<16xi32>
      %reduce_sum3A_2226 = vector.extract %reduce_sum3A_2225[15] : i32 from vector<16xi32>
      %add3A_2227 = arith.constant 0 : i32
      %add3A_2228 = arith.addi %add3A_2227, %reduce_sum3A_2226 : i32
      %gt3A_2229 = vector.broadcast %select_n3A_2057 : f32 to vector<16xf32>
      %gt3A_2230 = arith.cmpf ogt, %get3A_2177, %gt3A_2229 : vector<16xf32>
      %convert_element_type3A_2231 = arith.extui %gt3A_2230 : vector<16xi1> to vector<16xi32>
      %reduce_sum3A_2232 = arith.constant true
      %reduce_sum3A_2233 = vector.broadcast %reduce_sum3A_2232 : i1 to vector<16xi1>
      %reduce_sum3A_2234 = tpu.scan <sum>, %convert_element_type3A_2231 masked %reduce_sum3A_2233 : vector<16xi32>, vector<16xi1> -> vector<16xi32>
      %reduce_sum3A_2235 = vector.extract %reduce_sum3A_2234[15] : i32 from vector<16xi32>
      %add3A_2236 = arith.addi %add3A_2228, %reduce_sum3A_2235 : i32
      %gt3A_2237 = vector.broadcast %select_n3A_2057 : f32 to vector<16xf32>
      %gt3A_2238 = arith.cmpf ogt, %get3A_2180, %gt3A_2237 : vector<16xf32>
      %convert_element_type3A_2239 = arith.extui %gt3A_2238 : vector<16xi1> to vector<16xi32>
      %reduce_sum3A_2240 = arith.constant true
      %reduce_sum3A_2241 = vector.broadcast %reduce_sum3A_2240 : i1 to vector<16xi1>
      %reduce_sum3A_2242 = tpu.scan <sum>, %convert_element_type3A_2239 masked %reduce_sum3A_2241 : vector<16xi32>, vector<16xi1> -> vector<16xi32>
      %reduce_sum3A_2243 = vector.extract %reduce_sum3A_2242[15] : i32 from vector<16xi32>
      %add3A_2244 = arith.addi %add3A_2236, %reduce_sum3A_2243 : i32
      %gt3A_2245 = vector.broadcast %select_n3A_2057 : f32 to vector<16xf32>
      %gt3A_2246 = arith.cmpf ogt, %get3A_2183, %gt3A_2245 : vector<16xf32>
      %convert_element_type3A_2247 = arith.extui %gt3A_2246 : vector<16xi1> to vector<16xi32>
      %reduce_sum3A_2248 = arith.constant true
      %reduce_sum3A_2249 = vector.broadcast %reduce_sum3A_2248 : i1 to vector<16xi1>
      %reduce_sum3A_2250 = tpu.scan <sum>, %convert_element_type3A_2247 masked %reduce_sum3A_2249 : vector<16xi32>, vector<16xi1> -> vector<16xi32>
      %reduce_sum3A_2251 = vector.extract %reduce_sum3A_2250[15] : i32 from vector<16xi32>
      %add3A_2252 = arith.addi %add3A_2244, %reduce_sum3A_2251 : i32
      %gt3A_2253 = vector.broadcast %select_n3A_2057 : f32 to vector<16xf32>
      %gt3A_2254 = arith.cmpf ogt, %get3A_2186, %gt3A_2253 : vector<16xf32>
      %convert_element_type3A_2255 = arith.extui %gt3A_2254 : vector<16xi1> to vector<16xi32>
      %reduce_sum3A_2256 = arith.constant true
      %reduce_sum3A_2257 = vector.broadcast %reduce_sum3A_2256 : i1 to vector<16xi1>
      %reduce_sum3A_2258 = tpu.scan <sum>, %convert_element_type3A_2255 masked %reduce_sum3A_2257 : vector<16xi32>, vector<16xi1> -> vector<16xi32>
      %reduce_sum3A_2259 = vector.extract %reduce_sum3A_2258[15] : i32 from vector<16xi32>
      %add3A_2260 = arith.addi %add3A_2252, %reduce_sum3A_2259 : i32
      %gt3A_2261 = vector.broadcast %select_n3A_2057 : f32 to vector<16xf32>
      %gt3A_2262 = arith.cmpf ogt, %get3A_2189, %gt3A_2261 : vector<16xf32>
      %convert_element_type3A_2263 = arith.extui %gt3A_2262 : vector<16xi1> to vector<16xi32>
      %reduce_sum3A_2264 = arith.constant true
      %reduce_sum3A_2265 = vector.broadcast %reduce_sum3A_2264 : i1 to vector<16xi1>
      %reduce_sum3A_2266 = tpu.scan <sum>, %convert_element_type3A_2263 masked %reduce_sum3A_2265 : vector<16xi32>, vector<16xi1> -> vector<16xi32>
      %reduce_sum3A_2267 = vector.extract %reduce_sum3A_2266[15] : i32 from vector<16xi32>
      %add3A_2268 = arith.addi %add3A_2260, %reduce_sum3A_2267 : i32
      %gt3A_2269 = vector.broadcast %select_n3A_2057 : f32 to vector<16xf32>
      %gt3A_2270 = arith.cmpf ogt, %get3A_2192, %gt3A_2269 : vector<16xf32>
      %convert_element_type3A_2271 = arith.extui %gt3A_2270 : vector<16xi1> to vector<16xi32>
      %reduce_sum3A_2272 = arith.constant true
      %reduce_sum3A_2273 = vector.broadcast %reduce_sum3A_2272 : i1 to vector<16xi1>
      %reduce_sum3A_2274 = tpu.scan <sum>, %convert_element_type3A_2271 masked %reduce_sum3A_2273 : vector<16xi32>, vector<16xi1> -> vector<16xi32>
      %reduce_sum3A_2275 = vector.extract %reduce_sum3A_2274[15] : i32 from vector<16xi32>
      %add3A_2276 = arith.addi %add3A_2268, %reduce_sum3A_2275 : i32
      %gt3A_2277 = vector.broadcast %select_n3A_2057 : f32 to vector<16xf32>
      %gt3A_2278 = arith.cmpf ogt, %get3A_2195, %gt3A_2277 : vector<16xf32>
      %convert_element_type3A_2279 = arith.extui %gt3A_2278 : vector<16xi1> to vector<16xi32>
      %reduce_sum3A_2280 = arith.constant true
      %reduce_sum3A_2281 = vector.broadcast %reduce_sum3A_2280 : i1 to vector<16xi1>
      %reduce_sum3A_2282 = tpu.scan <sum>, %convert_element_type3A_2279 masked %reduce_sum3A_2281 : vector<16xi32>, vector<16xi1> -> vector<16xi32>
      %reduce_sum3A_2283 = vector.extract %reduce_sum3A_2282[15] : i32 from vector<16xi32>
      %add3A_2284 = arith.addi %add3A_2276, %reduce_sum3A_2283 : i32
      %gt3A_2285 = vector.broadcast %select_n3A_2057 : f32 to vector<16xf32>
      %gt3A_2286 = arith.cmpf ogt, %get3A_2198, %gt3A_2285 : vector<16xf32>
      %convert_element_type3A_2287 = arith.extui %gt3A_2286 : vector<16xi1> to vector<16xi32>
      %reduce_sum3A_2288 = arith.constant true
      %reduce_sum3A_2289 = vector.broadcast %reduce_sum3A_2288 : i1 to vector<16xi1>
      %reduce_sum3A_2290 = tpu.scan <sum>, %convert_element_type3A_2287 masked %reduce_sum3A_2289 : vector<16xi32>, vector<16xi1> -> vector<16xi32>
      %reduce_sum3A_2291 = vector.extract %reduce_sum3A_2290[15] : i32 from vector<16xi32>
      %add3A_2292 = arith.addi %add3A_2284, %reduce_sum3A_2291 : i32
      %gt3A_2293 = vector.broadcast %select_n3A_2057 : f32 to vector<16xf32>
      %gt3A_2294 = arith.cmpf ogt, %get3A_2201, %gt3A_2293 : vector<16xf32>
      %convert_element_type3A_2295 = arith.extui %gt3A_2294 : vector<16xi1> to vector<16xi32>
      %reduce_sum3A_2296 = arith.constant true
      %reduce_sum3A_2297 = vector.broadcast %reduce_sum3A_2296 : i1 to vector<16xi1>
      %reduce_sum3A_2298 = tpu.scan <sum>, %convert_element_type3A_2295 masked %reduce_sum3A_2297 : vector<16xi32>, vector<16xi1> -> vector<16xi32>
      %reduce_sum3A_2299 = vector.extract %reduce_sum3A_2298[15] : i32 from vector<16xi32>
      %add3A_2300 = arith.addi %add3A_2292, %reduce_sum3A_2299 : i32
      %gt3A_2301 = vector.broadcast %select_n3A_2057 : f32 to vector<16xf32>
      %gt3A_2302 = arith.cmpf ogt, %get3A_2204, %gt3A_2301 : vector<16xf32>
      %convert_element_type3A_2303 = arith.extui %gt3A_2302 : vector<16xi1> to vector<16xi32>
      %reduce_sum3A_2304 = arith.constant true
      %reduce_sum3A_2305 = vector.broadcast %reduce_sum3A_2304 : i1 to vector<16xi1>
      %reduce_sum3A_2306 = tpu.scan <sum>, %convert_element_type3A_2303 masked %reduce_sum3A_2305 : vector<16xi32>, vector<16xi1> -> vector<16xi32>
      %reduce_sum3A_2307 = vector.extract %reduce_sum3A_2306[15] : i32 from vector<16xi32>
      %add3A_2308 = arith.addi %add3A_2300, %reduce_sum3A_2307 : i32
      %gt3A_2309 = vector.broadcast %select_n3A_2057 : f32 to vector<16xf32>
      %gt3A_2310 = arith.cmpf ogt, %get3A_2207, %gt3A_2309 : vector<16xf32>
      %convert_element_type3A_2311 = arith.extui %gt3A_2310 : vector<16xi1> to vector<16xi32>
      %reduce_sum3A_2312 = arith.constant true
      %reduce_sum3A_2313 = vector.broadcast %reduce_sum3A_2312 : i1 to vector<16xi1>
      %reduce_sum3A_2314 = tpu.scan <sum>, %convert_element_type3A_2311 masked %reduce_sum3A_2313 : vector<16xi32>, vector<16xi1> -> vector<16xi32>
      %reduce_sum3A_2315 = vector.extract %reduce_sum3A_2314[15] : i32 from vector<16xi32>
      %add3A_2316 = arith.addi %add3A_2308, %reduce_sum3A_2315 : i32
      %gt3A_2317 = vector.broadcast %select_n3A_2057 : f32 to vector<16xf32>
      %gt3A_2318 = arith.cmpf ogt, %get3A_2210, %gt3A_2317 : vector<16xf32>
      %convert_element_type3A_2319 = arith.extui %gt3A_2318 : vector<16xi1> to vector<16xi32>
      %reduce_sum3A_2320 = arith.constant true
      %reduce_sum3A_2321 = vector.broadcast %reduce_sum3A_2320 : i1 to vector<16xi1>
      %reduce_sum3A_2322 = tpu.scan <sum>, %convert_element_type3A_2319 masked %reduce_sum3A_2321 : vector<16xi32>, vector<16xi1> -> vector<16xi32>
      %reduce_sum3A_2323 = vector.extract %reduce_sum3A_2322[15] : i32 from vector<16xi32>
      %add3A_2324 = arith.addi %add3A_2316, %reduce_sum3A_2323 : i32
      %gt3A_2325 = vector.broadcast %select_n3A_2057 : f32 to vector<16xf32>
      %gt3A_2326 = arith.cmpf ogt, %get3A_2213, %gt3A_2325 : vector<16xf32>
      %convert_element_type3A_2327 = arith.extui %gt3A_2326 : vector<16xi1> to vector<16xi32>
      %reduce_sum3A_2328 = arith.constant true
      %reduce_sum3A_2329 = vector.broadcast %reduce_sum3A_2328 : i1 to vector<16xi1>
      %reduce_sum3A_2330 = tpu.scan <sum>, %convert_element_type3A_2327 masked %reduce_sum3A_2329 : vector<16xi32>, vector<16xi1> -> vector<16xi32>
      %reduce_sum3A_2331 = vector.extract %reduce_sum3A_2330[15] : i32 from vector<16xi32>
      %add3A_2332 = arith.addi %add3A_2324, %reduce_sum3A_2331 : i32
      %gt3A_2333 = vector.broadcast %select_n3A_2057 : f32 to vector<16xf32>
      %gt3A_2334 = arith.cmpf ogt, %get3A_2216, %gt3A_2333 : vector<16xf32>
      %convert_element_type3A_2335 = arith.extui %gt3A_2334 : vector<16xi1> to vector<16xi32>
      %reduce_sum3A_2336 = arith.constant true
      %reduce_sum3A_2337 = vector.broadcast %reduce_sum3A_2336 : i1 to vector<16xi1>
      %reduce_sum3A_2338 = tpu.scan <sum>, %convert_element_type3A_2335 masked %reduce_sum3A_2337 : vector<16xi32>, vector<16xi1> -> vector<16xi32>
      %reduce_sum3A_2339 = vector.extract %reduce_sum3A_2338[15] : i32 from vector<16xi32>
      %add3A_2340 = arith.addi %add3A_2332, %reduce_sum3A_2339 : i32
      %gt3A_2341 = vector.broadcast %select_n3A_2057 : f32 to vector<16xf32>
      %gt3A_2342 = arith.cmpf ogt, %get3A_2219, %gt3A_2341 : vector<16xf32>
      %convert_element_type3A_2343 = arith.extui %gt3A_2342 : vector<16xi1> to vector<16xi32>
      %reduce_sum3A_2344 = arith.constant true
      %reduce_sum3A_2345 = vector.broadcast %reduce_sum3A_2344 : i1 to vector<16xi1>
      %reduce_sum3A_2346 = tpu.scan <sum>, %convert_element_type3A_2343 masked %reduce_sum3A_2345 : vector<16xi32>, vector<16xi1> -> vector<16xi32>
      %reduce_sum3A_2347 = vector.extract %reduce_sum3A_2346[15] : i32 from vector<16xi32>
      %add3A_2348 = arith.addi %add3A_2340, %reduce_sum3A_2347 : i32
      %sub3A_2349 = arith.constant 8 : i32
      %sub3A_2350 = arith.subi %sub3A_2349, %add3A_2348 : i32
      %eq3A_2351 = vector.broadcast %select_n3A_2057 : f32 to vector<16xf32>
      %eq3A_2352 = arith.cmpf oeq, %get3A_2174, %eq3A_2351 : vector<16xf32>
      %convert_element_type3A_2353 = arith.extui %eq3A_2352 : vector<16xi1> to vector<16xi32>
      %cumsum3A = arith.constant true
      %cumsum3A_2354 = vector.broadcast %cumsum3A : i1 to vector<16xi1>
      %cumsum3A_2355 = tpu.scan <sum>, %convert_element_type3A_2353 masked %cumsum3A_2354 : vector<16xi32>, vector<16xi1> -> vector<16xi32>
      %add3A_2356 = arith.constant 0 : i32
      %add3A_2357 = vector.broadcast %add3A_2356 : i32 to vector<16xi32>
      %add3A_2358 = arith.addi %cumsum3A_2355, %add3A_2357 : vector<16xi32>
      %gt3A_2359 = vector.broadcast %select_n3A_2057 : f32 to vector<16xf32>
      %gt3A_2360 = arith.cmpf ogt, %get3A_2174, %gt3A_2359 : vector<16xf32>
      %le3A = vector.broadcast %sub3A_2350 : i32 to vector<16xi32>
      %le3A_2361 = arith.cmpi sle, %add3A_2358, %le3A : vector<16xi32>
      %and3A_2362 = arith.andi %eq3A_2352, %le3A_2361 : vector<16xi1>
      %or3A = arith.ori %gt3A_2360, %and3A_2362 : vector<16xi1>
      %jit3A_2363 = arith.constant 0.000000e+00 : f32
      %broadcast_in_dim3A_2364 = vector.broadcast %jit3A_2363 : f32 to vector<16xf32>
      %select_n3A_2365 = arith.select %or3A, %get3A_2174, %broadcast_in_dim3A_2364 : vector<16xi1>, vector<16xf32>
      %swap3A = arith.index_cast %add3A_11 : i32 to index
      %swap3A_2366 = arith.constant 0 : index
      %swap3A_2367 = tpu.vector_load %arg5[%swap3A, %swap3A_2366] {strides = array<i32>} : memref<16x256xf32, #tpu.memory_space<vmem>>, vector<16xf32>,
      tpu.vector_store %arg5[%swap3A, %swap3A_2366], %select_n3A_2365 {strides = array<i32>} : memref<16x256xf32, #tpu.memory_space<vmem>>, vector<16xf32>,
      %convert_element_type3A_2368 = arith.extui %eq3A_2352 : vector<16xi1> to vector<16xi32>
      %reduce_sum3A_2369 = arith.constant true
      %reduce_sum3A_2370 = vector.broadcast %reduce_sum3A_2369 : i1 to vector<16xi1>
      %reduce_sum3A_2371 = tpu.scan <sum>, %convert_element_type3A_2368 masked %reduce_sum3A_2370 : vector<16xi32>, vector<16xi1> -> vector<16xi32>
      %reduce_sum3A_2372 = vector.extract %reduce_sum3A_2371[15] : i32 from vector<16xi32>
      %add3A_2373 = arith.constant 0 : i32
      %add3A_2374 = arith.addi %add3A_2373, %reduce_sum3A_2372 : i32
      %eq3A_2375 = vector.broadcast %select_n3A_2057 : f32 to vector<16xf32>
      %eq3A_2376 = arith.cmpf oeq, %get3A_2177, %eq3A_2375 : vector<16xf32>
      %convert_element_type3A_2377 = arith.extui %eq3A_2376 : vector<16xi1> to vector<16xi32>
      %cumsum3A_2378 = arith.constant true
      %cumsum3A_2379 = vector.broadcast %cumsum3A_2378 : i1 to vector<16xi1>
      %cumsum3A_2380 = tpu.scan <sum>, %convert_element_type3A_2377 masked %cumsum3A_2379 : vector<16xi32>, vector<16xi1> -> vector<16xi32>
      %add3A_2381 = vector.broadcast %add3A_2374 : i32 to vector<16xi32>
      %add3A_2382 = arith.addi %cumsum3A_2380, %add3A_2381 : vector<16xi32>
      %gt3A_2383 = vector.broadcast %select_n3A_2057 : f32 to vector<16xf32>
      %gt3A_2384 = arith.cmpf ogt, %get3A_2177, %gt3A_2383 : vector<16xf32>
      %le3A_2385 = vector.broadcast %sub3A_2350 : i32 to vector<16xi32>
      %le3A_2386 = arith.cmpi sle, %add3A_2382, %le3A_2385 : vector<16xi32>
      %and3A_2387 = arith.andi %eq3A_2376, %le3A_2386 : vector<16xi1>
      %or3A_2388 = arith.ori %gt3A_2384, %and3A_2387 : vector<16xi1>
      %jit3A_2389 = arith.constant 0.000000e+00 : f32
      %broadcast_in_dim3A_2390 = vector.broadcast %jit3A_2389 : f32 to vector<16xf32>
      %select_n3A_2391 = arith.select %or3A_2388, %get3A_2177, %broadcast_in_dim3A_2390 : vector<16xi1>, vector<16xf32>
      %swap3A_2392 = arith.index_cast %add3A_11 : i32 to index
      %swap3A_2393 = arith.constant 16 : index
      %swap3A_2394 = tpu.vector_load %arg5[%swap3A_2392, %swap3A_2393] {strides = array<i32>} : memref<16x256xf32, #tpu.memory_space<vmem>>, vector<16xf32>,
      tpu.vector_store %arg5[%swap3A_2392, %swap3A_2393], %select_n3A_2391 {strides = array<i32>} : memref<16x256xf32, #tpu.memory_space<vmem>>, vector<16xf32>,
      %convert_element_type3A_2395 = arith.extui %eq3A_2376 : vector<16xi1> to vector<16xi32>
      %reduce_sum3A_2396 = arith.constant true
      %reduce_sum3A_2397 = vector.broadcast %reduce_sum3A_2396 : i1 to vector<16xi1>
      %reduce_sum3A_2398 = tpu.scan <sum>, %convert_element_type3A_2395 masked %reduce_sum3A_2397 : vector<16xi32>, vector<16xi1> -> vector<16xi32>
      %reduce_sum3A_2399 = vector.extract %reduce_sum3A_2398[15] : i32 from vector<16xi32>
      %add3A_2400 = arith.addi %add3A_2374, %reduce_sum3A_2399 : i32
      %eq3A_2401 = vector.broadcast %select_n3A_2057 : f32 to vector<16xf32>
      %eq3A_2402 = arith.cmpf oeq, %get3A_2180, %eq3A_2401 : vector<16xf32>
      %convert_element_type3A_2403 = arith.extui %eq3A_2402 : vector<16xi1> to vector<16xi32>
      %cumsum3A_2404 = arith.constant true
      %cumsum3A_2405 = vector.broadcast %cumsum3A_2404 : i1 to vector<16xi1>
      %cumsum3A_2406 = tpu.scan <sum>, %convert_element_type3A_2403 masked %cumsum3A_2405 : vector<16xi32>, vector<16xi1> -> vector<16xi32>
      %add3A_2407 = vector.broadcast %add3A_2400 : i32 to vector<16xi32>
      %add3A_2408 = arith.addi %cumsum3A_2406, %add3A_2407 : vector<16xi32>
      %gt3A_2409 = vector.broadcast %select_n3A_2057 : f32 to vector<16xf32>
      %gt3A_2410 = arith.cmpf ogt, %get3A_2180, %gt3A_2409 : vector<16xf32>
      %le3A_2411 = vector.broadcast %sub3A_2350 : i32 to vector<16xi32>
      %le3A_2412 = arith.cmpi sle, %add3A_2408, %le3A_2411 : vector<16xi32>
      %and3A_2413 = arith.andi %eq3A_2402, %le3A_2412 : vector<16xi1>
      %or3A_2414 = arith.ori %gt3A_2410, %and3A_2413 : vector<16xi1>
      %jit3A_2415 = arith.constant 0.000000e+00 : f32
      %broadcast_in_dim3A_2416 = vector.broadcast %jit3A_2415 : f32 to vector<16xf32>
      %select_n3A_2417 = arith.select %or3A_2414, %get3A_2180, %broadcast_in_dim3A_2416 : vector<16xi1>, vector<16xf32>
      %swap3A_2418 = arith.index_cast %add3A_11 : i32 to index
      %swap3A_2419 = arith.constant 32 : index
      %swap3A_2420 = tpu.vector_load %arg5[%swap3A_2418, %swap3A_2419] {strides = array<i32>} : memref<16x256xf32, #tpu.memory_space<vmem>>, vector<16xf32>,
      tpu.vector_store %arg5[%swap3A_2418, %swap3A_2419], %select_n3A_2417 {strides = array<i32>} : memref<16x256xf32, #tpu.memory_space<vmem>>, vector<16xf32>,
      %convert_element_type3A_2421 = arith.extui %eq3A_2402 : vector<16xi1> to vector<16xi32>
      %reduce_sum3A_2422 = arith.constant true
      %reduce_sum3A_2423 = vector.broadcast %reduce_sum3A_2422 : i1 to vector<16xi1>
      %reduce_sum3A_2424 = tpu.scan <sum>, %convert_element_type3A_2421 masked %reduce_sum3A_2423 : vector<16xi32>, vector<16xi1> -> vector<16xi32>
      %reduce_sum3A_2425 = vector.extract %reduce_sum3A_2424[15] : i32 from vector<16xi32>
      %add3A_2426 = arith.addi %add3A_2400, %reduce_sum3A_2425 : i32
      %eq3A_2427 = vector.broadcast %select_n3A_2057 : f32 to vector<16xf32>
      %eq3A_2428 = arith.cmpf oeq, %get3A_2183, %eq3A_2427 : vector<16xf32>
      %convert_element_type3A_2429 = arith.extui %eq3A_2428 : vector<16xi1> to vector<16xi32>
      %cumsum3A_2430 = arith.constant true
      %cumsum3A_2431 = vector.broadcast %cumsum3A_2430 : i1 to vector<16xi1>
      %cumsum3A_2432 = tpu.scan <sum>, %convert_element_type3A_2429 masked %cumsum3A_2431 : vector<16xi32>, vector<16xi1> -> vector<16xi32>
      %add3A_2433 = vector.broadcast %add3A_2426 : i32 to vector<16xi32>
      %add3A_2434 = arith.addi %cumsum3A_2432, %add3A_2433 : vector<16xi32>
      %gt3A_2435 = vector.broadcast %select_n3A_2057 : f32 to vector<16xf32>
      %gt3A_2436 = arith.cmpf ogt, %get3A_2183, %gt3A_2435 : vector<16xf32>
      %le3A_2437 = vector.broadcast %sub3A_2350 : i32 to vector<16xi32>
      %le3A_2438 = arith.cmpi sle, %add3A_2434, %le3A_2437 : vector<16xi32>
      %and3A_2439 = arith.andi %eq3A_2428, %le3A_2438 : vector<16xi1>
      %or3A_2440 = arith.ori %gt3A_2436, %and3A_2439 : vector<16xi1>
      %jit3A_2441 = arith.constant 0.000000e+00 : f32
      %broadcast_in_dim3A_2442 = vector.broadcast %jit3A_2441 : f32 to vector<16xf32>
      %select_n3A_2443 = arith.select %or3A_2440, %get3A_2183, %broadcast_in_dim3A_2442 : vector<16xi1>, vector<16xf32>
      %swap3A_2444 = arith.index_cast %add3A_11 : i32 to index
      %swap3A_2445 = arith.constant 48 : index
      %swap3A_2446 = tpu.vector_load %arg5[%swap3A_2444, %swap3A_2445] {strides = array<i32>} : memref<16x256xf32, #tpu.memory_space<vmem>>, vector<16xf32>,
      tpu.vector_store %arg5[%swap3A_2444, %swap3A_2445], %select_n3A_2443 {strides = array<i32>} : memref<16x256xf32, #tpu.memory_space<vmem>>, vector<16xf32>,
      %convert_element_type3A_2447 = arith.extui %eq3A_2428 : vector<16xi1> to vector<16xi32>
      %reduce_sum3A_2448 = arith.constant true
      %reduce_sum3A_2449 = vector.broadcast %reduce_sum3A_2448 : i1 to vector<16xi1>
      %reduce_sum3A_2450 = tpu.scan <sum>, %convert_element_type3A_2447 masked %reduce_sum3A_2449 : vector<16xi32>, vector<16xi1> -> vector<16xi32>
      %reduce_sum3A_2451 = vector.extract %reduce_sum3A_2450[15] : i32 from vector<16xi32>
      %add3A_2452 = arith.addi %add3A_2426, %reduce_sum3A_2451 : i32
      %eq3A_2453 = vector.broadcast %select_n3A_2057 : f32 to vector<16xf32>
      %eq3A_2454 = arith.cmpf oeq, %get3A_2186, %eq3A_2453 : vector<16xf32>
      %convert_element_type3A_2455 = arith.extui %eq3A_2454 : vector<16xi1> to vector<16xi32>
      %cumsum3A_2456 = arith.constant true
      %cumsum3A_2457 = vector.broadcast %cumsum3A_2456 : i1 to vector<16xi1>
      %cumsum3A_2458 = tpu.scan <sum>, %convert_element_type3A_2455 masked %cumsum3A_2457 : vector<16xi32>, vector<16xi1> -> vector<16xi32>
      %add3A_2459 = vector.broadcast %add3A_2452 : i32 to vector<16xi32>
      %add3A_2460 = arith.addi %cumsum3A_2458, %add3A_2459 : vector<16xi32>
      %gt3A_2461 = vector.broadcast %select_n3A_2057 : f32 to vector<16xf32>
      %gt3A_2462 = arith.cmpf ogt, %get3A_2186, %gt3A_2461 : vector<16xf32>
      %le3A_2463 = vector.broadcast %sub3A_2350 : i32 to vector<16xi32>
      %le3A_2464 = arith.cmpi sle, %add3A_2460, %le3A_2463 : vector<16xi32>
      %and3A_2465 = arith.andi %eq3A_2454, %le3A_2464 : vector<16xi1>
      %or3A_2466 = arith.ori %gt3A_2462, %and3A_2465 : vector<16xi1>
      %jit3A_2467 = arith.constant 0.000000e+00 : f32
      %broadcast_in_dim3A_2468 = vector.broadcast %jit3A_2467 : f32 to vector<16xf32>
      %select_n3A_2469 = arith.select %or3A_2466, %get3A_2186, %broadcast_in_dim3A_2468 : vector<16xi1>, vector<16xf32>
      %swap3A_2470 = arith.index_cast %add3A_11 : i32 to index
      %swap3A_2471 = arith.constant 64 : index
      %swap3A_2472 = tpu.vector_load %arg5[%swap3A_2470, %swap3A_2471] {strides = array<i32>} : memref<16x256xf32, #tpu.memory_space<vmem>>, vector<16xf32>,
      tpu.vector_store %arg5[%swap3A_2470, %swap3A_2471], %select_n3A_2469 {strides = array<i32>} : memref<16x256xf32, #tpu.memory_space<vmem>>, vector<16xf32>,
      %convert_element_type3A_2473 = arith.extui %eq3A_2454 : vector<16xi1> to vector<16xi32>
      %reduce_sum3A_2474 = arith.constant true
      %reduce_sum3A_2475 = vector.broadcast %reduce_sum3A_2474 : i1 to vector<16xi1>
      %reduce_sum3A_2476 = tpu.scan <sum>, %convert_element_type3A_2473 masked %reduce_sum3A_2475 : vector<16xi32>, vector<16xi1> -> vector<16xi32>
      %reduce_sum3A_2477 = vector.extract %reduce_sum3A_2476[15] : i32 from vector<16xi32>
      %add3A_2478 = arith.addi %add3A_2452, %reduce_sum3A_2477 : i32
      %eq3A_2479 = vector.broadcast %select_n3A_2057 : f32 to vector<16xf32>
      %eq3A_2480 = arith.cmpf oeq, %get3A_2189, %eq3A_2479 : vector<16xf32>
      %convert_element_type3A_2481 = arith.extui %eq3A_2480 : vector<16xi1> to vector<16xi32>
      %cumsum3A_2482 = arith.constant true
      %cumsum3A_2483 = vector.broadcast %cumsum3A_2482 : i1 to vector<16xi1>
      %cumsum3A_2484 = tpu.scan <sum>, %convert_element_type3A_2481 masked %cumsum3A_2483 : vector<16xi32>, vector<16xi1> -> vector<16xi32>
      %add3A_2485 = vector.broadcast %add3A_2478 : i32 to vector<16xi32>
      %add3A_2486 = arith.addi %cumsum3A_2484, %add3A_2485 : vector<16xi32>
      %gt3A_2487 = vector.broadcast %select_n3A_2057 : f32 to vector<16xf32>
      %gt3A_2488 = arith.cmpf ogt, %get3A_2189, %gt3A_2487 : vector<16xf32>
      %le3A_2489 = vector.broadcast %sub3A_2350 : i32 to vector<16xi32>
      %le3A_2490 = arith.cmpi sle, %add3A_2486, %le3A_2489 : vector<16xi32>
      %and3A_2491 = arith.andi %eq3A_2480, %le3A_2490 : vector<16xi1>
      %or3A_2492 = arith.ori %gt3A_2488, %and3A_2491 : vector<16xi1>
      %jit3A_2493 = arith.constant 0.000000e+00 : f32
      %broadcast_in_dim3A_2494 = vector.broadcast %jit3A_2493 : f32 to vector<16xf32>
      %select_n3A_2495 = arith.select %or3A_2492, %get3A_2189, %broadcast_in_dim3A_2494 : vector<16xi1>, vector<16xf32>
      %swap3A_2496 = arith.index_cast %add3A_11 : i32 to index
      %swap3A_2497 = arith.constant 80 : index
      %swap3A_2498 = tpu.vector_load %arg5[%swap3A_2496, %swap3A_2497] {strides = array<i32>} : memref<16x256xf32, #tpu.memory_space<vmem>>, vector<16xf32>,
      tpu.vector_store %arg5[%swap3A_2496, %swap3A_2497], %select_n3A_2495 {strides = array<i32>} : memref<16x256xf32, #tpu.memory_space<vmem>>, vector<16xf32>,
      %convert_element_type3A_2499 = arith.extui %eq3A_2480 : vector<16xi1> to vector<16xi32>
      %reduce_sum3A_2500 = arith.constant true
      %reduce_sum3A_2501 = vector.broadcast %reduce_sum3A_2500 : i1 to vector<16xi1>
      %reduce_sum3A_2502 = tpu.scan <sum>, %convert_element_type3A_2499 masked %reduce_sum3A_2501 : vector<16xi32>, vector<16xi1> -> vector<16xi32>
      %reduce_sum3A_2503 = vector.extract %reduce_sum3A_2502[15] : i32 from vector<16xi32>
      %add3A_2504 = arith.addi %add3A_2478, %reduce_sum3A_2503 : i32
      %eq3A_2505 = vector.broadcast %select_n3A_2057 : f32 to vector<16xf32>
      %eq3A_2506 = arith.cmpf oeq, %get3A_2192, %eq3A_2505 : vector<16xf32>
      %convert_element_type3A_2507 = arith.extui %eq3A_2506 : vector<16xi1> to vector<16xi32>
      %cumsum3A_2508 = arith.constant true
      %cumsum3A_2509 = vector.broadcast %cumsum3A_2508 : i1 to vector<16xi1>
      %cumsum3A_2510 = tpu.scan <sum>, %convert_element_type3A_2507 masked %cumsum3A_2509 : vector<16xi32>, vector<16xi1> -> vector<16xi32>
      %add3A_2511 = vector.broadcast %add3A_2504 : i32 to vector<16xi32>
      %add3A_2512 = arith.addi %cumsum3A_2510, %add3A_2511 : vector<16xi32>
      %gt3A_2513 = vector.broadcast %select_n3A_2057 : f32 to vector<16xf32>
      %gt3A_2514 = arith.cmpf ogt, %get3A_2192, %gt3A_2513 : vector<16xf32>
      %le3A_2515 = vector.broadcast %sub3A_2350 : i32 to vector<16xi32>
      %le3A_2516 = arith.cmpi sle, %add3A_2512, %le3A_2515 : vector<16xi32>
      %and3A_2517 = arith.andi %eq3A_2506, %le3A_2516 : vector<16xi1>
      %or3A_2518 = arith.ori %gt3A_2514, %and3A_2517 : vector<16xi1>
      %jit3A_2519 = arith.constant 0.000000e+00 : f32
      %broadcast_in_dim3A_2520 = vector.broadcast %jit3A_2519 : f32 to vector<16xf32>
      %select_n3A_2521 = arith.select %or3A_2518, %get3A_2192, %broadcast_in_dim3A_2520 : vector<16xi1>, vector<16xf32>
      %swap3A_2522 = arith.index_cast %add3A_11 : i32 to index
      %swap3A_2523 = arith.constant 96 : index
      %swap3A_2524 = tpu.vector_load %arg5[%swap3A_2522, %swap3A_2523] {strides = array<i32>} : memref<16x256xf32, #tpu.memory_space<vmem>>, vector<16xf32>,
      tpu.vector_store %arg5[%swap3A_2522, %swap3A_2523], %select_n3A_2521 {strides = array<i32>} : memref<16x256xf32, #tpu.memory_space<vmem>>, vector<16xf32>,
      %convert_element_type3A_2525 = arith.extui %eq3A_2506 : vector<16xi1> to vector<16xi32>
      %reduce_sum3A_2526 = arith.constant true
      %reduce_sum3A_2527 = vector.broadcast %reduce_sum3A_2526 : i1 to vector<16xi1>
      %reduce_sum3A_2528 = tpu.scan <sum>, %convert_element_type3A_2525 masked %reduce_sum3A_2527 : vector<16xi32>, vector<16xi1> -> vector<16xi32>
      %reduce_sum3A_2529 = vector.extract %reduce_sum3A_2528[15] : i32 from vector<16xi32>
      %add3A_2530 = arith.addi %add3A_2504, %reduce_sum3A_2529 : i32
      %eq3A_2531 = vector.broadcast %select_n3A_2057 : f32 to vector<16xf32>
      %eq3A_2532 = arith.cmpf oeq, %get3A_2195, %eq3A_2531 : vector<16xf32>
      %convert_element_type3A_2533 = arith.extui %eq3A_2532 : vector<16xi1> to vector<16xi32>
      %cumsum3A_2534 = arith.constant true
      %cumsum3A_2535 = vector.broadcast %cumsum3A_2534 : i1 to vector<16xi1>
      %cumsum3A_2536 = tpu.scan <sum>, %convert_element_type3A_2533 masked %cumsum3A_2535 : vector<16xi32>, vector<16xi1> -> vector<16xi32>
      %add3A_2537 = vector.broadcast %add3A_2530 : i32 to vector<16xi32>
      %add3A_2538 = arith.addi %cumsum3A_2536, %add3A_2537 : vector<16xi32>
      %gt3A_2539 = vector.broadcast %select_n3A_2057 : f32 to vector<16xf32>
      %gt3A_2540 = arith.cmpf ogt, %get3A_2195, %gt3A_2539 : vector<16xf32>
      %le3A_2541 = vector.broadcast %sub3A_2350 : i32 to vector<16xi32>
      %le3A_2542 = arith.cmpi sle, %add3A_2538, %le3A_2541 : vector<16xi32>
      %and3A_2543 = arith.andi %eq3A_2532, %le3A_2542 : vector<16xi1>
      %or3A_2544 = arith.ori %gt3A_2540, %and3A_2543 : vector<16xi1>
      %jit3A_2545 = arith.constant 0.000000e+00 : f32
      %broadcast_in_dim3A_2546 = vector.broadcast %jit3A_2545 : f32 to vector<16xf32>
      %select_n3A_2547 = arith.select %or3A_2544, %get3A_2195, %broadcast_in_dim3A_2546 : vector<16xi1>, vector<16xf32>
      %swap3A_2548 = arith.index_cast %add3A_11 : i32 to index
      %swap3A_2549 = arith.constant 112 : index
      %swap3A_2550 = tpu.vector_load %arg5[%swap3A_2548, %swap3A_2549] {strides = array<i32>} : memref<16x256xf32, #tpu.memory_space<vmem>>, vector<16xf32>,
      tpu.vector_store %arg5[%swap3A_2548, %swap3A_2549], %select_n3A_2547 {strides = array<i32>} : memref<16x256xf32, #tpu.memory_space<vmem>>, vector<16xf32>,
      %convert_element_type3A_2551 = arith.extui %eq3A_2532 : vector<16xi1> to vector<16xi32>
      %reduce_sum3A_2552 = arith.constant true
      %reduce_sum3A_2553 = vector.broadcast %reduce_sum3A_2552 : i1 to vector<16xi1>
      %reduce_sum3A_2554 = tpu.scan <sum>, %convert_element_type3A_2551 masked %reduce_sum3A_2553 : vector<16xi32>, vector<16xi1> -> vector<16xi32>
      %reduce_sum3A_2555 = vector.extract %reduce_sum3A_2554[15] : i32 from vector<16xi32>
      %add3A_2556 = arith.addi %add3A_2530, %reduce_sum3A_2555 : i32
      %eq3A_2557 = vector.broadcast %select_n3A_2057 : f32 to vector<16xf32>
      %eq3A_2558 = arith.cmpf oeq, %get3A_2198, %eq3A_2557 : vector<16xf32>
      %convert_element_type3A_2559 = arith.extui %eq3A_2558 : vector<16xi1> to vector<16xi32>
      %cumsum3A_2560 = arith.constant true
      %cumsum3A_2561 = vector.broadcast %cumsum3A_2560 : i1 to vector<16xi1>
      %cumsum3A_2562 = tpu.scan <sum>, %convert_element_type3A_2559 masked %cumsum3A_2561 : vector<16xi32>, vector<16xi1> -> vector<16xi32>
      %add3A_2563 = vector.broadcast %add3A_2556 : i32 to vector<16xi32>
      %add3A_2564 = arith.addi %cumsum3A_2562, %add3A_2563 : vector<16xi32>
      %gt3A_2565 = vector.broadcast %select_n3A_2057 : f32 to vector<16xf32>
      %gt3A_2566 = arith.cmpf ogt, %get3A_2198, %gt3A_2565 : vector<16xf32>
      %le3A_2567 = vector.broadcast %sub3A_2350 : i32 to vector<16xi32>
      %le3A_2568 = arith.cmpi sle, %add3A_2564, %le3A_2567 : vector<16xi32>
      %and3A_2569 = arith.andi %eq3A_2558, %le3A_2568 : vector<16xi1>
      %or3A_2570 = arith.ori %gt3A_2566, %and3A_2569 : vector<16xi1>
      %jit3A_2571 = arith.constant 0.000000e+00 : f32
      %broadcast_in_dim3A_2572 = vector.broadcast %jit3A_2571 : f32 to vector<16xf32>
      %select_n3A_2573 = arith.select %or3A_2570, %get3A_2198, %broadcast_in_dim3A_2572 : vector<16xi1>, vector<16xf32>
      %swap3A_2574 = arith.index_cast %add3A_11 : i32 to index
      %swap3A_2575 = arith.constant 128 : index
      %swap3A_2576 = tpu.vector_load %arg5[%swap3A_2574, %swap3A_2575] {strides = array<i32>} : memref<16x256xf32, #tpu.memory_space<vmem>>, vector<16xf32>,
      tpu.vector_store %arg5[%swap3A_2574, %swap3A_2575], %select_n3A_2573 {strides = array<i32>} : memref<16x256xf32, #tpu.memory_space<vmem>>, vector<16xf32>,
      %convert_element_type3A_2577 = arith.extui %eq3A_2558 : vector<16xi1> to vector<16xi32>
      %reduce_sum3A_2578 = arith.constant true
      %reduce_sum3A_2579 = vector.broadcast %reduce_sum3A_2578 : i1 to vector<16xi1>
      %reduce_sum3A_2580 = tpu.scan <sum>, %convert_element_type3A_2577 masked %reduce_sum3A_2579 : vector<16xi32>, vector<16xi1> -> vector<16xi32>
      %reduce_sum3A_2581 = vector.extract %reduce_sum3A_2580[15] : i32 from vector<16xi32>
      %add3A_2582 = arith.addi %add3A_2556, %reduce_sum3A_2581 : i32
      %eq3A_2583 = vector.broadcast %select_n3A_2057 : f32 to vector<16xf32>
      %eq3A_2584 = arith.cmpf oeq, %get3A_2201, %eq3A_2583 : vector<16xf32>
      %convert_element_type3A_2585 = arith.extui %eq3A_2584 : vector<16xi1> to vector<16xi32>
      %cumsum3A_2586 = arith.constant true
      %cumsum3A_2587 = vector.broadcast %cumsum3A_2586 : i1 to vector<16xi1>
      %cumsum3A_2588 = tpu.scan <sum>, %convert_element_type3A_2585 masked %cumsum3A_2587 : vector<16xi32>, vector<16xi1> -> vector<16xi32>
      %add3A_2589 = vector.broadcast %add3A_2582 : i32 to vector<16xi32>
      %add3A_2590 = arith.addi %cumsum3A_2588, %add3A_2589 : vector<16xi32>
      %gt3A_2591 = vector.broadcast %select_n3A_2057 : f32 to vector<16xf32>
      %gt3A_2592 = arith.cmpf ogt, %get3A_2201, %gt3A_2591 : vector<16xf32>
      %le3A_2593 = vector.broadcast %sub3A_2350 : i32 to vector<16xi32>
      %le3A_2594 = arith.cmpi sle, %add3A_2590, %le3A_2593 : vector<16xi32>
      %and3A_2595 = arith.andi %eq3A_2584, %le3A_2594 : vector<16xi1>
      %or3A_2596 = arith.ori %gt3A_2592, %and3A_2595 : vector<16xi1>
      %jit3A_2597 = arith.constant 0.000000e+00 : f32
      %broadcast_in_dim3A_2598 = vector.broadcast %jit3A_2597 : f32 to vector<16xf32>
      %select_n3A_2599 = arith.select %or3A_2596, %get3A_2201, %broadcast_in_dim3A_2598 : vector<16xi1>, vector<16xf32>
      %swap3A_2600 = arith.index_cast %add3A_11 : i32 to index
      %swap3A_2601 = arith.constant 144 : index
      %swap3A_2602 = tpu.vector_load %arg5[%swap3A_2600, %swap3A_2601] {strides = array<i32>} : memref<16x256xf32, #tpu.memory_space<vmem>>, vector<16xf32>,
      tpu.vector_store %arg5[%swap3A_2600, %swap3A_2601], %select_n3A_2599 {strides = array<i32>} : memref<16x256xf32, #tpu.memory_space<vmem>>, vector<16xf32>,
      %convert_element_type3A_2603 = arith.extui %eq3A_2584 : vector<16xi1> to vector<16xi32>
      %reduce_sum3A_2604 = arith.constant true
      %reduce_sum3A_2605 = vector.broadcast %reduce_sum3A_2604 : i1 to vector<16xi1>
      %reduce_sum3A_2606 = tpu.scan <sum>, %convert_element_type3A_2603 masked %reduce_sum3A_2605 : vector<16xi32>, vector<16xi1> -> vector<16xi32>
      %reduce_sum3A_2607 = vector.extract %reduce_sum3A_2606[15] : i32 from vector<16xi32>
      %add3A_2608 = arith.addi %add3A_2582, %reduce_sum3A_2607 : i32
      %eq3A_2609 = vector.broadcast %select_n3A_2057 : f32 to vector<16xf32>
      %eq3A_2610 = arith.cmpf oeq, %get3A_2204, %eq3A_2609 : vector<16xf32>
      %convert_element_type3A_2611 = arith.extui %eq3A_2610 : vector<16xi1> to vector<16xi32>
      %cumsum3A_2612 = arith.constant true
      %cumsum3A_2613 = vector.broadcast %cumsum3A_2612 : i1 to vector<16xi1>
      %cumsum3A_2614 = tpu.scan <sum>, %convert_element_type3A_2611 masked %cumsum3A_2613 : vector<16xi32>, vector<16xi1> -> vector<16xi32>
      %add3A_2615 = vector.broadcast %add3A_2608 : i32 to vector<16xi32>
      %add3A_2616 = arith.addi %cumsum3A_2614, %add3A_2615 : vector<16xi32>
      %gt3A_2617 = vector.broadcast %select_n3A_2057 : f32 to vector<16xf32>
      %gt3A_2618 = arith.cmpf ogt, %get3A_2204, %gt3A_2617 : vector<16xf32>
      %le3A_2619 = vector.broadcast %sub3A_2350 : i32 to vector<16xi32>
      %le3A_2620 = arith.cmpi sle, %add3A_2616, %le3A_2619 : vector<16xi32>
      %and3A_2621 = arith.andi %eq3A_2610, %le3A_2620 : vector<16xi1>
      %or3A_2622 = arith.ori %gt3A_2618, %and3A_2621 : vector<16xi1>
      %jit3A_2623 = arith.constant 0.000000e+00 : f32
      %broadcast_in_dim3A_2624 = vector.broadcast %jit3A_2623 : f32 to vector<16xf32>
      %select_n3A_2625 = arith.select %or3A_2622, %get3A_2204, %broadcast_in_dim3A_2624 : vector<16xi1>, vector<16xf32>
      %swap3A_2626 = arith.index_cast %add3A_11 : i32 to index
      %swap3A_2627 = arith.constant 160 : index
      %swap3A_2628 = tpu.vector_load %arg5[%swap3A_2626, %swap3A_2627] {strides = array<i32>} : memref<16x256xf32, #tpu.memory_space<vmem>>, vector<16xf32>,
      tpu.vector_store %arg5[%swap3A_2626, %swap3A_2627], %select_n3A_2625 {strides = array<i32>} : memref<16x256xf32, #tpu.memory_space<vmem>>, vector<16xf32>,
      %convert_element_type3A_2629 = arith.extui %eq3A_2610 : vector<16xi1> to vector<16xi32>
      %reduce_sum3A_2630 = arith.constant true
      %reduce_sum3A_2631 = vector.broadcast %reduce_sum3A_2630 : i1 to vector<16xi1>
      %reduce_sum3A_2632 = tpu.scan <sum>, %convert_element_type3A_2629 masked %reduce_sum3A_2631 : vector<16xi32>, vector<16xi1> -> vector<16xi32>
      %reduce_sum3A_2633 = vector.extract %reduce_sum3A_2632[15] : i32 from vector<16xi32>
      %add3A_2634 = arith.addi %add3A_2608, %reduce_sum3A_2633 : i32
      %eq3A_2635 = vector.broadcast %select_n3A_2057 : f32 to vector<16xf32>
      %eq3A_2636 = arith.cmpf oeq, %get3A_2207, %eq3A_2635 : vector<16xf32>
      %convert_element_type3A_2637 = arith.extui %eq3A_2636 : vector<16xi1> to vector<16xi32>
      %cumsum3A_2638 = arith.constant true
      %cumsum3A_2639 = vector.broadcast %cumsum3A_2638 : i1 to vector<16xi1>
      %cumsum3A_2640 = tpu.scan <sum>, %convert_element_type3A_2637 masked %cumsum3A_2639 : vector<16xi32>, vector<16xi1> -> vector<16xi32>
      %add3A_2641 = vector.broadcast %add3A_2634 : i32 to vector<16xi32>
      %add3A_2642 = arith.addi %cumsum3A_2640, %add3A_2641 : vector<16xi32>
      %gt3A_2643 = vector.broadcast %select_n3A_2057 : f32 to vector<16xf32>
      %gt3A_2644 = arith.cmpf ogt, %get3A_2207, %gt3A_2643 : vector<16xf32>
      %le3A_2645 = vector.broadcast %sub3A_2350 : i32 to vector<16xi32>
      %le3A_2646 = arith.cmpi sle, %add3A_2642, %le3A_2645 : vector<16xi32>
      %and3A_2647 = arith.andi %eq3A_2636, %le3A_2646 : vector<16xi1>
      %or3A_2648 = arith.ori %gt3A_2644, %and3A_2647 : vector<16xi1>
      %jit3A_2649 = arith.constant 0.000000e+00 : f32
      %broadcast_in_dim3A_2650 = vector.broadcast %jit3A_2649 : f32 to vector<16xf32>
      %select_n3A_2651 = arith.select %or3A_2648, %get3A_2207, %broadcast_in_dim3A_2650 : vector<16xi1>, vector<16xf32>
      %swap3A_2652 = arith.index_cast %add3A_11 : i32 to index
      %swap3A_2653 = arith.constant 176 : index
      %swap3A_2654 = tpu.vector_load %arg5[%swap3A_2652, %swap3A_2653] {strides = array<i32>} : memref<16x256xf32, #tpu.memory_space<vmem>>, vector<16xf32>,
      tpu.vector_store %arg5[%swap3A_2652, %swap3A_2653], %select_n3A_2651 {strides = array<i32>} : memref<16x256xf32, #tpu.memory_space<vmem>>, vector<16xf32>,
      %convert_element_type3A_2655 = arith.extui %eq3A_2636 : vector<16xi1> to vector<16xi32>
      %reduce_sum3A_2656 = arith.constant true
      %reduce_sum3A_2657 = vector.broadcast %reduce_sum3A_2656 : i1 to vector<16xi1>
      %reduce_sum3A_2658 = tpu.scan <sum>, %convert_element_type3A_2655 masked %reduce_sum3A_2657 : vector<16xi32>, vector<16xi1> -> vector<16xi32>
      %reduce_sum3A_2659 = vector.extract %reduce_sum3A_2658[15] : i32 from vector<16xi32>
      %add3A_2660 = arith.addi %add3A_2634, %reduce_sum3A_2659 : i32
      %eq3A_2661 = vector.broadcast %select_n3A_2057 : f32 to vector<16xf32>
      %eq3A_2662 = arith.cmpf oeq, %get3A_2210, %eq3A_2661 : vector<16xf32>
      %convert_element_type3A_2663 = arith.extui %eq3A_2662 : vector<16xi1> to vector<16xi32>
      %cumsum3A_2664 = arith.constant true
      %cumsum3A_2665 = vector.broadcast %cumsum3A_2664 : i1 to vector<16xi1>
      %cumsum3A_2666 = tpu.scan <sum>, %convert_element_type3A_2663 masked %cumsum3A_2665 : vector<16xi32>, vector<16xi1> -> vector<16xi32>
      %add3A_2667 = vector.broadcast %add3A_2660 : i32 to vector<16xi32>
      %add3A_2668 = arith.addi %cumsum3A_2666, %add3A_2667 : vector<16xi32>
      %gt3A_2669 = vector.broadcast %select_n3A_2057 : f32 to vector<16xf32>
      %gt3A_2670 = arith.cmpf ogt, %get3A_2210, %gt3A_2669 : vector<16xf32>
      %le3A_2671 = vector.broadcast %sub3A_2350 : i32 to vector<16xi32>
      %le3A_2672 = arith.cmpi sle, %add3A_2668, %le3A_2671 : vector<16xi32>
      %and3A_2673 = arith.andi %eq3A_2662, %le3A_2672 : vector<16xi1>
      %or3A_2674 = arith.ori %gt3A_2670, %and3A_2673 : vector<16xi1>
      %jit3A_2675 = arith.constant 0.000000e+00 : f32
      %broadcast_in_dim3A_2676 = vector.broadcast %jit3A_2675 : f32 to vector<16xf32>
      %select_n3A_2677 = arith.select %or3A_2674, %get3A_2210, %broadcast_in_dim3A_2676 : vector<16xi1>, vector<16xf32>
      %swap3A_2678 = arith.index_cast %add3A_11 : i32 to index
      %swap3A_2679 = arith.constant 192 : index
      %swap3A_2680 = tpu.vector_load %arg5[%swap3A_2678, %swap3A_2679] {strides = array<i32>} : memref<16x256xf32, #tpu.memory_space<vmem>>, vector<16xf32>,
      tpu.vector_store %arg5[%swap3A_2678, %swap3A_2679], %select_n3A_2677 {strides = array<i32>} : memref<16x256xf32, #tpu.memory_space<vmem>>, vector<16xf32>,
      %convert_element_type3A_2681 = arith.extui %eq3A_2662 : vector<16xi1> to vector<16xi32>
      %reduce_sum3A_2682 = arith.constant true
      %reduce_sum3A_2683 = vector.broadcast %reduce_sum3A_2682 : i1 to vector<16xi1>
      %reduce_sum3A_2684 = tpu.scan <sum>, %convert_element_type3A_2681 masked %reduce_sum3A_2683 : vector<16xi32>, vector<16xi1> -> vector<16xi32>
      %reduce_sum3A_2685 = vector.extract %reduce_sum3A_2684[15] : i32 from vector<16xi32>
      %add3A_2686 = arith.addi %add3A_2660, %reduce_sum3A_2685 : i32
      %eq3A_2687 = vector.broadcast %select_n3A_2057 : f32 to vector<16xf32>
      %eq3A_2688 = arith.cmpf oeq, %get3A_2213, %eq3A_2687 : vector<16xf32>
      %convert_element_type3A_2689 = arith.extui %eq3A_2688 : vector<16xi1> to vector<16xi32>
      %cumsum3A_2690 = arith.constant true
      %cumsum3A_2691 = vector.broadcast %cumsum3A_2690 : i1 to vector<16xi1>
      %cumsum3A_2692 = tpu.scan <sum>, %convert_element_type3A_2689 masked %cumsum3A_2691 : vector<16xi32>, vector<16xi1> -> vector<16xi32>
      %add3A_2693 = vector.broadcast %add3A_2686 : i32 to vector<16xi32>
      %add3A_2694 = arith.addi %cumsum3A_2692, %add3A_2693 : vector<16xi32>
      %gt3A_2695 = vector.broadcast %select_n3A_2057 : f32 to vector<16xf32>
      %gt3A_2696 = arith.cmpf ogt, %get3A_2213, %gt3A_2695 : vector<16xf32>
      %le3A_2697 = vector.broadcast %sub3A_2350 : i32 to vector<16xi32>
      %le3A_2698 = arith.cmpi sle, %add3A_2694, %le3A_2697 : vector<16xi32>
      %and3A_2699 = arith.andi %eq3A_2688, %le3A_2698 : vector<16xi1>
      %or3A_2700 = arith.ori %gt3A_2696, %and3A_2699 : vector<16xi1>
      %jit3A_2701 = arith.constant 0.000000e+00 : f32
      %broadcast_in_dim3A_2702 = vector.broadcast %jit3A_2701 : f32 to vector<16xf32>
      %select_n3A_2703 = arith.select %or3A_2700, %get3A_2213, %broadcast_in_dim3A_2702 : vector<16xi1>, vector<16xf32>
      %swap3A_2704 = arith.index_cast %add3A_11 : i32 to index
      %swap3A_2705 = arith.constant 208 : index
      %swap3A_2706 = tpu.vector_load %arg5[%swap3A_2704, %swap3A_2705] {strides = array<i32>} : memref<16x256xf32, #tpu.memory_space<vmem>>, vector<16xf32>,
      tpu.vector_store %arg5[%swap3A_2704, %swap3A_2705], %select_n3A_2703 {strides = array<i32>} : memref<16x256xf32, #tpu.memory_space<vmem>>, vector<16xf32>,
      %convert_element_type3A_2707 = arith.extui %eq3A_2688 : vector<16xi1> to vector<16xi32>
      %reduce_sum3A_2708 = arith.constant true
      %reduce_sum3A_2709 = vector.broadcast %reduce_sum3A_2708 : i1 to vector<16xi1>
      %reduce_sum3A_2710 = tpu.scan <sum>, %convert_element_type3A_2707 masked %reduce_sum3A_2709 : vector<16xi32>, vector<16xi1> -> vector<16xi32>
      %reduce_sum3A_2711 = vector.extract %reduce_sum3A_2710[15] : i32 from vector<16xi32>
      %add3A_2712 = arith.addi %add3A_2686, %reduce_sum3A_2711 : i32
      %eq3A_2713 = vector.broadcast %select_n3A_2057 : f32 to vector<16xf32>
      %eq3A_2714 = arith.cmpf oeq, %get3A_2216, %eq3A_2713 : vector<16xf32>
      %convert_element_type3A_2715 = arith.extui %eq3A_2714 : vector<16xi1> to vector<16xi32>
      %cumsum3A_2716 = arith.constant true
      %cumsum3A_2717 = vector.broadcast %cumsum3A_2716 : i1 to vector<16xi1>
      %cumsum3A_2718 = tpu.scan <sum>, %convert_element_type3A_2715 masked %cumsum3A_2717 : vector<16xi32>, vector<16xi1> -> vector<16xi32>
      %add3A_2719 = vector.broadcast %add3A_2712 : i32 to vector<16xi32>
      %add3A_2720 = arith.addi %cumsum3A_2718, %add3A_2719 : vector<16xi32>
      %gt3A_2721 = vector.broadcast %select_n3A_2057 : f32 to vector<16xf32>
      %gt3A_2722 = arith.cmpf ogt, %get3A_2216, %gt3A_2721 : vector<16xf32>
      %le3A_2723 = vector.broadcast %sub3A_2350 : i32 to vector<16xi32>
      %le3A_2724 = arith.cmpi sle, %add3A_2720, %le3A_2723 : vector<16xi32>
      %and3A_2725 = arith.andi %eq3A_2714, %le3A_2724 : vector<16xi1>
      %or3A_2726 = arith.ori %gt3A_2722, %and3A_2725 : vector<16xi1>
      %jit3A_2727 = arith.constant 0.000000e+00 : f32
      %broadcast_in_dim3A_2728 = vector.broadcast %jit3A_2727 : f32 to vector<16xf32>
      %select_n3A_2729 = arith.select %or3A_2726, %get3A_2216, %broadcast_in_dim3A_2728 : vector<16xi1>, vector<16xf32>
      %swap3A_2730 = arith.index_cast %add3A_11 : i32 to index
      %swap3A_2731 = arith.constant 224 : index
      %swap3A_2732 = tpu.vector_load %arg5[%swap3A_2730, %swap3A_2731] {strides = array<i32>} : memref<16x256xf32, #tpu.memory_space<vmem>>, vector<16xf32>,
      tpu.vector_store %arg5[%swap3A_2730, %swap3A_2731], %select_n3A_2729 {strides = array<i32>} : memref<16x256xf32, #tpu.memory_space<vmem>>, vector<16xf32>,
      %convert_element_type3A_2733 = arith.extui %eq3A_2714 : vector<16xi1> to vector<16xi32>
      %reduce_sum3A_2734 = arith.constant true
      %reduce_sum3A_2735 = vector.broadcast %reduce_sum3A_2734 : i1 to vector<16xi1>
      %reduce_sum3A_2736 = tpu.scan <sum>, %convert_element_type3A_2733 masked %reduce_sum3A_2735 : vector<16xi32>, vector<16xi1> -> vector<16xi32>
      %reduce_sum3A_2737 = vector.extract %reduce_sum3A_2736[15] : i32 from vector<16xi32>
      %add3A_2738 = arith.addi %add3A_2712, %reduce_sum3A_2737 : i32
      %eq3A_2739 = vector.broadcast %select_n3A_2057 : f32 to vector<16xf32>
      %eq3A_2740 = arith.cmpf oeq, %get3A_2219, %eq3A_2739 : vector<16xf32>
      %convert_element_type3A_2741 = arith.extui %eq3A_2740 : vector<16xi1> to vector<16xi32>
      %cumsum3A_2742 = arith.constant true
      %cumsum3A_2743 = vector.broadcast %cumsum3A_2742 : i1 to vector<16xi1>
      %cumsum3A_2744 = tpu.scan <sum>, %convert_element_type3A_2741 masked %cumsum3A_2743 : vector<16xi32>, vector<16xi1> -> vector<16xi32>
      %add3A_2745 = vector.broadcast %add3A_2738 : i32 to vector<16xi32>
      %add3A_2746 = arith.addi %cumsum3A_2744, %add3A_2745 : vector<16xi32>
      %gt3A_2747 = vector.broadcast %select_n3A_2057 : f32 to vector<16xf32>
      %gt3A_2748 = arith.cmpf ogt, %get3A_2219, %gt3A_2747 : vector<16xf32>
      %le3A_2749 = vector.broadcast %sub3A_2350 : i32 to vector<16xi32>
      %le3A_2750 = arith.cmpi sle, %add3A_2746, %le3A_2749 : vector<16xi32>
      %and3A_2751 = arith.andi %eq3A_2740, %le3A_2750 : vector<16xi1>
      %or3A_2752 = arith.ori %gt3A_2748, %and3A_2751 : vector<16xi1>
      %jit3A_2753 = arith.constant 0.000000e+00 : f32
      %broadcast_in_dim3A_2754 = vector.broadcast %jit3A_2753 : f32 to vector<16xf32>
      %select_n3A_2755 = arith.select %or3A_2752, %get3A_2219, %broadcast_in_dim3A_2754 : vector<16xi1>, vector<16xf32>
      %swap3A_2756 = arith.index_cast %add3A_11 : i32 to index
      %swap3A_2757 = arith.constant 240 : index
      %swap3A_2758 = tpu.vector_load %arg5[%swap3A_2756, %swap3A_2757] {strides = array<i32>} : memref<16x256xf32, #tpu.memory_space<vmem>>, vector<16xf32>,
      tpu.vector_store %arg5[%swap3A_2756, %swap3A_2757], %select_n3A_2755 {strides = array<i32>} : memref<16x256xf32, #tpu.memory_space<vmem>>, vector<16xf32>,
      %convert_element_type3A_2759 = arith.extui %eq3A_2740 : vector<16xi1> to vector<16xi32>
      %reduce_sum3A_2760 = arith.constant true
      %reduce_sum3A_2761 = vector.broadcast %reduce_sum3A_2760 : i1 to vector<16xi1>
      %reduce_sum3A_2762 = tpu.scan <sum>, %convert_element_type3A_2759 masked %reduce_sum3A_2761 : vector<16xi32>, vector<16xi1> -> vector<16xi32>
      %reduce_sum3A_2763 = vector.extract %reduce_sum3A_2762[15] : i32 from vector<16xi32>
      %add3A_2764 = arith.addi %add3A_2738, %reduce_sum3A_2763 : i32
    }
    %scan3A_6 = arith.constant 16 : i32
    "tpu.region"() ({
      %run_scoped3A = tpu.sem_alloc : memref<!tpu.dma_semaphore, #tpu.memory_space<semaphore_mem>>
      %dma_start3A = arith.constant 0 : i32
      %dma_start3A_7 = tpu.memref_slice %arg3[%mul3A_2, %dma_start3A] : memref<512x256xf32, #tpu.memory_space<hbm>> -> memref<16x256xf32, #tpu.memory_space<hbm>>
      %dma_start3A_8 = arith.constant 0 : i32
      %dma_start3A_9 = tpu.memref_slice %arg3[%mul3A_2, %dma_start3A_8] : memref<512x256xf32, #tpu.memory_space<hbm>> -> memref<16x256xf32, #tpu.memory_space<hbm>>
      tpu.enqueue_dma source(%arg5 : memref<16x256xf32, #tpu.memory_space<vmem>>) target(%dma_start3A_9 : memref<16x256xf32, #tpu.memory_space<hbm>>) target_semaphore(%run_scoped3A : memref<!tpu.dma_semaphore, #tpu.memory_space<semaphore_mem>>)
      %dma_wait3A = arith.constant 0 : i32
      %dma_wait3A_10 = tpu.memref_slice %arg3[%mul3A_2, %dma_wait3A] : memref<512x256xf32, #tpu.memory_space<hbm>> -> memref<16x256xf32, #tpu.memory_space<hbm>>
      %dma_wait3A_11 = arith.constant 0 : i32
      %dma_wait3A_12 = tpu.memref_slice %arg3[%mul3A_2, %dma_wait3A_11] : memref<512x256xf32, #tpu.memory_space<hbm>> -> memref<16x256xf32, #tpu.memory_space<hbm>>
      tpu.wait_dma2 semaphore(%run_scoped3A : memref<!tpu.dma_semaphore, #tpu.memory_space<semaphore_mem>>) src(%arg5 : memref<16x256xf32, #tpu.memory_space<vmem>>) dst(%dma_wait3A_12 : memref<16x256xf32, #tpu.memory_space<hbm>>)
      tpu.yield
    }) : () -> ()
    return
  }
}

module attributes {stable_mosaic.version = 14 : i64} {
  func.func @_finish_body(%arg0: memref<512x256xf32, #tpu.memory_space<vmem>>, %arg1: memref<512x256xf32, #tpu.memory_space<vmem>>, %arg2: memref<1x256xf32, #tpu.memory_space<vmem>>, %arg3: memref<1x256xf32, #tpu.memory_space<vmem>>, %arg4: memref<512x256xf32, #tpu.memory_space<vmem>>) attributes {dimension_semantics = [], scalar_prefetch = 0 : i64, scratch_operands = 0 : i64, tpu.core_type = #tpu.core_type<tc>} {
    %get3A = arith.constant 0 : index
    %get3A_0 = arith.constant 0 : index
    %get3A_1 = vector.load %arg0[%get3A, %get3A_0] : memref<512x256xf32, #tpu.memory_space<vmem>>, vector<512x256xf32>
    %get3A_2 = arith.constant 0 : index
    %get3A_3 = arith.constant 0 : index
    %get3A_4 = vector.load %arg1[%get3A_2, %get3A_3] : memref<512x256xf32, #tpu.memory_space<vmem>>, vector<512x256xf32>
    %add3A = arith.addf %get3A_1, %get3A_4 : vector<512x256xf32>
    %reduce_sum3A = arith.constant dense<0.000000e+00> : vector<512xf32>
    %reduce_sum3A_5 = vector.multi_reduction <add>, %add3A, %reduce_sum3A [1] : vector<512x256xf32> to vector<512xf32>
    %broadcast_in_dim3A = vector.shape_cast %reduce_sum3A_5 : vector<512xf32> to vector<512x1xf32>
    %div3A = arith.constant 2.560000e+02 : f32
    %div3A_6 = vector.broadcast %div3A : f32 to vector<512x1xf32>
    %div3A_7 = arith.divf %broadcast_in_dim3A, %div3A_6 : vector<512x1xf32>
    %sub3A = vector.broadcast %div3A_7 : vector<512x1xf32> to vector<512x256xf32>
    %sub3A_8 = arith.subf %add3A, %sub3A : vector<512x256xf32>
    %mul3A = arith.mulf %sub3A_8, %sub3A_8 : vector<512x256xf32>
    %reduce_sum3A_9 = arith.constant dense<0.000000e+00> : vector<512xf32>
    %reduce_sum3A_10 = vector.multi_reduction <add>, %mul3A, %reduce_sum3A_9 [1] : vector<512x256xf32> to vector<512xf32>
    %broadcast_in_dim3A_11 = vector.shape_cast %reduce_sum3A_10 : vector<512xf32> to vector<512x1xf32>
    %div3A_12 = arith.constant 2.560000e+02 : f32
    %div3A_13 = vector.broadcast %div3A_12 : f32 to vector<512x1xf32>
    %div3A_14 = arith.divf %broadcast_in_dim3A_11, %div3A_13 : vector<512x1xf32>
    %add3A_15 = arith.constant 9.99999974E-6 : f32
    %add3A_16 = vector.broadcast %add3A_15 : f32 to vector<512x1xf32>
    %add3A_17 = arith.addf %div3A_14, %add3A_16 : vector<512x1xf32>
    %rsqrt3A = math.rsqrt %add3A_17 : vector<512x1xf32>
    %mul3A_18 = vector.broadcast %rsqrt3A : vector<512x1xf32> to vector<512x256xf32>
    %mul3A_19 = arith.mulf %sub3A_8, %mul3A_18 : vector<512x256xf32>
    %get3A_20 = arith.constant 0 : index
    %get3A_21 = arith.constant 0 : index
    %get3A_22 = vector.load %arg2[%get3A_20, %get3A_21] : memref<1x256xf32, #tpu.memory_space<vmem>>, vector<1x256xf32>
    %mul3A_23 = vector.broadcast %get3A_22 : vector<1x256xf32> to vector<512x256xf32>
    %mul3A_24 = arith.mulf %mul3A_19, %mul3A_23 : vector<512x256xf32>
    %get3A_25 = arith.constant 0 : index
    %get3A_26 = arith.constant 0 : index
    %get3A_27 = vector.load %arg3[%get3A_25, %get3A_26] : memref<1x256xf32, #tpu.memory_space<vmem>>, vector<1x256xf32>
    %add3A_28 = vector.broadcast %get3A_27 : vector<1x256xf32> to vector<512x256xf32>
    %add3A_29 = arith.addf %mul3A_24, %add3A_28 : vector<512x256xf32>
    %swap3A = arith.constant 0 : index
    %swap3A_30 = arith.constant 0 : index
    %swap3A_31 = vector.load %arg4[%swap3A, %swap3A_30] : memref<512x256xf32, #tpu.memory_space<vmem>>, vector<512x256xf32>
    tpu.vector_store %arg4[%swap3A, %swap3A_30], %add3A_29 {strides = array<i32>} : memref<512x256xf32, #tpu.memory_space<vmem>>, vector<512x256xf32>,
    return
  }
}

module attributes {stable_mosaic.version = 14 : i64} {
  func.func @_acts_body(%arg0: memref<512x512xf32, #tpu.memory_space<vmem>>, %arg1: memref<256x512xf32, #tpu.memory_space<vmem>>, %arg2: memref<256x3xf32, #tpu.memory_space<vmem>>, %arg3: memref<256x1xf32, #tpu.memory_space<vmem>>, %arg4: memref<256x512xf32, #tpu.memory_space<vmem>>, %arg5: memref<512x256xf32, #tpu.memory_space<vmem>>, %arg6: memref<512x256xf32, #tpu.memory_space<vmem>>, %arg7: memref<256x512xf32, #tpu.memory_space<vmem>>, %arg8: memref<256x512xf32, #tpu.memory_space<vmem>>, %arg9: memref<256x512xf32, #tpu.memory_space<vmem>>) attributes {dimension_semantics = [], scalar_prefetch = 0 : i64, scratch_operands = 3 : i64, tpu.core_type = #tpu.core_type<tc>} {
    %get3A = arith.constant 0 : index
    %get3A_0 = arith.constant 0 : index
    %get3A_1 = vector.load %arg0[%get3A, %get3A_0] : memref<512x512xf32, #tpu.memory_space<vmem>>, vector<512x512xf32>
    %get3A_2 = arith.constant 0 : index
    %get3A_3 = arith.constant 0 : index
    %get3A_4 = vector.load %arg1[%get3A_2, %get3A_3] : memref<256x512xf32, #tpu.memory_space<vmem>>, vector<256x512xf32>
    %mul3A = arith.constant 1.42857146 : f32
    %mul3A_5 = vector.broadcast %mul3A : f32 to vector<256x512xf32>
    %mul3A_6 = arith.mulf %get3A_4, %mul3A_5 : vector<256x512xf32>
    %reduce_max3A = arith.constant dense<0xFF800000> : vector<256xf32>
    %reduce_max3A_7 = vector.multi_reduction <maximumf>, %mul3A_6, %reduce_max3A [1] : vector<256x512xf32> to vector<256xf32>
    %broadcast_in_dim3A = vector.shape_cast %reduce_max3A_7 : vector<256xf32> to vector<256x1xf32>
    %sub3A = vector.broadcast %broadcast_in_dim3A : vector<256x1xf32> to vector<256x512xf32>
    %sub3A_8 = arith.subf %mul3A_6, %sub3A : vector<256x512xf32>
    %exp3A = math.exp %sub3A_8 : vector<256x512xf32>
    %reduce_sum3A = arith.constant dense<0.000000e+00> : vector<256xf32>
    %reduce_sum3A_9 = vector.multi_reduction <add>, %exp3A, %reduce_sum3A [1] : vector<256x512xf32> to vector<256xf32>
    %broadcast_in_dim3A_10 = vector.shape_cast %reduce_sum3A_9 : vector<256xf32> to vector<256x1xf32>
    %div3A = vector.broadcast %broadcast_in_dim3A_10 : vector<256x1xf32> to vector<256x512xf32>
    %div3A_11 = arith.divf %exp3A, %div3A : vector<256x512xf32>
    %mul3A_12 = arith.constant 2.000000e+00 : f32
    %mul3A_13 = vector.broadcast %mul3A_12 : f32 to vector<256x512xf32>
    %mul3A_14 = arith.mulf %mul3A_13, %div3A_11 : vector<256x512xf32>
    %min3A = arith.constant 1.000000e+00 : f32
    %min3A_15 = vector.broadcast %min3A : f32 to vector<256x512xf32>
    %min3A_16 = arith.minimumf %mul3A_14, %min3A_15 : vector<256x512xf32>
    %swap3A = arith.constant 0 : index
    %swap3A_17 = arith.constant 0 : index
    %swap3A_18 = vector.load %arg7[%swap3A, %swap3A_17] : memref<256x512xf32, #tpu.memory_space<vmem>>, vector<256x512xf32>
    tpu.vector_store %arg7[%swap3A, %swap3A_17], %min3A_16 {strides = array<i32>} : memref<256x512xf32, #tpu.memory_space<vmem>>, vector<256x512xf32>,
    %reduce_sum3A_19 = arith.constant dense<0.000000e+00> : vector<256xf32>
    %reduce_sum3A_20 = vector.multi_reduction <add>, %min3A_16, %reduce_sum3A_19 [1] : vector<256x512xf32> to vector<256xf32>
    %broadcast_in_dim3A_21 = vector.shape_cast %reduce_sum3A_20 : vector<256xf32> to vector<256x1xf32>
    %add3A = arith.constant 9.99999993E-9 : f32
    %add3A_22 = vector.broadcast %add3A : f32 to vector<256x1xf32>
    %add3A_23 = arith.addf %broadcast_in_dim3A_21, %add3A_22 : vector<256x1xf32>
    %dot_general3A = arith.constant dense<0.000000e+00> : vector<256x512xf32>
    %dot_general3A_24 = tpu.matmul %min3A_16, %get3A_1, %dot_general3A {dimension_numbers = #tpu.dot_dimension_numbers<[1], [1], [0], [0], [0, 0, 1, 0], [], []>, precision = #tpu.contract_precision<fp32>, transpose_lhs_hint = false} : vector<256x512xf32>, vector<512x512xf32>, vector<256x512xf32> -> vector<256x512xf32>
    %div3A_25 = vector.broadcast %add3A_23 : vector<256x1xf32> to vector<256x512xf32>
    %div3A_26 = arith.divf %dot_general3A_24, %div3A_25 : vector<256x512xf32>
    %transpose3A = tpu.transpose %get3A_1, [1, 0] : vector<512x512xf32> -> vector<512x512xf32>
    %slice3A = vector.extract_strided_slice %transpose3A {offsets = [0, 0], sizes = [256, 512], strides = [1, 1]} : vector<512x512xf32> to vector<256x512xf32>
    %slice3A_27 = vector.extract_strided_slice %transpose3A {offsets = [256, 0], sizes = [256, 512], strides = [1, 1]} : vector<512x512xf32> to vector<256x512xf32>
    %scan3A = arith.constant 0 : i32
    %scan3A_28 = arith.constant 256 : i32
    %scan3A_29 = arith.addi %scan3A, %scan3A_28 : i32
    %scan3A_30 = arith.constant 8 : i32
    scf.for %scan3A_88 = %scan3A to %scan3A_29 step %scan3A_30  : i32 {
      %get3A_89 = arith.index_cast %scan3A_88 : i32 to index
      %get3A_90 = arith.constant 0 : index
      %get3A_91 = vector.load %arg7[%get3A_89, %get3A_90] : memref<256x512xf32, #tpu.memory_space<vmem>>, vector<1x512xf32>
      %transpose3A_92 = tpu.transpose %get3A_91, [1, 0] : vector<1x512xf32> -> vector<512x1xf32>
      %slice3A_93 = vector.extract_strided_slice %transpose3A_92 {offsets = [0, 0], sizes = [256, 1], strides = [1, 1]} : vector<512x1xf32> to vector<256x1xf32>
      %slice3A_94 = vector.extract_strided_slice %transpose3A_92 {offsets = [256, 0], sizes = [256, 1], strides = [1, 1]} : vector<512x1xf32> to vector<256x1xf32>
      %mul3A_95 = vector.broadcast %slice3A_93 : vector<256x1xf32> to vector<256x512xf32>
      %mul3A_96 = arith.mulf %slice3A, %mul3A_95 : vector<256x512xf32>
      %mul3A_97 = vector.broadcast %slice3A_94 : vector<256x1xf32> to vector<256x512xf32>
      %mul3A_98 = arith.mulf %slice3A_27, %mul3A_97 : vector<256x512xf32>
      %sub3A_99 = arith.constant 1.000000e+00 : f32
      %sub3A_100 = vector.broadcast %sub3A_99 : f32 to vector<256x1xf32>
      %sub3A_101 = arith.subf %sub3A_100, %slice3A_93 : vector<256x1xf32>
      %add3A_102 = vector.broadcast %sub3A_101 : vector<256x1xf32> to vector<256x512xf32>
      %add3A_103 = arith.addf %mul3A_96, %add3A_102 : vector<256x512xf32>
      %sub3A_104 = arith.constant 1.000000e+00 : f32
      %sub3A_105 = vector.broadcast %sub3A_104 : f32 to vector<256x1xf32>
      %sub3A_106 = arith.subf %sub3A_105, %slice3A_94 : vector<256x1xf32>
      %add3A_107 = vector.broadcast %sub3A_106 : vector<256x1xf32> to vector<256x512xf32>
      %add3A_108 = arith.addf %mul3A_98, %add3A_107 : vector<256x512xf32>
      %mul3A_109 = arith.mulf %add3A_103, %add3A_108 : vector<256x512xf32>
      %sub3A_110 = arith.constant 1.000000e+00 : f32
      %sub3A_111 = vector.broadcast %sub3A_110 : f32 to vector<256x512xf32>
      %sub3A_112 = arith.subf %sub3A_111, %mul3A_96 : vector<256x512xf32>
      %add3A_113 = arith.constant 9.99999993E-9 : f32
      %add3A_114 = vector.broadcast %add3A_113 : f32 to vector<256x512xf32>
      %add3A_115 = arith.addf %sub3A_112, %add3A_114 : vector<256x512xf32>
      %sub3A_116 = arith.constant 1.000000e+00 : f32
      %sub3A_117 = vector.broadcast %sub3A_116 : f32 to vector<256x512xf32>
      %sub3A_118 = arith.subf %sub3A_117, %mul3A_98 : vector<256x512xf32>
      %add3A_119 = arith.constant 9.99999993E-9 : f32
      %add3A_120 = vector.broadcast %add3A_119 : f32 to vector<256x512xf32>
      %add3A_121 = arith.addf %sub3A_118, %add3A_120 : vector<256x512xf32>
      %mul3A_122 = arith.mulf %add3A_115, %add3A_121 : vector<256x512xf32>
      %slice3A_123 = vector.extract_strided_slice %mul3A_109 {offsets = [0, 0], sizes = [128, 512], strides = [1, 1]} : vector<256x512xf32> to vector<128x512xf32>
      %slice3A_124 = vector.extract_strided_slice %mul3A_109 {offsets = [128, 0], sizes = [128, 512], strides = [1, 1]} : vector<256x512xf32> to vector<128x512xf32>
      %mul3A_125 = arith.mulf %slice3A_123, %slice3A_124 : vector<128x512xf32>
      %slice3A_126 = vector.extract_strided_slice %mul3A_125 {offsets = [0, 0], sizes = [64, 512], strides = [1, 1]} : vector<128x512xf32> to vector<64x512xf32>
      %slice3A_127 = vector.extract_strided_slice %mul3A_125 {offsets = [64, 0], sizes = [64, 512], strides = [1, 1]} : vector<128x512xf32> to vector<64x512xf32>
      %mul3A_128 = arith.mulf %slice3A_126, %slice3A_127 : vector<64x512xf32>
      %slice3A_129 = vector.extract_strided_slice %mul3A_128 {offsets = [0, 0], sizes = [32, 512], strides = [1, 1]} : vector<64x512xf32> to vector<32x512xf32>
      %slice3A_130 = vector.extract_strided_slice %mul3A_128 {offsets = [32, 0], sizes = [32, 512], strides = [1, 1]} : vector<64x512xf32> to vector<32x512xf32>
      %mul3A_131 = arith.mulf %slice3A_129, %slice3A_130 : vector<32x512xf32>
      %slice3A_132 = vector.extract_strided_slice %mul3A_131 {offsets = [0, 0], sizes = [16, 512], strides = [1, 1]} : vector<32x512xf32> to vector<16x512xf32>
      %slice3A_133 = vector.extract_strided_slice %mul3A_131 {offsets = [16, 0], sizes = [16, 512], strides = [1, 1]} : vector<32x512xf32> to vector<16x512xf32>
      %mul3A_134 = arith.mulf %slice3A_132, %slice3A_133 : vector<16x512xf32>
      %slice3A_135 = vector.extract_strided_slice %mul3A_134 {offsets = [0, 0], sizes = [8, 512], strides = [1, 1]} : vector<16x512xf32> to vector<8x512xf32>
      %slice3A_136 = vector.extract_strided_slice %mul3A_134 {offsets = [8, 0], sizes = [8, 512], strides = [1, 1]} : vector<16x512xf32> to vector<8x512xf32>
      %mul3A_137 = arith.mulf %slice3A_135, %slice3A_136 : vector<8x512xf32>
      %slice3A_138 = vector.extract_strided_slice %mul3A_137 {offsets = [0, 0], sizes = [4, 512], strides = [1, 1]} : vector<8x512xf32> to vector<4x512xf32>
      %slice3A_139 = vector.extract_strided_slice %mul3A_137 {offsets = [4, 0], sizes = [4, 512], strides = [1, 1]} : vector<8x512xf32> to vector<4x512xf32>
      %mul3A_140 = arith.mulf %slice3A_138, %slice3A_139 : vector<4x512xf32>
      %slice3A_141 = vector.extract_strided_slice %mul3A_140 {offsets = [0, 0], sizes = [2, 512], strides = [1, 1]} : vector<4x512xf32> to vector<2x512xf32>
      %slice3A_142 = vector.extract_strided_slice %mul3A_140 {offsets = [2, 0], sizes = [2, 512], strides = [1, 1]} : vector<4x512xf32> to vector<2x512xf32>
      %mul3A_143 = arith.mulf %slice3A_141, %slice3A_142 : vector<2x512xf32>
      %slice3A_144 = vector.extract_strided_slice %mul3A_143 {offsets = [0, 0], sizes = [1, 512], strides = [1, 1]} : vector<2x512xf32> to vector<1x512xf32>
      %slice3A_145 = vector.extract_strided_slice %mul3A_143 {offsets = [1, 0], sizes = [1, 512], strides = [1, 1]} : vector<2x512xf32> to vector<1x512xf32>
      %mul3A_146 = arith.mulf %slice3A_144, %slice3A_145 : vector<1x512xf32>
      %swap3A_147 = arith.index_cast %scan3A_88 : i32 to index
      %swap3A_148 = arith.constant 0 : index
      %swap3A_149 = vector.load %arg8[%swap3A_147, %swap3A_148] : memref<256x512xf32, #tpu.memory_space<vmem>>, vector<1x512xf32>
      tpu.vector_store %arg8[%swap3A_147, %swap3A_148], %mul3A_146 {strides = array<i32>} : memref<256x512xf32, #tpu.memory_space<vmem>>, vector<1x512xf32>,
      %slice3A_150 = vector.extract_strided_slice %mul3A_122 {offsets = [0, 0], sizes = [128, 512], strides = [1, 1]} : vector<256x512xf32> to vector<128x512xf32>
      %slice3A_151 = vector.extract_strided_slice %mul3A_122 {offsets = [128, 0], sizes = [128, 512], strides = [1, 1]} : vector<256x512xf32> to vector<128x512xf32>
      %mul3A_152 = arith.mulf %slice3A_150, %slice3A_151 : vector<128x512xf32>
      %slice3A_153 = vector.extract_strided_slice %mul3A_152 {offsets = [0, 0], sizes = [64, 512], strides = [1, 1]} : vector<128x512xf32> to vector<64x512xf32>
      %slice3A_154 = vector.extract_strided_slice %mul3A_152 {offsets = [64, 0], sizes = [64, 512], strides = [1, 1]} : vector<128x512xf32> to vector<64x512xf32>
      %mul3A_155 = arith.mulf %slice3A_153, %slice3A_154 : vector<64x512xf32>
      %slice3A_156 = vector.extract_strided_slice %mul3A_155 {offsets = [0, 0], sizes = [32, 512], strides = [1, 1]} : vector<64x512xf32> to vector<32x512xf32>
      %slice3A_157 = vector.extract_strided_slice %mul3A_155 {offsets = [32, 0], sizes = [32, 512], strides = [1, 1]} : vector<64x512xf32> to vector<32x512xf32>
      %mul3A_158 = arith.mulf %slice3A_156, %slice3A_157 : vector<32x512xf32>
      %slice3A_159 = vector.extract_strided_slice %mul3A_158 {offsets = [0, 0], sizes = [16, 512], strides = [1, 1]} : vector<32x512xf32> to vector<16x512xf32>
      %slice3A_160 = vector.extract_strided_slice %mul3A_158 {offsets = [16, 0], sizes = [16, 512], strides = [1, 1]} : vector<32x512xf32> to vector<16x512xf32>
      %mul3A_161 = arith.mulf %slice3A_159, %slice3A_160 : vector<16x512xf32>
      %slice3A_162 = vector.extract_strided_slice %mul3A_161 {offsets = [0, 0], sizes = [8, 512], strides = [1, 1]} : vector<16x512xf32> to vector<8x512xf32>
      %slice3A_163 = vector.extract_strided_slice %mul3A_161 {offsets = [8, 0], sizes = [8, 512], strides = [1, 1]} : vector<16x512xf32> to vector<8x512xf32>
      %mul3A_164 = arith.mulf %slice3A_162, %slice3A_163 : vector<8x512xf32>
      %slice3A_165 = vector.extract_strided_slice %mul3A_164 {offsets = [0, 0], sizes = [4, 512], strides = [1, 1]} : vector<8x512xf32> to vector<4x512xf32>
      %slice3A_166 = vector.extract_strided_slice %mul3A_164 {offsets = [4, 0], sizes = [4, 512], strides = [1, 1]} : vector<8x512xf32> to vector<4x512xf32>
      %mul3A_167 = arith.mulf %slice3A_165, %slice3A_166 : vector<4x512xf32>
      %slice3A_168 = vector.extract_strided_slice %mul3A_167 {offsets = [0, 0], sizes = [2, 512], strides = [1, 1]} : vector<4x512xf32> to vector<2x512xf32>
      %slice3A_169 = vector.extract_strided_slice %mul3A_167 {offsets = [2, 0], sizes = [2, 512], strides = [1, 1]} : vector<4x512xf32> to vector<2x512xf32>
      %mul3A_170 = arith.mulf %slice3A_168, %slice3A_169 : vector<2x512xf32>
      %slice3A_171 = vector.extract_strided_slice %mul3A_170 {offsets = [0, 0], sizes = [1, 512], strides = [1, 1]} : vector<2x512xf32> to vector<1x512xf32>
      %slice3A_172 = vector.extract_strided_slice %mul3A_170 {offsets = [1, 0], sizes = [1, 512], strides = [1, 1]} : vector<2x512xf32> to vector<1x512xf32>
      %mul3A_173 = arith.mulf %slice3A_171, %slice3A_172 : vector<1x512xf32>
      %swap3A_174 = arith.index_cast %scan3A_88 : i32 to index
      %swap3A_175 = arith.constant 0 : index
      %swap3A_176 = vector.load %arg9[%swap3A_174, %swap3A_175] : memref<256x512xf32, #tpu.memory_space<vmem>>, vector<1x512xf32>
      tpu.vector_store %arg9[%swap3A_174, %swap3A_175], %mul3A_173 {strides = array<i32>} : memref<256x512xf32, #tpu.memory_space<vmem>>, vector<1x512xf32>,
      %scan3A_177 = arith.constant 1 : i32
      %scan3A_178 = arith.addi %scan3A_88, %scan3A_177 : i32
      %get3A_179 = arith.index_cast %scan3A_178 : i32 to index
      %get3A_180 = arith.constant 0 : index
      %get3A_181 = vector.load %arg7[%get3A_179, %get3A_180] : memref<256x512xf32, #tpu.memory_space<vmem>>, vector<1x512xf32>
      %transpose3A_182 = tpu.transpose %get3A_181, [1, 0] : vector<1x512xf32> -> vector<512x1xf32>
      %slice3A_183 = vector.extract_strided_slice %transpose3A_182 {offsets = [0, 0], sizes = [256, 1], strides = [1, 1]} : vector<512x1xf32> to vector<256x1xf32>
      %slice3A_184 = vector.extract_strided_slice %transpose3A_182 {offsets = [256, 0], sizes = [256, 1], strides = [1, 1]} : vector<512x1xf32> to vector<256x1xf32>
      %mul3A_185 = vector.broadcast %slice3A_183 : vector<256x1xf32> to vector<256x512xf32>
      %mul3A_186 = arith.mulf %slice3A, %mul3A_185 : vector<256x512xf32>
      %mul3A_187 = vector.broadcast %slice3A_184 : vector<256x1xf32> to vector<256x512xf32>
      %mul3A_188 = arith.mulf %slice3A_27, %mul3A_187 : vector<256x512xf32>
      %sub3A_189 = arith.constant 1.000000e+00 : f32
      %sub3A_190 = vector.broadcast %sub3A_189 : f32 to vector<256x1xf32>
      %sub3A_191 = arith.subf %sub3A_190, %slice3A_183 : vector<256x1xf32>
      %add3A_192 = vector.broadcast %sub3A_191 : vector<256x1xf32> to vector<256x512xf32>
      %add3A_193 = arith.addf %mul3A_186, %add3A_192 : vector<256x512xf32>
      %sub3A_194 = arith.constant 1.000000e+00 : f32
      %sub3A_195 = vector.broadcast %sub3A_194 : f32 to vector<256x1xf32>
      %sub3A_196 = arith.subf %sub3A_195, %slice3A_184 : vector<256x1xf32>
      %add3A_197 = vector.broadcast %sub3A_196 : vector<256x1xf32> to vector<256x512xf32>
      %add3A_198 = arith.addf %mul3A_188, %add3A_197 : vector<256x512xf32>
      %mul3A_199 = arith.mulf %add3A_193, %add3A_198 : vector<256x512xf32>
      %sub3A_200 = arith.constant 1.000000e+00 : f32
      %sub3A_201 = vector.broadcast %sub3A_200 : f32 to vector<256x512xf32>
      %sub3A_202 = arith.subf %sub3A_201, %mul3A_186 : vector<256x512xf32>
      %add3A_203 = arith.constant 9.99999993E-9 : f32
      %add3A_204 = vector.broadcast %add3A_203 : f32 to vector<256x512xf32>
      %add3A_205 = arith.addf %sub3A_202, %add3A_204 : vector<256x512xf32>
      %sub3A_206 = arith.constant 1.000000e+00 : f32
      %sub3A_207 = vector.broadcast %sub3A_206 : f32 to vector<256x512xf32>
      %sub3A_208 = arith.subf %sub3A_207, %mul3A_188 : vector<256x512xf32>
      %add3A_209 = arith.constant 9.99999993E-9 : f32
      %add3A_210 = vector.broadcast %add3A_209 : f32 to vector<256x512xf32>
      %add3A_211 = arith.addf %sub3A_208, %add3A_210 : vector<256x512xf32>
      %mul3A_212 = arith.mulf %add3A_205, %add3A_211 : vector<256x512xf32>
      %slice3A_213 = vector.extract_strided_slice %mul3A_199 {offsets = [0, 0], sizes = [128, 512], strides = [1, 1]} : vector<256x512xf32> to vector<128x512xf32>
      %slice3A_214 = vector.extract_strided_slice %mul3A_199 {offsets = [128, 0], sizes = [128, 512], strides = [1, 1]} : vector<256x512xf32> to vector<128x512xf32>
      %mul3A_215 = arith.mulf %slice3A_213, %slice3A_214 : vector<128x512xf32>
      %slice3A_216 = vector.extract_strided_slice %mul3A_215 {offsets = [0, 0], sizes = [64, 512], strides = [1, 1]} : vector<128x512xf32> to vector<64x512xf32>
      %slice3A_217 = vector.extract_strided_slice %mul3A_215 {offsets = [64, 0], sizes = [64, 512], strides = [1, 1]} : vector<128x512xf32> to vector<64x512xf32>
      %mul3A_218 = arith.mulf %slice3A_216, %slice3A_217 : vector<64x512xf32>
      %slice3A_219 = vector.extract_strided_slice %mul3A_218 {offsets = [0, 0], sizes = [32, 512], strides = [1, 1]} : vector<64x512xf32> to vector<32x512xf32>
      %slice3A_220 = vector.extract_strided_slice %mul3A_218 {offsets = [32, 0], sizes = [32, 512], strides = [1, 1]} : vector<64x512xf32> to vector<32x512xf32>
      %mul3A_221 = arith.mulf %slice3A_219, %slice3A_220 : vector<32x512xf32>
      %slice3A_222 = vector.extract_strided_slice %mul3A_221 {offsets = [0, 0], sizes = [16, 512], strides = [1, 1]} : vector<32x512xf32> to vector<16x512xf32>
      %slice3A_223 = vector.extract_strided_slice %mul3A_221 {offsets = [16, 0], sizes = [16, 512], strides = [1, 1]} : vector<32x512xf32> to vector<16x512xf32>
      %mul3A_224 = arith.mulf %slice3A_222, %slice3A_223 : vector<16x512xf32>
      %slice3A_225 = vector.extract_strided_slice %mul3A_224 {offsets = [0, 0], sizes = [8, 512], strides = [1, 1]} : vector<16x512xf32> to vector<8x512xf32>
      %slice3A_226 = vector.extract_strided_slice %mul3A_224 {offsets = [8, 0], sizes = [8, 512], strides = [1, 1]} : vector<16x512xf32> to vector<8x512xf32>
      %mul3A_227 = arith.mulf %slice3A_225, %slice3A_226 : vector<8x512xf32>
      %slice3A_228 = vector.extract_strided_slice %mul3A_227 {offsets = [0, 0], sizes = [4, 512], strides = [1, 1]} : vector<8x512xf32> to vector<4x512xf32>
      %slice3A_229 = vector.extract_strided_slice %mul3A_227 {offsets = [4, 0], sizes = [4, 512], strides = [1, 1]} : vector<8x512xf32> to vector<4x512xf32>
      %mul3A_230 = arith.mulf %slice3A_228, %slice3A_229 : vector<4x512xf32>
      %slice3A_231 = vector.extract_strided_slice %mul3A_230 {offsets = [0, 0], sizes = [2, 512], strides = [1, 1]} : vector<4x512xf32> to vector<2x512xf32>
      %slice3A_232 = vector.extract_strided_slice %mul3A_230 {offsets = [2, 0], sizes = [2, 512], strides = [1, 1]} : vector<4x512xf32> to vector<2x512xf32>
      %mul3A_233 = arith.mulf %slice3A_231, %slice3A_232 : vector<2x512xf32>
      %slice3A_234 = vector.extract_strided_slice %mul3A_233 {offsets = [0, 0], sizes = [1, 512], strides = [1, 1]} : vector<2x512xf32> to vector<1x512xf32>
      %slice3A_235 = vector.extract_strided_slice %mul3A_233 {offsets = [1, 0], sizes = [1, 512], strides = [1, 1]} : vector<2x512xf32> to vector<1x512xf32>
      %mul3A_236 = arith.mulf %slice3A_234, %slice3A_235 : vector<1x512xf32>
      %swap3A_237 = arith.index_cast %scan3A_178 : i32 to index
      %swap3A_238 = arith.constant 0 : index
      %swap3A_239 = vector.load %arg8[%swap3A_237, %swap3A_238] : memref<256x512xf32, #tpu.memory_space<vmem>>, vector<1x512xf32>
      tpu.vector_store %arg8[%swap3A_237, %swap3A_238], %mul3A_236 {strides = array<i32>} : memref<256x512xf32, #tpu.memory_space<vmem>>, vector<1x512xf32>,
      %slice3A_240 = vector.extract_strided_slice %mul3A_212 {offsets = [0, 0], sizes = [128, 512], strides = [1, 1]} : vector<256x512xf32> to vector<128x512xf32>
      %slice3A_241 = vector.extract_strided_slice %mul3A_212 {offsets = [128, 0], sizes = [128, 512], strides = [1, 1]} : vector<256x512xf32> to vector<128x512xf32>
      %mul3A_242 = arith.mulf %slice3A_240, %slice3A_241 : vector<128x512xf32>
      %slice3A_243 = vector.extract_strided_slice %mul3A_242 {offsets = [0, 0], sizes = [64, 512], strides = [1, 1]} : vector<128x512xf32> to vector<64x512xf32>
      %slice3A_244 = vector.extract_strided_slice %mul3A_242 {offsets = [64, 0], sizes = [64, 512], strides = [1, 1]} : vector<128x512xf32> to vector<64x512xf32>
      %mul3A_245 = arith.mulf %slice3A_243, %slice3A_244 : vector<64x512xf32>
      %slice3A_246 = vector.extract_strided_slice %mul3A_245 {offsets = [0, 0], sizes = [32, 512], strides = [1, 1]} : vector<64x512xf32> to vector<32x512xf32>
      %slice3A_247 = vector.extract_strided_slice %mul3A_245 {offsets = [32, 0], sizes = [32, 512], strides = [1, 1]} : vector<64x512xf32> to vector<32x512xf32>
      %mul3A_248 = arith.mulf %slice3A_246, %slice3A_247 : vector<32x512xf32>
      %slice3A_249 = vector.extract_strided_slice %mul3A_248 {offsets = [0, 0], sizes = [16, 512], strides = [1, 1]} : vector<32x512xf32> to vector<16x512xf32>
      %slice3A_250 = vector.extract_strided_slice %mul3A_248 {offsets = [16, 0], sizes = [16, 512], strides = [1, 1]} : vector<32x512xf32> to vector<16x512xf32>
      %mul3A_251 = arith.mulf %slice3A_249, %slice3A_250 : vector<16x512xf32>
      %slice3A_252 = vector.extract_strided_slice %mul3A_251 {offsets = [0, 0], sizes = [8, 512], strides = [1, 1]} : vector<16x512xf32> to vector<8x512xf32>
      %slice3A_253 = vector.extract_strided_slice %mul3A_251 {offsets = [8, 0], sizes = [8, 512], strides = [1, 1]} : vector<16x512xf32> to vector<8x512xf32>
      %mul3A_254 = arith.mulf %slice3A_252, %slice3A_253 : vector<8x512xf32>
      %slice3A_255 = vector.extract_strided_slice %mul3A_254 {offsets = [0, 0], sizes = [4, 512], strides = [1, 1]} : vector<8x512xf32> to vector<4x512xf32>
      %slice3A_256 = vector.extract_strided_slice %mul3A_254 {offsets = [4, 0], sizes = [4, 512], strides = [1, 1]} : vector<8x512xf32> to vector<4x512xf32>
      %mul3A_257 = arith.mulf %slice3A_255, %slice3A_256 : vector<4x512xf32>
      %slice3A_258 = vector.extract_strided_slice %mul3A_257 {offsets = [0, 0], sizes = [2, 512], strides = [1, 1]} : vector<4x512xf32> to vector<2x512xf32>
      %slice3A_259 = vector.extract_strided_slice %mul3A_257 {offsets = [2, 0], sizes = [2, 512], strides = [1, 1]} : vector<4x512xf32> to vector<2x512xf32>
      %mul3A_260 = arith.mulf %slice3A_258, %slice3A_259 : vector<2x512xf32>
      %slice3A_261 = vector.extract_strided_slice %mul3A_260 {offsets = [0, 0], sizes = [1, 512], strides = [1, 1]} : vector<2x512xf32> to vector<1x512xf32>
      %slice3A_262 = vector.extract_strided_slice %mul3A_260 {offsets = [1, 0], sizes = [1, 512], strides = [1, 1]} : vector<2x512xf32> to vector<1x512xf32>
      %mul3A_263 = arith.mulf %slice3A_261, %slice3A_262 : vector<1x512xf32>
      %swap3A_264 = arith.index_cast %scan3A_178 : i32 to index
      %swap3A_265 = arith.constant 0 : index
      %swap3A_266 = vector.load %arg9[%swap3A_264, %swap3A_265] : memref<256x512xf32, #tpu.memory_space<vmem>>, vector<1x512xf32>
      tpu.vector_store %arg9[%swap3A_264, %swap3A_265], %mul3A_263 {strides = array<i32>} : memref<256x512xf32, #tpu.memory_space<vmem>>, vector<1x512xf32>,
      %scan3A_267 = arith.constant 2 : i32
      %scan3A_268 = arith.addi %scan3A_88, %scan3A_267 : i32
      %get3A_269 = arith.index_cast %scan3A_268 : i32 to index
      %get3A_270 = arith.constant 0 : index
      %get3A_271 = vector.load %arg7[%get3A_269, %get3A_270] : memref<256x512xf32, #tpu.memory_space<vmem>>, vector<1x512xf32>
      %transpose3A_272 = tpu.transpose %get3A_271, [1, 0] : vector<1x512xf32> -> vector<512x1xf32>
      %slice3A_273 = vector.extract_strided_slice %transpose3A_272 {offsets = [0, 0], sizes = [256, 1], strides = [1, 1]} : vector<512x1xf32> to vector<256x1xf32>
      %slice3A_274 = vector.extract_strided_slice %transpose3A_272 {offsets = [256, 0], sizes = [256, 1], strides = [1, 1]} : vector<512x1xf32> to vector<256x1xf32>
      %mul3A_275 = vector.broadcast %slice3A_273 : vector<256x1xf32> to vector<256x512xf32>
      %mul3A_276 = arith.mulf %slice3A, %mul3A_275 : vector<256x512xf32>
      %mul3A_277 = vector.broadcast %slice3A_274 : vector<256x1xf32> to vector<256x512xf32>
      %mul3A_278 = arith.mulf %slice3A_27, %mul3A_277 : vector<256x512xf32>
      %sub3A_279 = arith.constant 1.000000e+00 : f32
      %sub3A_280 = vector.broadcast %sub3A_279 : f32 to vector<256x1xf32>
      %sub3A_281 = arith.subf %sub3A_280, %slice3A_273 : vector<256x1xf32>
      %add3A_282 = vector.broadcast %sub3A_281 : vector<256x1xf32> to vector<256x512xf32>
      %add3A_283 = arith.addf %mul3A_276, %add3A_282 : vector<256x512xf32>
      %sub3A_284 = arith.constant 1.000000e+00 : f32
      %sub3A_285 = vector.broadcast %sub3A_284 : f32 to vector<256x1xf32>
      %sub3A_286 = arith.subf %sub3A_285, %slice3A_274 : vector<256x1xf32>
      %add3A_287 = vector.broadcast %sub3A_286 : vector<256x1xf32> to vector<256x512xf32>
      %add3A_288 = arith.addf %mul3A_278, %add3A_287 : vector<256x512xf32>
      %mul3A_289 = arith.mulf %add3A_283, %add3A_288 : vector<256x512xf32>
      %sub3A_290 = arith.constant 1.000000e+00 : f32
      %sub3A_291 = vector.broadcast %sub3A_290 : f32 to vector<256x512xf32>
      %sub3A_292 = arith.subf %sub3A_291, %mul3A_276 : vector<256x512xf32>
      %add3A_293 = arith.constant 9.99999993E-9 : f32
      %add3A_294 = vector.broadcast %add3A_293 : f32 to vector<256x512xf32>
      %add3A_295 = arith.addf %sub3A_292, %add3A_294 : vector<256x512xf32>
      %sub3A_296 = arith.constant 1.000000e+00 : f32
      %sub3A_297 = vector.broadcast %sub3A_296 : f32 to vector<256x512xf32>
      %sub3A_298 = arith.subf %sub3A_297, %mul3A_278 : vector<256x512xf32>
      %add3A_299 = arith.constant 9.99999993E-9 : f32
      %add3A_300 = vector.broadcast %add3A_299 : f32 to vector<256x512xf32>
      %add3A_301 = arith.addf %sub3A_298, %add3A_300 : vector<256x512xf32>
      %mul3A_302 = arith.mulf %add3A_295, %add3A_301 : vector<256x512xf32>
      %slice3A_303 = vector.extract_strided_slice %mul3A_289 {offsets = [0, 0], sizes = [128, 512], strides = [1, 1]} : vector<256x512xf32> to vector<128x512xf32>
      %slice3A_304 = vector.extract_strided_slice %mul3A_289 {offsets = [128, 0], sizes = [128, 512], strides = [1, 1]} : vector<256x512xf32> to vector<128x512xf32>
      %mul3A_305 = arith.mulf %slice3A_303, %slice3A_304 : vector<128x512xf32>
      %slice3A_306 = vector.extract_strided_slice %mul3A_305 {offsets = [0, 0], sizes = [64, 512], strides = [1, 1]} : vector<128x512xf32> to vector<64x512xf32>
      %slice3A_307 = vector.extract_strided_slice %mul3A_305 {offsets = [64, 0], sizes = [64, 512], strides = [1, 1]} : vector<128x512xf32> to vector<64x512xf32>
      %mul3A_308 = arith.mulf %slice3A_306, %slice3A_307 : vector<64x512xf32>
      %slice3A_309 = vector.extract_strided_slice %mul3A_308 {offsets = [0, 0], sizes = [32, 512], strides = [1, 1]} : vector<64x512xf32> to vector<32x512xf32>
      %slice3A_310 = vector.extract_strided_slice %mul3A_308 {offsets = [32, 0], sizes = [32, 512], strides = [1, 1]} : vector<64x512xf32> to vector<32x512xf32>
      %mul3A_311 = arith.mulf %slice3A_309, %slice3A_310 : vector<32x512xf32>
      %slice3A_312 = vector.extract_strided_slice %mul3A_311 {offsets = [0, 0], sizes = [16, 512], strides = [1, 1]} : vector<32x512xf32> to vector<16x512xf32>
      %slice3A_313 = vector.extract_strided_slice %mul3A_311 {offsets = [16, 0], sizes = [16, 512], strides = [1, 1]} : vector<32x512xf32> to vector<16x512xf32>
      %mul3A_314 = arith.mulf %slice3A_312, %slice3A_313 : vector<16x512xf32>
      %slice3A_315 = vector.extract_strided_slice %mul3A_314 {offsets = [0, 0], sizes = [8, 512], strides = [1, 1]} : vector<16x512xf32> to vector<8x512xf32>
      %slice3A_316 = vector.extract_strided_slice %mul3A_314 {offsets = [8, 0], sizes = [8, 512], strides = [1, 1]} : vector<16x512xf32> to vector<8x512xf32>
      %mul3A_317 = arith.mulf %slice3A_315, %slice3A_316 : vector<8x512xf32>
      %slice3A_318 = vector.extract_strided_slice %mul3A_317 {offsets = [0, 0], sizes = [4, 512], strides = [1, 1]} : vector<8x512xf32> to vector<4x512xf32>
      %slice3A_319 = vector.extract_strided_slice %mul3A_317 {offsets = [4, 0], sizes = [4, 512], strides = [1, 1]} : vector<8x512xf32> to vector<4x512xf32>
      %mul3A_320 = arith.mulf %slice3A_318, %slice3A_319 : vector<4x512xf32>
      %slice3A_321 = vector.extract_strided_slice %mul3A_320 {offsets = [0, 0], sizes = [2, 512], strides = [1, 1]} : vector<4x512xf32> to vector<2x512xf32>
      %slice3A_322 = vector.extract_strided_slice %mul3A_320 {offsets = [2, 0], sizes = [2, 512], strides = [1, 1]} : vector<4x512xf32> to vector<2x512xf32>
      %mul3A_323 = arith.mulf %slice3A_321, %slice3A_322 : vector<2x512xf32>
      %slice3A_324 = vector.extract_strided_slice %mul3A_323 {offsets = [0, 0], sizes = [1, 512], strides = [1, 1]} : vector<2x512xf32> to vector<1x512xf32>
      %slice3A_325 = vector.extract_strided_slice %mul3A_323 {offsets = [1, 0], sizes = [1, 512], strides = [1, 1]} : vector<2x512xf32> to vector<1x512xf32>
      %mul3A_326 = arith.mulf %slice3A_324, %slice3A_325 : vector<1x512xf32>
      %swap3A_327 = arith.index_cast %scan3A_268 : i32 to index
      %swap3A_328 = arith.constant 0 : index
      %swap3A_329 = vector.load %arg8[%swap3A_327, %swap3A_328] : memref<256x512xf32, #tpu.memory_space<vmem>>, vector<1x512xf32>
      tpu.vector_store %arg8[%swap3A_327, %swap3A_328], %mul3A_326 {strides = array<i32>} : memref<256x512xf32, #tpu.memory_space<vmem>>, vector<1x512xf32>,
      %slice3A_330 = vector.extract_strided_slice %mul3A_302 {offsets = [0, 0], sizes = [128, 512], strides = [1, 1]} : vector<256x512xf32> to vector<128x512xf32>
      %slice3A_331 = vector.extract_strided_slice %mul3A_302 {offsets = [128, 0], sizes = [128, 512], strides = [1, 1]} : vector<256x512xf32> to vector<128x512xf32>
      %mul3A_332 = arith.mulf %slice3A_330, %slice3A_331 : vector<128x512xf32>
      %slice3A_333 = vector.extract_strided_slice %mul3A_332 {offsets = [0, 0], sizes = [64, 512], strides = [1, 1]} : vector<128x512xf32> to vector<64x512xf32>
      %slice3A_334 = vector.extract_strided_slice %mul3A_332 {offsets = [64, 0], sizes = [64, 512], strides = [1, 1]} : vector<128x512xf32> to vector<64x512xf32>
      %mul3A_335 = arith.mulf %slice3A_333, %slice3A_334 : vector<64x512xf32>
      %slice3A_336 = vector.extract_strided_slice %mul3A_335 {offsets = [0, 0], sizes = [32, 512], strides = [1, 1]} : vector<64x512xf32> to vector<32x512xf32>
      %slice3A_337 = vector.extract_strided_slice %mul3A_335 {offsets = [32, 0], sizes = [32, 512], strides = [1, 1]} : vector<64x512xf32> to vector<32x512xf32>
      %mul3A_338 = arith.mulf %slice3A_336, %slice3A_337 : vector<32x512xf32>
      %slice3A_339 = vector.extract_strided_slice %mul3A_338 {offsets = [0, 0], sizes = [16, 512], strides = [1, 1]} : vector<32x512xf32> to vector<16x512xf32>
      %slice3A_340 = vector.extract_strided_slice %mul3A_338 {offsets = [16, 0], sizes = [16, 512], strides = [1, 1]} : vector<32x512xf32> to vector<16x512xf32>
      %mul3A_341 = arith.mulf %slice3A_339, %slice3A_340 : vector<16x512xf32>
      %slice3A_342 = vector.extract_strided_slice %mul3A_341 {offsets = [0, 0], sizes = [8, 512], strides = [1, 1]} : vector<16x512xf32> to vector<8x512xf32>
      %slice3A_343 = vector.extract_strided_slice %mul3A_341 {offsets = [8, 0], sizes = [8, 512], strides = [1, 1]} : vector<16x512xf32> to vector<8x512xf32>
      %mul3A_344 = arith.mulf %slice3A_342, %slice3A_343 : vector<8x512xf32>
      %slice3A_345 = vector.extract_strided_slice %mul3A_344 {offsets = [0, 0], sizes = [4, 512], strides = [1, 1]} : vector<8x512xf32> to vector<4x512xf32>
      %slice3A_346 = vector.extract_strided_slice %mul3A_344 {offsets = [4, 0], sizes = [4, 512], strides = [1, 1]} : vector<8x512xf32> to vector<4x512xf32>
      %mul3A_347 = arith.mulf %slice3A_345, %slice3A_346 : vector<4x512xf32>
      %slice3A_348 = vector.extract_strided_slice %mul3A_347 {offsets = [0, 0], sizes = [2, 512], strides = [1, 1]} : vector<4x512xf32> to vector<2x512xf32>
      %slice3A_349 = vector.extract_strided_slice %mul3A_347 {offsets = [2, 0], sizes = [2, 512], strides = [1, 1]} : vector<4x512xf32> to vector<2x512xf32>
      %mul3A_350 = arith.mulf %slice3A_348, %slice3A_349 : vector<2x512xf32>
      %slice3A_351 = vector.extract_strided_slice %mul3A_350 {offsets = [0, 0], sizes = [1, 512], strides = [1, 1]} : vector<2x512xf32> to vector<1x512xf32>
      %slice3A_352 = vector.extract_strided_slice %mul3A_350 {offsets = [1, 0], sizes = [1, 512], strides = [1, 1]} : vector<2x512xf32> to vector<1x512xf32>
      %mul3A_353 = arith.mulf %slice3A_351, %slice3A_352 : vector<1x512xf32>
      %swap3A_354 = arith.index_cast %scan3A_268 : i32 to index
      %swap3A_355 = arith.constant 0 : index
      %swap3A_356 = vector.load %arg9[%swap3A_354, %swap3A_355] : memref<256x512xf32, #tpu.memory_space<vmem>>, vector<1x512xf32>
      tpu.vector_store %arg9[%swap3A_354, %swap3A_355], %mul3A_353 {strides = array<i32>} : memref<256x512xf32, #tpu.memory_space<vmem>>, vector<1x512xf32>,
      %scan3A_357 = arith.constant 3 : i32
      %scan3A_358 = arith.addi %scan3A_88, %scan3A_357 : i32
      %get3A_359 = arith.index_cast %scan3A_358 : i32 to index
      %get3A_360 = arith.constant 0 : index
      %get3A_361 = vector.load %arg7[%get3A_359, %get3A_360] : memref<256x512xf32, #tpu.memory_space<vmem>>, vector<1x512xf32>
      %transpose3A_362 = tpu.transpose %get3A_361, [1, 0] : vector<1x512xf32> -> vector<512x1xf32>
      %slice3A_363 = vector.extract_strided_slice %transpose3A_362 {offsets = [0, 0], sizes = [256, 1], strides = [1, 1]} : vector<512x1xf32> to vector<256x1xf32>
      %slice3A_364 = vector.extract_strided_slice %transpose3A_362 {offsets = [256, 0], sizes = [256, 1], strides = [1, 1]} : vector<512x1xf32> to vector<256x1xf32>
      %mul3A_365 = vector.broadcast %slice3A_363 : vector<256x1xf32> to vector<256x512xf32>
      %mul3A_366 = arith.mulf %slice3A, %mul3A_365 : vector<256x512xf32>
      %mul3A_367 = vector.broadcast %slice3A_364 : vector<256x1xf32> to vector<256x512xf32>
      %mul3A_368 = arith.mulf %slice3A_27, %mul3A_367 : vector<256x512xf32>
      %sub3A_369 = arith.constant 1.000000e+00 : f32
      %sub3A_370 = vector.broadcast %sub3A_369 : f32 to vector<256x1xf32>
      %sub3A_371 = arith.subf %sub3A_370, %slice3A_363 : vector<256x1xf32>
      %add3A_372 = vector.broadcast %sub3A_371 : vector<256x1xf32> to vector<256x512xf32>
      %add3A_373 = arith.addf %mul3A_366, %add3A_372 : vector<256x512xf32>
      %sub3A_374 = arith.constant 1.000000e+00 : f32
      %sub3A_375 = vector.broadcast %sub3A_374 : f32 to vector<256x1xf32>
      %sub3A_376 = arith.subf %sub3A_375, %slice3A_364 : vector<256x1xf32>
      %add3A_377 = vector.broadcast %sub3A_376 : vector<256x1xf32> to vector<256x512xf32>
      %add3A_378 = arith.addf %mul3A_368, %add3A_377 : vector<256x512xf32>
      %mul3A_379 = arith.mulf %add3A_373, %add3A_378 : vector<256x512xf32>
      %sub3A_380 = arith.constant 1.000000e+00 : f32
      %sub3A_381 = vector.broadcast %sub3A_380 : f32 to vector<256x512xf32>
      %sub3A_382 = arith.subf %sub3A_381, %mul3A_366 : vector<256x512xf32>
      %add3A_383 = arith.constant 9.99999993E-9 : f32
      %add3A_384 = vector.broadcast %add3A_383 : f32 to vector<256x512xf32>
      %add3A_385 = arith.addf %sub3A_382, %add3A_384 : vector<256x512xf32>
      %sub3A_386 = arith.constant 1.000000e+00 : f32
      %sub3A_387 = vector.broadcast %sub3A_386 : f32 to vector<256x512xf32>
      %sub3A_388 = arith.subf %sub3A_387, %mul3A_368 : vector<256x512xf32>
      %add3A_389 = arith.constant 9.99999993E-9 : f32
      %add3A_390 = vector.broadcast %add3A_389 : f32 to vector<256x512xf32>
      %add3A_391 = arith.addf %sub3A_388, %add3A_390 : vector<256x512xf32>
      %mul3A_392 = arith.mulf %add3A_385, %add3A_391 : vector<256x512xf32>
      %slice3A_393 = vector.extract_strided_slice %mul3A_379 {offsets = [0, 0], sizes = [128, 512], strides = [1, 1]} : vector<256x512xf32> to vector<128x512xf32>
      %slice3A_394 = vector.extract_strided_slice %mul3A_379 {offsets = [128, 0], sizes = [128, 512], strides = [1, 1]} : vector<256x512xf32> to vector<128x512xf32>
      %mul3A_395 = arith.mulf %slice3A_393, %slice3A_394 : vector<128x512xf32>
      %slice3A_396 = vector.extract_strided_slice %mul3A_395 {offsets = [0, 0], sizes = [64, 512], strides = [1, 1]} : vector<128x512xf32> to vector<64x512xf32>
      %slice3A_397 = vector.extract_strided_slice %mul3A_395 {offsets = [64, 0], sizes = [64, 512], strides = [1, 1]} : vector<128x512xf32> to vector<64x512xf32>
      %mul3A_398 = arith.mulf %slice3A_396, %slice3A_397 : vector<64x512xf32>
      %slice3A_399 = vector.extract_strided_slice %mul3A_398 {offsets = [0, 0], sizes = [32, 512], strides = [1, 1]} : vector<64x512xf32> to vector<32x512xf32>
      %slice3A_400 = vector.extract_strided_slice %mul3A_398 {offsets = [32, 0], sizes = [32, 512], strides = [1, 1]} : vector<64x512xf32> to vector<32x512xf32>
      %mul3A_401 = arith.mulf %slice3A_399, %slice3A_400 : vector<32x512xf32>
      %slice3A_402 = vector.extract_strided_slice %mul3A_401 {offsets = [0, 0], sizes = [16, 512], strides = [1, 1]} : vector<32x512xf32> to vector<16x512xf32>
      %slice3A_403 = vector.extract_strided_slice %mul3A_401 {offsets = [16, 0], sizes = [16, 512], strides = [1, 1]} : vector<32x512xf32> to vector<16x512xf32>
      %mul3A_404 = arith.mulf %slice3A_402, %slice3A_403 : vector<16x512xf32>
      %slice3A_405 = vector.extract_strided_slice %mul3A_404 {offsets = [0, 0], sizes = [8, 512], strides = [1, 1]} : vector<16x512xf32> to vector<8x512xf32>
      %slice3A_406 = vector.extract_strided_slice %mul3A_404 {offsets = [8, 0], sizes = [8, 512], strides = [1, 1]} : vector<16x512xf32> to vector<8x512xf32>
      %mul3A_407 = arith.mulf %slice3A_405, %slice3A_406 : vector<8x512xf32>
      %slice3A_408 = vector.extract_strided_slice %mul3A_407 {offsets = [0, 0], sizes = [4, 512], strides = [1, 1]} : vector<8x512xf32> to vector<4x512xf32>
      %slice3A_409 = vector.extract_strided_slice %mul3A_407 {offsets = [4, 0], sizes = [4, 512], strides = [1, 1]} : vector<8x512xf32> to vector<4x512xf32>
      %mul3A_410 = arith.mulf %slice3A_408, %slice3A_409 : vector<4x512xf32>
      %slice3A_411 = vector.extract_strided_slice %mul3A_410 {offsets = [0, 0], sizes = [2, 512], strides = [1, 1]} : vector<4x512xf32> to vector<2x512xf32>
      %slice3A_412 = vector.extract_strided_slice %mul3A_410 {offsets = [2, 0], sizes = [2, 512], strides = [1, 1]} : vector<4x512xf32> to vector<2x512xf32>
      %mul3A_413 = arith.mulf %slice3A_411, %slice3A_412 : vector<2x512xf32>
      %slice3A_414 = vector.extract_strided_slice %mul3A_413 {offsets = [0, 0], sizes = [1, 512], strides = [1, 1]} : vector<2x512xf32> to vector<1x512xf32>
      %slice3A_415 = vector.extract_strided_slice %mul3A_413 {offsets = [1, 0], sizes = [1, 512], strides = [1, 1]} : vector<2x512xf32> to vector<1x512xf32>
      %mul3A_416 = arith.mulf %slice3A_414, %slice3A_415 : vector<1x512xf32>
      %swap3A_417 = arith.index_cast %scan3A_358 : i32 to index
      %swap3A_418 = arith.constant 0 : index
      %swap3A_419 = vector.load %arg8[%swap3A_417, %swap3A_418] : memref<256x512xf32, #tpu.memory_space<vmem>>, vector<1x512xf32>
      tpu.vector_store %arg8[%swap3A_417, %swap3A_418], %mul3A_416 {strides = array<i32>} : memref<256x512xf32, #tpu.memory_space<vmem>>, vector<1x512xf32>,
      %slice3A_420 = vector.extract_strided_slice %mul3A_392 {offsets = [0, 0], sizes = [128, 512], strides = [1, 1]} : vector<256x512xf32> to vector<128x512xf32>
      %slice3A_421 = vector.extract_strided_slice %mul3A_392 {offsets = [128, 0], sizes = [128, 512], strides = [1, 1]} : vector<256x512xf32> to vector<128x512xf32>
      %mul3A_422 = arith.mulf %slice3A_420, %slice3A_421 : vector<128x512xf32>
      %slice3A_423 = vector.extract_strided_slice %mul3A_422 {offsets = [0, 0], sizes = [64, 512], strides = [1, 1]} : vector<128x512xf32> to vector<64x512xf32>
      %slice3A_424 = vector.extract_strided_slice %mul3A_422 {offsets = [64, 0], sizes = [64, 512], strides = [1, 1]} : vector<128x512xf32> to vector<64x512xf32>
      %mul3A_425 = arith.mulf %slice3A_423, %slice3A_424 : vector<64x512xf32>
      %slice3A_426 = vector.extract_strided_slice %mul3A_425 {offsets = [0, 0], sizes = [32, 512], strides = [1, 1]} : vector<64x512xf32> to vector<32x512xf32>
      %slice3A_427 = vector.extract_strided_slice %mul3A_425 {offsets = [32, 0], sizes = [32, 512], strides = [1, 1]} : vector<64x512xf32> to vector<32x512xf32>
      %mul3A_428 = arith.mulf %slice3A_426, %slice3A_427 : vector<32x512xf32>
      %slice3A_429 = vector.extract_strided_slice %mul3A_428 {offsets = [0, 0], sizes = [16, 512], strides = [1, 1]} : vector<32x512xf32> to vector<16x512xf32>
      %slice3A_430 = vector.extract_strided_slice %mul3A_428 {offsets = [16, 0], sizes = [16, 512], strides = [1, 1]} : vector<32x512xf32> to vector<16x512xf32>
      %mul3A_431 = arith.mulf %slice3A_429, %slice3A_430 : vector<16x512xf32>
      %slice3A_432 = vector.extract_strided_slice %mul3A_431 {offsets = [0, 0], sizes = [8, 512], strides = [1, 1]} : vector<16x512xf32> to vector<8x512xf32>
      %slice3A_433 = vector.extract_strided_slice %mul3A_431 {offsets = [8, 0], sizes = [8, 512], strides = [1, 1]} : vector<16x512xf32> to vector<8x512xf32>
      %mul3A_434 = arith.mulf %slice3A_432, %slice3A_433 : vector<8x512xf32>
      %slice3A_435 = vector.extract_strided_slice %mul3A_434 {offsets = [0, 0], sizes = [4, 512], strides = [1, 1]} : vector<8x512xf32> to vector<4x512xf32>
      %slice3A_436 = vector.extract_strided_slice %mul3A_434 {offsets = [4, 0], sizes = [4, 512], strides = [1, 1]} : vector<8x512xf32> to vector<4x512xf32>
      %mul3A_437 = arith.mulf %slice3A_435, %slice3A_436 : vector<4x512xf32>
      %slice3A_438 = vector.extract_strided_slice %mul3A_437 {offsets = [0, 0], sizes = [2, 512], strides = [1, 1]} : vector<4x512xf32> to vector<2x512xf32>
      %slice3A_439 = vector.extract_strided_slice %mul3A_437 {offsets = [2, 0], sizes = [2, 512], strides = [1, 1]} : vector<4x512xf32> to vector<2x512xf32>
      %mul3A_440 = arith.mulf %slice3A_438, %slice3A_439 : vector<2x512xf32>
      %slice3A_441 = vector.extract_strided_slice %mul3A_440 {offsets = [0, 0], sizes = [1, 512], strides = [1, 1]} : vector<2x512xf32> to vector<1x512xf32>
      %slice3A_442 = vector.extract_strided_slice %mul3A_440 {offsets = [1, 0], sizes = [1, 512], strides = [1, 1]} : vector<2x512xf32> to vector<1x512xf32>
      %mul3A_443 = arith.mulf %slice3A_441, %slice3A_442 : vector<1x512xf32>
      %swap3A_444 = arith.index_cast %scan3A_358 : i32 to index
      %swap3A_445 = arith.constant 0 : index
      %swap3A_446 = vector.load %arg9[%swap3A_444, %swap3A_445] : memref<256x512xf32, #tpu.memory_space<vmem>>, vector<1x512xf32>
      tpu.vector_store %arg9[%swap3A_444, %swap3A_445], %mul3A_443 {strides = array<i32>} : memref<256x512xf32, #tpu.memory_space<vmem>>, vector<1x512xf32>,
      %scan3A_447 = arith.constant 4 : i32
      %scan3A_448 = arith.addi %scan3A_88, %scan3A_447 : i32
      %get3A_449 = arith.index_cast %scan3A_448 : i32 to index
      %get3A_450 = arith.constant 0 : index
      %get3A_451 = vector.load %arg7[%get3A_449, %get3A_450] : memref<256x512xf32, #tpu.memory_space<vmem>>, vector<1x512xf32>
      %transpose3A_452 = tpu.transpose %get3A_451, [1, 0] : vector<1x512xf32> -> vector<512x1xf32>
      %slice3A_453 = vector.extract_strided_slice %transpose3A_452 {offsets = [0, 0], sizes = [256, 1], strides = [1, 1]} : vector<512x1xf32> to vector<256x1xf32>
      %slice3A_454 = vector.extract_strided_slice %transpose3A_452 {offsets = [256, 0], sizes = [256, 1], strides = [1, 1]} : vector<512x1xf32> to vector<256x1xf32>
      %mul3A_455 = vector.broadcast %slice3A_453 : vector<256x1xf32> to vector<256x512xf32>
      %mul3A_456 = arith.mulf %slice3A, %mul3A_455 : vector<256x512xf32>
      %mul3A_457 = vector.broadcast %slice3A_454 : vector<256x1xf32> to vector<256x512xf32>
      %mul3A_458 = arith.mulf %slice3A_27, %mul3A_457 : vector<256x512xf32>
      %sub3A_459 = arith.constant 1.000000e+00 : f32
      %sub3A_460 = vector.broadcast %sub3A_459 : f32 to vector<256x1xf32>
      %sub3A_461 = arith.subf %sub3A_460, %slice3A_453 : vector<256x1xf32>
      %add3A_462 = vector.broadcast %sub3A_461 : vector<256x1xf32> to vector<256x512xf32>
      %add3A_463 = arith.addf %mul3A_456, %add3A_462 : vector<256x512xf32>
      %sub3A_464 = arith.constant 1.000000e+00 : f32
      %sub3A_465 = vector.broadcast %sub3A_464 : f32 to vector<256x1xf32>
      %sub3A_466 = arith.subf %sub3A_465, %slice3A_454 : vector<256x1xf32>
      %add3A_467 = vector.broadcast %sub3A_466 : vector<256x1xf32> to vector<256x512xf32>
      %add3A_468 = arith.addf %mul3A_458, %add3A_467 : vector<256x512xf32>
      %mul3A_469 = arith.mulf %add3A_463, %add3A_468 : vector<256x512xf32>
      %sub3A_470 = arith.constant 1.000000e+00 : f32
      %sub3A_471 = vector.broadcast %sub3A_470 : f32 to vector<256x512xf32>
      %sub3A_472 = arith.subf %sub3A_471, %mul3A_456 : vector<256x512xf32>
      %add3A_473 = arith.constant 9.99999993E-9 : f32
      %add3A_474 = vector.broadcast %add3A_473 : f32 to vector<256x512xf32>
      %add3A_475 = arith.addf %sub3A_472, %add3A_474 : vector<256x512xf32>
      %sub3A_476 = arith.constant 1.000000e+00 : f32
      %sub3A_477 = vector.broadcast %sub3A_476 : f32 to vector<256x512xf32>
      %sub3A_478 = arith.subf %sub3A_477, %mul3A_458 : vector<256x512xf32>
      %add3A_479 = arith.constant 9.99999993E-9 : f32
      %add3A_480 = vector.broadcast %add3A_479 : f32 to vector<256x512xf32>
      %add3A_481 = arith.addf %sub3A_478, %add3A_480 : vector<256x512xf32>
      %mul3A_482 = arith.mulf %add3A_475, %add3A_481 : vector<256x512xf32>
      %slice3A_483 = vector.extract_strided_slice %mul3A_469 {offsets = [0, 0], sizes = [128, 512], strides = [1, 1]} : vector<256x512xf32> to vector<128x512xf32>
      %slice3A_484 = vector.extract_strided_slice %mul3A_469 {offsets = [128, 0], sizes = [128, 512], strides = [1, 1]} : vector<256x512xf32> to vector<128x512xf32>
      %mul3A_485 = arith.mulf %slice3A_483, %slice3A_484 : vector<128x512xf32>
      %slice3A_486 = vector.extract_strided_slice %mul3A_485 {offsets = [0, 0], sizes = [64, 512], strides = [1, 1]} : vector<128x512xf32> to vector<64x512xf32>
      %slice3A_487 = vector.extract_strided_slice %mul3A_485 {offsets = [64, 0], sizes = [64, 512], strides = [1, 1]} : vector<128x512xf32> to vector<64x512xf32>
      %mul3A_488 = arith.mulf %slice3A_486, %slice3A_487 : vector<64x512xf32>
      %slice3A_489 = vector.extract_strided_slice %mul3A_488 {offsets = [0, 0], sizes = [32, 512], strides = [1, 1]} : vector<64x512xf32> to vector<32x512xf32>
      %slice3A_490 = vector.extract_strided_slice %mul3A_488 {offsets = [32, 0], sizes = [32, 512], strides = [1, 1]} : vector<64x512xf32> to vector<32x512xf32>
      %mul3A_491 = arith.mulf %slice3A_489, %slice3A_490 : vector<32x512xf32>
      %slice3A_492 = vector.extract_strided_slice %mul3A_491 {offsets = [0, 0], sizes = [16, 512], strides = [1, 1]} : vector<32x512xf32> to vector<16x512xf32>
      %slice3A_493 = vector.extract_strided_slice %mul3A_491 {offsets = [16, 0], sizes = [16, 512], strides = [1, 1]} : vector<32x512xf32> to vector<16x512xf32>
      %mul3A_494 = arith.mulf %slice3A_492, %slice3A_493 : vector<16x512xf32>
      %slice3A_495 = vector.extract_strided_slice %mul3A_494 {offsets = [0, 0], sizes = [8, 512], strides = [1, 1]} : vector<16x512xf32> to vector<8x512xf32>
      %slice3A_496 = vector.extract_strided_slice %mul3A_494 {offsets = [8, 0], sizes = [8, 512], strides = [1, 1]} : vector<16x512xf32> to vector<8x512xf32>
      %mul3A_497 = arith.mulf %slice3A_495, %slice3A_496 : vector<8x512xf32>
      %slice3A_498 = vector.extract_strided_slice %mul3A_497 {offsets = [0, 0], sizes = [4, 512], strides = [1, 1]} : vector<8x512xf32> to vector<4x512xf32>
      %slice3A_499 = vector.extract_strided_slice %mul3A_497 {offsets = [4, 0], sizes = [4, 512], strides = [1, 1]} : vector<8x512xf32> to vector<4x512xf32>
      %mul3A_500 = arith.mulf %slice3A_498, %slice3A_499 : vector<4x512xf32>
      %slice3A_501 = vector.extract_strided_slice %mul3A_500 {offsets = [0, 0], sizes = [2, 512], strides = [1, 1]} : vector<4x512xf32> to vector<2x512xf32>
      %slice3A_502 = vector.extract_strided_slice %mul3A_500 {offsets = [2, 0], sizes = [2, 512], strides = [1, 1]} : vector<4x512xf32> to vector<2x512xf32>
      %mul3A_503 = arith.mulf %slice3A_501, %slice3A_502 : vector<2x512xf32>
      %slice3A_504 = vector.extract_strided_slice %mul3A_503 {offsets = [0, 0], sizes = [1, 512], strides = [1, 1]} : vector<2x512xf32> to vector<1x512xf32>
      %slice3A_505 = vector.extract_strided_slice %mul3A_503 {offsets = [1, 0], sizes = [1, 512], strides = [1, 1]} : vector<2x512xf32> to vector<1x512xf32>
      %mul3A_506 = arith.mulf %slice3A_504, %slice3A_505 : vector<1x512xf32>
      %swap3A_507 = arith.index_cast %scan3A_448 : i32 to index
      %swap3A_508 = arith.constant 0 : index
      %swap3A_509 = vector.load %arg8[%swap3A_507, %swap3A_508] : memref<256x512xf32, #tpu.memory_space<vmem>>, vector<1x512xf32>
      tpu.vector_store %arg8[%swap3A_507, %swap3A_508], %mul3A_506 {strides = array<i32>} : memref<256x512xf32, #tpu.memory_space<vmem>>, vector<1x512xf32>,
      %slice3A_510 = vector.extract_strided_slice %mul3A_482 {offsets = [0, 0], sizes = [128, 512], strides = [1, 1]} : vector<256x512xf32> to vector<128x512xf32>
      %slice3A_511 = vector.extract_strided_slice %mul3A_482 {offsets = [128, 0], sizes = [128, 512], strides = [1, 1]} : vector<256x512xf32> to vector<128x512xf32>
      %mul3A_512 = arith.mulf %slice3A_510, %slice3A_511 : vector<128x512xf32>
      %slice3A_513 = vector.extract_strided_slice %mul3A_512 {offsets = [0, 0], sizes = [64, 512], strides = [1, 1]} : vector<128x512xf32> to vector<64x512xf32>
      %slice3A_514 = vector.extract_strided_slice %mul3A_512 {offsets = [64, 0], sizes = [64, 512], strides = [1, 1]} : vector<128x512xf32> to vector<64x512xf32>
      %mul3A_515 = arith.mulf %slice3A_513, %slice3A_514 : vector<64x512xf32>
      %slice3A_516 = vector.extract_strided_slice %mul3A_515 {offsets = [0, 0], sizes = [32, 512], strides = [1, 1]} : vector<64x512xf32> to vector<32x512xf32>
      %slice3A_517 = vector.extract_strided_slice %mul3A_515 {offsets = [32, 0], sizes = [32, 512], strides = [1, 1]} : vector<64x512xf32> to vector<32x512xf32>
      %mul3A_518 = arith.mulf %slice3A_516, %slice3A_517 : vector<32x512xf32>
      %slice3A_519 = vector.extract_strided_slice %mul3A_518 {offsets = [0, 0], sizes = [16, 512], strides = [1, 1]} : vector<32x512xf32> to vector<16x512xf32>
      %slice3A_520 = vector.extract_strided_slice %mul3A_518 {offsets = [16, 0], sizes = [16, 512], strides = [1, 1]} : vector<32x512xf32> to vector<16x512xf32>
      %mul3A_521 = arith.mulf %slice3A_519, %slice3A_520 : vector<16x512xf32>
      %slice3A_522 = vector.extract_strided_slice %mul3A_521 {offsets = [0, 0], sizes = [8, 512], strides = [1, 1]} : vector<16x512xf32> to vector<8x512xf32>
      %slice3A_523 = vector.extract_strided_slice %mul3A_521 {offsets = [8, 0], sizes = [8, 512], strides = [1, 1]} : vector<16x512xf32> to vector<8x512xf32>
      %mul3A_524 = arith.mulf %slice3A_522, %slice3A_523 : vector<8x512xf32>
      %slice3A_525 = vector.extract_strided_slice %mul3A_524 {offsets = [0, 0], sizes = [4, 512], strides = [1, 1]} : vector<8x512xf32> to vector<4x512xf32>
      %slice3A_526 = vector.extract_strided_slice %mul3A_524 {offsets = [4, 0], sizes = [4, 512], strides = [1, 1]} : vector<8x512xf32> to vector<4x512xf32>
      %mul3A_527 = arith.mulf %slice3A_525, %slice3A_526 : vector<4x512xf32>
      %slice3A_528 = vector.extract_strided_slice %mul3A_527 {offsets = [0, 0], sizes = [2, 512], strides = [1, 1]} : vector<4x512xf32> to vector<2x512xf32>
      %slice3A_529 = vector.extract_strided_slice %mul3A_527 {offsets = [2, 0], sizes = [2, 512], strides = [1, 1]} : vector<4x512xf32> to vector<2x512xf32>
      %mul3A_530 = arith.mulf %slice3A_528, %slice3A_529 : vector<2x512xf32>
      %slice3A_531 = vector.extract_strided_slice %mul3A_530 {offsets = [0, 0], sizes = [1, 512], strides = [1, 1]} : vector<2x512xf32> to vector<1x512xf32>
      %slice3A_532 = vector.extract_strided_slice %mul3A_530 {offsets = [1, 0], sizes = [1, 512], strides = [1, 1]} : vector<2x512xf32> to vector<1x512xf32>
      %mul3A_533 = arith.mulf %slice3A_531, %slice3A_532 : vector<1x512xf32>
      %swap3A_534 = arith.index_cast %scan3A_448 : i32 to index
      %swap3A_535 = arith.constant 0 : index
      %swap3A_536 = vector.load %arg9[%swap3A_534, %swap3A_535] : memref<256x512xf32, #tpu.memory_space<vmem>>, vector<1x512xf32>
      tpu.vector_store %arg9[%swap3A_534, %swap3A_535], %mul3A_533 {strides = array<i32>} : memref<256x512xf32, #tpu.memory_space<vmem>>, vector<1x512xf32>,
      %scan3A_537 = arith.constant 5 : i32
      %scan3A_538 = arith.addi %scan3A_88, %scan3A_537 : i32
      %get3A_539 = arith.index_cast %scan3A_538 : i32 to index
      %get3A_540 = arith.constant 0 : index
      %get3A_541 = vector.load %arg7[%get3A_539, %get3A_540] : memref<256x512xf32, #tpu.memory_space<vmem>>, vector<1x512xf32>
      %transpose3A_542 = tpu.transpose %get3A_541, [1, 0] : vector<1x512xf32> -> vector<512x1xf32>
      %slice3A_543 = vector.extract_strided_slice %transpose3A_542 {offsets = [0, 0], sizes = [256, 1], strides = [1, 1]} : vector<512x1xf32> to vector<256x1xf32>
      %slice3A_544 = vector.extract_strided_slice %transpose3A_542 {offsets = [256, 0], sizes = [256, 1], strides = [1, 1]} : vector<512x1xf32> to vector<256x1xf32>
      %mul3A_545 = vector.broadcast %slice3A_543 : vector<256x1xf32> to vector<256x512xf32>
      %mul3A_546 = arith.mulf %slice3A, %mul3A_545 : vector<256x512xf32>
      %mul3A_547 = vector.broadcast %slice3A_544 : vector<256x1xf32> to vector<256x512xf32>
      %mul3A_548 = arith.mulf %slice3A_27, %mul3A_547 : vector<256x512xf32>
      %sub3A_549 = arith.constant 1.000000e+00 : f32
      %sub3A_550 = vector.broadcast %sub3A_549 : f32 to vector<256x1xf32>
      %sub3A_551 = arith.subf %sub3A_550, %slice3A_543 : vector<256x1xf32>
      %add3A_552 = vector.broadcast %sub3A_551 : vector<256x1xf32> to vector<256x512xf32>
      %add3A_553 = arith.addf %mul3A_546, %add3A_552 : vector<256x512xf32>
      %sub3A_554 = arith.constant 1.000000e+00 : f32
      %sub3A_555 = vector.broadcast %sub3A_554 : f32 to vector<256x1xf32>
      %sub3A_556 = arith.subf %sub3A_555, %slice3A_544 : vector<256x1xf32>
      %add3A_557 = vector.broadcast %sub3A_556 : vector<256x1xf32> to vector<256x512xf32>
      %add3A_558 = arith.addf %mul3A_548, %add3A_557 : vector<256x512xf32>
      %mul3A_559 = arith.mulf %add3A_553, %add3A_558 : vector<256x512xf32>
      %sub3A_560 = arith.constant 1.000000e+00 : f32
      %sub3A_561 = vector.broadcast %sub3A_560 : f32 to vector<256x512xf32>
      %sub3A_562 = arith.subf %sub3A_561, %mul3A_546 : vector<256x512xf32>
      %add3A_563 = arith.constant 9.99999993E-9 : f32
      %add3A_564 = vector.broadcast %add3A_563 : f32 to vector<256x512xf32>
      %add3A_565 = arith.addf %sub3A_562, %add3A_564 : vector<256x512xf32>
      %sub3A_566 = arith.constant 1.000000e+00 : f32
      %sub3A_567 = vector.broadcast %sub3A_566 : f32 to vector<256x512xf32>
      %sub3A_568 = arith.subf %sub3A_567, %mul3A_548 : vector<256x512xf32>
      %add3A_569 = arith.constant 9.99999993E-9 : f32
      %add3A_570 = vector.broadcast %add3A_569 : f32 to vector<256x512xf32>
      %add3A_571 = arith.addf %sub3A_568, %add3A_570 : vector<256x512xf32>
      %mul3A_572 = arith.mulf %add3A_565, %add3A_571 : vector<256x512xf32>
      %slice3A_573 = vector.extract_strided_slice %mul3A_559 {offsets = [0, 0], sizes = [128, 512], strides = [1, 1]} : vector<256x512xf32> to vector<128x512xf32>
      %slice3A_574 = vector.extract_strided_slice %mul3A_559 {offsets = [128, 0], sizes = [128, 512], strides = [1, 1]} : vector<256x512xf32> to vector<128x512xf32>
      %mul3A_575 = arith.mulf %slice3A_573, %slice3A_574 : vector<128x512xf32>
      %slice3A_576 = vector.extract_strided_slice %mul3A_575 {offsets = [0, 0], sizes = [64, 512], strides = [1, 1]} : vector<128x512xf32> to vector<64x512xf32>
      %slice3A_577 = vector.extract_strided_slice %mul3A_575 {offsets = [64, 0], sizes = [64, 512], strides = [1, 1]} : vector<128x512xf32> to vector<64x512xf32>
      %mul3A_578 = arith.mulf %slice3A_576, %slice3A_577 : vector<64x512xf32>
      %slice3A_579 = vector.extract_strided_slice %mul3A_578 {offsets = [0, 0], sizes = [32, 512], strides = [1, 1]} : vector<64x512xf32> to vector<32x512xf32>
      %slice3A_580 = vector.extract_strided_slice %mul3A_578 {offsets = [32, 0], sizes = [32, 512], strides = [1, 1]} : vector<64x512xf32> to vector<32x512xf32>
      %mul3A_581 = arith.mulf %slice3A_579, %slice3A_580 : vector<32x512xf32>
      %slice3A_582 = vector.extract_strided_slice %mul3A_581 {offsets = [0, 0], sizes = [16, 512], strides = [1, 1]} : vector<32x512xf32> to vector<16x512xf32>
      %slice3A_583 = vector.extract_strided_slice %mul3A_581 {offsets = [16, 0], sizes = [16, 512], strides = [1, 1]} : vector<32x512xf32> to vector<16x512xf32>
      %mul3A_584 = arith.mulf %slice3A_582, %slice3A_583 : vector<16x512xf32>
      %slice3A_585 = vector.extract_strided_slice %mul3A_584 {offsets = [0, 0], sizes = [8, 512], strides = [1, 1]} : vector<16x512xf32> to vector<8x512xf32>
      %slice3A_586 = vector.extract_strided_slice %mul3A_584 {offsets = [8, 0], sizes = [8, 512], strides = [1, 1]} : vector<16x512xf32> to vector<8x512xf32>
      %mul3A_587 = arith.mulf %slice3A_585, %slice3A_586 : vector<8x512xf32>
      %slice3A_588 = vector.extract_strided_slice %mul3A_587 {offsets = [0, 0], sizes = [4, 512], strides = [1, 1]} : vector<8x512xf32> to vector<4x512xf32>
      %slice3A_589 = vector.extract_strided_slice %mul3A_587 {offsets = [4, 0], sizes = [4, 512], strides = [1, 1]} : vector<8x512xf32> to vector<4x512xf32>
      %mul3A_590 = arith.mulf %slice3A_588, %slice3A_589 : vector<4x512xf32>
      %slice3A_591 = vector.extract_strided_slice %mul3A_590 {offsets = [0, 0], sizes = [2, 512], strides = [1, 1]} : vector<4x512xf32> to vector<2x512xf32>
      %slice3A_592 = vector.extract_strided_slice %mul3A_590 {offsets = [2, 0], sizes = [2, 512], strides = [1, 1]} : vector<4x512xf32> to vector<2x512xf32>
      %mul3A_593 = arith.mulf %slice3A_591, %slice3A_592 : vector<2x512xf32>
      %slice3A_594 = vector.extract_strided_slice %mul3A_593 {offsets = [0, 0], sizes = [1, 512], strides = [1, 1]} : vector<2x512xf32> to vector<1x512xf32>
      %slice3A_595 = vector.extract_strided_slice %mul3A_593 {offsets = [1, 0], sizes = [1, 512], strides = [1, 1]} : vector<2x512xf32> to vector<1x512xf32>
      %mul3A_596 = arith.mulf %slice3A_594, %slice3A_595 : vector<1x512xf32>
      %swap3A_597 = arith.index_cast %scan3A_538 : i32 to index
      %swap3A_598 = arith.constant 0 : index
      %swap3A_599 = vector.load %arg8[%swap3A_597, %swap3A_598] : memref<256x512xf32, #tpu.memory_space<vmem>>, vector<1x512xf32>
      tpu.vector_store %arg8[%swap3A_597, %swap3A_598], %mul3A_596 {strides = array<i32>} : memref<256x512xf32, #tpu.memory_space<vmem>>, vector<1x512xf32>,
      %slice3A_600 = vector.extract_strided_slice %mul3A_572 {offsets = [0, 0], sizes = [128, 512], strides = [1, 1]} : vector<256x512xf32> to vector<128x512xf32>
      %slice3A_601 = vector.extract_strided_slice %mul3A_572 {offsets = [128, 0], sizes = [128, 512], strides = [1, 1]} : vector<256x512xf32> to vector<128x512xf32>
      %mul3A_602 = arith.mulf %slice3A_600, %slice3A_601 : vector<128x512xf32>
      %slice3A_603 = vector.extract_strided_slice %mul3A_602 {offsets = [0, 0], sizes = [64, 512], strides = [1, 1]} : vector<128x512xf32> to vector<64x512xf32>
      %slice3A_604 = vector.extract_strided_slice %mul3A_602 {offsets = [64, 0], sizes = [64, 512], strides = [1, 1]} : vector<128x512xf32> to vector<64x512xf32>
      %mul3A_605 = arith.mulf %slice3A_603, %slice3A_604 : vector<64x512xf32>
      %slice3A_606 = vector.extract_strided_slice %mul3A_605 {offsets = [0, 0], sizes = [32, 512], strides = [1, 1]} : vector<64x512xf32> to vector<32x512xf32>
      %slice3A_607 = vector.extract_strided_slice %mul3A_605 {offsets = [32, 0], sizes = [32, 512], strides = [1, 1]} : vector<64x512xf32> to vector<32x512xf32>
      %mul3A_608 = arith.mulf %slice3A_606, %slice3A_607 : vector<32x512xf32>
      %slice3A_609 = vector.extract_strided_slice %mul3A_608 {offsets = [0, 0], sizes = [16, 512], strides = [1, 1]} : vector<32x512xf32> to vector<16x512xf32>
      %slice3A_610 = vector.extract_strided_slice %mul3A_608 {offsets = [16, 0], sizes = [16, 512], strides = [1, 1]} : vector<32x512xf32> to vector<16x512xf32>
      %mul3A_611 = arith.mulf %slice3A_609, %slice3A_610 : vector<16x512xf32>
      %slice3A_612 = vector.extract_strided_slice %mul3A_611 {offsets = [0, 0], sizes = [8, 512], strides = [1, 1]} : vector<16x512xf32> to vector<8x512xf32>
      %slice3A_613 = vector.extract_strided_slice %mul3A_611 {offsets = [8, 0], sizes = [8, 512], strides = [1, 1]} : vector<16x512xf32> to vector<8x512xf32>
      %mul3A_614 = arith.mulf %slice3A_612, %slice3A_613 : vector<8x512xf32>
      %slice3A_615 = vector.extract_strided_slice %mul3A_614 {offsets = [0, 0], sizes = [4, 512], strides = [1, 1]} : vector<8x512xf32> to vector<4x512xf32>
      %slice3A_616 = vector.extract_strided_slice %mul3A_614 {offsets = [4, 0], sizes = [4, 512], strides = [1, 1]} : vector<8x512xf32> to vector<4x512xf32>
      %mul3A_617 = arith.mulf %slice3A_615, %slice3A_616 : vector<4x512xf32>
      %slice3A_618 = vector.extract_strided_slice %mul3A_617 {offsets = [0, 0], sizes = [2, 512], strides = [1, 1]} : vector<4x512xf32> to vector<2x512xf32>
      %slice3A_619 = vector.extract_strided_slice %mul3A_617 {offsets = [2, 0], sizes = [2, 512], strides = [1, 1]} : vector<4x512xf32> to vector<2x512xf32>
      %mul3A_620 = arith.mulf %slice3A_618, %slice3A_619 : vector<2x512xf32>
      %slice3A_621 = vector.extract_strided_slice %mul3A_620 {offsets = [0, 0], sizes = [1, 512], strides = [1, 1]} : vector<2x512xf32> to vector<1x512xf32>
      %slice3A_622 = vector.extract_strided_slice %mul3A_620 {offsets = [1, 0], sizes = [1, 512], strides = [1, 1]} : vector<2x512xf32> to vector<1x512xf32>
      %mul3A_623 = arith.mulf %slice3A_621, %slice3A_622 : vector<1x512xf32>
      %swap3A_624 = arith.index_cast %scan3A_538 : i32 to index
      %swap3A_625 = arith.constant 0 : index
      %swap3A_626 = vector.load %arg9[%swap3A_624, %swap3A_625] : memref<256x512xf32, #tpu.memory_space<vmem>>, vector<1x512xf32>
      tpu.vector_store %arg9[%swap3A_624, %swap3A_625], %mul3A_623 {strides = array<i32>} : memref<256x512xf32, #tpu.memory_space<vmem>>, vector<1x512xf32>,
      %scan3A_627 = arith.constant 6 : i32
      %scan3A_628 = arith.addi %scan3A_88, %scan3A_627 : i32
      %get3A_629 = arith.index_cast %scan3A_628 : i32 to index
      %get3A_630 = arith.constant 0 : index
      %get3A_631 = vector.load %arg7[%get3A_629, %get3A_630] : memref<256x512xf32, #tpu.memory_space<vmem>>, vector<1x512xf32>
      %transpose3A_632 = tpu.transpose %get3A_631, [1, 0] : vector<1x512xf32> -> vector<512x1xf32>
      %slice3A_633 = vector.extract_strided_slice %transpose3A_632 {offsets = [0, 0], sizes = [256, 1], strides = [1, 1]} : vector<512x1xf32> to vector<256x1xf32>
      %slice3A_634 = vector.extract_strided_slice %transpose3A_632 {offsets = [256, 0], sizes = [256, 1], strides = [1, 1]} : vector<512x1xf32> to vector<256x1xf32>
      %mul3A_635 = vector.broadcast %slice3A_633 : vector<256x1xf32> to vector<256x512xf32>
      %mul3A_636 = arith.mulf %slice3A, %mul3A_635 : vector<256x512xf32>
      %mul3A_637 = vector.broadcast %slice3A_634 : vector<256x1xf32> to vector<256x512xf32>
      %mul3A_638 = arith.mulf %slice3A_27, %mul3A_637 : vector<256x512xf32>
      %sub3A_639 = arith.constant 1.000000e+00 : f32
      %sub3A_640 = vector.broadcast %sub3A_639 : f32 to vector<256x1xf32>
      %sub3A_641 = arith.subf %sub3A_640, %slice3A_633 : vector<256x1xf32>
      %add3A_642 = vector.broadcast %sub3A_641 : vector<256x1xf32> to vector<256x512xf32>
      %add3A_643 = arith.addf %mul3A_636, %add3A_642 : vector<256x512xf32>
      %sub3A_644 = arith.constant 1.000000e+00 : f32
      %sub3A_645 = vector.broadcast %sub3A_644 : f32 to vector<256x1xf32>
      %sub3A_646 = arith.subf %sub3A_645, %slice3A_634 : vector<256x1xf32>
      %add3A_647 = vector.broadcast %sub3A_646 : vector<256x1xf32> to vector<256x512xf32>
      %add3A_648 = arith.addf %mul3A_638, %add3A_647 : vector<256x512xf32>
      %mul3A_649 = arith.mulf %add3A_643, %add3A_648 : vector<256x512xf32>
      %sub3A_650 = arith.constant 1.000000e+00 : f32
      %sub3A_651 = vector.broadcast %sub3A_650 : f32 to vector<256x512xf32>
      %sub3A_652 = arith.subf %sub3A_651, %mul3A_636 : vector<256x512xf32>
      %add3A_653 = arith.constant 9.99999993E-9 : f32
      %add3A_654 = vector.broadcast %add3A_653 : f32 to vector<256x512xf32>
      %add3A_655 = arith.addf %sub3A_652, %add3A_654 : vector<256x512xf32>
      %sub3A_656 = arith.constant 1.000000e+00 : f32
      %sub3A_657 = vector.broadcast %sub3A_656 : f32 to vector<256x512xf32>
      %sub3A_658 = arith.subf %sub3A_657, %mul3A_638 : vector<256x512xf32>
      %add3A_659 = arith.constant 9.99999993E-9 : f32
      %add3A_660 = vector.broadcast %add3A_659 : f32 to vector<256x512xf32>
      %add3A_661 = arith.addf %sub3A_658, %add3A_660 : vector<256x512xf32>
      %mul3A_662 = arith.mulf %add3A_655, %add3A_661 : vector<256x512xf32>
      %slice3A_663 = vector.extract_strided_slice %mul3A_649 {offsets = [0, 0], sizes = [128, 512], strides = [1, 1]} : vector<256x512xf32> to vector<128x512xf32>
      %slice3A_664 = vector.extract_strided_slice %mul3A_649 {offsets = [128, 0], sizes = [128, 512], strides = [1, 1]} : vector<256x512xf32> to vector<128x512xf32>
      %mul3A_665 = arith.mulf %slice3A_663, %slice3A_664 : vector<128x512xf32>
      %slice3A_666 = vector.extract_strided_slice %mul3A_665 {offsets = [0, 0], sizes = [64, 512], strides = [1, 1]} : vector<128x512xf32> to vector<64x512xf32>
      %slice3A_667 = vector.extract_strided_slice %mul3A_665 {offsets = [64, 0], sizes = [64, 512], strides = [1, 1]} : vector<128x512xf32> to vector<64x512xf32>
      %mul3A_668 = arith.mulf %slice3A_666, %slice3A_667 : vector<64x512xf32>
      %slice3A_669 = vector.extract_strided_slice %mul3A_668 {offsets = [0, 0], sizes = [32, 512], strides = [1, 1]} : vector<64x512xf32> to vector<32x512xf32>
      %slice3A_670 = vector.extract_strided_slice %mul3A_668 {offsets = [32, 0], sizes = [32, 512], strides = [1, 1]} : vector<64x512xf32> to vector<32x512xf32>
      %mul3A_671 = arith.mulf %slice3A_669, %slice3A_670 : vector<32x512xf32>
      %slice3A_672 = vector.extract_strided_slice %mul3A_671 {offsets = [0, 0], sizes = [16, 512], strides = [1, 1]} : vector<32x512xf32> to vector<16x512xf32>
      %slice3A_673 = vector.extract_strided_slice %mul3A_671 {offsets = [16, 0], sizes = [16, 512], strides = [1, 1]} : vector<32x512xf32> to vector<16x512xf32>
      %mul3A_674 = arith.mulf %slice3A_672, %slice3A_673 : vector<16x512xf32>
      %slice3A_675 = vector.extract_strided_slice %mul3A_674 {offsets = [0, 0], sizes = [8, 512], strides = [1, 1]} : vector<16x512xf32> to vector<8x512xf32>
      %slice3A_676 = vector.extract_strided_slice %mul3A_674 {offsets = [8, 0], sizes = [8, 512], strides = [1, 1]} : vector<16x512xf32> to vector<8x512xf32>
      %mul3A_677 = arith.mulf %slice3A_675, %slice3A_676 : vector<8x512xf32>
      %slice3A_678 = vector.extract_strided_slice %mul3A_677 {offsets = [0, 0], sizes = [4, 512], strides = [1, 1]} : vector<8x512xf32> to vector<4x512xf32>
      %slice3A_679 = vector.extract_strided_slice %mul3A_677 {offsets = [4, 0], sizes = [4, 512], strides = [1, 1]} : vector<8x512xf32> to vector<4x512xf32>
      %mul3A_680 = arith.mulf %slice3A_678, %slice3A_679 : vector<4x512xf32>
      %slice3A_681 = vector.extract_strided_slice %mul3A_680 {offsets = [0, 0], sizes = [2, 512], strides = [1, 1]} : vector<4x512xf32> to vector<2x512xf32>
      %slice3A_682 = vector.extract_strided_slice %mul3A_680 {offsets = [2, 0], sizes = [2, 512], strides = [1, 1]} : vector<4x512xf32> to vector<2x512xf32>
      %mul3A_683 = arith.mulf %slice3A_681, %slice3A_682 : vector<2x512xf32>
      %slice3A_684 = vector.extract_strided_slice %mul3A_683 {offsets = [0, 0], sizes = [1, 512], strides = [1, 1]} : vector<2x512xf32> to vector<1x512xf32>
      %slice3A_685 = vector.extract_strided_slice %mul3A_683 {offsets = [1, 0], sizes = [1, 512], strides = [1, 1]} : vector<2x512xf32> to vector<1x512xf32>
      %mul3A_686 = arith.mulf %slice3A_684, %slice3A_685 : vector<1x512xf32>
      %swap3A_687 = arith.index_cast %scan3A_628 : i32 to index
      %swap3A_688 = arith.constant 0 : index
      %swap3A_689 = vector.load %arg8[%swap3A_687, %swap3A_688] : memref<256x512xf32, #tpu.memory_space<vmem>>, vector<1x512xf32>
      tpu.vector_store %arg8[%swap3A_687, %swap3A_688], %mul3A_686 {strides = array<i32>} : memref<256x512xf32, #tpu.memory_space<vmem>>, vector<1x512xf32>,
      %slice3A_690 = vector.extract_strided_slice %mul3A_662 {offsets = [0, 0], sizes = [128, 512], strides = [1, 1]} : vector<256x512xf32> to vector<128x512xf32>
      %slice3A_691 = vector.extract_strided_slice %mul3A_662 {offsets = [128, 0], sizes = [128, 512], strides = [1, 1]} : vector<256x512xf32> to vector<128x512xf32>
      %mul3A_692 = arith.mulf %slice3A_690, %slice3A_691 : vector<128x512xf32>
      %slice3A_693 = vector.extract_strided_slice %mul3A_692 {offsets = [0, 0], sizes = [64, 512], strides = [1, 1]} : vector<128x512xf32> to vector<64x512xf32>
      %slice3A_694 = vector.extract_strided_slice %mul3A_692 {offsets = [64, 0], sizes = [64, 512], strides = [1, 1]} : vector<128x512xf32> to vector<64x512xf32>
      %mul3A_695 = arith.mulf %slice3A_693, %slice3A_694 : vector<64x512xf32>
      %slice3A_696 = vector.extract_strided_slice %mul3A_695 {offsets = [0, 0], sizes = [32, 512], strides = [1, 1]} : vector<64x512xf32> to vector<32x512xf32>
      %slice3A_697 = vector.extract_strided_slice %mul3A_695 {offsets = [32, 0], sizes = [32, 512], strides = [1, 1]} : vector<64x512xf32> to vector<32x512xf32>
      %mul3A_698 = arith.mulf %slice3A_696, %slice3A_697 : vector<32x512xf32>
      %slice3A_699 = vector.extract_strided_slice %mul3A_698 {offsets = [0, 0], sizes = [16, 512], strides = [1, 1]} : vector<32x512xf32> to vector<16x512xf32>
      %slice3A_700 = vector.extract_strided_slice %mul3A_698 {offsets = [16, 0], sizes = [16, 512], strides = [1, 1]} : vector<32x512xf32> to vector<16x512xf32>
      %mul3A_701 = arith.mulf %slice3A_699, %slice3A_700 : vector<16x512xf32>
      %slice3A_702 = vector.extract_strided_slice %mul3A_701 {offsets = [0, 0], sizes = [8, 512], strides = [1, 1]} : vector<16x512xf32> to vector<8x512xf32>
      %slice3A_703 = vector.extract_strided_slice %mul3A_701 {offsets = [8, 0], sizes = [8, 512], strides = [1, 1]} : vector<16x512xf32> to vector<8x512xf32>
      %mul3A_704 = arith.mulf %slice3A_702, %slice3A_703 : vector<8x512xf32>
      %slice3A_705 = vector.extract_strided_slice %mul3A_704 {offsets = [0, 0], sizes = [4, 512], strides = [1, 1]} : vector<8x512xf32> to vector<4x512xf32>
      %slice3A_706 = vector.extract_strided_slice %mul3A_704 {offsets = [4, 0], sizes = [4, 512], strides = [1, 1]} : vector<8x512xf32> to vector<4x512xf32>
      %mul3A_707 = arith.mulf %slice3A_705, %slice3A_706 : vector<4x512xf32>
      %slice3A_708 = vector.extract_strided_slice %mul3A_707 {offsets = [0, 0], sizes = [2, 512], strides = [1, 1]} : vector<4x512xf32> to vector<2x512xf32>
      %slice3A_709 = vector.extract_strided_slice %mul3A_707 {offsets = [2, 0], sizes = [2, 512], strides = [1, 1]} : vector<4x512xf32> to vector<2x512xf32>
      %mul3A_710 = arith.mulf %slice3A_708, %slice3A_709 : vector<2x512xf32>
      %slice3A_711 = vector.extract_strided_slice %mul3A_710 {offsets = [0, 0], sizes = [1, 512], strides = [1, 1]} : vector<2x512xf32> to vector<1x512xf32>
      %slice3A_712 = vector.extract_strided_slice %mul3A_710 {offsets = [1, 0], sizes = [1, 512], strides = [1, 1]} : vector<2x512xf32> to vector<1x512xf32>
      %mul3A_713 = arith.mulf %slice3A_711, %slice3A_712 : vector<1x512xf32>
      %swap3A_714 = arith.index_cast %scan3A_628 : i32 to index
      %swap3A_715 = arith.constant 0 : index
      %swap3A_716 = vector.load %arg9[%swap3A_714, %swap3A_715] : memref<256x512xf32, #tpu.memory_space<vmem>>, vector<1x512xf32>
      tpu.vector_store %arg9[%swap3A_714, %swap3A_715], %mul3A_713 {strides = array<i32>} : memref<256x512xf32, #tpu.memory_space<vmem>>, vector<1x512xf32>,
      %scan3A_717 = arith.constant 7 : i32
      %scan3A_718 = arith.addi %scan3A_88, %scan3A_717 : i32
      %get3A_719 = arith.index_cast %scan3A_718 : i32 to index
      %get3A_720 = arith.constant 0 : index
      %get3A_721 = vector.load %arg7[%get3A_719, %get3A_720] : memref<256x512xf32, #tpu.memory_space<vmem>>, vector<1x512xf32>
      %transpose3A_722 = tpu.transpose %get3A_721, [1, 0] : vector<1x512xf32> -> vector<512x1xf32>
      %slice3A_723 = vector.extract_strided_slice %transpose3A_722 {offsets = [0, 0], sizes = [256, 1], strides = [1, 1]} : vector<512x1xf32> to vector<256x1xf32>
      %slice3A_724 = vector.extract_strided_slice %transpose3A_722 {offsets = [256, 0], sizes = [256, 1], strides = [1, 1]} : vector<512x1xf32> to vector<256x1xf32>
      %mul3A_725 = vector.broadcast %slice3A_723 : vector<256x1xf32> to vector<256x512xf32>
      %mul3A_726 = arith.mulf %slice3A, %mul3A_725 : vector<256x512xf32>
      %mul3A_727 = vector.broadcast %slice3A_724 : vector<256x1xf32> to vector<256x512xf32>
      %mul3A_728 = arith.mulf %slice3A_27, %mul3A_727 : vector<256x512xf32>
      %sub3A_729 = arith.constant 1.000000e+00 : f32
      %sub3A_730 = vector.broadcast %sub3A_729 : f32 to vector<256x1xf32>
      %sub3A_731 = arith.subf %sub3A_730, %slice3A_723 : vector<256x1xf32>
      %add3A_732 = vector.broadcast %sub3A_731 : vector<256x1xf32> to vector<256x512xf32>
      %add3A_733 = arith.addf %mul3A_726, %add3A_732 : vector<256x512xf32>
      %sub3A_734 = arith.constant 1.000000e+00 : f32
      %sub3A_735 = vector.broadcast %sub3A_734 : f32 to vector<256x1xf32>
      %sub3A_736 = arith.subf %sub3A_735, %slice3A_724 : vector<256x1xf32>
      %add3A_737 = vector.broadcast %sub3A_736 : vector<256x1xf32> to vector<256x512xf32>
      %add3A_738 = arith.addf %mul3A_728, %add3A_737 : vector<256x512xf32>
      %mul3A_739 = arith.mulf %add3A_733, %add3A_738 : vector<256x512xf32>
      %sub3A_740 = arith.constant 1.000000e+00 : f32
      %sub3A_741 = vector.broadcast %sub3A_740 : f32 to vector<256x512xf32>
      %sub3A_742 = arith.subf %sub3A_741, %mul3A_726 : vector<256x512xf32>
      %add3A_743 = arith.constant 9.99999993E-9 : f32
      %add3A_744 = vector.broadcast %add3A_743 : f32 to vector<256x512xf32>
      %add3A_745 = arith.addf %sub3A_742, %add3A_744 : vector<256x512xf32>
      %sub3A_746 = arith.constant 1.000000e+00 : f32
      %sub3A_747 = vector.broadcast %sub3A_746 : f32 to vector<256x512xf32>
      %sub3A_748 = arith.subf %sub3A_747, %mul3A_728 : vector<256x512xf32>
      %add3A_749 = arith.constant 9.99999993E-9 : f32
      %add3A_750 = vector.broadcast %add3A_749 : f32 to vector<256x512xf32>
      %add3A_751 = arith.addf %sub3A_748, %add3A_750 : vector<256x512xf32>
      %mul3A_752 = arith.mulf %add3A_745, %add3A_751 : vector<256x512xf32>
      %slice3A_753 = vector.extract_strided_slice %mul3A_739 {offsets = [0, 0], sizes = [128, 512], strides = [1, 1]} : vector<256x512xf32> to vector<128x512xf32>
      %slice3A_754 = vector.extract_strided_slice %mul3A_739 {offsets = [128, 0], sizes = [128, 512], strides = [1, 1]} : vector<256x512xf32> to vector<128x512xf32>
      %mul3A_755 = arith.mulf %slice3A_753, %slice3A_754 : vector<128x512xf32>
      %slice3A_756 = vector.extract_strided_slice %mul3A_755 {offsets = [0, 0], sizes = [64, 512], strides = [1, 1]} : vector<128x512xf32> to vector<64x512xf32>
      %slice3A_757 = vector.extract_strided_slice %mul3A_755 {offsets = [64, 0], sizes = [64, 512], strides = [1, 1]} : vector<128x512xf32> to vector<64x512xf32>
      %mul3A_758 = arith.mulf %slice3A_756, %slice3A_757 : vector<64x512xf32>
      %slice3A_759 = vector.extract_strided_slice %mul3A_758 {offsets = [0, 0], sizes = [32, 512], strides = [1, 1]} : vector<64x512xf32> to vector<32x512xf32>
      %slice3A_760 = vector.extract_strided_slice %mul3A_758 {offsets = [32, 0], sizes = [32, 512], strides = [1, 1]} : vector<64x512xf32> to vector<32x512xf32>
      %mul3A_761 = arith.mulf %slice3A_759, %slice3A_760 : vector<32x512xf32>
      %slice3A_762 = vector.extract_strided_slice %mul3A_761 {offsets = [0, 0], sizes = [16, 512], strides = [1, 1]} : vector<32x512xf32> to vector<16x512xf32>
      %slice3A_763 = vector.extract_strided_slice %mul3A_761 {offsets = [16, 0], sizes = [16, 512], strides = [1, 1]} : vector<32x512xf32> to vector<16x512xf32>
      %mul3A_764 = arith.mulf %slice3A_762, %slice3A_763 : vector<16x512xf32>
      %slice3A_765 = vector.extract_strided_slice %mul3A_764 {offsets = [0, 0], sizes = [8, 512], strides = [1, 1]} : vector<16x512xf32> to vector<8x512xf32>
      %slice3A_766 = vector.extract_strided_slice %mul3A_764 {offsets = [8, 0], sizes = [8, 512], strides = [1, 1]} : vector<16x512xf32> to vector<8x512xf32>
      %mul3A_767 = arith.mulf %slice3A_765, %slice3A_766 : vector<8x512xf32>
      %slice3A_768 = vector.extract_strided_slice %mul3A_767 {offsets = [0, 0], sizes = [4, 512], strides = [1, 1]} : vector<8x512xf32> to vector<4x512xf32>
      %slice3A_769 = vector.extract_strided_slice %mul3A_767 {offsets = [4, 0], sizes = [4, 512], strides = [1, 1]} : vector<8x512xf32> to vector<4x512xf32>
      %mul3A_770 = arith.mulf %slice3A_768, %slice3A_769 : vector<4x512xf32>
      %slice3A_771 = vector.extract_strided_slice %mul3A_770 {offsets = [0, 0], sizes = [2, 512], strides = [1, 1]} : vector<4x512xf32> to vector<2x512xf32>
      %slice3A_772 = vector.extract_strided_slice %mul3A_770 {offsets = [2, 0], sizes = [2, 512], strides = [1, 1]} : vector<4x512xf32> to vector<2x512xf32>
      %mul3A_773 = arith.mulf %slice3A_771, %slice3A_772 : vector<2x512xf32>
      %slice3A_774 = vector.extract_strided_slice %mul3A_773 {offsets = [0, 0], sizes = [1, 512], strides = [1, 1]} : vector<2x512xf32> to vector<1x512xf32>
      %slice3A_775 = vector.extract_strided_slice %mul3A_773 {offsets = [1, 0], sizes = [1, 512], strides = [1, 1]} : vector<2x512xf32> to vector<1x512xf32>
      %mul3A_776 = arith.mulf %slice3A_774, %slice3A_775 : vector<1x512xf32>
      %swap3A_777 = arith.index_cast %scan3A_718 : i32 to index
      %swap3A_778 = arith.constant 0 : index
      %swap3A_779 = vector.load %arg8[%swap3A_777, %swap3A_778] : memref<256x512xf32, #tpu.memory_space<vmem>>, vector<1x512xf32>
      tpu.vector_store %arg8[%swap3A_777, %swap3A_778], %mul3A_776 {strides = array<i32>} : memref<256x512xf32, #tpu.memory_space<vmem>>, vector<1x512xf32>,
      %slice3A_780 = vector.extract_strided_slice %mul3A_752 {offsets = [0, 0], sizes = [128, 512], strides = [1, 1]} : vector<256x512xf32> to vector<128x512xf32>
      %slice3A_781 = vector.extract_strided_slice %mul3A_752 {offsets = [128, 0], sizes = [128, 512], strides = [1, 1]} : vector<256x512xf32> to vector<128x512xf32>
      %mul3A_782 = arith.mulf %slice3A_780, %slice3A_781 : vector<128x512xf32>
      %slice3A_783 = vector.extract_strided_slice %mul3A_782 {offsets = [0, 0], sizes = [64, 512], strides = [1, 1]} : vector<128x512xf32> to vector<64x512xf32>
      %slice3A_784 = vector.extract_strided_slice %mul3A_782 {offsets = [64, 0], sizes = [64, 512], strides = [1, 1]} : vector<128x512xf32> to vector<64x512xf32>
      %mul3A_785 = arith.mulf %slice3A_783, %slice3A_784 : vector<64x512xf32>
      %slice3A_786 = vector.extract_strided_slice %mul3A_785 {offsets = [0, 0], sizes = [32, 512], strides = [1, 1]} : vector<64x512xf32> to vector<32x512xf32>
      %slice3A_787 = vector.extract_strided_slice %mul3A_785 {offsets = [32, 0], sizes = [32, 512], strides = [1, 1]} : vector<64x512xf32> to vector<32x512xf32>
      %mul3A_788 = arith.mulf %slice3A_786, %slice3A_787 : vector<32x512xf32>
      %slice3A_789 = vector.extract_strided_slice %mul3A_788 {offsets = [0, 0], sizes = [16, 512], strides = [1, 1]} : vector<32x512xf32> to vector<16x512xf32>
      %slice3A_790 = vector.extract_strided_slice %mul3A_788 {offsets = [16, 0], sizes = [16, 512], strides = [1, 1]} : vector<32x512xf32> to vector<16x512xf32>
      %mul3A_791 = arith.mulf %slice3A_789, %slice3A_790 : vector<16x512xf32>
      %slice3A_792 = vector.extract_strided_slice %mul3A_791 {offsets = [0, 0], sizes = [8, 512], strides = [1, 1]} : vector<16x512xf32> to vector<8x512xf32>
      %slice3A_793 = vector.extract_strided_slice %mul3A_791 {offsets = [8, 0], sizes = [8, 512], strides = [1, 1]} : vector<16x512xf32> to vector<8x512xf32>
      %mul3A_794 = arith.mulf %slice3A_792, %slice3A_793 : vector<8x512xf32>
      %slice3A_795 = vector.extract_strided_slice %mul3A_794 {offsets = [0, 0], sizes = [4, 512], strides = [1, 1]} : vector<8x512xf32> to vector<4x512xf32>
      %slice3A_796 = vector.extract_strided_slice %mul3A_794 {offsets = [4, 0], sizes = [4, 512], strides = [1, 1]} : vector<8x512xf32> to vector<4x512xf32>
      %mul3A_797 = arith.mulf %slice3A_795, %slice3A_796 : vector<4x512xf32>
      %slice3A_798 = vector.extract_strided_slice %mul3A_797 {offsets = [0, 0], sizes = [2, 512], strides = [1, 1]} : vector<4x512xf32> to vector<2x512xf32>
      %slice3A_799 = vector.extract_strided_slice %mul3A_797 {offsets = [2, 0], sizes = [2, 512], strides = [1, 1]} : vector<4x512xf32> to vector<2x512xf32>
      %mul3A_800 = arith.mulf %slice3A_798, %slice3A_799 : vector<2x512xf32>
      %slice3A_801 = vector.extract_strided_slice %mul3A_800 {offsets = [0, 0], sizes = [1, 512], strides = [1, 1]} : vector<2x512xf32> to vector<1x512xf32>
      %slice3A_802 = vector.extract_strided_slice %mul3A_800 {offsets = [1, 0], sizes = [1, 512], strides = [1, 1]} : vector<2x512xf32> to vector<1x512xf32>
      %mul3A_803 = arith.mulf %slice3A_801, %slice3A_802 : vector<1x512xf32>
      %swap3A_804 = arith.index_cast %scan3A_718 : i32 to index
      %swap3A_805 = arith.constant 0 : index
      %swap3A_806 = vector.load %arg9[%swap3A_804, %swap3A_805] : memref<256x512xf32, #tpu.memory_space<vmem>>, vector<1x512xf32>
      tpu.vector_store %arg9[%swap3A_804, %swap3A_805], %mul3A_803 {strides = array<i32>} : memref<256x512xf32, #tpu.memory_space<vmem>>, vector<1x512xf32>,
    }
    %scan3A_31 = arith.constant 256 : i32
    %get3A_32 = arith.constant 0 : index
    %get3A_33 = arith.constant 0 : index
    %get3A_34 = vector.load %arg2[%get3A_32, %get3A_33] : memref<256x3xf32, #tpu.memory_space<vmem>>, vector<256x3xf32>
    %reduce_max3A_35 = arith.constant dense<0xFF800000> : vector<256xf32>
    %reduce_max3A_36 = vector.multi_reduction <maximumf>, %get3A_34, %reduce_max3A_35 [1] : vector<256x3xf32> to vector<256xf32>
    %broadcast_in_dim3A_37 = vector.shape_cast %reduce_max3A_36 : vector<256xf32> to vector<256x1xf32>
    %sub3A_38 = vector.broadcast %broadcast_in_dim3A_37 : vector<256x1xf32> to vector<256x3xf32>
    %sub3A_39 = arith.subf %get3A_34, %sub3A_38 : vector<256x3xf32>
    %exp3A_40 = math.exp %sub3A_39 : vector<256x3xf32>
    %reduce_sum3A_41 = arith.constant dense<0.000000e+00> : vector<256xf32>
    %reduce_sum3A_42 = vector.multi_reduction <add>, %exp3A_40, %reduce_sum3A_41 [1] : vector<256x3xf32> to vector<256xf32>
    %broadcast_in_dim3A_43 = vector.shape_cast %reduce_sum3A_42 : vector<256xf32> to vector<256x1xf32>
    %div3A_44 = vector.broadcast %broadcast_in_dim3A_43 : vector<256x1xf32> to vector<256x3xf32>
    %div3A_45 = arith.divf %exp3A_40, %div3A_44 : vector<256x3xf32>
    %get3A_46 = arith.constant 0 : index
    %get3A_47 = arith.constant 0 : index
    %get3A_48 = vector.load %arg3[%get3A_46, %get3A_47] : memref<256x1xf32, #tpu.memory_space<vmem>>, vector<256x1xf32>
    %logistic3A = arith.negf %get3A_48 : vector<256x1xf32>
    %logistic3A_49 = math.exp %logistic3A : vector<256x1xf32>
    %logistic3A_50 = arith.constant 1.000000e+00 : f32
    %logistic3A_51 = vector.broadcast %logistic3A_50 : f32 to vector<256x1xf32>
    %logistic3A_52 = arith.addf %logistic3A_51, %logistic3A_49 : vector<256x1xf32>
    %logistic3A_53 = arith.divf %logistic3A_51, %logistic3A_52 : vector<256x1xf32>
    %get3A_54 = arith.constant 0 : index
    %get3A_55 = arith.constant 0 : index
    %get3A_56 = vector.load %arg8[%get3A_54, %get3A_55] : memref<256x512xf32, #tpu.memory_space<vmem>>, vector<256x512xf32>
    %slice3A_57 = vector.extract_strided_slice %div3A_45 {offsets = [0, 0], sizes = [256, 1], strides = [1, 1]} : vector<256x3xf32> to vector<256x1xf32>
    %mul3A_58 = vector.broadcast %slice3A_57 : vector<256x1xf32> to vector<256x512xf32>
    %mul3A_59 = arith.mulf %get3A_56, %mul3A_58 : vector<256x512xf32>
    %get3A_60 = arith.constant 0 : index
    %get3A_61 = arith.constant 0 : index
    %get3A_62 = vector.load %arg9[%get3A_60, %get3A_61] : memref<256x512xf32, #tpu.memory_space<vmem>>, vector<256x512xf32>
    %sub3A_63 = arith.constant 1.000000e+00 : f32
    %sub3A_64 = vector.broadcast %sub3A_63 : f32 to vector<256x512xf32>
    %sub3A_65 = arith.subf %sub3A_64, %get3A_62 : vector<256x512xf32>
    %slice3A_66 = vector.extract_strided_slice %div3A_45 {offsets = [0, 1], sizes = [256, 1], strides = [1, 1]} : vector<256x3xf32> to vector<256x1xf32>
    %mul3A_67 = vector.broadcast %slice3A_66 : vector<256x1xf32> to vector<256x512xf32>
    %mul3A_68 = arith.mulf %sub3A_65, %mul3A_67 : vector<256x512xf32>
    %add3A_69 = arith.addf %mul3A_59, %mul3A_68 : vector<256x512xf32>
    %slice3A_70 = vector.extract_strided_slice %div3A_45 {offsets = [0, 2], sizes = [256, 1], strides = [1, 1]} : vector<256x3xf32> to vector<256x1xf32>
    %mul3A_71 = vector.broadcast %slice3A_70 : vector<256x1xf32> to vector<256x512xf32>
    %mul3A_72 = arith.mulf %div3A_26, %mul3A_71 : vector<256x512xf32>
    %add3A_73 = arith.addf %add3A_69, %mul3A_72 : vector<256x512xf32>
    %mul3A_74 = vector.broadcast %logistic3A_53 : vector<256x1xf32> to vector<256x512xf32>
    %mul3A_75 = arith.mulf %add3A_73, %mul3A_74 : vector<256x512xf32>
    %transpose3A_76 = tpu.transpose %mul3A_75, [1, 0] : vector<256x512xf32> -> vector<512x256xf32>
    %swap3A_77 = arith.constant 0 : index
    %swap3A_78 = arith.constant 0 : index
    %swap3A_79 = vector.load %arg5[%swap3A_77, %swap3A_78] : memref<512x256xf32, #tpu.memory_space<vmem>>, vector<512x256xf32>
    tpu.vector_store %arg5[%swap3A_77, %swap3A_78], %transpose3A_76 {strides = array<i32>} : memref<512x256xf32, #tpu.memory_space<vmem>>, vector<512x256xf32>,
    %get3A_80 = arith.constant 0 : index
    %get3A_81 = arith.constant 0 : index
    %get3A_82 = vector.load %arg4[%get3A_80, %get3A_81] : memref<256x512xf32, #tpu.memory_space<vmem>>, vector<256x512xf32>
    %dot_general3A_83 = arith.constant dense<0.000000e+00> : vector<512x256xf32>
    %dot_general3A_84 = tpu.matmul %get3A_1, %get3A_82, %dot_general3A_83 {dimension_numbers = #tpu.dot_dimension_numbers<[1], [1], [0], [0], [0, 0, 1, 0], [], []>, precision = #tpu.contract_precision<fp32>, transpose_lhs_hint = false} : vector<512x512xf32>, vector<256x512xf32>, vector<512x256xf32> -> vector<512x256xf32>
    %swap3A_85 = arith.constant 0 : index
    %swap3A_86 = arith.constant 0 : index
    %swap3A_87 = vector.load %arg6[%swap3A_85, %swap3A_86] : memref<512x256xf32, #tpu.memory_space<vmem>>, vector<512x256xf32>
    tpu.vector_store %arg6[%swap3A_85, %swap3A_86], %dot_general3A_84 {strides = array<i32>} : memref<512x256xf32, #tpu.memory_space<vmem>>, vector<512x256xf32>,
    return
  }
}

</mosaic_0001>

<sc_bundles>
// kernel: kernel.5.cloned.1.call-start
scs
__scs_entry_jumppad:
0x0: {  	(pc) =	sbr.rel $0x88, $3  }
0x1: {  	(tag) =	ssettag $0x0;
	lr =	simm.s32 $0x1  }
0x2: {  	[smem:$0x3F9A] =	sst lr;
	_ =	strace $0xD0000000  }
0x3: {  	_ = 	snop  }
0x4: {  	_ = 	snop  }
0x5: {  	_ = 	snop  }
0x6: {  	_ = 	snop  }
0x7: {  	_ = 	snop  }
__scs_overlays_trampoline_lowered:
0x8: {  	[smem:$0x3FA9] =	sst s0  }
0x9: {  	[smem:$0x3FAA] =	sst s1  }
0xa: {  	[smem:$0x3FAB] =	sst s2  }
0xb: {  	[smem:$0x3FAC] =	sst s3  }
0xc: {  	[smem:$0x3FAD] =	sst s4  }
0xd: {  	[smem:$0x3FAE] =	sst s5  }
0xe: {  	[smem:$0x3FAF] =	sst s6  }
0xf: {  	[smem:$0x3FB0] =	sst s7  }
0x10: {  	[smem:$0x3FB1] =	sst s8  }
0x11: {  	[smem:$0x3FB2] =	sst s9;
	s0 =	simm.s32 @!p0 $0x0  }
0x12: {  	s1 =	sld [smem:$0x3F98];
	s0 =	simm.s32 @p0 $0x1  }
0x13: {  	[smem:$0x3FB3] =	sst s0;
	s0 =	simm.s32 @!p1 $0x0  }
0x14: {  	s2 =	sld [smem:$0x3F97];
	s0 =	simm.s32 @p1 $0x1  }
0x15: {  	[smem:$0x3FB4] =	sst s0;
	s0 =	simm.s32 @!p2 $0x0  }
0x16: {  	s3 =	sld [smem:$0x3FDB];
	s0 =	simm.s32 @p2 $0x1  }
0x17: {  	s4 =	simm.s32 $0x1BF5;
	[smem:$0x3FB6] =	sst s0  }
0x18: {  	s0 =	sld [smem:$0x3F99];
	_ =	swait.ge [sflag:s4], $0x0  }
0x19: {  	s7 =	sld [smem:$0x3F9A]  }
0x1a: {  	s8 =	sadd.s32 $0xFFFFE003, lr  }
0x1b: {  	s9 =	sadd.s32 $0xFFFFFEF7, lr;
	s5 =	simm.s32 $0xFFFFFFFF;
	p2 =	slt.u32 s8, $0xFFFFF086  }
0x1c: {  	p1 =	slt.u32 s9, $0xF7A;
	s5 =	simm.s32 @!p2 $0x0  }
0x1d: {  	s5 =	simm.s32 @p1 $0x1;
	p0 =	seq.s32 s7, s2  }
0x1e: {  	s7 =	smul.u32 @!p0 $0xF7A, s2;
	p2 =	seq.s32 @!p0 s5, $0x0  }
0x1f: {  	s9 =	smul.u32 $0xF7A, s1;
	s8 =	simm.s32 @!p0 $0x1BF5;
	p2 =	por !p2, p0  }
0x20: {  	[sflag:s8] =	ssyncset.s32 @!p0 $0xFFFFF086;
	s6 =	sadd.s32 @!p0 s3, s7;
	s7 =	simm.s32 @!p0 $0x108  }
0x21: {  	s3 =	sadd.s32 s3, s9;
	s6 =	sadd.s32 @!p0 $0x88, s6;
	s7 =	simm.s32 @p2 $0x1082  }
0x22: {  	[simem:s7], [sflag:s8] =	dma.local @!p0 [hbm:s6], $0xF7A  }
0x23: {  	s9 =	sor.u32 $0xD0000000, s2;
	s6 =	simm.s32 $0x108;
	_ =	swait.ge @!p0 [sflag:s8], $0x0  }
0x24: {  	s3 =	sadd.s32 $0x88, s3;
	s6 =	simm.s32 @!p1 $0x1082;
	[sflag:s4] =	ssyncset.s32 $0xFFFFF086  }
0x25: {  	[simem:s6], [sflag:s4] =	dma.local [hbm:s3], $0xF7A  }
0x26: {  	[smem:$0x3F9A] =	sst s1;
	(tag) =	ssettag s2;
	_ =	strace s9  }
0x27: {  	s1 =	sld [smem:$0x3FAA]  }
0x28: {  	s2 =	sld [smem:$0x3FAB]  }
0x29: {  	s4 =	sld [smem:$0x3FAD]  }
0x2a: {  	p0 =	seq.s32 s5, $0x0;
	s5 =	sld [smem:$0x3FAE]  }
0x2b: {  	s6 =	sld [smem:$0x3FAF]  }
0x2c: {  	s7 =	sld [smem:$0x3FB0]  }
0x2d: {  	s3 =	simm.s32 $0x108;
	s8 =	sld [smem:$0x3FB1]  }
0x2e: {  	s3 =	simm.s32 @!p0 $0x1082;
	s9 =	sld [smem:$0x3FB2]  }
0x2f: {  	lr =	sadd.s32 s0, s3;
	s0 =	sld [smem:$0x3FA9]  }
0x30: {  	s3 =	sld [smem:$0x3FAC]  }
0x31: {  	[smem:$0x3FB5] =	sst s10  }
0x32: {  	s10 =	sld [smem:$0x3FB3];
	_ =	sdelay $0x3  }
0x33: {  	p0 =	seq.s32 s10, $0x1;
	s10 =	sld [smem:$0x3FB5];
	_ =	sdelay $0x3  }
0x34: {  	[smem:$0x3FB5] =	sst s10  }
0x35: {  	s10 =	sld [smem:$0x3FB4];
	_ =	sdelay $0x3  }
0x36: {  	p1 =	seq.s32 s10, $0x1;
	s10 =	sld [smem:$0x3FB5];
	_ =	sdelay $0x3  }
0x37: {  	[smem:$0x3FB5] =	sst s10  }
0x38: {  	s10 =	sld [smem:$0x3FB6]  }
0x39: {  	_ = 	snop;
	(pc) =	sbr.ind lr, $3  }
0x3a: {  	_ = 	snop  }
0x3b: {  	_ = 	snop  }
0x3c: {  	p2 =	seq.s32 s10, $0x1;
	s10 =	sld [smem:$0x3FB5]  }
0x3d: {  	_ =	shalt  }
0x3e: {  	_ =	shalt  }
0x3f: {  	_ =	shalt  }
0x40: {  	_ =	shalt  }
0x41: {  	_ =	shalt  }
0x42: {  	_ =	shalt  }
0x43: {  	_ =	shalt  }
0x44: {  	_ =	shalt  }
0x45: {  	_ =	shalt  }
0x46: {  	_ =	shalt  }
0x47: {  	_ =	shalt  }
0x48: {  	_ =	shalt  }
0x49: {  	_ =	shalt  }
0x4a: {  	_ =	shalt  }
0x4b: {  	_ =	shalt  }
0x4c: {  	_ =	shalt  }
0x4d: {  	_ =	shalt  }
0x4e: {  	_ =	shalt  }
0x4f: {  	_ =	shalt  }
0x50: {  	_ =	shalt  }
0x51: {  	_ =	shalt  }
0x52: {  	_ =	shalt  }
0x53: {  	_ =	shalt  }
0x54: {  	_ =	shalt  }
0x55: {  	_ =	shalt  }
0x56: {  	_ =	shalt  }
0x57: {  	_ =	shalt  }
0x58: {  	_ =	shalt  }
0x59: {  	_ =	shalt  }
0x5a: {  	_ =	shalt  }
0x5b: {  	_ =	shalt  }
0x5c: {  	_ =	shalt  }
0x5d: {  	_ =	shalt  }
0x5e: {  	_ =	shalt  }
0x5f: {  	_ =	shalt  }
0x60: {  	_ =	shalt  }
0x61: {  	_ =	shalt  }
0x62: {  	_ =	shalt  }
0x63: {  	_ =	shalt  }
0x64: {  	_ =	shalt  }
0x65: {  	_ =	shalt  }
0x66: {  	_ =	shalt  }
0x67: {  	_ =	shalt  }
0x68: {  	_ =	shalt  }
0x69: {  	_ =	shalt  }
0x6a: {  	_ =	shalt  }
0x6b: {  	_ =	shalt  }
0x6c: {  	_ =	shalt  }
0x6d: {  	_ =	shalt  }
0x6e: {  	_ =	shalt  }
0x6f: {  	_ =	shalt  }
0x70: {  	_ =	shalt  }
0x71: {  	_ =	shalt  }
0x72: {  	_ =	shalt  }
0x73: {  	_ =	shalt  }
0x74: {  	_ =	shalt  }
0x75: {  	_ =	shalt  }
0x76: {  	_ =	shalt  }
0x77: {  	_ =	shalt  }
0x78: {  	_ =	shalt  }
0x79: {  	_ =	shalt  }
0x7a: {  	_ =	shalt  }
0x7b: {  	_ =	shalt  }
0x7c: {  	_ =	shalt  }
0x7d: {  	_ =	shalt  }
0x7e: {  	_ =	shalt  }
0x7f: {  	_ =	shalt  }
0x80: {  	_ =	shalt  }
0x81: {  	_ =	shalt  }
0x82: {  	_ =	shalt  }
0x83: {  	_ =	shalt  }
0x84: {  	_ =	shalt  }
0x85: {  	_ =	shalt  }
0x86: {  	_ =	shalt  }
0x87: {  	_ =	shalt  }
.Lfunc_end0:
.L_simem_size_0:
called_computation_lowered:
.L_overlay_start_0:
0x88: {  	s2 =	sld [smem:$0x3FD9]  }
0x89: {  	s3 =	sld [smem:$0x3FFE];
	_ =	sdelay $0x1  }
0x8a: {  	s1 =	srdreg.scid  }
0x8b: {  	s0 =	sand.u32 $0x1, s1  }
0x8c: {  	s17 =	sshll.u32 s0, $0xA;
	s2 =	sadd.s32 s3, s2  }
0x8d: {  	s2 =	sadd.s32 s2, s17  }
0x8e: {  	[smem:$0x3FC1] =	sst s2  }
0x8f: {  	_ = 	snop  }
0x90: {  	s2 =	sld [smem:$0x3FD0];
	(tm) =	ssettm $0x1  }
0x91: {  	s18 =	sld [smem:$0x3FFB];
	_ =	sdelay $0x3  }
0x92: {  	_ =	strace s18  }
0x93: {  	s3 =	sld [smem:$0x3FFC];
	_ =	sdelay $0x3  }
0x94: {  	_ =	strace s3  }
0x95: {  	s3 =	sld [smem:$0x3FFD];
	_ =	sdelay $0x3  }
0x96: {  	_ =	strace s3  }
0x97: {  	_ =	strace $0x8FFFFFFF  }
0x98: {  	s19 =	sld [smem:$0x3FDB];
	_ =	sdelay $0x1  }
0x99: {  	s4 =	simm.s32 $_scs_section_size  }
0x9a: {  	s5 =	simm.s32 $_size__tile_overlayer_lowered;
	s6 =	simm.s32 $_tile_overlayer_lowered  }
0x9b: {  	s22 =	simm.s32 $0x1BFF;
	s21 =	sshll.u32 s6, $0x1;
	s3 =	sadd.s32 s4, s19  }
0x9c: {  	s7 =	simm.s32 $0x0;
	s20 =	sshll.u32 s5, $0x1;
	s5 =	sadd.s32 s21, s3  }
0x9d: {  	[timem:s7], [sflag:s22] =	dma.local [hbm:s5], s20  }
0x9e: {  	_ =	swait.ge [sflag:s22], s20  }
0x9f: {  	s4 =	ssub.s32 $0x0, s20;
	[sflag:s22] =	ssyncset.done $0x0  }
0xa0: {  	[sflag:s22] =	ssyncadd.s32 s4;
	_ =	sdelay $0x1  }
0xa1: {  	s23 =	simm.s32 $0x1B8B  }
0xa2: {  	_ =	swait.ge [sflag:s23], $0x1  }
0xa3: {  	[sflag:s23] =	ssyncset.done $0x0  }
0xa4: {  	s25 =	simm.s32 $0x1B8E;
	s24 =	sld [smem:$0x3FFE];
	[sflag:s23] =	ssyncadd.s32 $0xFFFFFFFF  }
0xa5: {  	s26 =	simm.s32 $execute0_lowered;
	[smem:$0x3FD2] =	sst s25  }
0xa6: {  	s5 =	sshll.u32 s26, $0x1;
	_ =	strace $0x80000046;
	[dreg:$0x1] =	wrdreg $0xFFFFFFFF  }
0xa7: {  	s28 =	simm.s32 $_size_execute0_lowered;
	s3 =	sadd.s32 s3, s5;
	[dreg:$0x0] =	wrdreg $0x0  }
0xa8: {  	s5 =	sshll.u32 s28, $0x1;
	[dreg:$0x2] =	wrdreg s3  }
0xa9: {  	[dreg:$0x3] =	wrdreg s5  }
0xaa: {  	[dreg:$0x4] =	wrdreg $0xC0  }
0xab: {  	_ =	task [dreg:s7], $0x5FFFF  }
0xac: {  	[dreg:$0x1] =	wrdreg $0xFFFFFFFF  }
0xad: {  	[dreg:$0x0] =	wrdreg $0x60  }
0xae: {  	[dreg:$0x2] =	wrdreg s2  }
0xaf: {  	[dreg:$0x3] =	wrdreg s24  }
0xb0: {  	[dreg:$0x4] =	wrdreg $0x9  }
0xb1: {  	_ =	task.clear_ibuf [dreg:s7], $0x5FFFF;
	_ =	strace $0x90000046  }
0xb2: {  	s29 =	simm.s32 $0x9;
	_ =	strace $0x80000048  }
0xb3: {  	_ =	swait.ge [sflag:s29], $0x1  }
0xb4: {  	[sflag:s29] =	ssyncadd.s32 $0xFFFFFFFF  }
0xb5: {  	_ =	strace $0x90000048  }
0xb6: {  	_ =	sfence  }
0xb7: {  	s30 =	sld [smem:$0x0];
	_ =	sdelay $0x2  }
0xb8: {  	s31 =	sshll.u32 s1, $0xD;
	s1 =	sshrl.u32 s1, $0x2  }
0xb9: {  	s3 =	sand.u32 $0x4000, s31;
	s1 =	sadd.s32 s1, s30  }
0xba: {  	s0 =	sor.u32 s3, s0;
	s1 =	sshll.u32 s1, $0x11  }
0xbb: {  	s0 =	sor.u32 s1, s0  }
0xbc: {  	s0 =	sadd.s32 $0x8F2B, s0  }
0xbd: {  	[sflag:s0] =	ssyncadd.remote.s32 $0x1  }
0xbe: {  	_ =	sfence.sel $0xFFFF  }
0xbf: {  	[dreg:$0x0] =	wrdreg $0xFFFFFFFF;
	(pc) =	sbr.abs _section_cstart, $3  }
0xc0: {  	[dreg:$0x1] =	wrdreg $0xFFFFFFFF  }
0xc1: {  	_ =	task.clear_ibuf [dreg:s7], $0x2FFFF;
	_ =	strace $0x9FFFFFFF  }
0xc2: {  	(tm) =	ssettm $0x7FFFFFFF  }
0xc3: {  	_ =	shalt  }
tec
execute0_lowered:
.L_overlay_start_1:
0x0: {  	(tag) =	ssettag $0x1  }
0x1: {  	s3 =	rddreg [dreg:$0x0]  }
0x2: {  	s4 =	rddreg [dreg:$0x1]  }
0x3: {  	s0 =	rddreg [dreg:$0x2];
	s5 =	srdreg.scid  }
0x4: {  	s2 =	simm.s32 $0x0;
	s1 =	stileid.u32;
	s8 =	simm.s32 $0x0  }
0x5: {  	s5 =	sand.u32 $0x1, s5;
	s7 =	sshll.u32 s1, $0x9;
	[smem:$0x7FF] =	sst s2  }
0x6: {  	s6 =	sshll.u32 s5, $0xD;
	s5 =	ssub.s32 $0x2, s5;
	_ =	strace $0x80000047  }
0x7: {  	s6 =	sor.u32 s7, s6;
	s31 =	sshrl.u32 s5, $0x1;
	s7 =	simm.s32 $0x1000  }
0x8: {  	s4 =	sadd.s32 s6, s4;
	s5 =	ssub.s32 s5, s31;
	s3 =	sadd.s32 s3, s6  }
0x9: {  	v0 =	vimm.s32 $0x0;
	s6 =	simm.s32 $0x1;
	s4 =	sadd.s32 $0x1600, s4;
	s5 =	smax.u32 s5, $0x1  }
.LBB2_1:
0xa: {  	[tilespmem:s2], [sflag:$0x1] =	stream.linear.gather [hbm4b:s3+s2], $0x1000, $0x38;
	[tilespmem:$0x2000] =	vst v63  }
0xb: {  	_ =	swait.ge [sflag:s6], $0x1000  }
0xc: {  	[sflag:s6] =	ssyncset.done $0x0  }
0xd: {  	s9 =	simm.s32 $0x0;
	s10 =	simm.s32 $0x0;
	[sflag:s6] =	ssyncadd.s32 $0xFFFFF000  }
.LBB2_2:
0xe: {  	s11 =	sand.u32 $0x800, s10;
	s12 =	sand.u32 $0x380, s9  }
0xf: {  	s11 =	sor.u32 s12, s11  }
0x10: {  	v16 =	vld [tilespmem:s11+$0x0]  }
0x11: {  	v14 =	vld [tilespmem:s11+$0x10]  }
0x12: {  	v15 =	vld [tilespmem:s11+$0x20]  }
0x13: {  	v13 =	vld [tilespmem:s11+$0x30]  }
0x14: {  	v12 =	vld [tilespmem:s11+$0x40]  }
0x15: {  	v11 =	vld [tilespmem:s11+$0x50]  }
0x16: {  	v10 =	vld [tilespmem:s11+$0x60];
	v1 =	vmax.f32 v16, v14  }
0x17: {  	v9 =	vld [tilespmem:s11+$0x70];
	v1 =	vmax.f32 v1, v15  }
0x18: {  	v8 =	vld [tilespmem:s11+$0x400];
	v1 =	vmax.f32 v1, v13  }
0x19: {  	v7 =	vld [tilespmem:s11+$0x410];
	v1 =	vmax.f32 v1, v12  }
0x1a: {  	v6 =	vld [tilespmem:s11+$0x420];
	v1 =	vmax.f32 v1, v11  }
0x1b: {  	v5 =	vld [tilespmem:s11+$0x430];
	v1 =	vmax.f32 v1, v10  }
0x1c: {  	v4 =	vld [tilespmem:s11+$0x440];
	v1 =	vmax.f32 v1, v9  }
0x1d: {  	v3 =	vld [tilespmem:s11+$0x450];
	v1 =	vmax.f32 v1, v8  }
0x1e: {  	v2 =	vld [tilespmem:s11+$0x460];
	v17 =	vmax.f32 v1, v7  }
0x1f: {  	v1 =	vld [tilespmem:s11+$0x470];
	v17 =	vmax.f32 v17, v6  }
0x20: {  	v17 =	vmax.f32 v17, v5  }
0x21: {  	v17 =	vmax.f32 v17, v4  }
0x22: {  	v17 =	vmax.f32 v17, v3  }
0x23: {  	v17 =	vmax.f32 v17, v2  }
0x24: {  	v17 =	vmax.f32 v17, v1  }
0x25: {  	(xrf0) =	vmax.scan.msk.f32 $0xffff, v17;
	_ =	sdelay $0x5  }
0x26: {  	v33, _, _ =	vpop (xrf0)  }
0x27: {  	v31 =	vbroadcast v33, $0xF;
	_ =	sdelay $0x1  }
0x28: {  	vm1 =	veq.f32 v16, v31;
	vm2 =	veq.f32 v14, v31  }
0x29: {  	vm3 =	veq.f32 v15, v31;
	vm4 =	veq.f32 v13, v31;
	vm5 =	veq.f32 v12, v31  }
0x2a: {  	vm6 =	veq.f32 v11, v31;
	vm7 =	veq.f32 v10, v31;
	vm8 =	veq.f32 v9, v31  }
0x2b: {  	vm0 =	veq.f32 v8, v31;
	vm15 =	veq.f32 v7, v31;
	vm9 =	veq.f32 v6, v31  }
0x2c: {  	vm10 =	veq.f32 v5, v31;
	vm11 =	veq.f32 v4, v31;
	vm12 =	veq.f32 v3, v31  }
0x2d: {  	vm14 =	veq.f32 v2, v31;
	v54 =	vsel vm1, $0x1, v0;
	v18 =	vsel vm2, $0x1, v0  }
0x2e: {  	v20 =	vsel vm3, $0x1, v0;
	v19 =	vsel vm1, $0xFF61B1E6, v16;
	v17 =	vsel vm2, $0xFF61B1E6, v14;
	(xrf0) =	vadd.scan.msk.s32 $0xffff, v54  }
0x2f: {  	v21 =	vsel vm4, $0x1, v0;
	v27 =	vmax.f32 v19, v17;
	(xrf0) =	vadd.scan.msk.s32 $0xffff, v18;
	v18 =	vsel vm3, $0xFF61B1E6, v15  }
0x30: {  	v22 =	vsel vm5, $0x1, v0;
	(xrf0) =	vadd.scan.msk.s32 $0xffff, v20;
	v20 =	vsel vm4, $0xFF61B1E6, v13;
	v27 =	vmax.f32 v27, v18  }
0x31: {  	v23 =	vsel vm6, $0x1, v0;
	(xrf0) =	vadd.scan.msk.s32 $0xffff, v21;
	v21 =	vsel vm5, $0xFF61B1E6, v12;
	v27 =	vmax.f32 v27, v20  }
0x32: {  	v24 =	vsel vm7, $0x1, v0;
	(xrf0) =	vadd.scan.msk.s32 $0xffff, v22;
	v22 =	vsel vm6, $0xFF61B1E6, v11;
	v27 =	vmax.f32 v27, v21  }
0x33: {  	v25 =	vsel vm8, $0x1, v0;
	(xrf0) =	vadd.scan.msk.s32 $0xffff, v23;
	v23 =	vsel vm7, $0xFF61B1E6, v10;
	v27 =	vmax.f32 v27, v22  }
0x34: {  	v26 =	vsel vm0, $0x1, v0;
	v34, _, _ =	vpop (xrf0);
	(xrf0) =	vadd.scan.msk.s32 $0xffff, v24;
	v24 =	vsel vm8, $0xFF61B1E6, v9;
	v27 =	vmax.f32 v27, v23  }
0x35: {  	v28 =	vsel vm15, $0x1, v0;
	v35, _, _ =	vpop (xrf0);
	(xrf0) =	vadd.scan.msk.s32 $0xffff, v25;
	v25 =	vsel vm0, $0xFF61B1E6, v8;
	v27 =	vmax.f32 v27, v24  }
0x36: {  	v29 =	vsel vm9, $0x1, v0;
	v36, _, _ =	vpop (xrf0);
	(xrf0) =	vadd.scan.msk.s32 $0xffff, v26;
	v26 =	vsel vm15, $0xFF61B1E6, v7;
	v37 =	vmax.f32 v27, v25  }
0x37: {  	v30 =	vsel vm10, $0x1, v0;
	v27 =	vsel vm9, $0xFF61B1E6, v6;
	v38, _, _ =	vpop (xrf0);
	(xrf0) =	vadd.scan.msk.s32 $0xffff, v28;
	v37 =	vmax.f32 v37, v26  }
0x38: {  	v32 =	vsel vm11, $0x1, v0;
	v28 =	vsel vm10, $0xFF61B1E6, v5;
	v39, _, _ =	vpop (xrf0);
	(xrf0) =	vadd.scan.msk.s32 $0xffff, v29;
	v37 =	vmax.f32 v37, v27  }
0x39: {  	v40 =	vsel vm12, $0x1, v0;
	v29 =	vsel vm11, $0xFF61B1E6, v4;
	v41, _, _ =	vpop (xrf0);
	(xrf0) =	vadd.scan.msk.s32 $0xffff, v30;
	v37 =	vmax.f32 v37, v28  }
0x3a: {  	v55 =	vsel vm14, $0x1, v0;
	v30 =	vsel vm12, $0xFF61B1E6, v3;
	v42, _, _ =	vpop (xrf0);
	(xrf0) =	vadd.scan.msk.s32 $0xffff, v32;
	v37 =	vmax.f32 v37, v29  }
0x3b: {  	vm15 =	veq.f32 v1, v31;
	v31 =	vsel vm14, $0xFF61B1E6, v2;
	v43, _, _ =	vpop (xrf0);
	(xrf0) =	vadd.scan.msk.s32 $0xffff, v40;
	v37 =	vmax.f32 v37, v30  }
0x3c: {  	v44 =	vsel vm15, $0x1, v0;
	v32 =	vsel vm15, $0xFF61B1E6, v1;
	v56, _, _ =	vpop (xrf0);
	(xrf0) =	vadd.scan.msk.s32 $0xffff, v55;
	v37 =	vmax.f32 v37, v31  }
0x3d: {  	v45, _, _ =	vpop (xrf0);
	(xrf0) =	vadd.scan.msk.s32 $0xffff, v44;
	v37 =	vmax.f32 v37, v32  }
0x3e: {  	(v2sf) =	vpush v33, $0xF;
	v57, _, _ =	vpop (xrf0);
	(xrf0) =	vmax.scan.msk.f32 $0xffff, v37  }
0x3f: {  	(v2sf) =	vpush v34, $0xF;
	v58, _, _ =	vpop (xrf0)  }
0x40: {  	(v2sf) =	vpush v35, $0xF;
	v59, _, _ =	vpop (xrf0)  }
0x41: {  	(v2sf) =	vpush v36, $0xF;
	v60, _, _ =	vpop (xrf0)  }
0x42: {  	(v2sf) =	vpush v38, $0xF;
	v61, _, _ =	vpop (xrf0)  }
0x43: {  	(v2sf) =	vpush v39, $0xF;
	v62, _, _ =	vpop (xrf0)  }
0x44: {  	(v2sf) =	vpush v41, $0xF;
	v63, _, _ =	vpop (xrf0)  }
0x45: {  	(v2sf) =	vpush v42, $0xF;
	v44 =	vbroadcast v63, $0xF  }
0x46: {  	(v2sf) =	vpush v43, $0xF  }
0x47: {  	(v2sf) =	vpush v56, $0xF;
	vm0 =	veq.f32 v19, v44  }
0x48: {  	(v2sf) =	vpush v45, $0xF;
	vm1 =	veq.f32 v17, v44;
	v45 =	vsel vm0, $0x1, v0  }
0x49: {  	(v2sf) =	vpush v57, $0xF;
	vm2 =	veq.f32 v18, v44;
	v46 =	vsel vm1, $0x1, v0;
	(xrf0) =	vadd.scan.msk.s32 $0xffff, v45  }
0x4a: {  	(v2sf) =	vpush v58, $0xF;
	vm3 =	veq.f32 v20, v44;
	v47 =	vsel vm2, $0x1, v0;
	(xrf0) =	vadd.scan.msk.s32 $0xffff, v46  }
0x4b: {  	(v2sf) =	vpush v59, $0xF;
	vm4 =	veq.f32 v21, v44;
	v48 =	vsel vm3, $0x1, v0;
	(xrf0) =	vadd.scan.msk.s32 $0xffff, v47  }
0x4c: {  	(v2sf) =	vpush v60, $0xF;
	vm5 =	veq.f32 v22, v44;
	v49 =	vsel vm4, $0x1, v0;
	(xrf0) =	vadd.scan.msk.s32 $0xffff, v48  }
0x4d: {  	s12 =	spop (v2sf);
	(v2sf) =	vpush v61, $0xF;
	vm6 =	veq.f32 v23, v44;
	v50 =	vsel vm5, $0x1, v0;
	(xrf0) =	vadd.scan.msk.s32 $0xffff, v49  }
0x4e: {  	s13 =	spop (v2sf);
	(v2sf) =	vpush v62, $0xF;
	vm7 =	veq.f32 v24, v44;
	v51 =	vsel vm6, $0x1, v0;
	(xrf0) =	vadd.scan.msk.s32 $0xffff, v50  }
0x4f: {  	s14 =	spop (v2sf);
	(v2sf) =	vpush v63, $0xF;
	vm8 =	veq.f32 v25, v44;
	v53 =	vsel vm7, $0x1, v0;
	v52, _, _ =	vpop (xrf0);
	(xrf0) =	vadd.scan.msk.s32 $0xffff, v51  }
0x50: {  	s15 =	spop (v2sf);
	v55 =	vsel vm8, $0x1, v0;
	(v2sf) =	vpush v52, $0xF;
	v54, _, _ =	vpop (xrf0);
	(xrf0) =	vadd.scan.msk.s32 $0xffff, v53  }
0x51: {  	s16 =	spop (v2sf);
	(v2sf) =	vpush v54, $0xF;
	v56, _, _ =	vpop (xrf0);
	(xrf0) =	vadd.scan.msk.s32 $0xffff, v55  }
0x52: {  	s17 =	spop (v2sf);
	(v2sf) =	vpush v56, $0xF;
	v58, _, _ =	vpop (xrf0)  }
0x53: {  	s13 =	sadd.s32 s13, s14;
	s18 =	spop (v2sf);
	(v2sf) =	vpush v58, $0xF;
	v60, _, _ =	vpop (xrf0)  }
0x54: {  	s13 =	sadd.s32 s15, s13;
	s19 =	spop (v2sf);
	(v2sf) =	vpush v60, $0xF;
	v62, _, _ =	vpop (xrf0)  }
0x55: {  	s13 =	sadd.s32 s16, s13;
	s20 =	spop (v2sf);
	(v2sf) =	vpush v62, $0xF;
	v63, _, _ =	vpop (xrf0)  }
0x56: {  	s13 =	sadd.s32 s17, s13;
	s21 =	spop (v2sf);
	(v2sf) =	vpush v63, $0xF;
	v36, _, _ =	vpop (xrf0)  }
0x57: {  	s17 =	sadd.s32 s18, s13;
	s22 =	spop (v2sf);
	(v2sf) =	vpush v36, $0xF;
	v37, _, _ =	vpop (xrf0)  }
0x58: {  	s17 =	sadd.s32 s19, s17;
	s28 =	spop (v2sf);
	(v2sf) =	vpush v37, $0xF  }
0x59: {  	s17 =	sadd.s32 s20, s17;
	s29 =	spop (v2sf)  }
0x5a: {  	s17 =	sadd.s32 s21, s17;
	s30 =	spop (v2sf)  }
0x5b: {  	vm9 =	veq.f32 v26, v44;
	s17 =	sadd.s32 s22, s17;
	s14 =	spop (v2sf)  }
0x5c: {  	vm10 =	veq.f32 v27, v44;
	v57 =	vsel vm9, $0x1, v0;
	s17 =	sadd.s32 s28, s17;
	s15 =	spop (v2sf)  }
0x5d: {  	vm11 =	veq.f32 v28, v44;
	v59 =	vsel vm10, $0x1, v0;
	s17 =	sadd.s32 s29, s17;
	(xrf0) =	vadd.scan.msk.s32 $0xffff, v57;
	s31 =	spop (v2sf)  }
0x5e: {  	vm12 =	veq.f32 v29, v44;
	v61 =	vsel vm11, $0x1, v0;
	s17 =	sadd.s32 s30, s17;
	(xrf0) =	vadd.scan.msk.s32 $0xffff, v59;
	s13 =	spop (v2sf)  }
0x5f: {  	v41 =	vsel vm12, $0x1, v0;
	s14 =	sadd.s32 s14, s17;
	(xrf0) =	vadd.scan.msk.s32 $0xffff, v61;
	s24 =	spop (v2sf)  }
0x60: {  	s14 =	sadd.s32 s15, s14;
	(xrf0) =	vadd.scan.msk.s32 $0xffff, v41;
	s26 =	spop (v2sf)  }
0x61: {  	s14 =	sadd.s32 s31, s14;
	s25 =	spop (v2sf)  }
0x62: {  	vm14 =	veq.f32 v30, v44;
	s14 =	ssub.s32 $0x8, s14;
	s23 =	spop (v2sf)  }
0x63: {  	vm13 =	vmxor vm13, vm13;
	vm15 =	veq.f32 v31, v44;
	v42 =	vsel vm14, $0x1, v0;
	p0 =	sgt.s32 s14, $0x0;
	v38, _, _ =	vpop (xrf0);
	s21 =	spop (v2sf)  }
0x64: {  	v43 =	vsel vm15, $0x1, v0;
	vm13 =	vmneg @p0 vm13;
	(v2sf) =	vpush v38, $0xF;
	v39, _, _ =	vpop (xrf0);
	s20 =	spop (v2sf)  }
0x65: {  	vm0 =	vmand vm0, vm13;
	vm1 =	vmand vm1, vm13;
	(v2sf) =	vpush v39, $0xF;
	v40, _, _ =	vpop (xrf0);
	s18 =	spop (v2sf)  }
0x66: {  	vm4 =	vmand vm4, vm13;
	v34 =	vsel vm1, $0xFF61B1E6, v17;
	(v2sf) =	vpush v40, $0xF;
	v33, _, _ =	vpop (xrf0);
	s19 =	spop (v2sf)  }
0x67: {  	vm1 =	vmand vm2, vm13;
	s28 =	spop (v2sf);
	(v2sf) =	vpush v33, $0xF;
	v33 =	vsel vm0, $0xFF61B1E6, v19  }
0x68: {  	v19 =	vsel vm1, $0xFF61B1E6, v18;
	vm1 =	vmand vm3, vm13;
	v17 =	vmax.f32 v33, v34  }
0x69: {  	v21 =	vsel vm4, $0xFF61B1E6, v21;
	v20 =	vsel vm1, $0xFF61B1E6, v20;
	v17 =	vmax.f32 v17, v19  }
0x6a: {  	vm4 =	vmand vm5, vm13;
	vm5 =	vmand vm6, vm13;
	v17 =	vmax.f32 v17, v20  }
0x6b: {  	v22 =	vsel vm4, $0xFF61B1E6, v22;
	v23 =	vsel vm5, $0xFF61B1E6, v23;
	v17 =	vmax.f32 v17, v21  }
0x6c: {  	vm4 =	vmand vm7, vm13;
	vm5 =	vmand vm8, vm13;
	v17 =	vmax.f32 v17, v22  }
0x6d: {  	vm7 =	vmand vm9, vm13;
	v24 =	vsel vm4, $0xFF61B1E6, v24;
	v17 =	vmax.f32 v17, v23  }
0x6e: {  	vm8 =	vmand vm10, vm13;
	v25 =	vsel vm5, $0xFF61B1E6, v25;
	v17 =	vmax.f32 v17, v24  }
0x6f: {  	vm9 =	vmand vm11, vm13;
	v26 =	vsel vm7, $0xFF61B1E6, v26;
	v17 =	vmax.f32 v17, v25  }
0x70: {  	vm10 =	vmand vm12, vm13;
	v27 =	vsel vm8, $0xFF61B1E6, v27;
	v17 =	vmax.f32 v17, v26  }
0x71: {  	vm11 =	vmand vm14, vm13;
	v28 =	vsel vm9, $0xFF61B1E6, v28;
	v17 =	vmax.f32 v17, v27  }
0x72: {  	vm12 =	vmand vm15, vm13;
	v29 =	vsel vm10, $0xFF61B1E6, v29;
	v17 =	vmax.f32 v17, v28  }
0x73: {  	v30 =	vsel vm11, $0xFF61B1E6, v30;
	vm0 =	veq.f32 v32, v44;
	v17 =	vmax.f32 v17, v29  }
0x74: {  	(xrf0) =	vadd.scan.msk.s32 $0xffff, v42;
	v31 =	vsel vm12, $0xFF61B1E6, v31;
	vm14 =	vmand vm0, vm13;
	v17 =	vmax.f32 v17, v30  }
0x75: {  	(xrf0) =	vadd.scan.msk.s32 $0xffff, v43;
	v44 =	vsel vm0, $0x1, v0;
	v32 =	vsel vm14, $0xFF61B1E6, v32;
	v17 =	vmax.f32 v17, v31  }
0x76: {  	(xrf0) =	vadd.scan.msk.s32 $0xffff, v44;
	v17 =	vmax.f32 v17, v32  }
0x77: {  	(xrf0) =	vmax.scan.msk.f32 $0xffff, v17;
	_ =	sdelay $0x2  }
0x78: {  	v45, _, _ =	vpop (xrf0)  }
0x79: {  	v46, _, _ =	vpop (xrf0)  }
0x7a: {  	v47, _, _ =	vpop (xrf0)  }
0x7b: {  	s29 =	spop (v2sf);
	(v2sf) =	vpush v45, $0xF;
	v48, _, _ =	vpop (xrf0)  }
0x7c: {  	(v2sf) =	vpush v46, $0xF;
	v36 =	vbroadcast v48, $0xF  }
0x7d: {  	(v2sf) =	vpush v47, $0xF  }
0x7e: {  	vm0 =	veq.f32 v33, v36  }
0x7f: {  	s24 =	sadd.s32 s26, s24;
	vm2 =	veq.f32 v34, v36;
	v49 =	vsel vm0, $0x1, v0  }
0x80: {  	s24 =	sadd.s32 s25, s24;
	vm1 =	veq.f32 v19, v36;
	v50 =	vsel vm2, $0x1, v0;
	(xrf0) =	vadd.scan.msk.s32 $0xffff, v49  }
0x81: {  	s23 =	sadd.s32 s23, s24;
	vm3 =	veq.f32 v20, v36;
	v51 =	vsel vm1, $0x1, v0;
	(xrf0) =	vadd.scan.msk.s32 $0xffff, v50  }
0x82: {  	s22 =	sadd.s32 s21, s23;
	vm4 =	veq.f32 v21, v36;
	v52 =	vsel vm3, $0x1, v0;
	(xrf0) =	vadd.scan.msk.s32 $0xffff, v51  }
0x83: {  	s21 =	sadd.s32 s20, s22;
	v53 =	vsel vm4, $0x1, v0;
	(xrf0) =	vadd.scan.msk.s32 $0xffff, v52  }
0x84: {  	s20 =	sadd.s32 s18, s21;
	(xrf0) =	vadd.scan.msk.s32 $0xffff, v53  }
0x85: {  	s18 =	sadd.s32 s19, s20  }
0x86: {  	s18 =	sadd.s32 s28, s18;
	s30 =	spop (v2sf);
	(v2sf) =	vpush v48, $0xF;
	v55, _, _ =	vpop (xrf0)  }
0x87: {  	s17 =	sadd.s32 s29, s18;
	s31 =	spop (v2sf);
	(v2sf) =	vpush v55, $0xF;
	v56, _, _ =	vpop (xrf0)  }
0x88: {  	s16 =	sadd.s32 s30, s17;
	vm5 =	veq.f32 v22, v36;
	(v2sf) =	vpush v56, $0xF;
	v57, _, _ =	vpop (xrf0)  }
0x89: {  	s15 =	sadd.s32 s31, s16;
	s24 =	spop (v2sf);
	v54 =	vsel vm5, $0x1, v0;
	(v2sf) =	vpush v57, $0xF;
	v58, _, _ =	vpop (xrf0)  }
0x8a: {  	s15 =	sadd.s32 s24, s15;
	s25 =	spop (v2sf);
	(xrf0) =	vadd.scan.msk.s32 $0xffff, v54;
	(v2sf) =	vpush v58, $0xF;
	v59, _, _ =	vpop (xrf0)  }
0x8b: {  	s15 =	sadd.s32 s25, s15;
	s26 =	spop (v2sf)  }
0x8c: {  	vm6 =	vmxor vm6, vm6;
	vm13 =	veq.f32 v23, v36;
	vm14 =	veq.f32 v24, v36;
	s15 =	sadd.s32 s26, s15;
	s28 =	spop (v2sf)  }
0x8d: {  	vm11 =	veq.f32 v25, v36;
	vm12 =	veq.f32 v26, v36;
	vm10 =	veq.f32 v27, v36;
	s15 =	sadd.s32 s28, s15  }
0x8e: {  	vm9 =	veq.f32 v28, v36;
	vm7 =	veq.f32 v29, v36;
	vm8 =	veq.f32 v30, v36;
	s15 =	simm.s32 @!p0 $0x0  }
0x8f: {  	v61 =	vsel vm13, $0x1, v0;
	v62 =	vsel vm14, $0x1, v0;
	v63 =	vsel vm11, $0x1, v0;
	s15 =	ssub.s32 s14, s15  }
0x90: {  	v45 =	vsel vm12, $0x1, v0;
	v46 =	vsel vm10, $0x1, v0;
	v47 =	vsel vm9, $0x1, v0;
	p1 =	sgt.s32 s15, $0x0  }
0x91: {  	v48 =	vsel vm7, $0x1, v0;
	(v2sf) =	vpush v59, $0xF;
	v60, _, _ =	vpop (xrf0);
	vm6 =	vmneg @p1 vm6  }
0x92: {  	v49 =	vsel vm8, $0x1, v0;
	(v2sf) =	vpush v60, $0xF;
	vm0 =	vmand vm6, vm0  }
0x93: {  	vm15 =	vmand vm6, vm2;
	vm2 =	veq.f32 v31, v36;
	vm1 =	vmand vm6, vm1  }
0x94: {  	(xrf0) =	vadd.scan.msk.s32 $0xffff, v61;
	vm4 =	vmand vm6, vm4;
	vm5 =	vmand vm6, vm5;
	vm13 =	vmand vm6, vm13  }
0x95: {  	vm14 =	vmand vm6, vm14;
	v17 =	vsel vm0, $0xFF61B1E6, v33;
	v18 =	vsel vm15, $0xFF61B1E6, v34  }
0x96: {  	(xrf0) =	vadd.scan.msk.s32 $0xffff, v62;
	v50 =	vsel vm2, $0x1, v0;
	vm0 =	veq.f32 v32, v36;
	v19 =	vsel vm1, $0xFF61B1E6, v19  }
0x97: {  	(xrf0) =	vadd.scan.msk.s32 $0xffff, v63;
	vm15 =	vmand vm6, vm3;
	v21 =	vsel vm4, $0xFF61B1E6, v21;
	v22 =	vsel vm5, $0xFF61B1E6, v22  }
0x98: {  	(xrf0) =	vadd.scan.msk.s32 $0xffff, v45;
	v23 =	vsel vm13, $0xFF61B1E6, v23;
	v24 =	vsel vm14, $0xFF61B1E6, v24;
	vm4 =	vmand vm6, vm12  }
0x99: {  	(xrf0) =	vadd.scan.msk.s32 $0xffff, v46;
	vm5 =	vmand vm6, vm10;
	vm10 =	vmand vm6, vm9;
	v34 =	vmax.f32 v17, v18  }
0x9a: {  	(xrf0) =	vadd.scan.msk.s32 $0xffff, v47;
	v35, _, _ =	vpop (xrf0);
	vm12 =	vmand vm6, vm8;
	v20 =	vsel vm15, $0xFF61B1E6, v20;
	v34 =	vmax.f32 v34, v19  }
0x9b: {  	(xrf0) =	vadd.scan.msk.s32 $0xffff, v48;
	vm13 =	vmand vm6, vm2;
	(v2sf) =	vpush v35, $0xF;
	v34 =	vmax.f32 v34, v20  }
0x9c: {  	v51, _, _ =	vpop (xrf0);
	(xrf0) =	vadd.scan.msk.s32 $0xffff, v49;
	vm15 =	vmand vm6, vm11;
	v26 =	vsel vm4, $0xFF61B1E6, v26;
	v34 =	vmax.f32 v34, v21  }
0x9d: {  	v52, _, _ =	vpop (xrf0);
	(xrf0) =	vadd.scan.msk.s32 $0xffff, v50;
	v53 =	vsel vm0, $0x1, v0;
	(v2sf) =	vpush v51, $0xF;
	v34 =	vmax.f32 v34, v22  }
0x9e: {  	v27 =	vsel vm5, $0xFF61B1E6, v27;
	v54, _, _ =	vpop (xrf0);
	(xrf0) =	vadd.scan.msk.s32 $0xffff, v53;
	(v2sf) =	vpush v52, $0xF;
	v34 =	vmax.f32 v34, v23  }
0x9f: {  	v25 =	vsel vm15, $0xFF61B1E6, v25;
	v56, _, _ =	vpop (xrf0);
	(v2sf) =	vpush v54, $0xF;
	v34 =	vmax.f32 v34, v24  }
0xa0: {  	v28 =	vsel vm10, $0xFF61B1E6, v28;
	v57, _, _ =	vpop (xrf0);
	(v2sf) =	vpush v56, $0xF;
	v34 =	vmax.f32 v34, v25  }
0xa1: {  	vm11 =	vmand vm6, vm7;
	v58, _, _ =	vpop (xrf0);
	(v2sf) =	vpush v57, $0xF;
	v34 =	vmax.f32 v34, v26  }
0xa2: {  	v30 =	vsel vm12, $0xFF61B1E6, v30;
	v59, _, _ =	vpop (xrf0);
	(v2sf) =	vpush v58, $0xF;
	v34 =	vmax.f32 v34, v27  }
0xa3: {  	v29 =	vsel vm11, $0xFF61B1E6, v29;
	v60, _, _ =	vpop (xrf0);
	(v2sf) =	vpush v59, $0xF;
	v34 =	vmax.f32 v34, v28  }
0xa4: {  	s14 =	spop (v2sf);
	v31 =	vsel vm13, $0xFF61B1E6, v31;
	v61, _, _ =	vpop (xrf0);
	(v2sf) =	vpush v60, $0xF;
	v34 =	vmax.f32 v34, v29  }
0xa5: {  	vm14 =	vmand vm6, vm0;
	s29 =	spop (v2sf);
	(v2sf) =	vpush v61, $0xF;
	v34 =	vmax.f32 v34, v30  }
0xa6: {  	v32 =	vsel vm14, $0xFF61B1E6, v32;
	s30 =	spop (v2sf);
	v34 =	vmax.f32 v34, v31  }
0xa7: {  	s16 =	sadd.s32 s30, s29;
	s31 =	spop (v2sf);
	v55 =	vmax.f32 v34, v32  }
0xa8: {  	s16 =	sadd.s32 s31, s16;
	s18 =	spop (v2sf);
	(xrf0) =	vmax.scan.msk.f32 $0xffff, v55  }
0xa9: {  	s16 =	sadd.s32 s18, s16;
	s19 =	spop (v2sf)  }
0xaa: {  	s16 =	sadd.s32 s19, s16;
	s20 =	spop (v2sf)  }
0xab: {  	s16 =	sadd.s32 s20, s16;
	s21 =	spop (v2sf)  }
0xac: {  	s16 =	sadd.s32 s21, s16;
	s22 =	spop (v2sf)  }
0xad: {  	s16 =	sadd.s32 s22, s16;
	s23 =	spop (v2sf)  }
0xae: {  	s16 =	sadd.s32 s23, s16;
	s24 =	spop (v2sf);
	v62, _, _ =	vpop (xrf0)  }
0xaf: {  	s16 =	sadd.s32 s24, s16;
	s25 =	spop (v2sf);
	v63 =	vbroadcast v62, $0xF  }
0xb0: {  	vm6 =	vmxor vm6, vm6;
	s16 =	sadd.s32 s25, s16;
	s26 =	spop (v2sf);
	(v2sf) =	vpush v62, $0xF  }
0xb1: {  	s16 =	sadd.s32 s26, s16;
	s28 =	spop (v2sf);
	vm0 =	veq.f32 v17, v63;
	vm2 =	veq.f32 v18, v63;
	vm1 =	veq.f32 v19, v63  }
0xb2: {  	s16 =	sadd.s32 s28, s16;
	s29 =	spop (v2sf);
	vm3 =	veq.f32 v20, v63;
	vm4 =	veq.f32 v21, v63;
	vm5 =	veq.f32 v22, v63  }
0xb3: {  	s16 =	sadd.s32 s29, s16;
	s30 =	spop (v2sf);
	vm13 =	veq.f32 v23, v63;
	vm14 =	veq.f32 v24, v63;
	vm11 =	veq.f32 v25, v63  }
0xb4: {  	s16 =	sadd.s32 s30, s16;
	s31 =	spop (v2sf);
	vm12 =	veq.f32 v26, v63;
	vm10 =	veq.f32 v27, v63;
	vm9 =	veq.f32 v28, v63  }
0xb5: {  	s16 =	sadd.s32 s31, s16;
	vm7 =	veq.f32 v29, v63;
	vm8 =	veq.f32 v30, v63;
	v41 =	vsel vm0, $0x1, v0  }
0xb6: {  	v42 =	vsel vm2, $0x1, v0;
	v43 =	vsel vm1, $0x1, v0;
	v44 =	vsel vm3, $0x1, v0;
	s16 =	simm.s32 @!p1 $0x0  }
0xb7: {  	v45 =	vsel vm4, $0x1, v0;
	v46 =	vsel vm5, $0x1, v0;
	v53 =	vsel vm13, $0x1, v0;
	s16 =	ssub.s32 s15, s16  }
0xb8: {  	v54 =	vsel vm14, $0x1, v0;
	v55 =	vsel vm11, $0x1, v0;
	v56 =	vsel vm12, $0x1, v0;
	p2 =	sgt.s32 s16, $0x0  }
0xb9: {  	v57 =	vsel vm10, $0x1, v0;
	v58 =	vsel vm9, $0x1, v0;
	vm6 =	vmneg @p2 vm6  }
0xba: {  	v59 =	vsel vm7, $0x1, v0;
	v60 =	vsel vm8, $0x1, v0;
	vm0 =	vmand vm0, vm6  }
0xbb: {  	vm15 =	vmand vm2, vm6;
	vm2 =	veq.f32 v31, v63;
	vm1 =	vmand vm1, vm6  }
0xbc: {  	vm4 =	vmand vm4, vm6;
	vm5 =	vmand vm5, vm6;
	vm13 =	vmand vm13, vm6  }
0xbd: {  	(xrf0) =	vadd.scan.msk.s32 $0xffff, v41;
	vm14 =	vmand vm14, vm6;
	v17 =	vsel vm0, $0xFF61B1E6, v17;
	v18 =	vsel vm15, $0xFF61B1E6, v18  }
0xbe: {  	(xrf0) =	vadd.scan.msk.s32 $0xffff, v42;
	v61 =	vsel vm2, $0x1, v0;
	vm0 =	veq.f32 v32, v63;
	v19 =	vsel vm1, $0xFF61B1E6, v19  }
0xbf: {  	(xrf0) =	vadd.scan.msk.s32 $0xffff, v43;
	vm15 =	vmand vm3, vm6;
	v21 =	vsel vm4, $0xFF61B1E6, v21;
	v22 =	vsel vm5, $0xFF61B1E6, v22  }
0xc0: {  	(xrf0) =	vadd.scan.msk.s32 $0xffff, v44;
	v23 =	vsel vm13, $0xFF61B1E6, v23;
	v24 =	vsel vm14, $0xFF61B1E6, v24;
	vm4 =	vmand vm12, vm6  }
0xc1: {  	(xrf0) =	vadd.scan.msk.s32 $0xffff, v45;
	vm5 =	vmand vm10, vm6;
	vm10 =	vmand vm9, vm6;
	v62 =	vmax.f32 v17, v18  }
0xc2: {  	vm12 =	vmand vm8, vm6;
	(xrf0) =	vadd.scan.msk.s32 $0xffff, v46;
	v20 =	vsel vm15, $0xFF61B1E6, v20;
	v33 =	vmax.f32 v62, v19  }
0xc3: {  	vm13 =	vmand vm2, vm6;
	vm15 =	vmand vm11, vm6;
	v47, _, _ =	vpop (xrf0);
	(xrf0) =	vadd.scan.msk.s32 $0xffff, v53;
	v33 =	vmax.f32 v33, v20  }
0xc4: {  	v26 =	vsel vm4, $0xFF61B1E6, v26;
	(v2sf) =	vpush v47, $0xF;
	v48, _, _ =	vpop (xrf0);
	(xrf0) =	vadd.scan.msk.s32 $0xffff, v54;
	v33 =	vmax.f32 v33, v21  }
0xc5: {  	v27 =	vsel vm5, $0xFF61B1E6, v27;
	(v2sf) =	vpush v48, $0xF;
	v49, _, _ =	vpop (xrf0);
	(xrf0) =	vadd.scan.msk.s32 $0xffff, v55;
	v33 =	vmax.f32 v33, v22  }
0xc6: {  	v28 =	vsel vm10, $0xFF61B1E6, v28;
	(v2sf) =	vpush v49, $0xF;
	v50, _, _ =	vpop (xrf0);
	(xrf0) =	vadd.scan.msk.s32 $0xffff, v56;
	v33 =	vmax.f32 v33, v23  }
0xc7: {  	v25 =	vsel vm15, $0xFF61B1E6, v25;
	(v2sf) =	vpush v50, $0xF;
	v51, _, _ =	vpop (xrf0);
	(xrf0) =	vadd.scan.msk.s32 $0xffff, v57;
	v33 =	vmax.f32 v33, v24  }
0xc8: {  	vm11 =	vmand vm7, vm6;
	(v2sf) =	vpush v51, $0xF;
	v52, _, _ =	vpop (xrf0);
	(xrf0) =	vadd.scan.msk.s32 $0xffff, v58;
	v33 =	vmax.f32 v33, v25  }
0xc9: {  	v30 =	vsel vm12, $0xFF61B1E6, v30;
	(v2sf) =	vpush v52, $0xF;
	v34, _, _ =	vpop (xrf0);
	(xrf0) =	vadd.scan.msk.s32 $0xffff, v59;
	v33 =	vmax.f32 v33, v26  }
0xca: {  	v63 =	vsel vm0, $0x1, v0;
	v35, _, _ =	vpop (xrf0);
	(xrf0) =	vadd.scan.msk.s32 $0xffff, v60;
	(v2sf) =	vpush v34, $0xF;
	v33 =	vmax.f32 v33, v27  }
0xcb: {  	v29 =	vsel vm11, $0xFF61B1E6, v29;
	v36, _, _ =	vpop (xrf0);
	(xrf0) =	vadd.scan.msk.s32 $0xffff, v61;
	(v2sf) =	vpush v35, $0xF;
	v33 =	vmax.f32 v33, v28  }
0xcc: {  	v31 =	vsel vm13, $0xFF61B1E6, v31;
	v38, _, _ =	vpop (xrf0);
	(xrf0) =	vadd.scan.msk.s32 $0xffff, v63;
	(v2sf) =	vpush v36, $0xF;
	v33 =	vmax.f32 v33, v29  }
0xcd: {  	vm14 =	vmand vm0, vm6;
	v39, _, _ =	vpop (xrf0);
	(v2sf) =	vpush v38, $0xF;
	v33 =	vmax.f32 v33, v30  }
0xce: {  	v32 =	vsel vm14, $0xFF61B1E6, v32;
	v40, _, _ =	vpop (xrf0);
	(v2sf) =	vpush v39, $0xF;
	v33 =	vmax.f32 v33, v31  }
0xcf: {  	v41, _, _ =	vpop (xrf0);
	(v2sf) =	vpush v40, $0xF;
	v33 =	vmax.f32 v33, v32  }
0xd0: {  	v42, _, _ =	vpop (xrf0);
	(v2sf) =	vpush v41, $0xF;
	(xrf0) =	vmax.scan.msk.f32 $0xffff, v33  }
0xd1: {  	v43, _, _ =	vpop (xrf0);
	(v2sf) =	vpush v42, $0xF  }
0xd2: {  	s15 =	spop (v2sf);
	v44, _, _ =	vpop (xrf0);
	(v2sf) =	vpush v43, $0xF  }
0xd3: {  	s18 =	spop (v2sf);
	(v2sf) =	vpush v44, $0xF  }
0xd4: {  	s19 =	spop (v2sf)  }
0xd5: {  	s17 =	sadd.s32 s19, s18;
	s20 =	spop (v2sf)  }
0xd6: {  	s17 =	sadd.s32 s20, s17;
	s21 =	spop (v2sf);
	v45, _, _ =	vpop (xrf0)  }
0xd7: {  	s17 =	sadd.s32 s21, s17;
	s22 =	spop (v2sf);
	v33 =	vbroadcast v45, $0xF  }
0xd8: {  	s17 =	sadd.s32 s22, s17;
	s23 =	spop (v2sf)  }
0xd9: {  	s17 =	sadd.s32 s23, s17;
	s24 =	spop (v2sf);
	vm0 =	veq.f32 v17, v33  }
0xda: {  	vm2 =	veq.f32 v18, v33;
	s17 =	sadd.s32 s24, s17;
	s25 =	spop (v2sf);
	v46 =	vsel vm0, $0x1, v0  }
0xdb: {  	vm1 =	veq.f32 v19, v33;
	v47 =	vsel vm2, $0x1, v0;
	s17 =	sadd.s32 s25, s17;
	s26 =	spop (v2sf);
	(xrf0) =	vadd.scan.msk.s32 $0xffff, v46  }
0xdc: {  	vm3 =	veq.f32 v20, v33;
	v48 =	vsel vm1, $0x1, v0;
	s17 =	sadd.s32 s26, s17;
	s28 =	spop (v2sf);
	(xrf0) =	vadd.scan.msk.s32 $0xffff, v47  }
0xdd: {  	vm4 =	veq.f32 v21, v33;
	v49 =	vsel vm3, $0x1, v0;
	s17 =	sadd.s32 s28, s17;
	s29 =	spop (v2sf);
	(xrf0) =	vadd.scan.msk.s32 $0xffff, v48  }
0xde: {  	vm5 =	veq.f32 v22, v33;
	v50 =	vsel vm4, $0x1, v0;
	s17 =	sadd.s32 s29, s17;
	s30 =	spop (v2sf);
	(xrf0) =	vadd.scan.msk.s32 $0xffff, v49  }
0xdf: {  	vm6 =	vmxor vm6, vm6;
	v51 =	vsel vm5, $0x1, v0;
	s17 =	sadd.s32 s30, s17;
	s31 =	spop (v2sf);
	(xrf0) =	vadd.scan.msk.s32 $0xffff, v50  }
0xe0: {  	(v2sf) =	vpush v45, $0xF;
	vm13 =	veq.f32 v23, v33;
	vm14 =	veq.f32 v24, v33;
	s17 =	sadd.s32 s31, s17;
	s19 =	spop (v2sf);
	(xrf0) =	vadd.scan.msk.s32 $0xffff, v51  }
0xe1: {  	vm11 =	veq.f32 v25, v33;
	vm12 =	veq.f32 v26, v33;
	vm10 =	veq.f32 v27, v33;
	s17 =	sadd.s32 s19, s17;
	s20 =	spop (v2sf);
	v52, _, _ =	vpop (xrf0)  }
0xe2: {  	vm9 =	veq.f32 v28, v33;
	vm7 =	veq.f32 v29, v33;
	s17 =	sadd.s32 s20, s17;
	s21 =	spop (v2sf);
	(v2sf) =	vpush v52, $0xF;
	v53, _, _ =	vpop (xrf0)  }
0xe3: {  	vm8 =	veq.f32 v30, v33;
	v58 =	vsel vm13, $0x1, v0;
	s17 =	sadd.s32 s21, s17;
	(v2sf) =	vpush v53, $0xF;
	v54, _, _ =	vpop (xrf0)  }
0xe4: {  	v59 =	vsel vm14, $0x1, v0;
	v60 =	vsel vm11, $0x1, v0;
	s17 =	simm.s32 @!p2 $0x0;
	(v2sf) =	vpush v54, $0xF;
	v55, _, _ =	vpop (xrf0)  }
0xe5: {  	v61 =	vsel vm12, $0x1, v0;
	v62 =	vsel vm10, $0x1, v0;
	s17 =	ssub.s32 s16, s17;
	(v2sf) =	vpush v55, $0xF;
	v56, _, _ =	vpop (xrf0)  }
0xe6: {  	v63 =	vsel vm9, $0x1, v0;
	v45 =	vsel vm7, $0x1, v0;
	p3 =	sgt.s32 s17, $0x0;
	(v2sf) =	vpush v56, $0xF;
	v57, _, _ =	vpop (xrf0)  }
0xe7: {  	v46 =	vsel vm8, $0x1, v0;
	vm6 =	vmneg @p3 vm6;
	(v2sf) =	vpush v57, $0xF  }
0xe8: {  	vm0 =	vmand vm6, vm0;
	vm15 =	vmand vm6, vm2;
	vm2 =	veq.f32 v31, v33  }
0xe9: {  	vm1 =	vmand vm6, vm1;
	vm4 =	vmand vm6, vm4;
	vm5 =	vmand vm6, vm5  }
0xea: {  	(xrf0) =	vadd.scan.msk.s32 $0xffff, v58;
	vm13 =	vmand vm6, vm13;
	vm14 =	vmand vm6, vm14;
	v17 =	vsel vm0, $0xFF61B1E6, v17  }
0xeb: {  	v18 =	vsel vm15, $0xFF61B1E6, v18;
	v47 =	vsel vm2, $0x1, v0;
	vm0 =	veq.f32 v32, v33  }
0xec: {  	(xrf0) =	vadd.scan.msk.s32 $0xffff, v59;
	v19 =	vsel vm1, $0xFF61B1E6, v19;
	vm15 =	vmand vm6, vm3;
	v21 =	vsel vm4, $0xFF61B1E6, v21  }
0xed: {  	(xrf0) =	vadd.scan.msk.s32 $0xffff, v60;
	v22 =	vsel vm5, $0xFF61B1E6, v22;
	v23 =	vsel vm13, $0xFF61B1E6, v23;
	v24 =	vsel vm14, $0xFF61B1E6, v24  }
0xee: {  	(xrf0) =	vadd.scan.msk.s32 $0xffff, v61;
	vm4 =	vmand vm6, vm12;
	vm5 =	vmand vm6, vm10;
	v48 =	vmax.f32 v17, v18  }
0xef: {  	(xrf0) =	vadd.scan.msk.s32 $0xffff, v62;
	vm10 =	vmand vm6, vm9;
	v20 =	vsel vm15, $0xFF61B1E6, v20;
	v33 =	vmax.f32 v48, v19  }
0xf0: {  	(xrf0) =	vadd.scan.msk.s32 $0xffff, v63;
	v51, _, _ =	vpop (xrf0);
	vm12 =	vmand vm6, vm8;
	vm13 =	vmand vm6, vm2;
	v33 =	vmax.f32 v33, v20  }
0xf1: {  	(xrf0) =	vadd.scan.msk.s32 $0xffff, v45;
	(v2sf) =	vpush v51, $0xF;
	vm15 =	vmand vm6, vm11;
	v33 =	vmax.f32 v33, v21  }
0xf2: {  	v52, _, _ =	vpop (xrf0);
	(xrf0) =	vadd.scan.msk.s32 $0xffff, v46;
	v34 =	vsel vm4, $0xFF61B1E6, v26;
	v27 =	vsel vm5, $0xFF61B1E6, v27;
	v33 =	vmax.f32 v33, v22  }
0xf3: {  	v53, _, _ =	vpop (xrf0);
	(xrf0) =	vadd.scan.msk.s32 $0xffff, v47;
	v54 =	vsel vm0, $0x1, v0;
	(v2sf) =	vpush v52, $0xF;
	v49 =	vmax.f32 v33, v23  }
0xf4: {  	v55, _, _ =	vpop (xrf0);
	(xrf0) =	vadd.scan.msk.s32 $0xffff, v54;
	(v2sf) =	vpush v53, $0xF;
	v33 =	vsel vm15, $0xFF61B1E6, v25;
	v50 =	vmax.f32 v49, v24  }
0xf5: {  	v35 =	vsel vm10, $0xFF61B1E6, v28;
	v56, _, _ =	vpop (xrf0);
	(v2sf) =	vpush v55, $0xF;
	v25 =	vmax.f32 v50, v33  }
0xf6: {  	vm11 =	vmand vm6, vm7;
	v57, _, _ =	vpop (xrf0);
	(v2sf) =	vpush v56, $0xF;
	v25 =	vmax.f32 v25, v34  }
0xf7: {  	v37 =	vsel vm12, $0xFF61B1E6, v30;
	v58, _, _ =	vpop (xrf0);
	(v2sf) =	vpush v57, $0xF;
	v25 =	vmax.f32 v25, v27  }
0xf8: {  	v36 =	vsel vm11, $0xFF61B1E6, v29;
	v59, _, _ =	vpop (xrf0);
	(v2sf) =	vpush v58, $0xF;
	v25 =	vmax.f32 v25, v35  }
0xf9: {  	v31 =	vsel vm13, $0xFF61B1E6, v31;
	v60, _, _ =	vpop (xrf0);
	(v2sf) =	vpush v59, $0xF;
	v25 =	vmax.f32 v25, v36  }
0xfa: {  	s16 =	spop (v2sf);
	vm14 =	vmand vm6, vm0;
	v61, _, _ =	vpop (xrf0);
	(v2sf) =	vpush v60, $0xF;
	v25 =	vmax.f32 v25, v37  }
0xfb: {  	v32 =	vsel vm14, $0xFF61B1E6, v32;
	s22 =	spop (v2sf);
	(v2sf) =	vpush v61, $0xF;
	v25 =	vmax.f32 v25, v31  }
0xfc: {  	s23 =	spop (v2sf);
	v25 =	vmax.f32 v25, v32  }
0xfd: {  	s18 =	sadd.s32 s23, s22;
	s24 =	spop (v2sf);
	(xrf0) =	vmax.scan.msk.f32 $0xffff, v25  }
0xfe: {  	s18 =	sadd.s32 s24, s18;
	s25 =	spop (v2sf)  }
0xff: {  	s18 =	sadd.s32 s25, s18;
	s26 =	spop (v2sf)  }
0x100: {  	s18 =	sadd.s32 s26, s18;
	s28 =	spop (v2sf)  }
0x101: {  	s18 =	sadd.s32 s28, s18;
	s29 =	spop (v2sf)  }
0x102: {  	s18 =	sadd.s32 s29, s18;
	s30 =	spop (v2sf)  }
0x103: {  	s18 =	sadd.s32 s30, s18;
	s31 =	spop (v2sf);
	v62, _, _ =	vpop (xrf0)  }
0x104: {  	s18 =	sadd.s32 s31, s18;
	s20 =	spop (v2sf);
	v63 =	vbroadcast v62, $0xF  }
0x105: {  	s18 =	sadd.s32 s20, s18;
	s21 =	spop (v2sf)  }
0x106: {  	vm6 =	vmxor vm6, vm6;
	s18 =	sadd.s32 s21, s18;
	s22 =	spop (v2sf);
	(v2sf) =	vpush v62, $0xF;
	vm0 =	veq.f32 v17, v63  }
0x107: {  	s18 =	sadd.s32 s22, s18;
	s23 =	spop (v2sf);
	vm2 =	veq.f32 v18, v63;
	vm1 =	veq.f32 v19, v63;
	vm3 =	veq.f32 v20, v63  }
0x108: {  	s18 =	sadd.s32 s23, s18;
	s24 =	spop (v2sf);
	vm4 =	veq.f32 v21, v63;
	vm5 =	veq.f32 v22, v63;
	vm13 =	veq.f32 v23, v63  }
0x109: {  	s18 =	sadd.s32 s24, s18;
	s25 =	spop (v2sf);
	vm14 =	veq.f32 v24, v63;
	vm11 =	veq.f32 v33, v63;
	vm12 =	veq.f32 v34, v63  }
0x10a: {  	s18 =	sadd.s32 s25, s18;
	s26 =	spop (v2sf);
	vm10 =	veq.f32 v27, v63;
	vm9 =	veq.f32 v35, v63;
	vm7 =	veq.f32 v36, v63  }
0x10b: {  	s18 =	sadd.s32 s26, s18;
	vm8 =	veq.f32 v37, v63;
	v41 =	vsel vm0, $0x1, v0;
	v42 =	vsel vm2, $0x1, v0  }
0x10c: {  	v43 =	vsel vm1, $0x1, v0;
	v44 =	vsel vm3, $0x1, v0;
	v45 =	vsel vm4, $0x1, v0;
	s18 =	simm.s32 @!p3 $0x0  }
0x10d: {  	v46 =	vsel vm5, $0x1, v0;
	v53 =	vsel vm13, $0x1, v0;
	v54 =	vsel vm14, $0x1, v0;
	s18 =	ssub.s32 s17, s18  }
0x10e: {  	v55 =	vsel vm11, $0x1, v0;
	v56 =	vsel vm12, $0x1, v0;
	v57 =	vsel vm10, $0x1, v0;
	p4 =	sgt.s32 s18, $0x0  }
0x10f: {  	v58 =	vsel vm9, $0x1, v0;
	v59 =	vsel vm7, $0x1, v0;
	vm6 =	vmneg @p4 vm6  }
0x110: {  	v60 =	vsel vm8, $0x1, v0;
	vm0 =	vmand vm0, vm6;
	vm15 =	vmand vm2, vm6  }
0x111: {  	(xrf0) =	vadd.scan.msk.s32 $0xffff, v41;
	vm2 =	veq.f32 v31, v63;
	vm1 =	vmand vm1, vm6;
	vm4 =	vmand vm4, vm6  }
0x112: {  	(xrf0) =	vadd.scan.msk.s32 $0xffff, v42;
	vm5 =	vmand vm5, vm6;
	vm13 =	vmand vm13, vm6;
	v28 =	vsel vm0, $0xFF61B1E6, v17  }
0x113: {  	(xrf0) =	vadd.scan.msk.s32 $0xffff, v43;
	v29 =	vsel vm15, $0xFF61B1E6, v18;
	vm0 =	veq.f32 v32, v63;
	v25 =	vsel vm1, $0xFF61B1E6, v19  }
0x114: {  	(xrf0) =	vadd.scan.msk.s32 $0xffff, v44;
	vm15 =	vmand vm3, vm6;
	v26 =	vsel vm4, $0xFF61B1E6, v21;
	v18 =	vsel vm13, $0xFF61B1E6, v23  }
0x115: {  	(xrf0) =	vadd.scan.msk.s32 $0xffff, v45;
	vm4 =	vmand vm11, vm6;
	vm11 =	vmand vm10, vm6;
	vm13 =	vmand vm7, vm6  }
0x116: {  	(xrf0) =	vadd.scan.msk.s32 $0xffff, v46;
	v46 =	vsel vm2, $0x1, v0;
	v17 =	vmax.f32 v28, v29;
	v30 =	vsel vm15, $0xFF61B1E6, v20  }
0x117: {  	vm15 =	vmand vm14, vm6;
	v20 =	vsel vm4, $0xFF61B1E6, v33;
	vm14 =	vmand vm8, vm6  }
0x118: {  	vm4 =	vmand vm0, vm6;
	v47, _, _ =	vpop (xrf0);
	v17 =	vmax.f32 v17, v25;
	(xrf0) =	vadd.scan.msk.s32 $0xffff, v53;
	v19 =	vsel vm15, $0xFF61B1E6, v24  }
0x119: {  	v24 =	vsel vm13, $0xFF61B1E6, v36;
	(v2sf) =	vpush v47, $0xF;
	v48, _, _ =	vpop (xrf0);
	v61 =	vmax.f32 v17, v30;
	(xrf0) =	vadd.scan.msk.s32 $0xffff, v54  }
0x11a: {  	v17 =	vsel vm5, $0xFF61B1E6, v22;
	(v2sf) =	vpush v48, $0xF;
	v49, _, _ =	vpop (xrf0);
	v62 =	vmax.f32 v61, v26;
	(xrf0) =	vadd.scan.msk.s32 $0xffff, v55  }
0x11b: {  	vm5 =	vmand vm12, vm6;
	(v2sf) =	vpush v49, $0xF;
	v50, _, _ =	vpop (xrf0);
	v63 =	vmax.f32 v62, v17;
	(xrf0) =	vadd.scan.msk.s32 $0xffff, v56  }
0x11c: {  	v22 =	vsel vm11, $0xFF61B1E6, v27;
	(v2sf) =	vpush v50, $0xF;
	v51, _, _ =	vpop (xrf0);
	v47 =	vmax.f32 v63, v18;
	(xrf0) =	vadd.scan.msk.s32 $0xffff, v57  }
0x11d: {  	vm12 =	vmand vm9, vm6;
	(v2sf) =	vpush v51, $0xF;
	v52, _, _ =	vpop (xrf0);
	v48 =	vmax.f32 v47, v19;
	(xrf0) =	vadd.scan.msk.s32 $0xffff, v58  }
0x11e: {  	v21 =	vsel vm5, $0xFF61B1E6, v34;
	(v2sf) =	vpush v52, $0xF;
	v49 =	vmax.f32 v48, v20;
	v52, _, _ =	vpop (xrf0);
	(xrf0) =	vadd.scan.msk.s32 $0xffff, v59  }
0x11f: {  	v23 =	vsel vm12, $0xFF61B1E6, v35;
	v50 =	vmax.f32 v49, v21;
	v53, _, _ =	vpop (xrf0);
	(xrf0) =	vadd.scan.msk.s32 $0xffff, v60;
	(v2sf) =	vpush v52, $0xF  }
0x120: {  	v55 =	vsel vm0, $0x1, v0;
	v27 =	vmax.f32 v50, v22;
	v54, _, _ =	vpop (xrf0);
	(xrf0) =	vadd.scan.msk.s32 $0xffff, v46;
	(v2sf) =	vpush v53, $0xF  }
0x121: {  	vm15 =	vmand vm2, vm6;
	v51 =	vmax.f32 v27, v23;
	v56, _, _ =	vpop (xrf0);
	(xrf0) =	vadd.scan.msk.s32 $0xffff, v55;
	(v2sf) =	vpush v54, $0xF  }
0x122: {  	v27 =	vsel vm14, $0xFF61B1E6, v37;
	v33 =	vmax.f32 v51, v24;
	v57, _, _ =	vpop (xrf0);
	(v2sf) =	vpush v56, $0xF  }
0x123: {  	v31 =	vsel vm15, $0xFF61B1E6, v31;
	v33 =	vmax.f32 v33, v27;
	v58, _, _ =	vpop (xrf0);
	(v2sf) =	vpush v57, $0xF  }
0x124: {  	v32 =	vsel vm4, $0xFF61B1E6, v32;
	v33 =	vmax.f32 v33, v31;
	v59, _, _ =	vpop (xrf0);
	(v2sf) =	vpush v58, $0xF  }
0x125: {  	v33 =	vmax.f32 v33, v32;
	v60, _, _ =	vpop (xrf0);
	(v2sf) =	vpush v59, $0xF  }
0x126: {  	(xrf0) =	vmax.scan.msk.f32 $0xffff, v33;
	v61, _, _ =	vpop (xrf0);
	(v2sf) =	vpush v60, $0xF  }
0x127: {  	s17 =	spop (v2sf);
	v62, _, _ =	vpop (xrf0);
	(v2sf) =	vpush v61, $0xF  }
0x128: {  	s28 =	spop (v2sf);
	(v2sf) =	vpush v62, $0xF  }
0x129: {  	s29 =	spop (v2sf)  }
0x12a: {  	s19 =	sadd.s32 s29, s28;
	s30 =	spop (v2sf)  }
0x12b: {  	s19 =	sadd.s32 s30, s19;
	s31 =	spop (v2sf)  }
0x12c: {  	v63, _, _ =	vpop (xrf0);
	s19 =	sadd.s32 s31, s19;
	s21 =	spop (v2sf)  }
0x12d: {  	v36 =	vbroadcast v63, $0xF;
	s19 =	sadd.s32 s21, s19;
	s22 =	spop (v2sf)  }
0x12e: {  	s19 =	sadd.s32 s22, s19;
	s23 =	spop (v2sf)  }
0x12f: {  	vm0 =	veq.f32 v28, v36;
	s19 =	sadd.s32 s23, s19;
	s24 =	spop (v2sf)  }
0x130: {  	vm1 =	veq.f32 v29, v36;
	v37 =	vsel vm0, $0x1, v0;
	s19 =	sadd.s32 s24, s19;
	s25 =	spop (v2sf)  }
0x131: {  	vm2 =	veq.f32 v25, v36;
	v38 =	vsel vm1, $0x1, v0;
	(xrf0) =	vadd.scan.msk.s32 $0xffff, v37;
	s19 =	sadd.s32 s25, s19;
	s26 =	spop (v2sf)  }
0x132: {  	vm10 =	vmxor vm10, vm10;
	vm3 =	veq.f32 v30, v36;
	v39 =	vsel vm2, $0x1, v0;
	(xrf0) =	vadd.scan.msk.s32 $0xffff, v38;
	s19 =	sadd.s32 s26, s19;
	s28 =	spop (v2sf)  }
0x133: {  	(v2sf) =	vpush v63, $0xF;
	vm5 =	veq.f32 v26, v36;
	v40 =	vsel vm3, $0x1, v0;
	(xrf0) =	vadd.scan.msk.s32 $0xffff, v39;
	s19 =	sadd.s32 s28, s19;
	s29 =	spop (v2sf)  }
0x134: {  	vm4 =	veq.f32 v17, v36;
	vm6 =	veq.f32 v18, v36;
	v41 =	vsel vm5, $0x1, v0;
	(xrf0) =	vadd.scan.msk.s32 $0xffff, v40;
	s19 =	sadd.s32 s29, s19;
	s30 =	spop (v2sf)  }
0x135: {  	vm7 =	veq.f32 v19, v36;
	vm8 =	veq.f32 v20, v36;
	v42 =	vsel vm4, $0x1, v0;
	(xrf0) =	vadd.scan.msk.s32 $0xffff, v41;
	s19 =	sadd.s32 s30, s19;
	s31 =	spop (v2sf)  }
0x136: {  	vm9 =	veq.f32 v21, v36;
	vm15 =	veq.f32 v22, v36;
	vm14 =	veq.f32 v23, v36;
	(xrf0) =	vadd.scan.msk.s32 $0xffff, v42;
	s19 =	sadd.s32 s31, s19;
	s21 =	spop (v2sf)  }
0x137: {  	vm13 =	veq.f32 v24, v36;
	vm12 =	veq.f32 v27, v36;
	v43 =	vsel vm6, $0x1, v0;
	v44, _, _ =	vpop (xrf0);
	s19 =	sadd.s32 s21, s19;
	s22 =	spop (v2sf)  }
0x138: {  	vm11 =	veq.f32 v31, v36;
	v45 =	vsel vm7, $0x1, v0;
	(xrf0) =	vadd.scan.msk.s32 $0xffff, v43;
	(v2sf) =	vpush v44, $0xF;
	v46, _, _ =	vpop (xrf0);
	s19 =	sadd.s32 s22, s19  }
0x139: {  	v47 =	vsel vm8, $0x1, v0;
	v49 =	vsel vm9, $0x1, v0;
	(v2sf) =	vpush v46, $0xF;
	v48, _, _ =	vpop (xrf0);
	s19 =	simm.s32 @!p4 $0x0  }
0x13a: {  	v57 =	vsel vm15, $0x1, v0;
	v58 =	vsel vm14, $0x1, v0;
	(v2sf) =	vpush v48, $0xF;
	v50, _, _ =	vpop (xrf0);
	s18 =	ssub.s32 s18, s19  }
0x13b: {  	v59 =	vsel vm13, $0x1, v0;
	v60 =	vsel vm12, $0x1, v0;
	(v2sf) =	vpush v50, $0xF;
	v51, _, _ =	vpop (xrf0);
	p5 =	sgt.s32 s18, $0x0  }
0x13c: {  	v61 =	vsel vm11, $0x1, v0;
	(v2sf) =	vpush v51, $0xF;
	v52, _, _ =	vpop (xrf0);
	vm10 =	vmneg @p5 vm10  }
0x13d: {  	(v2sf) =	vpush v52, $0xF;
	vm0 =	vmand vm10, vm0;
	vm1 =	vmand vm10, vm1  }
0x13e: {  	v53, _, _ =	vpop (xrf0);
	vm5 =	vmand vm10, vm5;
	vm4 =	vmand vm10, vm4;
	vm14 =	vmand vm10, vm14  }
0x13f: {  	(v2sf) =	vpush v53, $0xF;
	v28 =	vsel vm0, $0xFF61B1E6, v28;
	vm0 =	veq.f32 v32, v36  }
0x140: {  	v29 =	vsel vm1, $0xFF61B1E6, v29;
	vm1 =	vmand vm10, vm2;
	v26 =	vsel vm5, $0xFF61B1E6, v26  }
0x141: {  	(xrf0) =	vadd.scan.msk.s32 $0xffff, v45;
	v28 =	vmax.f32 v28, v29;
	v25 =	vsel vm1, $0xFF61B1E6, v25;
	vm1 =	vmand vm10, vm3  }
0x142: {  	(xrf0) =	vadd.scan.msk.s32 $0xffff, v47;
	v17 =	vsel vm4, $0xFF61B1E6, v17;
	v30 =	vsel vm1, $0xFF61B1E6, v30;
	v25 =	vmax.f32 v28, v25  }
0x143: {  	vm5 =	vmand vm10, vm6;
	vm6 =	vmand vm10, vm7;
	v25 =	vmax.f32 v25, v30  }
0x144: {  	vm7 =	vmand vm10, vm8;
	vm8 =	vmand vm10, vm9;
	v25 =	vmax.f32 v25, v26  }
0x145: {  	vm9 =	vmand vm10, vm15;
	v18 =	vsel vm5, $0xFF61B1E6, v18;
	v17 =	vmax.f32 v25, v17  }
0x146: {  	(xrf0) =	vadd.scan.msk.s32 $0xffff, v49;
	v23 =	vsel vm14, $0xFF61B1E6, v23;
	v19 =	vsel vm6, $0xFF61B1E6, v19;
	v17 =	vmax.f32 v17, v18  }
0x147: {  	(xrf0) =	vadd.scan.msk.s32 $0xffff, v57;
	v54, _, _ =	vpop (xrf0);
	vm15 =	vmand vm10, vm13;
	v63 =	vsel vm7, $0xFF61B1E6, v20;
	v17 =	vmax.f32 v17, v19  }
0x148: {  	vm4 =	vmand vm10, vm12;
	v55, _, _ =	vpop (xrf0);
	(xrf0) =	vadd.scan.msk.s32 $0xffff, v58;
	v21 =	vsel vm8, $0xFF61B1E6, v21;
	v17 =	vmax.f32 v17, v63  }
0x149: {  	(v2sf) =	vpush v54, $0xF;
	v22 =	vsel vm9, $0xFF61B1E6, v22;
	(xrf0) =	vadd.scan.msk.s32 $0xffff, v59;
	v17 =	vmax.f32 v17, v21  }
0x14a: {  	v62 =	vsel vm0, $0x1, v0;
	v24 =	vsel vm15, $0xFF61B1E6, v24;
	(xrf0) =	vadd.scan.msk.s32 $0xffff, v60;
	v17 =	vmax.f32 v17, v22  }
0x14b: {  	vm5 =	vmand vm10, vm11;
	vm0 =	vmand vm10, vm0;
	(xrf0) =	vadd.scan.msk.s32 $0xffff, v61;
	v17 =	vmax.f32 v17, v23  }
0x14c: {  	(v2sf) =	vpush v55, $0xF;
	v56, _, _ =	vpop (xrf0);
	(xrf0) =	vadd.scan.msk.s32 $0xffff, v62;
	v25 =	vsel vm4, $0xFF61B1E6, v27;
	v17 =	vmax.f32 v17, v24  }
0x14d: {  	(v2sf) =	vpush v56, $0xF;
	v26, _, _ =	vpop (xrf0);
	v27 =	vsel vm5, $0xFF61B1E6, v31;
	v17 =	vmax.f32 v17, v25  }
0x14e: {  	v29 =	vsel vm0, $0xFF61B1E6, v32;
	(v2sf) =	vpush v26, $0xF;
	v28, _, _ =	vpop (xrf0);
	v17 =	vmax.f32 v17, v27  }
0x14f: {  	(v2sf) =	vpush v28, $0xF;
	v30, _, _ =	vpop (xrf0);
	v17 =	vmax.f32 v17, v29  }
0x150: {  	(v2sf) =	vpush v30, $0xF;
	v31, _, _ =	vpop (xrf0);
	(xrf0) =	vmax.scan.msk.f32 $0xffff, v17  }
0x151: {  	(v2sf) =	vpush v31, $0xF;
	v32, _, _ =	vpop (xrf0)  }
0x152: {  	s19 =	spop (v2sf);
	(v2sf) =	vpush v32, $0xF;
	v33, _, _ =	vpop (xrf0)  }
0x153: {  	s23 =	spop (v2sf);
	(v2sf) =	vpush v33, $0xF  }
0x154: {  	s24 =	spop (v2sf)  }
0x155: {  	s20 =	sadd.s32 s24, s23;
	s25 =	spop (v2sf)  }
0x156: {  	s20 =	sadd.s32 s25, s20;
	s26 =	spop (v2sf);
	v34, _, _ =	vpop (xrf0)  }
0x157: {  	s20 =	sadd.s32 s26, s20;
	s28 =	spop (v2sf);
	(v2sf) =	vpush v34, $0xF  }
0x158: {  	s20 =	sadd.s32 s28, s20;
	s29 =	spop (v2sf)  }
0x159: {  	s20 =	sadd.s32 s29, s20;
	s30 =	spop (v2sf)  }
0x15a: {  	s20 =	sadd.s32 s30, s20;
	s31 =	spop (v2sf)  }
0x15b: {  	s20 =	sadd.s32 s31, s20;
	s22 =	spop (v2sf)  }
0x15c: {  	s20 =	sadd.s32 s22, s20;
	s23 =	spop (v2sf)  }
0x15d: {  	s20 =	sadd.s32 s23, s20;
	s24 =	spop (v2sf)  }
0x15e: {  	s20 =	sadd.s32 s24, s20;
	s25 =	spop (v2sf)  }
0x15f: {  	s20 =	sadd.s32 s25, s20;
	s26 =	spop (v2sf)  }
0x160: {  	s20 =	sadd.s32 s26, s20;
	s28 =	spop (v2sf)  }
0x161: {  	s12 =	smov.u32 @p0 s13;
	s29 =	sadd.s32 s28, s20;
	s30 =	spop (v2sf)  }
0x162: {  	s12 =	smov.u32 @p1 s14;
	s13 =	sadd.s32 s30, s29;
	s31 =	spop (v2sf)  }
0x163: {  	s12 =	smov.u32 @p2 s15;
	v38 =	vimm.s32 $0x0;
	v40 =	vimm.s32 $0x0;
	s13 =	sadd.s32 s31, s13  }
0x164: {  	s12 =	smov.u32 @p3 s16;
	v42 =	vimm.s32 $0x0;
	v44 =	vimm.s32 $0x0;
	v46 =	vimm.s32 $0x0;
	s13 =	simm.s32 @!p5 $0x0  }
0x165: {  	s12 =	smov.u32 @p4 s17;
	v48 =	vimm.s32 $0x0;
	v57 =	vimm.s32 $0x0;
	v51 =	vimm.s32 $0x0;
	s13 =	ssub.s32 s18, s13  }
0x166: {  	s12 =	smov.u32 @p5 s19;
	v36 =	vimm.s32 $0x0;
	v54 =	vimm.s32 $0x0;
	v60 =	vimm.s32 $0x0;
	p0 =	sgt.s32 s13, $0x0;
	s14 =	spop (v2sf)  }
0x167: {  	v26 =	vimm.s32 $0x0;
	v63 =	vimm.s32 $0x0;
	v23 =	vimm.s32 $0x0;
	s12 =	smov.u32 @p0 s14  }
0x168: {  	v29 =	vimm.s32 $0x0;
	vm0 =	vgt.f32 v16, s12;
	vm6 =	vgt.f32 v14, s12  }
0x169: {  	vm7 =	vgt.f32 v15, s12;
	vm8 =	vgt.f32 v13, s12;
	v35 =	vsel vm0, $0x1, v0  }
0x16a: {  	vm9 =	vgt.f32 v12, s12;
	vm10 =	vgt.f32 v11, s12;
	v37 =	vsel vm6, $0x1, v0;
	(xrf0) =	vadd.scan.msk.s32 $0xffff, v35  }
0x16b: {  	vm11 =	vgt.f32 v10, s12;
	vm12 =	vgt.f32 v9, s12;
	v39 =	vsel vm7, $0x1, v0;
	(xrf0) =	vadd.scan.msk.s32 $0xffff, v37  }
0x16c: {  	vm13 =	vgt.f32 v8, s12;
	vm14 =	vgt.f32 v7, s12;
	v41 =	vsel vm8, $0x1, v0;
	(xrf0) =	vadd.scan.msk.s32 $0xffff, v39  }
0x16d: {  	vm15 =	vgt.f32 v6, s12;
	vm4 =	vgt.f32 v5, s12;
	v43 =	vsel vm9, $0x1, v0;
	(xrf0) =	vadd.scan.msk.s32 $0xffff, v41  }
0x16e: {  	vm5 =	vgt.f32 v4, s12;
	vm2 =	veq.f32 v15, s12;
	v45 =	vsel vm10, $0x1, v0;
	(xrf0) =	vadd.scan.msk.s32 $0xffff, v43  }
0x16f: {  	v18 =	vsel vm6, $0xFFFFFFFF, v36;
	v47 =	vsel vm11, $0x1, v0;
	v50 =	vsel vm12, $0x1, v0;
	(xrf0) =	vadd.scan.msk.s32 $0xffff, v45  }
0x170: {  	v19 =	vsel vm13, $0xFFFFFFFF, v51;
	v53 =	vsel vm13, $0x1, v0;
	v56 =	vsel vm14, $0x1, v0;
	v49, _, _ =	vpop (xrf0);
	(xrf0) =	vadd.scan.msk.s32 $0xffff, v47  }
0x171: {  	v59 =	vsel vm15, $0x1, v0;
	v62 =	vsel vm4, $0x1, v0;
	(v2sf) =	vpush v49, $0xF;
	v52, _, _ =	vpop (xrf0);
	(xrf0) =	vadd.scan.msk.s32 $0xffff, v50  }
0x172: {  	v22 =	vsel vm5, $0x1, v0;
	vm6 =	vgt.f32 v3, s12;
	(v2sf) =	vpush v52, $0xF;
	v55, _, _ =	vpop (xrf0);
	(xrf0) =	vadd.scan.msk.s32 $0xffff, v53  }
0x173: {  	[tilespmem:$0x1FF10] =	vst v18;
	v18 =	vsel vm7, $0xFFFFFFFF, v38;
	(v2sf) =	vpush v55, $0xF;
	v58, _, _ =	vpop (xrf0);
	(xrf0) =	vadd.scan.msk.s32 $0xffff, v56  }
0x174: {  	[tilespmem:$0x1FF80] =	vst v19;
	v25 =	vsel vm6, $0x1, v0;
	(v2sf) =	vpush v58, $0xF;
	v61, _, _ =	vpop (xrf0);
	(xrf0) =	vadd.scan.msk.s32 $0xffff, v59  }
0x175: {  	vm7 =	vgt.f32 v2, s12;
	[tilespmem:$0x1FF20] =	vst v18;
	(v2sf) =	vpush v61, $0xF;
	v21, _, _ =	vpop (xrf0);
	(xrf0) =	vadd.scan.msk.s32 $0xffff, v62  }
0x176: {  	v18 =	vsel vm8, $0xFFFFFFFF, v40;
	v28 =	vsel vm7, $0x1, v0;
	(v2sf) =	vpush v21, $0xF;
	v24, _, _ =	vpop (xrf0);
	(xrf0) =	vadd.scan.msk.s32 $0xffff, v22  }
0x177: {  	vm8 =	vgt.f32 v1, s12;
	[tilespmem:$0x1FF30] =	vst v18;
	(v2sf) =	vpush v24, $0xF;
	v27, _, _ =	vpop (xrf0);
	(xrf0) =	vadd.scan.msk.s32 $0xffff, v25  }
0x178: {  	v18 =	vsel vm9, $0xFFFFFFFF, v42;
	v31 =	vsel vm8, $0x1, v0;
	(v2sf) =	vpush v27, $0xF;
	v30, _, _ =	vpop (xrf0);
	(xrf0) =	vadd.scan.msk.s32 $0xffff, v28  }
0x179: {  	[tilespmem:$0x1FF40] =	vst v18;
	v18 =	vsel vm10, $0xFFFFFFFF, v44;
	(v2sf) =	vpush v30, $0xF;
	v32, _, _ =	vpop (xrf0);
	(xrf0) =	vadd.scan.msk.s32 $0xffff, v31  }
0x17a: {  	v19 =	vsel vm14, $0xFFFFFFFF, v54;
	[tilespmem:$0x1FF50] =	vst v18;
	v18 =	vsel vm11, $0xFFFFFFFF, v46;
	v33, _, _ =	vpop (xrf0);
	(v2sf) =	vpush v32, $0xF  }
0x17b: {  	[tilespmem:$0x1FF60] =	vst v18;
	v18 =	vsel vm12, $0xFFFFFFFF, v48;
	vm12 =	veq.f32 v16, s12;
	v34, _, _ =	vpop (xrf0);
	(v2sf) =	vpush v33, $0xF  }
0x17c: {  	[tilespmem:$0x1FF90] =	vst v19;
	vm10 =	veq.f32 v14, s12;
	v38 =	vsel vm12, $0x1, v0;
	(v2sf) =	vpush v34, $0xF;
	v35, _, _ =	vpop (xrf0)  }
0x17d: {  	v19 =	vsel vm15, $0xFFFFFFFF, v57;
	v40 =	vsel vm10, $0x1, v0;
	(v2sf) =	vpush v35, $0xF;
	v36, _, _ =	vpop (xrf0);
	(xrf0) =	vadd.scan.msk.s32 $0xffff, v38  }
0x17e: {  	[tilespmem:$0x1FFA0] =	vst v19;
	v19 =	vsel vm4, $0xFFFFFFFF, v60;
	(v2sf) =	vpush v36, $0xF;
	v37, _, _ =	vpop (xrf0);
	(xrf0) =	vadd.scan.msk.s32 $0xffff, v40  }
0x17f: {  	[tilespmem:$0x1FFB0] =	vst v19;
	v19 =	vsel vm5, $0xFFFFFFFF, v63;
	v41 =	vsel vm2, $0x1, v0;
	(v2sf) =	vpush v37, $0xF;
	v39, _, _ =	vpop (xrf0)  }
0x180: {  	[tilespmem:$0x1FFC0] =	vst v19;
	v19 =	vsel vm6, $0xFFFFFFFF, v23;
	vm6 =	veq.f32 v13, s12;
	s15 =	spop (v2sf);
	(v2sf) =	vpush v39, $0xF  }
0x181: {  	[tilespmem:$0x1FFD0] =	vst v19;
	v19 =	vsel vm7, $0xFFFFFFFF, v26;
	v42 =	vsel vm6, $0x1, v0;
	(xrf0) =	vadd.scan.msk.s32 $0xffff, v41;
	s16 =	spop (v2sf)  }
0x182: {  	[tilespmem:$0x1FFE0] =	vst v19;
	v19 =	vsel vm8, $0xFFFFFFFF, v29;
	vm8 =	veq.f32 v12, s12;
	(xrf0) =	vadd.scan.msk.s32 $0xffff, v42;
	s17 =	spop (v2sf);
	s13 =	sadd.s32 s15, s16  }
0x183: {  	v45 =	vsel vm8, $0x1, v0;
	s18 =	spop (v2sf);
	s13 =	sadd.s32 s17, s13;
	v43, _, _ =	vpop (xrf0)  }
0x184: {  	vm7 =	veq.f32 v11, s12;
	(xrf0) =	vadd.scan.msk.s32 $0xffff, v45;
	s19 =	spop (v2sf);
	s13 =	sadd.s32 s18, s13;
	(v2sf) =	vpush v43, $0xF;
	v44, _, _ =	vpop (xrf0)  }
0x185: {  	vm11 =	veq.f32 v10, s12;
	v46 =	vsel vm7, $0x1, v0;
	s20 =	spop (v2sf);
	s13 =	sadd.s32 s19, s13;
	(v2sf) =	vpush v44, $0xF  }
0x186: {  	vm4 =	veq.f32 v9, s12;
	v48 =	vsel vm11, $0x1, v0;
	(xrf0) =	vadd.scan.msk.s32 $0xffff, v46;
	s21 =	spop (v2sf);
	s13 =	sadd.s32 s20, s13  }
0x187: {  	v50 =	vsel vm4, $0x1, v0;
	v47, _, _ =	vpop (xrf0);
	(xrf0) =	vadd.scan.msk.s32 $0xffff, v48;
	s22 =	spop (v2sf);
	s13 =	sadd.s32 s21, s13  }
0x188: {  	v49, _, _ =	vpop (xrf0);
	(xrf0) =	vadd.scan.msk.s32 $0xffff, v50;
	s23 =	spop (v2sf);
	s13 =	sadd.s32 s22, s13;
	(v2sf) =	vpush v47, $0xF  }
0x189: {  	s24 =	spop (v2sf);
	s13 =	sadd.s32 s23, s13  }
0x18a: {  	vm5 =	veq.f32 v8, s12;
	(v2sf) =	vpush v49, $0xF;
	v51, _, _ =	vpop (xrf0);
	s25 =	spop (v2sf);
	s13 =	sadd.s32 s24, s13  }
0x18b: {  	vm3 =	veq.f32 v7, s12;
	v52 =	vsel vm5, $0x1, v0;
	(v2sf) =	vpush v51, $0xF;
	s26 =	spop (v2sf);
	s13 =	sadd.s32 s25, s13  }
0x18c: {  	vm14 =	veq.f32 v6, s12;
	v55 =	vsel vm3, $0x1, v0;
	(xrf0) =	vadd.scan.msk.s32 $0xffff, v52;
	v53, _, _ =	vpop (xrf0);
	s28 =	spop (v2sf);
	s13 =	sadd.s32 s26, s13  }
0x18d: {  	v56 =	vsel vm14, $0x1, v0;
	(xrf0) =	vadd.scan.msk.s32 $0xffff, v55;
	v54, _, _ =	vpop (xrf0);
	s29 =	spop (v2sf);
	s13 =	sadd.s32 s28, s13  }
0x18e: {  	v57, _, _ =	vpop (xrf0);
	(xrf0) =	vadd.scan.msk.s32 $0xffff, v56;
	s30 =	spop (v2sf);
	s13 =	sadd.s32 s29, s13  }
0x18f: {  	s31 =	spop (v2sf);
	s13 =	sadd.s32 s30, s13;
	(v2sf) =	vpush v53, $0xF  }
0x190: {  	vm13 =	veq.f32 v3, s12;
	vm15 =	veq.f32 v5, s12;
	[tilespmem:$0x1FF70] =	vst v18;
	v18 =	vbroadcast v43, $0xF;
	s13 =	sadd.s32 s31, s13  }
0x191: {  	v58 =	vsel vm15, $0x1, v0;
	v61 =	vsel vm13, $0x1, v0;
	(v2sf) =	vpush v54, $0xF;
	s13 =	ssub.s32 $0x8, s13  }
0x192: {  	v31 =	vld [tilespmem:$0x1FF10];
	v17 =	vadd.s32 v44, v18;
	(xrf0) =	vadd.scan.msk.s32 $0xffff, v58;
	v59, _, _ =	vpop (xrf0);
	(v2sf) =	vpush v57, $0xF;
	vm9 =	vle.s32 v43, s13  }
0x193: {  	v32 =	vld [tilespmem:$0x1FF20];
	v62, _, _ =	vpop (xrf0);
	(v2sf) =	vpush v59, $0xF;
	vm12 =	vmand vm12, vm9;
	vm9 =	veq.f32 v4, s12;
	s16 =	spop (v2sf)  }
0x194: {  	v29, _, _ =	vpop (xrf0);
	(v2sf) =	vpush v62, $0xF;
	vm0 =	vmor vm0, vm12;
	v60 =	vsel vm9, $0x1, v0;
	s17 =	spop (v2sf)  }
0x195: {  	vm12 =	veq.f32 v2, s12;
	(v2sf) =	vpush v29, $0xF;
	(xrf0) =	vadd.scan.msk.s32 $0xffff, v60;
	v16 =	vnsel vm0, $0x0, v16;
	s14 =	sadd.s32 s17, s16  }
0x196: {  	v37 =	vld [tilespmem:$0x1FF30];
	v63 =	vsel vm12, $0x1, v0;
	vm0 =	vle.s32 v17, s13;
	v28 =	vadd.s32 s14, v47  }
0x197: {  	(xrf0) =	vadd.scan.msk.s32 $0xffff, v61;
	vm0 =	vmand vm10, vm0;
	vm10 =	vnez.u8 v31;
	s18 =	spop (v2sf);
	vm1 =	vle.s32 v28, s13  }
0x198: {  	v40 =	vld [tilespmem:$0x1FF40];
	v30, _, _ =	vpop (xrf0);
	vm0 =	vmor vm10, vm0;
	vm10 =	vnez.u8 v32;
	vm1 =	vmand vm2, vm1;
	s14 =	sadd.s32 s18, s14  }
0x199: {  	v42 =	vld [tilespmem:$0x1FF50];
	(xrf0) =	vadd.scan.msk.s32 $0xffff, v63;
	(v2sf) =	vpush v30, $0xF;
	s19 =	spop (v2sf);
	vm1 =	vmor vm10, vm1;
	v33 =	vadd.s32 s14, v49  }
0x19a: {  	v14 =	vnsel vm0, $0x0, v14;
	s14 =	sadd.s32 s19, s14;
	s20 =	spop (v2sf);
	v15 =	vnsel vm1, $0x0, v15;
	vm10 =	vle.s32 v33, s13  }
0x19b: {  	v36 =	vadd.s32 s14, v51;
	s14 =	sadd.s32 s20, s14;
	v34, _, _ =	vpop (xrf0);
	vm0 =	vmand vm6, vm10;
	vm10 =	vnez.u8 v37  }
0x19c: {  	v44 =	vld [tilespmem:$0x1FF60];
	vm6 =	vle.s32 v36, s13;
	v39 =	vadd.s32 s14, v53;
	(v2sf) =	vpush v34, $0xF  }
0x19d: {  	v35, _, _ =	vpop (xrf0);
	vm0 =	vmor vm10, vm0;
	vm1 =	vmand vm8, vm6;
	vm10 =	vnez.u8 v40  }
0x19e: {  	v46 =	vld [tilespmem:$0x1FF70];
	vm6 =	vle.s32 v39, s13;
	vm8 =	vnez.u8 v42;
	(v2sf) =	vpush v35, $0xF;
	s21 =	spop (v2sf)  }
0x19f: {  	v38, _, _ =	vpop (xrf0);
	v13 =	vnsel vm0, $0x0, v13;
	vm0 =	vmor vm10, vm1;
	vm7 =	vmand vm7, vm6;
	s14 =	sadd.s32 s21, s14  }
0x1a0: {  	v50 =	vld [tilespmem:$0x1FF90];
	(v2sf) =	vpush v38, $0xF;
	v12 =	vnsel vm0, $0x0, v12;
	s22 =	spop (v2sf);
	v41 =	vadd.s32 s14, v54  }
0x1a1: {  	v48 =	vld [tilespmem:$0x1FF80];
	vm0 =	vmor vm8, vm7;
	vm8 =	vnez.u8 v44;
	s14 =	sadd.s32 s22, s14;
	s23 =	spop (v2sf);
	vm10 =	vle.s32 v41, s13  }
0x1a2: {  	v11 =	vnsel vm0, $0x0, v11;
	v43 =	vadd.s32 s14, v57;
	s14 =	sadd.s32 s23, s14;
	vm6 =	vmand vm11, vm10  }
0x1a3: {  	s24 =	spop (v2sf);
	vm7 =	vle.s32 v43, s13;
	v45 =	vadd.s32 s14, v59;
	vm10 =	vnez.u8 v46  }
0x1a4: {  	v55 =	vld [tilespmem:$0x1FFB0];
	s14 =	sadd.s32 s24, s14;
	vm0 =	vmor vm8, vm6;
	vm1 =	vmand vm4, vm7;
	vm11 =	vle.s32 v45, s13  }
0x1a5: {  	s25 =	spop (v2sf);
	v47 =	vadd.s32 s14, v62;
	vm8 =	vnez.u8 v50;
	v10 =	vnsel vm0, $0x0, v10  }
0x1a6: {  	[tilespmem:$0x1FFF0] =	vst v19;
	v56 =	vld [tilespmem:$0x1FFC0];
	s14 =	sadd.s32 s25, s14;
	vm0 =	vmor vm10, vm1;
	vm4 =	vmand vm5, vm11;
	vm5 =	vnez.u8 v48  }
0x1a7: {  	[tilespmem:s11+$0x1000] =	vst v16;
	v54 =	vld [tilespmem:$0x1FFA0];
	vm6 =	vle.s32 v47, s13;
	v51 =	vadd.s32 s14, v29;
	v9 =	vnsel vm0, $0x0, v9  }
0x1a8: {  	v61 =	vld [tilespmem:$0x1FFD0];
	[tilespmem:s11+$0x1010] =	vst v14;
	s26 =	spop (v2sf);
	vm1 =	vmor vm5, vm4;
	vm0 =	veq.f32 v1, s12;
	vm7 =	vmand vm3, vm6  }
0x1a9: {  	[tilespmem:s11+$0x1020] =	vst v15;
	s12 =	sadd.s32 s26, s14;
	vm10 =	vle.s32 v51, s13;
	vm6 =	vnez.u8 v55;
	v8 =	vnsel vm1, $0x0, v8  }
0x1aa: {  	[tilespmem:s11+$0x1030] =	vst v13;
	v62 =	vld [tilespmem:$0x1FFE0];
	v49 =	vsel vm0, $0x1, v0;
	vm1 =	vmor vm8, vm7;
	s28 =	spop (v2sf);
	v52 =	vadd.s32 s12, v30  }
0x1ab: {  	v63 =	vld [tilespmem:$0x1FFF0];
	vm8 =	vnez.u8 v56;
	(xrf0) =	vadd.scan.msk.s32 $0xffff, v49;
	v7 =	vnsel vm1, $0x0, v7;
	s12 =	sadd.s32 s28, s12;
	vm1 =	vmand vm14, vm10  }
0x1ac: {  	[tilespmem:s11+$0x1040] =	vst v12;
	vm11 =	vle.s32 v52, s13;
	vm14 =	vnez.u8 v54;
	v53 =	vadd.s32 s12, v34  }
0x1ad: {  	[tilespmem:s11+$0x1050] =	vst v11;
	vm1 =	vmor vm14, vm1;
	vm2 =	vmand vm15, vm11;
	vm11 =	vnez.u8 v61  }
0x1ae: {  	[tilespmem:s11+$0x1060] =	vst v10;
	vm15 =	vle.s32 v53, s13;
	v6 =	vnsel vm1, $0x0, v6;
	vm1 =	vmor vm6, vm2;
	s29 =	spop (v2sf)  }
0x1af: {  	[tilespmem:s11+$0x1070] =	vst v9;
	vm14 =	vnez.u8 v62;
	vm7 =	vmand vm9, vm15;
	v5 =	vnsel vm1, $0x0, v5;
	s30 =	spop (v2sf);
	s12 =	sadd.s32 s29, s12  }
0x1b0: {  	[tilespmem:s11+$0x1400] =	vst v8;
	vm15 =	vnez.u8 v63;
	vm1 =	vmor vm8, vm7;
	v57 =	vadd.s32 s12, v35;
	s12 =	sadd.s32 s30, s12;
	s31 =	spop (v2sf)  }
0x1b1: {  	[tilespmem:s11+$0x1410] =	vst v7;
	v4 =	vnsel vm1, $0x0, v4;
	v59, _, _ =	vpop (xrf0);
	vm9 =	vle.s32 v57, s13;
	v58 =	vadd.s32 s12, v38;
	s12 =	sadd.s32 s31, s12  }
0x1b2: {  	p0 =	sne.s32 s10, $0xF00;
	[tilespmem:s11+$0x1420] =	vst v6;
	vm1 =	vmand vm13, vm9;
	vm10 =	vle.s32 v58, s13;
	v60 =	vadd.s32 s12, v59  }
.Ltmp0:
0x1b3: {  	[tilespmem:s11+$0x1430] =	vst v5;
	vm1 =	vmor vm11, vm1;
	vm2 =	vmand vm12, vm10;
	vm13 =	vle.s32 v60, s13;
	(pc) =	sbr.rel @p0 .LBB2_2-.Ltmp0, $4  }
0x1b4: {  	[tilespmem:s11+$0x1440] =	vst v4;
	v3 =	vnsel vm1, $0x0, v3;
	vm1 =	vmor vm14, vm2;
	vm0 =	vmand vm0, vm13  }
0x1b5: {  	v2 =	vnsel vm1, $0x0, v2;
	vm0 =	vmor vm15, vm0;
	[tilespmem:s11+$0x1450] =	vst v3  }
0x1b6: {  	v1 =	vnsel vm0, $0x0, v1;
	[tilespmem:s11+$0x1460] =	vst v2  }
0x1b7: {  	s9 =	sadd.s32 $0x80, s9;
	s10 =	sadd.s32 $0x100, s10;
	[tilespmem:s11+$0x1470] =	vst v1  }
0x1b8: {  	s8 =	sadd.s32 $0x1, s8  }
0x1b9: {  	p0 =	sne.s32 s8, s5  }
.Ltmp1:
0x1ba: {  	_ = 	snop;
	(pc) =	sbr.rel @p0 .LBB2_1-.Ltmp1, $4  }
0x1bb: {  	[hbm4b:s4+s2] =	stream.linear.scatter [tilespmem:s7], [sflag:$0x1], $0x1000, $0x38;
	[tilespmem:$0x2000] =	vst v63  }
0x1bc: {  	_ =	swait.ge [sflag:s6], $0x1000  }
0x1bd: {  	[sflag:s6] =	ssyncset.done $0x0  }
0x1be: {  	[sflag:s6] =	ssyncadd.s32 $0xFFFFF000  }
0x1bf: {  	_ =	sfence.sel $0x180000  }
0x1c0: {  	[bflag:$0x0] =	sbarrier.arrive $0xFFFF  }
0x1c1: {  	p0 =	sne.s32 s1, $0x0;
	_ =	strace $0x90000047  }
0x1c2: {  	s0 =	sadd.s32 @!p0 $0x100000, s0;
	[bflag:$0x2] =	sbarrier.arrive $0xFFFF  }
0x1c3: {  	[sflag:s0] =	ssyncadd.tile.s32 @!p0 $0x1;
	_ =	shalt  }
.Lfunc_end2:
_tile_overlayer_lowered:
.L_overlay_start_2:
0x1c4: {  	(tag) =	ssettag $0x2  }
0x1c5: {  	s0 =	rddreg [dreg:$0x0];
	s2 =	stileid.u32  }
0x1c6: {  	s1 =	rddreg [dreg:$0x1];
	p0 =	sne.s32 s2, $0x0  }
0x1c7: {  	s3 =	rddreg [dreg:$0x2];
	[bflag:$0x3] =	sbarrier.arrive $0xFFFF;
	s2 =	simm.s32 @!p0 $0x1C01  }
0x1c8: {  	[timem:s3], [sflag:s2] =	dma.local @!p0 [hbm:s0], s1  }
0x1c9: {  	s0 =	simm.s32 @!p0 $0x1  }
0x1ca: {  	_ =	swait.ge @!p0 [sflag:s0], s1  }
0x1cb: {  	s1 =	ssub.s32 @!p0 $0x0, s1;
	[sflag:s0] =	ssyncset.done @!p0 $0x0  }
0x1cc: {  	[sflag:s0] =	ssyncadd.s32 @!p0 s1  }
0x1cd: {  	[bflag:$0x3] =	sbarrier.arrive $0xFFFF  }
0x1ce: {  	_ =	shalt  }

</sc_bundles>
